<compile_context>
chip_gen: v7x
topology: tpu7x:2x2x1
jax: 0.10.2.dev20260603
libtpu: 0.0.44.dev20260713+nightly
codegen_flags: <defaults>
</compile_context>

<pallas_src>
import functools

import jax
import jax.numpy as jnp
from jax import lax
from jax.experimental import pallas as pl
from jax.experimental.pallas import tpu as pltpu
from jax.experimental.pallas import tpu_sc as plsc

_N = 10000
_E = 320000
_D = 128
_HID = 64
_HEADS = 4
_OUT = 64
_NC = 7

_SUB = 80
_ROWS_PER_TILE = 624


def _make_edge_agg(row, nheads, split_core_edges, tcount, chunk):
    data_cols = nheads * 64
    assert row == data_cols + 16
    nsub = chunk // _SUB
    e_per_tec = _E // (32 if split_core_edges else 16)
    iters = e_per_tec // chunk
    mesh = plsc.VectorSubcoreMesh(core_axis_name="c", subcore_axis_name="s")

    @functools.partial(
        pl.kernel,
        mesh=mesh,
        compiler_params=pltpu.CompilerParams(use_tc_tiling_on_sc=False),
        out_type=jax.ShapeDtypeStruct((2, _N, row), jnp.float32),
        scratch_types=[
            pltpu.VMEM_SHARED((_N, row), jnp.float32),
            pltpu.VMEM((chunk,), jnp.int32),
        ] + [pltpu.VMEM((_SUB,), jnp.int32) for _ in range(nsub)] + [
            pltpu.VMEM((chunk, row), jnp.float32),
            pltpu.VMEM((chunk, 16), jnp.float32),
            pltpu.SemaphoreType.DMA,
        ],
    )
    def agg(r_hbm, d_hbm, src_hbm, dst_hbm, z_hbm, out_hbm,
            acc, srcv, *rest):
        dstvs = rest[:nsub]
        rows, dvals, sem = rest[nsub:]
        c = lax.axis_index("c")
        s = lax.axis_index("s")
        pltpu.sync_copy(z_hbm.at[pl.ds(s * _ROWS_PER_TILE, _ROWS_PER_TILE)],
                        acc.at[pl.ds(s * _ROWS_PER_TILE, _ROWS_PER_TILE)])

        @pl.when(s == 15)
        def _():
            pltpu.sync_copy(z_hbm.at[pl.ds(_N - 16, 16)],
                            acc.at[pl.ds(_N - 16, 16)])

        plsc.subcore_barrier()

        if split_core_edges:
            base = (c * 16 + s) * e_per_tec
        else:
            base = s * e_per_tec
        tix = c if tcount == 2 else 0
        lanes = lax.iota(jnp.int32, 16)

        def step(i, carry):
            eo = base + i * chunk
            pltpu.sync_copy(src_hbm.at[pl.ds(eo, chunk)], srcv)
            for j in range(nsub):
                pltpu.sync_copy(dst_hbm.at[pl.ds(eo + j * _SUB, _SUB)],
                                dstvs[j])
            cps = []
            for j in range(nsub):
                cps.append(pltpu.async_copy(
                    r_hbm.at[tix].at[srcv.at[pl.ds(j * _SUB, _SUB)]],
                    rows.at[pl.ds(j * _SUB, _SUB)], sem))
                cps.append(pltpu.async_copy(
                    d_hbm.at[tix].at[dstvs[j]],
                    dvals.at[pl.ds(j * _SUB, _SUB)], sem))
            for cp in cps:
                cp.wait()

            tl = pl.ds(data_cols, 16)

            def scale(jj, carry2):
                tail = rows[jj, tl]
                a = tail + dvals[jj]
                v = jnp.where(a >= 0.0, a, 0.2 * a)
                w = jnp.exp(v)
                ws = [w[h] for h in range(nheads)]
                for h in range(nheads):
                    for q in range(4):
                        sl = pl.ds(h * 64 + q * 16, 16)
                        rows[jj, sl] = rows[jj, sl] * ws[h]
                m = jnp.zeros((16,), jnp.float32)
                for h in range(nheads):
                    m = jnp.where(lanes == nheads + h, ws[h], m)
                rows[jj, tl] = tail * m
                return carry2

            lax.fori_loop(0, chunk, scale, 0)
            for j in range(nsub):
                pltpu.sync_copy(rows.at[pl.ds(j * _SUB, _SUB)],
                                acc.at[dstvs[j]], add=True)
            return carry

        lax.fori_loop(0, iters, step, 0)
        plsc.subcore_barrier()
        pltpu.sync_copy(acc.at[pl.ds(s * _ROWS_PER_TILE, _ROWS_PER_TILE)],
                        out_hbm.at[c].at[pl.ds(s * _ROWS_PER_TILE,
                                               _ROWS_PER_TILE)])

        @pl.when(s == 15)
        def _():
            pltpu.sync_copy(acc.at[pl.ds(_N - 16, 16)],
                            out_hbm.at[c].at[pl.ds(_N - 16, 16)])

    return agg


_agg_l1 = _make_edge_agg(144, 2, split_core_edges=False, tcount=2, chunk=160)
_agg_l2 = _make_edge_agg(80, 1, split_core_edges=True, tcount=1, chunk=400)


_B = 2000
_NB = _N // _B


def _k1_body(x_ref, win_ref, bin_ref,
             wrc_ref, crc_ref, wdc_ref,
             wrcb_ref, crcb_ref, wdcb_ref,
             rc_ref, dc_ref, rcb_ref, dcb_ref):
    h0 = jax.nn.relu(
        jnp.dot(x_ref[...], win_ref[...], preferred_element_type=jnp.float32)
        + bin_ref[...])
    rc_ref[0] = jnp.dot(h0, wrc_ref[0],
                        preferred_element_type=jnp.float32) + crc_ref[0]
    dc_ref[0] = jnp.dot(h0, wdc_ref[0], preferred_element_type=jnp.float32)
    rcb_ref[0] = jnp.dot(h0, wrcb_ref[0],
                         preferred_element_type=jnp.float32) + crcb_ref[0]
    dcb_ref[0] = jnp.dot(h0, wdcb_ref[0], preferred_element_type=jnp.float32)


def _k1(x, w_in, b_in, wrc, crc, wdc, wrcb, crcb, wdcb):
    return pl.pallas_call(
        _k1_body,
        grid=(_NB, 2),
        in_specs=[
            pl.BlockSpec((_B, _D), lambda i, c: (i, 0)),
            pl.BlockSpec((_D, _HID), lambda i, c: (0, 0)),
            pl.BlockSpec((1, _HID), lambda i, c: (0, 0)),
            pl.BlockSpec((1, _HID, 144), lambda i, c: (c, 0, 0)),
            pl.BlockSpec((1, 1, 144), lambda i, c: (c, 0, 0)),
            pl.BlockSpec((1, _HID, 16), lambda i, c: (c, 0, 0)),
            pl.BlockSpec((1, _HID, 144), lambda i, c: (c, 0, 0)),
            pl.BlockSpec((1, 1, 144), lambda i, c: (c, 0, 0)),
            pl.BlockSpec((1, _HID, 16), lambda i, c: (c, 0, 0)),
        ],
        out_specs=[
            pl.BlockSpec((1, _B, 144), lambda i, c: (c, i, 0)),
            pl.BlockSpec((1, _B, 16), lambda i, c: (c, i, 0)),
            pl.BlockSpec((1, _B, 144), lambda i, c: (c, i, 0)),
            pl.BlockSpec((1, _B, 16), lambda i, c: (c, i, 0)),
        ],
        out_shape=[
            jax.ShapeDtypeStruct((2, _N, 144), jnp.float32),
            jax.ShapeDtypeStruct((2, _N, 16), jnp.float32),
            jax.ShapeDtypeStruct((2, _N, 144), jnp.float32),
            jax.ShapeDtypeStruct((2, _N, 16), jnp.float32),
        ],
    )(x, w_in, b_in, wrc, crc, wdc, wrcb, crcb, wdcb)


def _norm_l1(accv, s2):
    parts = []
    for c in (0, 1):
        num = accv[c][:, :128]
        rec = 1.0 / (accv[c][:, 128:144] + 1e-16)
        parts.append(num * jnp.dot(rec, s2,
                                   preferred_element_type=jnp.float32))
    return jnp.concatenate(parts, axis=-1)


def _k2_body(ac_ref, acb_ref, s2_ref, b1c_ref, b1cb_ref,
             wzc_ref, czc_ref, wd2c_ref, wzcb_ref, czcb_ref, wd2cb_ref,
             r2c_ref, d2c_ref, r2cb_ref, d2cb_ref):
    s2 = s2_ref[...]
    g = (_norm_l1(ac_ref[...], s2) + b1c_ref[...]
         + _norm_l1(acb_ref[...], s2) + b1cb_ref[...])
    h1 = jnp.where(g > 0.0, g, jnp.exp(jnp.minimum(g, 0.0)) - 1.0)
    r2c_ref[0] = jnp.dot(h1, wzc_ref[...],
                         preferred_element_type=jnp.float32) + czc_ref[...]
    d2c_ref[0] = jnp.dot(h1, wd2c_ref[...], preferred_element_type=jnp.float32)
    r2cb_ref[0] = jnp.dot(h1, wzcb_ref[...],
                          preferred_element_type=jnp.float32) + czcb_ref[...]
    d2cb_ref[0] = jnp.dot(h1, wd2cb_ref[...],
                          preferred_element_type=jnp.float32)


def _k2(ac, acb, s2, b1c, b1cb, wzc, czc, wd2c, wzcb, czcb, wd2cb):
    full = lambda *shape: pl.BlockSpec(shape, lambda i: (0,) * len(shape))
    return pl.pallas_call(
        _k2_body,
        grid=(_NB,),
        in_specs=[
            pl.BlockSpec((2, _B, 144), lambda i: (0, i, 0)),
            pl.BlockSpec((2, _B, 144), lambda i: (0, i, 0)),
            full(16, 128), full(1, 256), full(1, 256),
            full(256, 80), full(1, 80), full(256, 16),
            full(256, 80), full(1, 80), full(256, 16),
        ],
        out_specs=[
            pl.BlockSpec((1, _B, 80), lambda i: (0, i, 0)),
            pl.BlockSpec((1, _B, 16), lambda i: (0, i, 0)),
            pl.BlockSpec((1, _B, 80), lambda i: (0, i, 0)),
            pl.BlockSpec((1, _B, 16), lambda i: (0, i, 0)),
        ],
        out_shape=[
            jax.ShapeDtypeStruct((1, _N, 80), jnp.float32),
            jax.ShapeDtypeStruct((1, _N, 16), jnp.float32),
            jax.ShapeDtypeStruct((1, _N, 80), jnp.float32),
            jax.ShapeDtypeStruct((1, _N, 16), jnp.float32),
        ],
    )(ac, acb, s2, b1c, b1cb, wzc, czc, wd2c, wzcb, czcb, wd2cb)


def _part_l2(accv, s1, bias):
    num = accv[0][:, :64] + accv[1][:, :64]
    den = accv[0][:, 64:80] + accv[1][:, 64:80]
    rec = 1.0 / (den + 1e-16)
    return num * jnp.dot(rec, s1, preferred_element_type=jnp.float32) + bias


def _k3_body(ac_ref, acb_ref, s1_ref, b2c_ref, b2cb_ref,
             a1_ref, b1s_ref, a2_ref, wcp_ref, bcp_ref, o_ref):
    s1 = s1_ref[...]
    h2 = (_part_l2(ac_ref[...], s1, b2c_ref[...])
          + _part_l2(acb_ref[...], s1, b2cb_ref[...]))
    t = jnp.tanh(jnp.dot(h2, a1_ref[...],
                         preferred_element_type=jnp.float32) + b1s_ref[...])
    sc = jnp.sum(t * a2_ref[...], axis=-1, keepdims=True)
    w = jax.nn.sigmoid(sc)
    o_ref[...] = jnp.dot(h2 * w, wcp_ref[...],
                         preferred_element_type=jnp.float32) + bcp_ref[...]


def _k3(ac, acb, s1, b2c, b2cb, a1, b1s, a2r, wcp, bcp):
    full = lambda *shape: pl.BlockSpec(shape, lambda i: (0,) * len(shape))
    return pl.pallas_call(
        _k3_body,
        grid=(_NB,),
        in_specs=[
            pl.BlockSpec((2, _B, 80), lambda i: (0, i, 0)),
            pl.BlockSpec((2, _B, 80), lambda i: (0, i, 0)),
            full(16, 64), full(1, 64), full(1, 64),
            full(64, 128), full(1, 128), full(1, 128),
            full(64, 128), full(1, 128),
        ],
        out_specs=pl.BlockSpec((_B, 128), lambda i: (i, 0)),
        out_shape=jax.ShapeDtypeStruct((_N, 128), jnp.float32),
    )(ac, acb, s1, b2c, b2cb, a1, b1s, a2r, wcp, bcp)


def _fold_l1(w_s, w_d, att_s, att_d):
    a_src = jnp.einsum('khd,hd->kh', w_s.reshape(_HID, _HEADS, _HID), att_s)
    a_dst = jnp.einsum('khd,hd->kh', w_d.reshape(_HID, _HEADS, _HID), att_d)
    z14 = jnp.zeros((_HID, 14), jnp.float32)
    wr = jnp.stack([
        jnp.concatenate([w_s[:, :128], a_src[:, 0:2], z14], axis=1),
        jnp.concatenate([w_s[:, 128:], a_src[:, 2:4], z14], axis=1),
    ])
    cr = jnp.zeros((2, 1, 144), jnp.float32).at[:, :, 130:132].set(1.0)
    wd = jnp.stack([
        jnp.pad(a_dst[:, 0:2], ((0, 0), (0, 14))),
        jnp.pad(a_dst[:, 2:4], ((0, 0), (0, 14))),
    ])
    return wr, cr, wd


def _fold_l2(w2, att_s, att_d):
    wz = jnp.concatenate([
        w2, w2 @ att_s[0][:, None],
        jnp.zeros((_HEADS * _HID, 15), jnp.float32),
    ], axis=1)
    cz = jnp.zeros((1, 80), jnp.float32).at[0, 65].set(1.0)
    wd2 = jnp.pad(w2 @ att_d[0][:, None], ((0, 0), (0, 15)))
    return wz, cz, wd2


def kernel(x, edge_index_cites, edge_index_cited_by, W_in, b_in,
           W1s_c, W1d_c, att1s_c, att1d_c, bias1_c,
           W1s_cb, W1d_cb, att1s_cb, att1d_cb, bias1_cb,
           W2_c, att2s_c, att2d_c, bias2_c,
           W2_cb, att2s_cb, att2d_cb, bias2_cb,
           A1, b1_sem, a2, Wc, bc):
    wrc, crc, wdc = _fold_l1(W1s_c, W1d_c, att1s_c, att1d_c)
    wrcb, crcb, wdcb = _fold_l1(W1s_cb, W1d_cb, att1s_cb, att1d_cb)
    wzc, czc, wd2c = _fold_l2(W2_c, att2s_c, att2d_c)
    wzcb, czcb, wd2cb = _fold_l2(W2_cb, att2s_cb, att2d_cb)
    s2 = jnp.zeros((16, 128), jnp.float32)
    s2 = s2.at[2, :64].set(1.0).at[3, 64:128].set(1.0)
    s1 = jnp.zeros((16, 64), jnp.float32).at[1, :].set(1.0)
    wcp = jnp.pad(Wc, ((0, 0), (0, 128 - _NC)))
    bcp = jnp.pad(bc, (0, 128 - _NC)).reshape(1, 128)
    z144 = jnp.zeros((_N, 144), jnp.float32)
    z80 = jnp.zeros((_N, 80), jnp.float32)

    rc, dc, rcb, dcb = _k1(x, W_in, b_in.reshape(1, _HID),
                           wrc, crc, wdc, wrcb, crcb, wdcb)

    src_c = edge_index_cites[0]
    dst_c = edge_index_cites[1]
    src_cb = edge_index_cited_by[0]
    dst_cb = edge_index_cited_by[1]

    acc1_c = _agg_l1(rc, dc, src_c, dst_c, z144)
    acc1_cb = _agg_l1(rcb, dcb, src_cb, dst_cb, z144)

    r2c, d2c, r2cb, d2cb = _k2(acc1_c, acc1_cb, s2,
                               bias1_c.reshape(1, 256), bias1_cb.reshape(1, 256),
                               wzc, czc, wd2c, wzcb, czcb, wd2cb)

    acc2_c = _agg_l2(r2c, d2c, src_c, dst_c, z80)
    acc2_cb = _agg_l2(r2cb, d2cb, src_cb, dst_cb, z80)

    out = _k3(acc2_c, acc2_cb, s1,
              bias2_c.reshape(1, _OUT), bias2_cb.reshape(1, _OUT),
              A1, b1_sem.reshape(1, 128), a2.reshape(1, 128), wcp, bcp)
    return out[:, :_NC]

# --- scband reference (transcript-rebuilt; emitter-appended) ---
"""Pipeline reference for scband-hanmodel-87299505258755 (READ-ONLY COPY).

The authoritative reference and input builder live on the scoring server;
editing this copy changes nothing except your own understanding.
"""

import jax, jax.numpy as jnp
import numpy as np

N = 10000
E = 320000
D = 128
HID = 64
HEADS = 4
OUT = 64
NC = 7

def _norm(k, shape, scale=0.05):
    return scale * jax.random.normal(k, shape, dtype=jnp.float32)

def setup_inputs(seed: int = 0):
    key = jax.random.key(seed)
    ks = jax.random.split(key, 30)
    inp = {}
    inp["x"] = jax.random.normal(ks[0], (N, D), dtype=jnp.float32)
    inp["edge_index_cites"] = jax.random.randint(ks[1], (2, E), 0, N, dtype=jnp.int32)
    inp["edge_index_cited_by"] = jax.random.randint(ks[2], (2, E), 0, N, dtype=jnp.int32)
    inp["W_in"] = _norm(ks[3], (D, HID))
    inp["b_in"] = jnp.zeros((HID,), dtype=jnp.float32)
    inp["W1s_c"] = _norm(ks[4], (HID, HEADS * HID))
    inp["W1d_c"] = _norm(ks[5], (HID, HEADS * HID))
    inp["att1s_c"] = _norm(ks[6], (HEADS, HID))
    inp["att1d_c"] = _norm(ks[7], (HEADS, HID))
    inp["bias1_c"] = jnp.zeros((HEADS * HID,), dtype=jnp.float32)
    inp["W1s_cb"] = _norm(ks[8], (HID, HEADS * HID))
    inp["W1d_cb"] = _norm(ks[9], (HID, HEADS * HID))
    inp["att1s_cb"] = _norm(ks[10], (HEADS, HID))
    inp["att1d_cb"] = _norm(ks[11], (HEADS, HID))
    inp["bias1_cb"] = jnp.zeros((HEADS * HID,), dtype=jnp.float32)
    inp["W2_c"] = _norm(ks[12], (HEADS * HID, OUT))
    inp["att2s_c"] = _norm(ks[13], (1, OUT))
    inp["att2d_c"] = _norm(ks[14], (1, OUT))
    inp["bias2_c"] = jnp.zeros((OUT,), dtype=jnp.float32)
    inp["W2_cb"] = _norm(ks[15], (HEADS * HID, OUT))
    inp["att2s_cb"] = _norm(ks[16], (1, OUT))
    inp["att2d_cb"] = _norm(ks[17], (1, OUT))
    inp["bias2_cb"] = jnp.zeros((OUT,), dtype=jnp.float32)
    inp["A1"] = _norm(ks[18], (OUT, 128))
    inp["b1_sem"] = jnp.zeros((128,), dtype=jnp.float32)
    inp["a2"] = _norm(ks[19], (128, 1))
    inp["Wc"] = _norm(ks[20], (OUT, NC))
    inp["bc"] = jnp.zeros((NC,), dtype=jnp.float32)
    return inp

def _segment_softmax(alpha, dst, n):
    m = jax.ops.segment_max(alpha, dst, num_segments=n)
    m = jnp.where(jnp.isfinite(m), m, 0.0)
    e = jnp.exp(alpha - m[dst])
    s = jax.ops.segment_sum(e, dst, num_segments=n)
    return e / (s[dst] + 1e-16)

def _gat(x_src, x_dst, W_src, W_dst, att_s, att_d, bias, edge_index, n, h, c):
    # PyG GATConv (no self loops, eval mode): linear transforms, per-edge
    # additive attention with leaky_relu(0.2), softmax over incoming edges
    # per destination node, scatter-add of weighted messages, concat heads.
    xs = (x_src @ W_src).reshape(n, h, c)
    xd = (x_dst @ W_dst).reshape(n, h, c)
    a_s = (xs * att_s[None]).sum(-1)
    a_d = (xd * att_d[None]).sum(-1)
    src = edge_index[0]
    dst = edge_index[1]
    alpha = jax.nn.leaky_relu(a_s[src] + a_d[dst], 0.2)
    alpha = _segment_softmax(alpha, dst, n)
    msg = xs[src] * alpha[:, :, None]
    out = jax.ops.segment_sum(msg, dst, num_segments=n)
    return out.reshape(n, h * c) + bias

def reference(x, edge_index_cites, edge_index_cited_by, W_in, b_in, W1s_c, W1d_c, att1s_c, att1d_c, bias1_c, W1s_cb, W1d_cb, att1s_cb, att1d_cb, bias1_cb, W2_c, att2s_c, att2d_c, bias2_c, W2_cb, att2s_cb, att2d_cb, bias2_cb, A1, b1_sem, a2, Wc, bc):
    # input projection + relu (dropout disabled / eval mode)
    h0 = jax.nn.relu(x @ W_in + b_in)
    # HeteroConv layer 1 (aggr='sum' over edge types), GAT heads=4, concat
    h1 = _gat(h0, h0, W1s_c, W1d_c, att1s_c, att1d_c, bias1_c, edge_index_cites, N, HEADS, HID)
    h1 = h1 + _gat(h0, h0, W1s_cb, W1d_cb, att1s_cb, att1d_cb, bias1_cb, edge_index_cited_by, N, HEADS, HID)
    h1 = jax.nn.elu(h1)
    # HeteroConv layer 2, GAT heads=1 (shared lin for src/dst since int in_channels)
    h2 = _gat(h1, h1, W2_c, W2_c, att2s_c, att2d_c, bias2_c, edge_index_cites, N, 1, OUT)
    h2 = h2 + _gat(h1, h1, W2_cb, W2_cb, att2s_cb, att2d_cb, bias2_cb, edge_index_cited_by, N, 1, OUT)
    # semantic attention ('paper' has 2 metapaths)
    scores = jnp.tanh(h2 @ A1 + b1_sem) @ a2
    w = jax.nn.sigmoid(scores)
    xf = w * h2
    # classifier head for 'paper'
    logits = xf @ Wc + bc
    return logits

if __name__ == "__main__":
    import jax
    _d = setup_inputs()
    print(jax.jit(kernel)(*tuple(_d.values())))

</pallas_src>

<mosaic_0001>
#map = affine_map<(d0, d1) -> (0, 0, 0)>
#map1 = affine_map<(d0, d1) -> (0)>
#map2 = affine_map<(d0, d1) -> (0, 0)>
module attributes {stable_mosaic.version = 14 : i64} {
  func.func @agg(%arg0: i32, %arg1: i32, %arg2: memref<2x10000x144xf32, #tpu.memory_space<hbm>>, %arg3: memref<2x10000x16xf32, #tpu.memory_space<hbm>>, %arg4: memref<320000xi32, #tpu.memory_space<hbm>>, %arg5: memref<320000xi32, #tpu.memory_space<hbm>>, %arg6: memref<10000x144xf32, #tpu.memory_space<hbm>>, %arg7: memref<2x10000x144xf32, #tpu.memory_space<hbm>>, %arg8: memref<10000x144xf32, #tpu.memory_space<vmem_shared>>, %arg9: memref<160xi32, #tpu.memory_space<vmem>>, %arg10: memref<80xi32, #tpu.memory_space<vmem>>, %arg11: memref<80xi32, #tpu.memory_space<vmem>>, %arg12: memref<160x144xf32, #tpu.memory_space<vmem>>, %arg13: memref<160x16xf32, #tpu.memory_space<vmem>>, %arg14: memref<!tpu.dma_semaphore, #tpu.memory_space<semaphore_mem>>) attributes {dimension_semantics = [#tpu.dimension_semantics<core_parallel>, #tpu.dimension_semantics<subcore_parallel>], iteration_bounds = array<i64: 2, 16>, scalar_prefetch = 0 : i64, scratch_operands = 7 : i64, tpu.core_type = #tpu.core_type<sc_vector_subcore>, window_params = [{transform_indices = #map}, {transform_indices = #map}, {transform_indices = #map1}, {transform_indices = #map1}, {transform_indices = #map2}, {transform_indices = #map}]} {
    %mul3A = arith.constant 624 : i32
    %mul3A_0 = arith.muli %arg1, %mul3A : i32
    %mul3A_1 = arith.constant 624 : i32
    %mul3A_2 = arith.muli %arg1, %mul3A_1 : i32
    "tpu.region"() ({
      %run_scoped3A = tpu.sem_alloc : memref<!tpu.dma_semaphore, #tpu.memory_space<semaphore_mem>>
      %dma_start3A = arith.constant 0 : i32
      %dma_start3A_22 = tpu.memref_slice %arg8[%mul3A_2, %dma_start3A] : memref<10000x144xf32, #tpu.memory_space<vmem_shared>> -> memref<624x144xf32, #tpu.memory_space<vmem_shared>>
      %dma_start3A_23 = arith.constant 0 : i32
      %dma_start3A_24 = tpu.memref_slice %arg6[%mul3A_0, %dma_start3A_23] : memref<10000x144xf32, #tpu.memory_space<hbm>> -> memref<624x144xf32, #tpu.memory_space<hbm>>
      tpu.enqueue_dma source(%dma_start3A_24 : memref<624x144xf32, #tpu.memory_space<hbm>>) target(%dma_start3A_22 : memref<624x144xf32, #tpu.memory_space<vmem_shared>>) target_semaphore(%run_scoped3A : memref<!tpu.dma_semaphore, #tpu.memory_space<semaphore_mem>>)
      %dma_wait3A = arith.constant 0 : i32
      %dma_wait3A_25 = tpu.memref_slice %arg8[%mul3A_2, %dma_wait3A] : memref<10000x144xf32, #tpu.memory_space<vmem_shared>> -> memref<624x144xf32, #tpu.memory_space<vmem_shared>>
      %dma_wait3A_26 = arith.constant 0 : i32
      %dma_wait3A_27 = tpu.memref_slice %arg6[%mul3A_0, %dma_wait3A_26] : memref<10000x144xf32, #tpu.memory_space<hbm>> -> memref<624x144xf32, #tpu.memory_space<hbm>>
      tpu.wait_dma2 semaphore(%run_scoped3A : memref<!tpu.dma_semaphore, #tpu.memory_space<semaphore_mem>>) src(%dma_wait3A_27 : memref<624x144xf32, #tpu.memory_space<hbm>>) dst(%dma_wait3A_25 : memref<624x144xf32, #tpu.memory_space<vmem_shared>>)
      tpu.yield
    }) : () -> ()
    %eq3A = arith.constant 15 : i32
    %eq3A_3 = arith.cmpi eq, %arg1, %eq3A : i32
    %convert_element_type3A = arith.extui %eq3A_3 : i1 to i32
    %cond3A = arith.constant 0 : i32
    %cond3A_4 = arith.cmpi ne, %convert_element_type3A, %cond3A : i32
    scf.if %cond3A_4 {
      "tpu.region"() ({
        %run_scoped3A = tpu.sem_alloc : memref<!tpu.dma_semaphore, #tpu.memory_space<semaphore_mem>>
        %dma_start3A = arith.constant 9984 : i32
        %dma_start3A_22 = arith.constant 0 : i32
        %dma_start3A_23 = tpu.memref_slice %arg8[%dma_start3A, %dma_start3A_22] : memref<10000x144xf32, #tpu.memory_space<vmem_shared>> -> memref<16x144xf32, #tpu.memory_space<vmem_shared>>
        %dma_start3A_24 = arith.constant 9984 : i32
        %dma_start3A_25 = arith.constant 0 : i32
        %dma_start3A_26 = tpu.memref_slice %arg6[%dma_start3A_24, %dma_start3A_25] : memref<10000x144xf32, #tpu.memory_space<hbm>> -> memref<16x144xf32, #tpu.memory_space<hbm>>
        tpu.enqueue_dma source(%dma_start3A_26 : memref<16x144xf32, #tpu.memory_space<hbm>>) target(%dma_start3A_23 : memref<16x144xf32, #tpu.memory_space<vmem_shared>>) target_semaphore(%run_scoped3A : memref<!tpu.dma_semaphore, #tpu.memory_space<semaphore_mem>>)
        %dma_wait3A = arith.constant 9984 : i32
        %dma_wait3A_27 = arith.constant 0 : i32
        %dma_wait3A_28 = tpu.memref_slice %arg8[%dma_wait3A, %dma_wait3A_27] : memref<10000x144xf32, #tpu.memory_space<vmem_shared>> -> memref<16x144xf32, #tpu.memory_space<vmem_shared>>
        %dma_wait3A_29 = arith.constant 9984 : i32
        %dma_wait3A_30 = arith.constant 0 : i32
        %dma_wait3A_31 = tpu.memref_slice %arg6[%dma_wait3A_29, %dma_wait3A_30] : memref<10000x144xf32, #tpu.memory_space<hbm>> -> memref<16x144xf32, #tpu.memory_space<hbm>>
        tpu.wait_dma2 semaphore(%run_scoped3A : memref<!tpu.dma_semaphore, #tpu.memory_space<semaphore_mem>>) src(%dma_wait3A_31 : memref<16x144xf32, #tpu.memory_space<hbm>>) dst(%dma_wait3A_28 : memref<16x144xf32, #tpu.memory_space<vmem_shared>>)
        tpu.yield
      }) : () -> ()
    } else {
    }
    %barrier3A = arith.constant 0 : index
    tpu.barrier barrier_id(%barrier3A)
    %mul3A_5 = arith.constant 20000 : i32
    %mul3A_6 = arith.muli %arg1, %mul3A_5 : i32
    %iota3A = tpu.iota {dimensions = array<i32: 0>} : vector<16xi32>
    %scan3A = arith.constant 0 : i32
    %scan3A_7 = arith.constant 0 : i32
    %scan3A_8 = arith.constant 125 : i32
    %scan3A_9 = arith.addi %scan3A_7, %scan3A_8 : i32
    %scan3A_10 = arith.constant 1 : i32
    scf.for %scan3A_22 = %scan3A_7 to %scan3A_9 step %scan3A_10  : i32 {
      %mul3A_23 = arith.constant 160 : i32
      %mul3A_24 = arith.muli %scan3A_22, %mul3A_23 : i32
      %add3A = arith.addi %mul3A_6, %mul3A_24 : i32
      "tpu.region"() ({
        %run_scoped3A = tpu.sem_alloc : memref<!tpu.dma_semaphore, #tpu.memory_space<semaphore_mem>>
        %dma_start3A_121 = tpu.memref_slice %arg4[%add3A] : memref<320000xi32, #tpu.memory_space<hbm>> -> memref<160xi32, #tpu.memory_space<hbm>>
        %dma_start3A_122 = tpu.memref_slice %arg4[%add3A] : memref<320000xi32, #tpu.memory_space<hbm>> -> memref<160xi32, #tpu.memory_space<hbm>>
        tpu.enqueue_dma source(%dma_start3A_122 : memref<160xi32, #tpu.memory_space<hbm>>) target(%arg9 : memref<160xi32, #tpu.memory_space<vmem>>) target_semaphore(%run_scoped3A : memref<!tpu.dma_semaphore, #tpu.memory_space<semaphore_mem>>)
        %dma_wait3A_123 = tpu.memref_slice %arg4[%add3A] : memref<320000xi32, #tpu.memory_space<hbm>> -> memref<160xi32, #tpu.memory_space<hbm>>
        %dma_wait3A_124 = tpu.memref_slice %arg4[%add3A] : memref<320000xi32, #tpu.memory_space<hbm>> -> memref<160xi32, #tpu.memory_space<hbm>>
        tpu.wait_dma2 semaphore(%run_scoped3A : memref<!tpu.dma_semaphore, #tpu.memory_space<semaphore_mem>>) src(%dma_wait3A_124 : memref<160xi32, #tpu.memory_space<hbm>>) dst(%arg9 : memref<160xi32, #tpu.memory_space<vmem>>)
        tpu.yield
      }) : () -> ()
      %add3A_25 = arith.constant 0 : i32
      %add3A_26 = arith.addi %add3A, %add3A_25 : i32
      "tpu.region"() ({
        %run_scoped3A = tpu.sem_alloc : memref<!tpu.dma_semaphore, #tpu.memory_space<semaphore_mem>>
        %dma_start3A_121 = tpu.memref_slice %arg5[%add3A_26] : memref<320000xi32, #tpu.memory_space<hbm>> -> memref<80xi32, #tpu.memory_space<hbm>>
        %dma_start3A_122 = tpu.memref_slice %arg5[%add3A_26] : memref<320000xi32, #tpu.memory_space<hbm>> -> memref<80xi32, #tpu.memory_space<hbm>>
        tpu.enqueue_dma source(%dma_start3A_122 : memref<80xi32, #tpu.memory_space<hbm>>) target(%arg10 : memref<80xi32, #tpu.memory_space<vmem>>) target_semaphore(%run_scoped3A : memref<!tpu.dma_semaphore, #tpu.memory_space<semaphore_mem>>)
        %dma_wait3A_123 = tpu.memref_slice %arg5[%add3A_26] : memref<320000xi32, #tpu.memory_space<hbm>> -> memref<80xi32, #tpu.memory_space<hbm>>
        %dma_wait3A_124 = tpu.memref_slice %arg5[%add3A_26] : memref<320000xi32, #tpu.memory_space<hbm>> -> memref<80xi32, #tpu.memory_space<hbm>>
        tpu.wait_dma2 semaphore(%run_scoped3A : memref<!tpu.dma_semaphore, #tpu.memory_space<semaphore_mem>>) src(%dma_wait3A_124 : memref<80xi32, #tpu.memory_space<hbm>>) dst(%arg10 : memref<80xi32, #tpu.memory_space<vmem>>)
        tpu.yield
      }) : () -> ()
      %add3A_27 = arith.constant 80 : i32
      %add3A_28 = arith.addi %add3A, %add3A_27 : i32
      "tpu.region"() ({
        %run_scoped3A = tpu.sem_alloc : memref<!tpu.dma_semaphore, #tpu.memory_space<semaphore_mem>>
        %dma_start3A_121 = tpu.memref_slice %arg5[%add3A_28] : memref<320000xi32, #tpu.memory_space<hbm>> -> memref<80xi32, #tpu.memory_space<hbm>>
        %dma_start3A_122 = tpu.memref_slice %arg5[%add3A_28] : memref<320000xi32, #tpu.memory_space<hbm>> -> memref<80xi32, #tpu.memory_space<hbm>>
        tpu.enqueue_dma source(%dma_start3A_122 : memref<80xi32, #tpu.memory_space<hbm>>) target(%arg11 : memref<80xi32, #tpu.memory_space<vmem>>) target_semaphore(%run_scoped3A : memref<!tpu.dma_semaphore, #tpu.memory_space<semaphore_mem>>)
        %dma_wait3A_123 = tpu.memref_slice %arg5[%add3A_28] : memref<320000xi32, #tpu.memory_space<hbm>> -> memref<80xi32, #tpu.memory_space<hbm>>
        %dma_wait3A_124 = tpu.memref_slice %arg5[%add3A_28] : memref<320000xi32, #tpu.memory_space<hbm>> -> memref<80xi32, #tpu.memory_space<hbm>>
        tpu.wait_dma2 semaphore(%run_scoped3A : memref<!tpu.dma_semaphore, #tpu.memory_space<semaphore_mem>>) src(%dma_wait3A_124 : memref<80xi32, #tpu.memory_space<hbm>>) dst(%arg11 : memref<80xi32, #tpu.memory_space<vmem>>)
        tpu.yield
      }) : () -> ()
      %dma_start3A = arith.constant 0 : i32
      %dma_start3A_29 = arith.constant 0 : i32
      %dma_start3A_30 = tpu.memref_slice %arg12[%dma_start3A, %dma_start3A_29] : memref<160x144xf32, #tpu.memory_space<vmem>> -> memref<80x144xf32, #tpu.memory_space<vmem>>
      %dma_start3A_31 = arith.constant 0 : i32
      %dma_start3A_32 = tpu.memref_slice %arg9[%dma_start3A_31] : memref<160xi32, #tpu.memory_space<vmem>> -> memref<80xi32, #tpu.memory_space<vmem>>
      %dma_start3A_33 = arith.constant 0 : i32
      %dma_start3A_34 = arith.constant 0 : i32
      %dma_start3A_35 = tpu.memref_slice %arg2[%arg0, %dma_start3A_33, %dma_start3A_34] : memref<2x10000x144xf32, #tpu.memory_space<hbm>> -> memref<1x10000x144xf32, #tpu.memory_space<hbm>>
      %dma_start3A_36 = tpu.memref_squeeze %dma_start3A_35 : memref<1x10000x144xf32, #tpu.memory_space<hbm>> -> memref<10000x144xf32, #tpu.memory_space<hbm>>
      %dma_start3A_37 = arith.constant 0 : i32
      %dma_start3A_38 = arith.constant 0 : i32
      %dma_start3A_39 = tpu.memref_slice %dma_start3A_36[%dma_start3A_37, %dma_start3A_38] : memref<10000x144xf32, #tpu.memory_space<hbm>> -> memref<10000x144xf32, #tpu.memory_space<hbm>>
      tpu.enqueue_indirect_dma source(%dma_start3A_39 : memref<10000x144xf32, #tpu.memory_space<hbm>>) target(%dma_start3A_30 : memref<80x144xf32, #tpu.memory_space<vmem>>) offsets(%dma_start3A_32 : memref<80xi32, #tpu.memory_space<vmem>>) semaphore(%arg14 : memref<!tpu.dma_semaphore, #tpu.memory_space<semaphore_mem>>)
      %dma_start3A_40 = arith.constant 0 : i32
      %dma_start3A_41 = arith.constant 0 : i32
      %dma_start3A_42 = tpu.memref_slice %arg13[%dma_start3A_40, %dma_start3A_41] : memref<160x16xf32, #tpu.memory_space<vmem>> -> memref<80x16xf32, #tpu.memory_space<vmem>>
      %dma_start3A_43 = arith.constant 0 : i32
      %dma_start3A_44 = arith.constant 0 : i32
      %dma_start3A_45 = tpu.memref_slice %arg3[%arg0, %dma_start3A_43, %dma_start3A_44] : memref<2x10000x16xf32, #tpu.memory_space<hbm>> -> memref<1x10000x16xf32, #tpu.memory_space<hbm>>
      %dma_start3A_46 = tpu.memref_squeeze %dma_start3A_45 : memref<1x10000x16xf32, #tpu.memory_space<hbm>> -> memref<10000x16xf32, #tpu.memory_space<hbm>>
      %dma_start3A_47 = arith.constant 0 : i32
      %dma_start3A_48 = arith.constant 0 : i32
      %dma_start3A_49 = tpu.memref_slice %dma_start3A_46[%dma_start3A_47, %dma_start3A_48] : memref<10000x16xf32, #tpu.memory_space<hbm>> -> memref<10000x16xf32, #tpu.memory_space<hbm>>
      tpu.enqueue_indirect_dma source(%dma_start3A_49 : memref<10000x16xf32, #tpu.memory_space<hbm>>) target(%dma_start3A_42 : memref<80x16xf32, #tpu.memory_space<vmem>>) offsets(%arg10 : memref<80xi32, #tpu.memory_space<vmem>>) semaphore(%arg14 : memref<!tpu.dma_semaphore, #tpu.memory_space<semaphore_mem>>)
      %dma_start3A_50 = arith.constant 80 : i32
      %dma_start3A_51 = arith.constant 0 : i32
      %dma_start3A_52 = tpu.memref_slice %arg12[%dma_start3A_50, %dma_start3A_51] : memref<160x144xf32, #tpu.memory_space<vmem>> -> memref<80x144xf32, #tpu.memory_space<vmem>>
      %dma_start3A_53 = arith.constant 80 : i32
      %dma_start3A_54 = tpu.memref_slice %arg9[%dma_start3A_53] : memref<160xi32, #tpu.memory_space<vmem>> -> memref<80xi32, #tpu.memory_space<vmem>>
      %dma_start3A_55 = arith.constant 0 : i32
      %dma_start3A_56 = arith.constant 0 : i32
      %dma_start3A_57 = tpu.memref_slice %arg2[%arg0, %dma_start3A_55, %dma_start3A_56] : memref<2x10000x144xf32, #tpu.memory_space<hbm>> -> memref<1x10000x144xf32, #tpu.memory_space<hbm>>
      %dma_start3A_58 = tpu.memref_squeeze %dma_start3A_57 : memref<1x10000x144xf32, #tpu.memory_space<hbm>> -> memref<10000x144xf32, #tpu.memory_space<hbm>>
      %dma_start3A_59 = arith.constant 0 : i32
      %dma_start3A_60 = arith.constant 0 : i32
      %dma_start3A_61 = tpu.memref_slice %dma_start3A_58[%dma_start3A_59, %dma_start3A_60] : memref<10000x144xf32, #tpu.memory_space<hbm>> -> memref<10000x144xf32, #tpu.memory_space<hbm>>
      tpu.enqueue_indirect_dma source(%dma_start3A_61 : memref<10000x144xf32, #tpu.memory_space<hbm>>) target(%dma_start3A_52 : memref<80x144xf32, #tpu.memory_space<vmem>>) offsets(%dma_start3A_54 : memref<80xi32, #tpu.memory_space<vmem>>) semaphore(%arg14 : memref<!tpu.dma_semaphore, #tpu.memory_space<semaphore_mem>>)
      %dma_start3A_62 = arith.constant 80 : i32
      %dma_start3A_63 = arith.constant 0 : i32
      %dma_start3A_64 = tpu.memref_slice %arg13[%dma_start3A_62, %dma_start3A_63] : memref<160x16xf32, #tpu.memory_space<vmem>> -> memref<80x16xf32, #tpu.memory_space<vmem>>
      %dma_start3A_65 = arith.constant 0 : i32
      %dma_start3A_66 = arith.constant 0 : i32
      %dma_start3A_67 = tpu.memref_slice %arg3[%arg0, %dma_start3A_65, %dma_start3A_66] : memref<2x10000x16xf32, #tpu.memory_space<hbm>> -> memref<1x10000x16xf32, #tpu.memory_space<hbm>>
      %dma_start3A_68 = tpu.memref_squeeze %dma_start3A_67 : memref<1x10000x16xf32, #tpu.memory_space<hbm>> -> memref<10000x16xf32, #tpu.memory_space<hbm>>
      %dma_start3A_69 = arith.constant 0 : i32
      %dma_start3A_70 = arith.constant 0 : i32
      %dma_start3A_71 = tpu.memref_slice %dma_start3A_68[%dma_start3A_69, %dma_start3A_70] : memref<10000x16xf32, #tpu.memory_space<hbm>> -> memref<10000x16xf32, #tpu.memory_space<hbm>>
      tpu.enqueue_indirect_dma source(%dma_start3A_71 : memref<10000x16xf32, #tpu.memory_space<hbm>>) target(%dma_start3A_64 : memref<80x16xf32, #tpu.memory_space<vmem>>) offsets(%arg11 : memref<80xi32, #tpu.memory_space<vmem>>) semaphore(%arg14 : memref<!tpu.dma_semaphore, #tpu.memory_space<semaphore_mem>>)
      %dma_wait3A = arith.constant 0 : i32
      %dma_wait3A_72 = arith.constant 0 : i32
      %dma_wait3A_73 = tpu.memref_slice %arg12[%dma_wait3A, %dma_wait3A_72] : memref<160x144xf32, #tpu.memory_space<vmem>> -> memref<80x144xf32, #tpu.memory_space<vmem>>
      %dma_wait3A_74 = arith.constant 0 : i32
      %dma_wait3A_75 = tpu.memref_slice %arg9[%dma_wait3A_74] : memref<160xi32, #tpu.memory_space<vmem>> -> memref<80xi32, #tpu.memory_space<vmem>>
      %dma_wait3A_76 = arith.constant 0 : i32
      %dma_wait3A_77 = arith.constant 0 : i32
      %dma_wait3A_78 = tpu.memref_slice %arg2[%arg0, %dma_wait3A_76, %dma_wait3A_77] : memref<2x10000x144xf32, #tpu.memory_space<hbm>> -> memref<1x10000x144xf32, #tpu.memory_space<hbm>>
      %dma_wait3A_79 = tpu.memref_squeeze %dma_wait3A_78 : memref<1x10000x144xf32, #tpu.memory_space<hbm>> -> memref<10000x144xf32, #tpu.memory_space<hbm>>
      %dma_wait3A_80 = arith.constant 0 : i32
      %dma_wait3A_81 = arith.constant 0 : i32
      %dma_wait3A_82 = tpu.memref_slice %dma_wait3A_79[%dma_wait3A_80, %dma_wait3A_81] : memref<10000x144xf32, #tpu.memory_space<hbm>> -> memref<10000x144xf32, #tpu.memory_space<hbm>>
      tpu.wait_indirect_dma semaphore(%arg14 : memref<!tpu.dma_semaphore, #tpu.memory_space<semaphore_mem>>) src(%dma_wait3A_82 : memref<10000x144xf32, #tpu.memory_space<hbm>>) dst(%dma_wait3A_73 : memref<80x144xf32, #tpu.memory_space<vmem>>)
      %dma_wait3A_83 = arith.constant 0 : i32
      %dma_wait3A_84 = arith.constant 0 : i32
      %dma_wait3A_85 = tpu.memref_slice %arg13[%dma_wait3A_83, %dma_wait3A_84] : memref<160x16xf32, #tpu.memory_space<vmem>> -> memref<80x16xf32, #tpu.memory_space<vmem>>
      %dma_wait3A_86 = arith.constant 0 : i32
      %dma_wait3A_87 = arith.constant 0 : i32
      %dma_wait3A_88 = tpu.memref_slice %arg3[%arg0, %dma_wait3A_86, %dma_wait3A_87] : memref<2x10000x16xf32, #tpu.memory_space<hbm>> -> memref<1x10000x16xf32, #tpu.memory_space<hbm>>
      %dma_wait3A_89 = tpu.memref_squeeze %dma_wait3A_88 : memref<1x10000x16xf32, #tpu.memory_space<hbm>> -> memref<10000x16xf32, #tpu.memory_space<hbm>>
      %dma_wait3A_90 = arith.constant 0 : i32
      %dma_wait3A_91 = arith.constant 0 : i32
      %dma_wait3A_92 = tpu.memref_slice %dma_wait3A_89[%dma_wait3A_90, %dma_wait3A_91] : memref<10000x16xf32, #tpu.memory_space<hbm>> -> memref<10000x16xf32, #tpu.memory_space<hbm>>
      tpu.wait_indirect_dma semaphore(%arg14 : memref<!tpu.dma_semaphore, #tpu.memory_space<semaphore_mem>>) src(%dma_wait3A_92 : memref<10000x16xf32, #tpu.memory_space<hbm>>) dst(%dma_wait3A_85 : memref<80x16xf32, #tpu.memory_space<vmem>>)
      %dma_wait3A_93 = arith.constant 80 : i32
      %dma_wait3A_94 = arith.constant 0 : i32
      %dma_wait3A_95 = tpu.memref_slice %arg12[%dma_wait3A_93, %dma_wait3A_94] : memref<160x144xf32, #tpu.memory_space<vmem>> -> memref<80x144xf32, #tpu.memory_space<vmem>>
      %dma_wait3A_96 = arith.constant 80 : i32
      %dma_wait3A_97 = tpu.memref_slice %arg9[%dma_wait3A_96] : memref<160xi32, #tpu.memory_space<vmem>> -> memref<80xi32, #tpu.memory_space<vmem>>
      %dma_wait3A_98 = arith.constant 0 : i32
      %dma_wait3A_99 = arith.constant 0 : i32
      %dma_wait3A_100 = tpu.memref_slice %arg2[%arg0, %dma_wait3A_98, %dma_wait3A_99] : memref<2x10000x144xf32, #tpu.memory_space<hbm>> -> memref<1x10000x144xf32, #tpu.memory_space<hbm>>
      %dma_wait3A_101 = tpu.memref_squeeze %dma_wait3A_100 : memref<1x10000x144xf32, #tpu.memory_space<hbm>> -> memref<10000x144xf32, #tpu.memory_space<hbm>>
      %dma_wait3A_102 = arith.constant 0 : i32
      %dma_wait3A_103 = arith.constant 0 : i32
      %dma_wait3A_104 = tpu.memref_slice %dma_wait3A_101[%dma_wait3A_102, %dma_wait3A_103] : memref<10000x144xf32, #tpu.memory_space<hbm>> -> memref<10000x144xf32, #tpu.memory_space<hbm>>
      tpu.wait_indirect_dma semaphore(%arg14 : memref<!tpu.dma_semaphore, #tpu.memory_space<semaphore_mem>>) src(%dma_wait3A_104 : memref<10000x144xf32, #tpu.memory_space<hbm>>) dst(%dma_wait3A_95 : memref<80x144xf32, #tpu.memory_space<vmem>>)
      %dma_wait3A_105 = arith.constant 80 : i32
      %dma_wait3A_106 = arith.constant 0 : i32
      %dma_wait3A_107 = tpu.memref_slice %arg13[%dma_wait3A_105, %dma_wait3A_106] : memref<160x16xf32, #tpu.memory_space<vmem>> -> memref<80x16xf32, #tpu.memory_space<vmem>>
      %dma_wait3A_108 = arith.constant 0 : i32
      %dma_wait3A_109 = arith.constant 0 : i32
      %dma_wait3A_110 = tpu.memref_slice %arg3[%arg0, %dma_wait3A_108, %dma_wait3A_109] : memref<2x10000x16xf32, #tpu.memory_space<hbm>> -> memref<1x10000x16xf32, #tpu.memory_space<hbm>>
      %dma_wait3A_111 = tpu.memref_squeeze %dma_wait3A_110 : memref<1x10000x16xf32, #tpu.memory_space<hbm>> -> memref<10000x16xf32, #tpu.memory_space<hbm>>
      %dma_wait3A_112 = arith.constant 0 : i32
      %dma_wait3A_113 = arith.constant 0 : i32
      %dma_wait3A_114 = tpu.memref_slice %dma_wait3A_111[%dma_wait3A_112, %dma_wait3A_113] : memref<10000x16xf32, #tpu.memory_space<hbm>> -> memref<10000x16xf32, #tpu.memory_space<hbm>>
      tpu.wait_indirect_dma semaphore(%arg14 : memref<!tpu.dma_semaphore, #tpu.memory_space<semaphore_mem>>) src(%dma_wait3A_114 : memref<10000x16xf32, #tpu.memory_space<hbm>>) dst(%dma_wait3A_107 : memref<80x16xf32, #tpu.memory_space<vmem>>)
      %scan3A_115 = arith.constant 0 : i32
      %scan3A_116 = arith.constant 0 : i32
      %scan3A_117 = arith.constant 160 : i32
      %scan3A_118 = arith.addi %scan3A_116, %scan3A_117 : i32
      %scan3A_119 = arith.constant 1 : i32
      scf.for %scan3A_121 = %scan3A_116 to %scan3A_118 step %scan3A_119  : i32 {
        %get3A = arith.index_cast %scan3A_121 : i32 to index
        %get3A_122 = arith.constant 128 : index
        %get3A_123 = tpu.vector_load %arg12[%get3A, %get3A_122] {strides = array<i32>} : memref<160x144xf32, #tpu.memory_space<vmem>>, vector<1x16xf32>,
        %get3A_124 = vector.shape_cast %get3A_123 : vector<1x16xf32> to vector<16xf32>
        %get3A_125 = arith.index_cast %scan3A_121 : i32 to index
        %get3A_126 = arith.constant 0 : index
        %get3A_127 = tpu.vector_load %arg13[%get3A_125, %get3A_126] {strides = array<i32>} : memref<160x16xf32, #tpu.memory_space<vmem>>, vector<1x16xf32>,
        %get3A_128 = vector.shape_cast %get3A_127 : vector<1x16xf32> to vector<16xf32>
        %add3A_129 = arith.addf %get3A_124, %get3A_128 : vector<16xf32>
        %ge3A = arith.constant 0.000000e+00 : f32
        %ge3A_130 = vector.broadcast %ge3A : f32 to vector<16xf32>
        %ge3A_131 = arith.cmpf oge, %add3A_129, %ge3A_130 : vector<16xf32>
        %mul3A_132 = arith.constant 2.000000e-01 : f32
        %mul3A_133 = vector.broadcast %mul3A_132 : f32 to vector<16xf32>
        %mul3A_134 = arith.mulf %mul3A_133, %add3A_129 : vector<16xf32>
        %select_n3A = arith.select %ge3A_131, %add3A_129, %mul3A_134 : vector<16xi1>, vector<16xf32>
        %exp3A = math.exp %select_n3A : vector<16xf32>
        %slice3A = vector.extract_strided_slice %exp3A {offsets = [0], sizes = [1], strides = [1]} : vector<16xf32> to vector<1xf32>
        %squeeze3A = vector.extract %slice3A[0] : f32 from vector<1xf32>
        %slice3A_135 = vector.extract_strided_slice %exp3A {offsets = [1], sizes = [1], strides = [1]} : vector<16xf32> to vector<1xf32>
        %squeeze3A_136 = vector.extract %slice3A_135[0] : f32 from vector<1xf32>
        %get3A_137 = arith.index_cast %scan3A_121 : i32 to index
        %get3A_138 = arith.constant 0 : index
        %get3A_139 = tpu.vector_load %arg12[%get3A_137, %get3A_138] {strides = array<i32>} : memref<160x144xf32, #tpu.memory_space<vmem>>, vector<1x16xf32>,
        %get3A_140 = vector.shape_cast %get3A_139 : vector<1x16xf32> to vector<16xf32>
        %mul3A_141 = vector.broadcast %squeeze3A : f32 to vector<16xf32>
        %mul3A_142 = arith.mulf %get3A_140, %mul3A_141 : vector<16xf32>
        %swap3A = arith.index_cast %scan3A_121 : i32 to index
        %swap3A_143 = arith.constant 0 : index
        %swap3A_144 = tpu.vector_load %arg12[%swap3A, %swap3A_143] {strides = array<i32>} : memref<160x144xf32, #tpu.memory_space<vmem>>, vector<1x16xf32>,
        %swap3A_145 = vector.shape_cast %swap3A_144 : vector<1x16xf32> to vector<16xf32>
        %swap3A_146 = vector.shape_cast %mul3A_142 : vector<16xf32> to vector<1x16xf32>
        tpu.vector_store %arg12[%swap3A, %swap3A_143], %swap3A_146 {strides = array<i32>} : memref<160x144xf32, #tpu.memory_space<vmem>>, vector<1x16xf32>,
        %get3A_147 = arith.index_cast %scan3A_121 : i32 to index
        %get3A_148 = arith.constant 16 : index
        %get3A_149 = tpu.vector_load %arg12[%get3A_147, %get3A_148] {strides = array<i32>} : memref<160x144xf32, #tpu.memory_space<vmem>>, vector<1x16xf32>,
        %get3A_150 = vector.shape_cast %get3A_149 : vector<1x16xf32> to vector<16xf32>
        %mul3A_151 = vector.broadcast %squeeze3A : f32 to vector<16xf32>
        %mul3A_152 = arith.mulf %get3A_150, %mul3A_151 : vector<16xf32>
        %swap3A_153 = arith.index_cast %scan3A_121 : i32 to index
        %swap3A_154 = arith.constant 16 : index
        %swap3A_155 = tpu.vector_load %arg12[%swap3A_153, %swap3A_154] {strides = array<i32>} : memref<160x144xf32, #tpu.memory_space<vmem>>, vector<1x16xf32>,
        %swap3A_156 = vector.shape_cast %swap3A_155 : vector<1x16xf32> to vector<16xf32>
        %swap3A_157 = vector.shape_cast %mul3A_152 : vector<16xf32> to vector<1x16xf32>
        tpu.vector_store %arg12[%swap3A_153, %swap3A_154], %swap3A_157 {strides = array<i32>} : memref<160x144xf32, #tpu.memory_space<vmem>>, vector<1x16xf32>,
        %get3A_158 = arith.index_cast %scan3A_121 : i32 to index
        %get3A_159 = arith.constant 32 : index
        %get3A_160 = tpu.vector_load %arg12[%get3A_158, %get3A_159] {strides = array<i32>} : memref<160x144xf32, #tpu.memory_space<vmem>>, vector<1x16xf32>,
        %get3A_161 = vector.shape_cast %get3A_160 : vector<1x16xf32> to vector<16xf32>
        %mul3A_162 = vector.broadcast %squeeze3A : f32 to vector<16xf32>
        %mul3A_163 = arith.mulf %get3A_161, %mul3A_162 : vector<16xf32>
        %swap3A_164 = arith.index_cast %scan3A_121 : i32 to index
        %swap3A_165 = arith.constant 32 : index
        %swap3A_166 = tpu.vector_load %arg12[%swap3A_164, %swap3A_165] {strides = array<i32>} : memref<160x144xf32, #tpu.memory_space<vmem>>, vector<1x16xf32>,
        %swap3A_167 = vector.shape_cast %swap3A_166 : vector<1x16xf32> to vector<16xf32>
        %swap3A_168 = vector.shape_cast %mul3A_163 : vector<16xf32> to vector<1x16xf32>
        tpu.vector_store %arg12[%swap3A_164, %swap3A_165], %swap3A_168 {strides = array<i32>} : memref<160x144xf32, #tpu.memory_space<vmem>>, vector<1x16xf32>,
        %get3A_169 = arith.index_cast %scan3A_121 : i32 to index
        %get3A_170 = arith.constant 48 : index
        %get3A_171 = tpu.vector_load %arg12[%get3A_169, %get3A_170] {strides = array<i32>} : memref<160x144xf32, #tpu.memory_space<vmem>>, vector<1x16xf32>,
        %get3A_172 = vector.shape_cast %get3A_171 : vector<1x16xf32> to vector<16xf32>
        %mul3A_173 = vector.broadcast %squeeze3A : f32 to vector<16xf32>
        %mul3A_174 = arith.mulf %get3A_172, %mul3A_173 : vector<16xf32>
        %swap3A_175 = arith.index_cast %scan3A_121 : i32 to index
        %swap3A_176 = arith.constant 48 : index
        %swap3A_177 = tpu.vector_load %arg12[%swap3A_175, %swap3A_176] {strides = array<i32>} : memref<160x144xf32, #tpu.memory_space<vmem>>, vector<1x16xf32>,
        %swap3A_178 = vector.shape_cast %swap3A_177 : vector<1x16xf32> to vector<16xf32>
        %swap3A_179 = vector.shape_cast %mul3A_174 : vector<16xf32> to vector<1x16xf32>
        tpu.vector_store %arg12[%swap3A_175, %swap3A_176], %swap3A_179 {strides = array<i32>} : memref<160x144xf32, #tpu.memory_space<vmem>>, vector<1x16xf32>,
        %get3A_180 = arith.index_cast %scan3A_121 : i32 to index
        %get3A_181 = arith.constant 64 : index
        %get3A_182 = tpu.vector_load %arg12[%get3A_180, %get3A_181] {strides = array<i32>} : memref<160x144xf32, #tpu.memory_space<vmem>>, vector<1x16xf32>,
        %get3A_183 = vector.shape_cast %get3A_182 : vector<1x16xf32> to vector<16xf32>
        %mul3A_184 = vector.broadcast %squeeze3A_136 : f32 to vector<16xf32>
        %mul3A_185 = arith.mulf %get3A_183, %mul3A_184 : vector<16xf32>
        %swap3A_186 = arith.index_cast %scan3A_121 : i32 to index
        %swap3A_187 = arith.constant 64 : index
        %swap3A_188 = tpu.vector_load %arg12[%swap3A_186, %swap3A_187] {strides = array<i32>} : memref<160x144xf32, #tpu.memory_space<vmem>>, vector<1x16xf32>,
        %swap3A_189 = vector.shape_cast %swap3A_188 : vector<1x16xf32> to vector<16xf32>
        %swap3A_190 = vector.shape_cast %mul3A_185 : vector<16xf32> to vector<1x16xf32>
        tpu.vector_store %arg12[%swap3A_186, %swap3A_187], %swap3A_190 {strides = array<i32>} : memref<160x144xf32, #tpu.memory_space<vmem>>, vector<1x16xf32>,
        %get3A_191 = arith.index_cast %scan3A_121 : i32 to index
        %get3A_192 = arith.constant 80 : index
        %get3A_193 = tpu.vector_load %arg12[%get3A_191, %get3A_192] {strides = array<i32>} : memref<160x144xf32, #tpu.memory_space<vmem>>, vector<1x16xf32>,
        %get3A_194 = vector.shape_cast %get3A_193 : vector<1x16xf32> to vector<16xf32>
        %mul3A_195 = vector.broadcast %squeeze3A_136 : f32 to vector<16xf32>
        %mul3A_196 = arith.mulf %get3A_194, %mul3A_195 : vector<16xf32>
        %swap3A_197 = arith.index_cast %scan3A_121 : i32 to index
        %swap3A_198 = arith.constant 80 : index
        %swap3A_199 = tpu.vector_load %arg12[%swap3A_197, %swap3A_198] {strides = array<i32>} : memref<160x144xf32, #tpu.memory_space<vmem>>, vector<1x16xf32>,
        %swap3A_200 = vector.shape_cast %swap3A_199 : vector<1x16xf32> to vector<16xf32>
        %swap3A_201 = vector.shape_cast %mul3A_196 : vector<16xf32> to vector<1x16xf32>
        tpu.vector_store %arg12[%swap3A_197, %swap3A_198], %swap3A_201 {strides = array<i32>} : memref<160x144xf32, #tpu.memory_space<vmem>>, vector<1x16xf32>,
        %get3A_202 = arith.index_cast %scan3A_121 : i32 to index
        %get3A_203 = arith.constant 96 : index
        %get3A_204 = tpu.vector_load %arg12[%get3A_202, %get3A_203] {strides = array<i32>} : memref<160x144xf32, #tpu.memory_space<vmem>>, vector<1x16xf32>,
        %get3A_205 = vector.shape_cast %get3A_204 : vector<1x16xf32> to vector<16xf32>
        %mul3A_206 = vector.broadcast %squeeze3A_136 : f32 to vector<16xf32>
        %mul3A_207 = arith.mulf %get3A_205, %mul3A_206 : vector<16xf32>
        %swap3A_208 = arith.index_cast %scan3A_121 : i32 to index
        %swap3A_209 = arith.constant 96 : index
        %swap3A_210 = tpu.vector_load %arg12[%swap3A_208, %swap3A_209] {strides = array<i32>} : memref<160x144xf32, #tpu.memory_space<vmem>>, vector<1x16xf32>,
        %swap3A_211 = vector.shape_cast %swap3A_210 : vector<1x16xf32> to vector<16xf32>
        %swap3A_212 = vector.shape_cast %mul3A_207 : vector<16xf32> to vector<1x16xf32>
        tpu.vector_store %arg12[%swap3A_208, %swap3A_209], %swap3A_212 {strides = array<i32>} : memref<160x144xf32, #tpu.memory_space<vmem>>, vector<1x16xf32>,
        %get3A_213 = arith.index_cast %scan3A_121 : i32 to index
        %get3A_214 = arith.constant 112 : index
        %get3A_215 = tpu.vector_load %arg12[%get3A_213, %get3A_214] {strides = array<i32>} : memref<160x144xf32, #tpu.memory_space<vmem>>, vector<1x16xf32>,
        %get3A_216 = vector.shape_cast %get3A_215 : vector<1x16xf32> to vector<16xf32>
        %mul3A_217 = vector.broadcast %squeeze3A_136 : f32 to vector<16xf32>
        %mul3A_218 = arith.mulf %get3A_216, %mul3A_217 : vector<16xf32>
        %swap3A_219 = arith.index_cast %scan3A_121 : i32 to index
        %swap3A_220 = arith.constant 112 : index
        %swap3A_221 = tpu.vector_load %arg12[%swap3A_219, %swap3A_220] {strides = array<i32>} : memref<160x144xf32, #tpu.memory_space<vmem>>, vector<1x16xf32>,
        %swap3A_222 = vector.shape_cast %swap3A_221 : vector<1x16xf32> to vector<16xf32>
        %swap3A_223 = vector.shape_cast %mul3A_218 : vector<16xf32> to vector<1x16xf32>
        tpu.vector_store %arg12[%swap3A_219, %swap3A_220], %swap3A_223 {strides = array<i32>} : memref<160x144xf32, #tpu.memory_space<vmem>>, vector<1x16xf32>,
        %broadcast_in_dim3A = arith.constant 0.000000e+00 : f32
        %broadcast_in_dim3A_224 = vector.broadcast %broadcast_in_dim3A : f32 to vector<16xf32>
        %eq3A_225 = arith.constant 2 : i32
        %eq3A_226 = vector.broadcast %eq3A_225 : i32 to vector<16xi32>
        %eq3A_227 = arith.cmpi eq, %iota3A, %eq3A_226 : vector<16xi32>
        %broadcast_in_dim3A_228 = vector.broadcast %squeeze3A : f32 to vector<16xf32>
        %select_n3A_229 = arith.select %eq3A_227, %broadcast_in_dim3A_228, %broadcast_in_dim3A_224 : vector<16xi1>, vector<16xf32>
        %eq3A_230 = arith.constant 3 : i32
        %eq3A_231 = vector.broadcast %eq3A_230 : i32 to vector<16xi32>
        %eq3A_232 = arith.cmpi eq, %iota3A, %eq3A_231 : vector<16xi32>
        %broadcast_in_dim3A_233 = vector.broadcast %squeeze3A_136 : f32 to vector<16xf32>
        %select_n3A_234 = arith.select %eq3A_232, %broadcast_in_dim3A_233, %select_n3A_229 : vector<16xi1>, vector<16xf32>
        %mul3A_235 = arith.mulf %get3A_124, %select_n3A_234 : vector<16xf32>
        %swap3A_236 = arith.index_cast %scan3A_121 : i32 to index
        %swap3A_237 = arith.constant 128 : index
        %swap3A_238 = tpu.vector_load %arg12[%swap3A_236, %swap3A_237] {strides = array<i32>} : memref<160x144xf32, #tpu.memory_space<vmem>>, vector<1x16xf32>,
        %swap3A_239 = vector.shape_cast %swap3A_238 : vector<1x16xf32> to vector<16xf32>
        %swap3A_240 = vector.shape_cast %mul3A_235 : vector<16xf32> to vector<1x16xf32>
        tpu.vector_store %arg12[%swap3A_236, %swap3A_237], %swap3A_240 {strides = array<i32>} : memref<160x144xf32, #tpu.memory_space<vmem>>, vector<1x16xf32>,
      }
      %scan3A_120 = arith.constant 160 : i32
      "tpu.region"() ({
        %run_scoped3A = tpu.sem_alloc : memref<!tpu.dma_semaphore, #tpu.memory_space<semaphore_mem>>
        %dma_start3A_121 = arith.constant 0 : i32
        %dma_start3A_122 = arith.constant 0 : i32
        %dma_start3A_123 = tpu.memref_slice %arg12[%dma_start3A_121, %dma_start3A_122] : memref<160x144xf32, #tpu.memory_space<vmem>> -> memref<80x144xf32, #tpu.memory_space<vmem>>
        %dma_start3A_124 = arith.constant 0 : i32
        %dma_start3A_125 = arith.constant 0 : i32
        %dma_start3A_126 = tpu.memref_slice %arg8[%dma_start3A_124, %dma_start3A_125] : memref<10000x144xf32, #tpu.memory_space<vmem_shared>> -> memref<10000x144xf32, #tpu.memory_space<vmem_shared>>
        tpu.enqueue_indirect_dma source(%dma_start3A_123 : memref<80x144xf32, #tpu.memory_space<vmem>>) target(%dma_start3A_126 : memref<10000x144xf32, #tpu.memory_space<vmem_shared>>) offsets(%arg10 : memref<80xi32, #tpu.memory_space<vmem>>) semaphore(%run_scoped3A : memref<!tpu.dma_semaphore, #tpu.memory_space<semaphore_mem>>) {add = true}
        %dma_wait3A_127 = arith.constant 0 : i32
        %dma_wait3A_128 = arith.constant 0 : i32
        %dma_wait3A_129 = tpu.memref_slice %arg12[%dma_wait3A_127, %dma_wait3A_128] : memref<160x144xf32, #tpu.memory_space<vmem>> -> memref<80x144xf32, #tpu.memory_space<vmem>>
        %dma_wait3A_130 = arith.constant 0 : i32
        %dma_wait3A_131 = arith.constant 0 : i32
        %dma_wait3A_132 = tpu.memref_slice %arg8[%dma_wait3A_130, %dma_wait3A_131] : memref<10000x144xf32, #tpu.memory_space<vmem_shared>> -> memref<10000x144xf32, #tpu.memory_space<vmem_shared>>
        tpu.wait_indirect_dma semaphore(%run_scoped3A : memref<!tpu.dma_semaphore, #tpu.memory_space<semaphore_mem>>) src(%dma_wait3A_129 : memref<80x144xf32, #tpu.memory_space<vmem>>) dst(%dma_wait3A_132 : memref<10000x144xf32, #tpu.memory_space<vmem_shared>>)
        tpu.yield
      }) : () -> ()
      "tpu.region"() ({
        %run_scoped3A = tpu.sem_alloc : memref<!tpu.dma_semaphore, #tpu.memory_space<semaphore_mem>>
        %dma_start3A_121 = arith.constant 80 : i32
        %dma_start3A_122 = arith.constant 0 : i32
        %dma_start3A_123 = tpu.memref_slice %arg12[%dma_start3A_121, %dma_start3A_122] : memref<160x144xf32, #tpu.memory_space<vmem>> -> memref<80x144xf32, #tpu.memory_space<vmem>>
        %dma_start3A_124 = arith.constant 0 : i32
        %dma_start3A_125 = arith.constant 0 : i32
        %dma_start3A_126 = tpu.memref_slice %arg8[%dma_start3A_124, %dma_start3A_125] : memref<10000x144xf32, #tpu.memory_space<vmem_shared>> -> memref<10000x144xf32, #tpu.memory_space<vmem_shared>>
        tpu.enqueue_indirect_dma source(%dma_start3A_123 : memref<80x144xf32, #tpu.memory_space<vmem>>) target(%dma_start3A_126 : memref<10000x144xf32, #tpu.memory_space<vmem_shared>>) offsets(%arg11 : memref<80xi32, #tpu.memory_space<vmem>>) semaphore(%run_scoped3A : memref<!tpu.dma_semaphore, #tpu.memory_space<semaphore_mem>>) {add = true}
        %dma_wait3A_127 = arith.constant 80 : i32
        %dma_wait3A_128 = arith.constant 0 : i32
        %dma_wait3A_129 = tpu.memref_slice %arg12[%dma_wait3A_127, %dma_wait3A_128] : memref<160x144xf32, #tpu.memory_space<vmem>> -> memref<80x144xf32, #tpu.memory_space<vmem>>
        %dma_wait3A_130 = arith.constant 0 : i32
        %dma_wait3A_131 = arith.constant 0 : i32
        %dma_wait3A_132 = tpu.memref_slice %arg8[%dma_wait3A_130, %dma_wait3A_131] : memref<10000x144xf32, #tpu.memory_space<vmem_shared>> -> memref<10000x144xf32, #tpu.memory_space<vmem_shared>>
        tpu.wait_indirect_dma semaphore(%run_scoped3A : memref<!tpu.dma_semaphore, #tpu.memory_space<semaphore_mem>>) src(%dma_wait3A_129 : memref<80x144xf32, #tpu.memory_space<vmem>>) dst(%dma_wait3A_132 : memref<10000x144xf32, #tpu.memory_space<vmem_shared>>)
        tpu.yield
      }) : () -> ()
    }
    %scan3A_11 = arith.constant 125 : i32
    %barrier3A_12 = arith.constant 0 : index
    tpu.barrier barrier_id(%barrier3A_12)
    %mul3A_13 = arith.constant 624 : i32
    %mul3A_14 = arith.muli %arg1, %mul3A_13 : i32
    %mul3A_15 = arith.constant 624 : i32
    %mul3A_16 = arith.muli %arg1, %mul3A_15 : i32
    "tpu.region"() ({
      %run_scoped3A = tpu.sem_alloc : memref<!tpu.dma_semaphore, #tpu.memory_space<semaphore_mem>>
      %dma_start3A = arith.constant 0 : i32
      %dma_start3A_22 = arith.constant 0 : i32
      %dma_start3A_23 = tpu.memref_slice %arg7[%arg0, %dma_start3A, %dma_start3A_22] : memref<2x10000x144xf32, #tpu.memory_space<hbm>> -> memref<1x10000x144xf32, #tpu.memory_space<hbm>>
      %dma_start3A_24 = tpu.memref_squeeze %dma_start3A_23 : memref<1x10000x144xf32, #tpu.memory_space<hbm>> -> memref<10000x144xf32, #tpu.memory_space<hbm>>
      %dma_start3A_25 = arith.constant 0 : i32
      %dma_start3A_26 = tpu.memref_slice %dma_start3A_24[%mul3A_16, %dma_start3A_25] : memref<10000x144xf32, #tpu.memory_space<hbm>> -> memref<624x144xf32, #tpu.memory_space<hbm>>
      %dma_start3A_27 = arith.constant 0 : i32
      %dma_start3A_28 = tpu.memref_slice %arg8[%mul3A_14, %dma_start3A_27] : memref<10000x144xf32, #tpu.memory_space<vmem_shared>> -> memref<624x144xf32, #tpu.memory_space<vmem_shared>>
      tpu.enqueue_dma source(%dma_start3A_28 : memref<624x144xf32, #tpu.memory_space<vmem_shared>>) target(%dma_start3A_26 : memref<624x144xf32, #tpu.memory_space<hbm>>) target_semaphore(%run_scoped3A : memref<!tpu.dma_semaphore, #tpu.memory_space<semaphore_mem>>)
      %dma_wait3A = arith.constant 0 : i32
      %dma_wait3A_29 = arith.constant 0 : i32
      %dma_wait3A_30 = tpu.memref_slice %arg7[%arg0, %dma_wait3A, %dma_wait3A_29] : memref<2x10000x144xf32, #tpu.memory_space<hbm>> -> memref<1x10000x144xf32, #tpu.memory_space<hbm>>
      %dma_wait3A_31 = tpu.memref_squeeze %dma_wait3A_30 : memref<1x10000x144xf32, #tpu.memory_space<hbm>> -> memref<10000x144xf32, #tpu.memory_space<hbm>>
      %dma_wait3A_32 = arith.constant 0 : i32
      %dma_wait3A_33 = tpu.memref_slice %dma_wait3A_31[%mul3A_16, %dma_wait3A_32] : memref<10000x144xf32, #tpu.memory_space<hbm>> -> memref<624x144xf32, #tpu.memory_space<hbm>>
      %dma_wait3A_34 = arith.constant 0 : i32
      %dma_wait3A_35 = tpu.memref_slice %arg8[%mul3A_14, %dma_wait3A_34] : memref<10000x144xf32, #tpu.memory_space<vmem_shared>> -> memref<624x144xf32, #tpu.memory_space<vmem_shared>>
      tpu.wait_dma2 semaphore(%run_scoped3A : memref<!tpu.dma_semaphore, #tpu.memory_space<semaphore_mem>>) src(%dma_wait3A_35 : memref<624x144xf32, #tpu.memory_space<vmem_shared>>) dst(%dma_wait3A_33 : memref<624x144xf32, #tpu.memory_space<hbm>>)
      tpu.yield
    }) : () -> ()
    %eq3A_17 = arith.constant 15 : i32
    %eq3A_18 = arith.cmpi eq, %arg1, %eq3A_17 : i32
    %convert_element_type3A_19 = arith.extui %eq3A_18 : i1 to i32
    %cond3A_20 = arith.constant 0 : i32
    %cond3A_21 = arith.cmpi ne, %convert_element_type3A_19, %cond3A_20 : i32
    scf.if %cond3A_21 {
      "tpu.region"() ({
        %run_scoped3A = tpu.sem_alloc : memref<!tpu.dma_semaphore, #tpu.memory_space<semaphore_mem>>
        %dma_start3A = arith.constant 0 : i32
        %dma_start3A_22 = arith.constant 0 : i32
        %dma_start3A_23 = tpu.memref_slice %arg7[%arg0, %dma_start3A, %dma_start3A_22] : memref<2x10000x144xf32, #tpu.memory_space<hbm>> -> memref<1x10000x144xf32, #tpu.memory_space<hbm>>
        %dma_start3A_24 = tpu.memref_squeeze %dma_start3A_23 : memref<1x10000x144xf32, #tpu.memory_space<hbm>> -> memref<10000x144xf32, #tpu.memory_space<hbm>>
        %dma_start3A_25 = arith.constant 9984 : i32
        %dma_start3A_26 = arith.constant 0 : i32
        %dma_start3A_27 = tpu.memref_slice %dma_start3A_24[%dma_start3A_25, %dma_start3A_26] : memref<10000x144xf32, #tpu.memory_space<hbm>> -> memref<16x144xf32, #tpu.memory_space<hbm>>
        %dma_start3A_28 = arith.constant 9984 : i32
        %dma_start3A_29 = arith.constant 0 : i32
        %dma_start3A_30 = tpu.memref_slice %arg8[%dma_start3A_28, %dma_start3A_29] : memref<10000x144xf32, #tpu.memory_space<vmem_shared>> -> memref<16x144xf32, #tpu.memory_space<vmem_shared>>
        tpu.enqueue_dma source(%dma_start3A_30 : memref<16x144xf32, #tpu.memory_space<vmem_shared>>) target(%dma_start3A_27 : memref<16x144xf32, #tpu.memory_space<hbm>>) target_semaphore(%run_scoped3A : memref<!tpu.dma_semaphore, #tpu.memory_space<semaphore_mem>>)
        %dma_wait3A = arith.constant 0 : i32
        %dma_wait3A_31 = arith.constant 0 : i32
        %dma_wait3A_32 = tpu.memref_slice %arg7[%arg0, %dma_wait3A, %dma_wait3A_31] : memref<2x10000x144xf32, #tpu.memory_space<hbm>> -> memref<1x10000x144xf32, #tpu.memory_space<hbm>>
        %dma_wait3A_33 = tpu.memref_squeeze %dma_wait3A_32 : memref<1x10000x144xf32, #tpu.memory_space<hbm>> -> memref<10000x144xf32, #tpu.memory_space<hbm>>
        %dma_wait3A_34 = arith.constant 9984 : i32
        %dma_wait3A_35 = arith.constant 0 : i32
        %dma_wait3A_36 = tpu.memref_slice %dma_wait3A_33[%dma_wait3A_34, %dma_wait3A_35] : memref<10000x144xf32, #tpu.memory_space<hbm>> -> memref<16x144xf32, #tpu.memory_space<hbm>>
        %dma_wait3A_37 = arith.constant 9984 : i32
        %dma_wait3A_38 = arith.constant 0 : i32
        %dma_wait3A_39 = tpu.memref_slice %arg8[%dma_wait3A_37, %dma_wait3A_38] : memref<10000x144xf32, #tpu.memory_space<vmem_shared>> -> memref<16x144xf32, #tpu.memory_space<vmem_shared>>
        tpu.wait_dma2 semaphore(%run_scoped3A : memref<!tpu.dma_semaphore, #tpu.memory_space<semaphore_mem>>) src(%dma_wait3A_39 : memref<16x144xf32, #tpu.memory_space<vmem_shared>>) dst(%dma_wait3A_36 : memref<16x144xf32, #tpu.memory_space<hbm>>)
        tpu.yield
      }) : () -> ()
    } else {
    }
    return
  }
}

#map = affine_map<(d0, d1) -> (0, 0, 0)>
#map1 = affine_map<(d0, d1) -> (0)>
#map2 = affine_map<(d0, d1) -> (0, 0)>
module attributes {stable_mosaic.version = 14 : i64} {
  func.func @agg(%arg0: i32, %arg1: i32, %arg2: memref<2x10000x144xf32, #tpu.memory_space<hbm>>, %arg3: memref<2x10000x16xf32, #tpu.memory_space<hbm>>, %arg4: memref<320000xi32, #tpu.memory_space<hbm>>, %arg5: memref<320000xi32, #tpu.memory_space<hbm>>, %arg6: memref<10000x144xf32, #tpu.memory_space<hbm>>, %arg7: memref<2x10000x144xf32, #tpu.memory_space<hbm>>, %arg8: memref<10000x144xf32, #tpu.memory_space<vmem_shared>>, %arg9: memref<160xi32, #tpu.memory_space<vmem>>, %arg10: memref<80xi32, #tpu.memory_space<vmem>>, %arg11: memref<80xi32, #tpu.memory_space<vmem>>, %arg12: memref<160x144xf32, #tpu.memory_space<vmem>>, %arg13: memref<160x16xf32, #tpu.memory_space<vmem>>, %arg14: memref<!tpu.dma_semaphore, #tpu.memory_space<semaphore_mem>>) attributes {dimension_semantics = [#tpu.dimension_semantics<core_parallel>, #tpu.dimension_semantics<subcore_parallel>], iteration_bounds = array<i64: 2, 16>, scalar_prefetch = 0 : i64, scratch_operands = 7 : i64, tpu.core_type = #tpu.core_type<sc_vector_subcore>, window_params = [{transform_indices = #map}, {transform_indices = #map}, {transform_indices = #map1}, {transform_indices = #map1}, {transform_indices = #map2}, {transform_indices = #map}]} {
    %mul3A = arith.constant 624 : i32
    %mul3A_0 = arith.muli %arg1, %mul3A : i32
    %mul3A_1 = arith.constant 624 : i32
    %mul3A_2 = arith.muli %arg1, %mul3A_1 : i32
    "tpu.region"() ({
      %run_scoped3A = tpu.sem_alloc : memref<!tpu.dma_semaphore, #tpu.memory_space<semaphore_mem>>
      %dma_start3A = arith.constant 0 : i32
      %dma_start3A_22 = tpu.memref_slice %arg8[%mul3A_2, %dma_start3A] : memref<10000x144xf32, #tpu.memory_space<vmem_shared>> -> memref<624x144xf32, #tpu.memory_space<vmem_shared>>
      %dma_start3A_23 = arith.constant 0 : i32
      %dma_start3A_24 = tpu.memref_slice %arg6[%mul3A_0, %dma_start3A_23] : memref<10000x144xf32, #tpu.memory_space<hbm>> -> memref<624x144xf32, #tpu.memory_space<hbm>>
      tpu.enqueue_dma source(%dma_start3A_24 : memref<624x144xf32, #tpu.memory_space<hbm>>) target(%dma_start3A_22 : memref<624x144xf32, #tpu.memory_space<vmem_shared>>) target_semaphore(%run_scoped3A : memref<!tpu.dma_semaphore, #tpu.memory_space<semaphore_mem>>)
      %dma_wait3A = arith.constant 0 : i32
      %dma_wait3A_25 = tpu.memref_slice %arg8[%mul3A_2, %dma_wait3A] : memref<10000x144xf32, #tpu.memory_space<vmem_shared>> -> memref<624x144xf32, #tpu.memory_space<vmem_shared>>
      %dma_wait3A_26 = arith.constant 0 : i32
      %dma_wait3A_27 = tpu.memref_slice %arg6[%mul3A_0, %dma_wait3A_26] : memref<10000x144xf32, #tpu.memory_space<hbm>> -> memref<624x144xf32, #tpu.memory_space<hbm>>
      tpu.wait_dma2 semaphore(%run_scoped3A : memref<!tpu.dma_semaphore, #tpu.memory_space<semaphore_mem>>) src(%dma_wait3A_27 : memref<624x144xf32, #tpu.memory_space<hbm>>) dst(%dma_wait3A_25 : memref<624x144xf32, #tpu.memory_space<vmem_shared>>)
      tpu.yield
    }) : () -> ()
    %eq3A = arith.constant 15 : i32
    %eq3A_3 = arith.cmpi eq, %arg1, %eq3A : i32
    %convert_element_type3A = arith.extui %eq3A_3 : i1 to i32
    %cond3A = arith.constant 0 : i32
    %cond3A_4 = arith.cmpi ne, %convert_element_type3A, %cond3A : i32
    scf.if %cond3A_4 {
      "tpu.region"() ({
        %run_scoped3A = tpu.sem_alloc : memref<!tpu.dma_semaphore, #tpu.memory_space<semaphore_mem>>
        %dma_start3A = arith.constant 9984 : i32
        %dma_start3A_22 = arith.constant 0 : i32
        %dma_start3A_23 = tpu.memref_slice %arg8[%dma_start3A, %dma_start3A_22] : memref<10000x144xf32, #tpu.memory_space<vmem_shared>> -> memref<16x144xf32, #tpu.memory_space<vmem_shared>>
        %dma_start3A_24 = arith.constant 9984 : i32
        %dma_start3A_25 = arith.constant 0 : i32
        %dma_start3A_26 = tpu.memref_slice %arg6[%dma_start3A_24, %dma_start3A_25] : memref<10000x144xf32, #tpu.memory_space<hbm>> -> memref<16x144xf32, #tpu.memory_space<hbm>>
        tpu.enqueue_dma source(%dma_start3A_26 : memref<16x144xf32, #tpu.memory_space<hbm>>) target(%dma_start3A_23 : memref<16x144xf32, #tpu.memory_space<vmem_shared>>) target_semaphore(%run_scoped3A : memref<!tpu.dma_semaphore, #tpu.memory_space<semaphore_mem>>)
        %dma_wait3A = arith.constant 9984 : i32
        %dma_wait3A_27 = arith.constant 0 : i32
        %dma_wait3A_28 = tpu.memref_slice %arg8[%dma_wait3A, %dma_wait3A_27] : memref<10000x144xf32, #tpu.memory_space<vmem_shared>> -> memref<16x144xf32, #tpu.memory_space<vmem_shared>>
        %dma_wait3A_29 = arith.constant 9984 : i32
        %dma_wait3A_30 = arith.constant 0 : i32
        %dma_wait3A_31 = tpu.memref_slice %arg6[%dma_wait3A_29, %dma_wait3A_30] : memref<10000x144xf32, #tpu.memory_space<hbm>> -> memref<16x144xf32, #tpu.memory_space<hbm>>
        tpu.wait_dma2 semaphore(%run_scoped3A : memref<!tpu.dma_semaphore, #tpu.memory_space<semaphore_mem>>) src(%dma_wait3A_31 : memref<16x144xf32, #tpu.memory_space<hbm>>) dst(%dma_wait3A_28 : memref<16x144xf32, #tpu.memory_space<vmem_shared>>)
        tpu.yield
      }) : () -> ()
    } else {
    }
    %barrier3A = arith.constant 0 : index
    tpu.barrier barrier_id(%barrier3A)
    %mul3A_5 = arith.constant 20000 : i32
    %mul3A_6 = arith.muli %arg1, %mul3A_5 : i32
    %iota3A = tpu.iota {dimensions = array<i32: 0>} : vector<16xi32>
    %scan3A = arith.constant 0 : i32
    %scan3A_7 = arith.constant 0 : i32
    %scan3A_8 = arith.constant 125 : i32
    %scan3A_9 = arith.addi %scan3A_7, %scan3A_8 : i32
    %scan3A_10 = arith.constant 1 : i32
    scf.for %scan3A_22 = %scan3A_7 to %scan3A_9 step %scan3A_10  : i32 {
      %mul3A_23 = arith.constant 160 : i32
      %mul3A_24 = arith.muli %scan3A_22, %mul3A_23 : i32
      %add3A = arith.addi %mul3A_6, %mul3A_24 : i32
      "tpu.region"() ({
        %run_scoped3A = tpu.sem_alloc : memref<!tpu.dma_semaphore, #tpu.memory_space<semaphore_mem>>
        %dma_start3A_121 = tpu.memref_slice %arg4[%add3A] : memref<320000xi32, #tpu.memory_space<hbm>> -> memref<160xi32, #tpu.memory_space<hbm>>
        %dma_start3A_122 = tpu.memref_slice %arg4[%add3A] : memref<320000xi32, #tpu.memory_space<hbm>> -> memref<160xi32, #tpu.memory_space<hbm>>
        tpu.enqueue_dma source(%dma_start3A_122 : memref<160xi32, #tpu.memory_space<hbm>>) target(%arg9 : memref<160xi32, #tpu.memory_space<vmem>>) target_semaphore(%run_scoped3A : memref<!tpu.dma_semaphore, #tpu.memory_space<semaphore_mem>>)
        %dma_wait3A_123 = tpu.memref_slice %arg4[%add3A] : memref<320000xi32, #tpu.memory_space<hbm>> -> memref<160xi32, #tpu.memory_space<hbm>>
        %dma_wait3A_124 = tpu.memref_slice %arg4[%add3A] : memref<320000xi32, #tpu.memory_space<hbm>> -> memref<160xi32, #tpu.memory_space<hbm>>
        tpu.wait_dma2 semaphore(%run_scoped3A : memref<!tpu.dma_semaphore, #tpu.memory_space<semaphore_mem>>) src(%dma_wait3A_124 : memref<160xi32, #tpu.memory_space<hbm>>) dst(%arg9 : memref<160xi32, #tpu.memory_space<vmem>>)
        tpu.yield
      }) : () -> ()
      %add3A_25 = arith.constant 0 : i32
      %add3A_26 = arith.addi %add3A, %add3A_25 : i32
      "tpu.region"() ({
        %run_scoped3A = tpu.sem_alloc : memref<!tpu.dma_semaphore, #tpu.memory_space<semaphore_mem>>
        %dma_start3A_121 = tpu.memref_slice %arg5[%add3A_26] : memref<320000xi32, #tpu.memory_space<hbm>> -> memref<80xi32, #tpu.memory_space<hbm>>
        %dma_start3A_122 = tpu.memref_slice %arg5[%add3A_26] : memref<320000xi32, #tpu.memory_space<hbm>> -> memref<80xi32, #tpu.memory_space<hbm>>
        tpu.enqueue_dma source(%dma_start3A_122 : memref<80xi32, #tpu.memory_space<hbm>>) target(%arg10 : memref<80xi32, #tpu.memory_space<vmem>>) target_semaphore(%run_scoped3A : memref<!tpu.dma_semaphore, #tpu.memory_space<semaphore_mem>>)
        %dma_wait3A_123 = tpu.memref_slice %arg5[%add3A_26] : memref<320000xi32, #tpu.memory_space<hbm>> -> memref<80xi32, #tpu.memory_space<hbm>>
        %dma_wait3A_124 = tpu.memref_slice %arg5[%add3A_26] : memref<320000xi32, #tpu.memory_space<hbm>> -> memref<80xi32, #tpu.memory_space<hbm>>
        tpu.wait_dma2 semaphore(%run_scoped3A : memref<!tpu.dma_semaphore, #tpu.memory_space<semaphore_mem>>) src(%dma_wait3A_124 : memref<80xi32, #tpu.memory_space<hbm>>) dst(%arg10 : memref<80xi32, #tpu.memory_space<vmem>>)
        tpu.yield
      }) : () -> ()
      %add3A_27 = arith.constant 80 : i32
      %add3A_28 = arith.addi %add3A, %add3A_27 : i32
      "tpu.region"() ({
        %run_scoped3A = tpu.sem_alloc : memref<!tpu.dma_semaphore, #tpu.memory_space<semaphore_mem>>
        %dma_start3A_121 = tpu.memref_slice %arg5[%add3A_28] : memref<320000xi32, #tpu.memory_space<hbm>> -> memref<80xi32, #tpu.memory_space<hbm>>
        %dma_start3A_122 = tpu.memref_slice %arg5[%add3A_28] : memref<320000xi32, #tpu.memory_space<hbm>> -> memref<80xi32, #tpu.memory_space<hbm>>
        tpu.enqueue_dma source(%dma_start3A_122 : memref<80xi32, #tpu.memory_space<hbm>>) target(%arg11 : memref<80xi32, #tpu.memory_space<vmem>>) target_semaphore(%run_scoped3A : memref<!tpu.dma_semaphore, #tpu.memory_space<semaphore_mem>>)
        %dma_wait3A_123 = tpu.memref_slice %arg5[%add3A_28] : memref<320000xi32, #tpu.memory_space<hbm>> -> memref<80xi32, #tpu.memory_space<hbm>>
        %dma_wait3A_124 = tpu.memref_slice %arg5[%add3A_28] : memref<320000xi32, #tpu.memory_space<hbm>> -> memref<80xi32, #tpu.memory_space<hbm>>
        tpu.wait_dma2 semaphore(%run_scoped3A : memref<!tpu.dma_semaphore, #tpu.memory_space<semaphore_mem>>) src(%dma_wait3A_124 : memref<80xi32, #tpu.memory_space<hbm>>) dst(%arg11 : memref<80xi32, #tpu.memory_space<vmem>>)
        tpu.yield
      }) : () -> ()
      %dma_start3A = arith.constant 0 : i32
      %dma_start3A_29 = arith.constant 0 : i32
      %dma_start3A_30 = tpu.memref_slice %arg12[%dma_start3A, %dma_start3A_29] : memref<160x144xf32, #tpu.memory_space<vmem>> -> memref<80x144xf32, #tpu.memory_space<vmem>>
      %dma_start3A_31 = arith.constant 0 : i32
      %dma_start3A_32 = tpu.memref_slice %arg9[%dma_start3A_31] : memref<160xi32, #tpu.memory_space<vmem>> -> memref<80xi32, #tpu.memory_space<vmem>>
      %dma_start3A_33 = arith.constant 0 : i32
      %dma_start3A_34 = arith.constant 0 : i32
      %dma_start3A_35 = tpu.memref_slice %arg2[%arg0, %dma_start3A_33, %dma_start3A_34] : memref<2x10000x144xf32, #tpu.memory_space<hbm>> -> memref<1x10000x144xf32, #tpu.memory_space<hbm>>
      %dma_start3A_36 = tpu.memref_squeeze %dma_start3A_35 : memref<1x10000x144xf32, #tpu.memory_space<hbm>> -> memref<10000x144xf32, #tpu.memory_space<hbm>>
      %dma_start3A_37 = arith.constant 0 : i32
      %dma_start3A_38 = arith.constant 0 : i32
      %dma_start3A_39 = tpu.memref_slice %dma_start3A_36[%dma_start3A_37, %dma_start3A_38] : memref<10000x144xf32, #tpu.memory_space<hbm>> -> memref<10000x144xf32, #tpu.memory_space<hbm>>
      tpu.enqueue_indirect_dma source(%dma_start3A_39 : memref<10000x144xf32, #tpu.memory_space<hbm>>) target(%dma_start3A_30 : memref<80x144xf32, #tpu.memory_space<vmem>>) offsets(%dma_start3A_32 : memref<80xi32, #tpu.memory_space<vmem>>) semaphore(%arg14 : memref<!tpu.dma_semaphore, #tpu.memory_space<semaphore_mem>>)
      %dma_start3A_40 = arith.constant 0 : i32
      %dma_start3A_41 = arith.constant 0 : i32
      %dma_start3A_42 = tpu.memref_slice %arg13[%dma_start3A_40, %dma_start3A_41] : memref<160x16xf32, #tpu.memory_space<vmem>> -> memref<80x16xf32, #tpu.memory_space<vmem>>
      %dma_start3A_43 = arith.constant 0 : i32
      %dma_start3A_44 = arith.constant 0 : i32
      %dma_start3A_45 = tpu.memref_slice %arg3[%arg0, %dma_start3A_43, %dma_start3A_44] : memref<2x10000x16xf32, #tpu.memory_space<hbm>> -> memref<1x10000x16xf32, #tpu.memory_space<hbm>>
      %dma_start3A_46 = tpu.memref_squeeze %dma_start3A_45 : memref<1x10000x16xf32, #tpu.memory_space<hbm>> -> memref<10000x16xf32, #tpu.memory_space<hbm>>
      %dma_start3A_47 = arith.constant 0 : i32
      %dma_start3A_48 = arith.constant 0 : i32
      %dma_start3A_49 = tpu.memref_slice %dma_start3A_46[%dma_start3A_47, %dma_start3A_48] : memref<10000x16xf32, #tpu.memory_space<hbm>> -> memref<10000x16xf32, #tpu.memory_space<hbm>>
      tpu.enqueue_indirect_dma source(%dma_start3A_49 : memref<10000x16xf32, #tpu.memory_space<hbm>>) target(%dma_start3A_42 : memref<80x16xf32, #tpu.memory_space<vmem>>) offsets(%arg10 : memref<80xi32, #tpu.memory_space<vmem>>) semaphore(%arg14 : memref<!tpu.dma_semaphore, #tpu.memory_space<semaphore_mem>>)
      %dma_start3A_50 = arith.constant 80 : i32
      %dma_start3A_51 = arith.constant 0 : i32
      %dma_start3A_52 = tpu.memref_slice %arg12[%dma_start3A_50, %dma_start3A_51] : memref<160x144xf32, #tpu.memory_space<vmem>> -> memref<80x144xf32, #tpu.memory_space<vmem>>
      %dma_start3A_53 = arith.constant 80 : i32
      %dma_start3A_54 = tpu.memref_slice %arg9[%dma_start3A_53] : memref<160xi32, #tpu.memory_space<vmem>> -> memref<80xi32, #tpu.memory_space<vmem>>
      %dma_start3A_55 = arith.constant 0 : i32
      %dma_start3A_56 = arith.constant 0 : i32
      %dma_start3A_57 = tpu.memref_slice %arg2[%arg0, %dma_start3A_55, %dma_start3A_56] : memref<2x10000x144xf32, #tpu.memory_space<hbm>> -> memref<1x10000x144xf32, #tpu.memory_space<hbm>>
      %dma_start3A_58 = tpu.memref_squeeze %dma_start3A_57 : memref<1x10000x144xf32, #tpu.memory_space<hbm>> -> memref<10000x144xf32, #tpu.memory_space<hbm>>
      %dma_start3A_59 = arith.constant 0 : i32
      %dma_start3A_60 = arith.constant 0 : i32
      %dma_start3A_61 = tpu.memref_slice %dma_start3A_58[%dma_start3A_59, %dma_start3A_60] : memref<10000x144xf32, #tpu.memory_space<hbm>> -> memref<10000x144xf32, #tpu.memory_space<hbm>>
      tpu.enqueue_indirect_dma source(%dma_start3A_61 : memref<10000x144xf32, #tpu.memory_space<hbm>>) target(%dma_start3A_52 : memref<80x144xf32, #tpu.memory_space<vmem>>) offsets(%dma_start3A_54 : memref<80xi32, #tpu.memory_space<vmem>>) semaphore(%arg14 : memref<!tpu.dma_semaphore, #tpu.memory_space<semaphore_mem>>)
      %dma_start3A_62 = arith.constant 80 : i32
      %dma_start3A_63 = arith.constant 0 : i32
      %dma_start3A_64 = tpu.memref_slice %arg13[%dma_start3A_62, %dma_start3A_63] : memref<160x16xf32, #tpu.memory_space<vmem>> -> memref<80x16xf32, #tpu.memory_space<vmem>>
      %dma_start3A_65 = arith.constant 0 : i32
      %dma_start3A_66 = arith.constant 0 : i32
      %dma_start3A_67 = tpu.memref_slice %arg3[%arg0, %dma_start3A_65, %dma_start3A_66] : memref<2x10000x16xf32, #tpu.memory_space<hbm>> -> memref<1x10000x16xf32, #tpu.memory_space<hbm>>
      %dma_start3A_68 = tpu.memref_squeeze %dma_start3A_67 : memref<1x10000x16xf32, #tpu.memory_space<hbm>> -> memref<10000x16xf32, #tpu.memory_space<hbm>>
      %dma_start3A_69 = arith.constant 0 : i32
      %dma_start3A_70 = arith.constant 0 : i32
      %dma_start3A_71 = tpu.memref_slice %dma_start3A_68[%dma_start3A_69, %dma_start3A_70] : memref<10000x16xf32, #tpu.memory_space<hbm>> -> memref<10000x16xf32, #tpu.memory_space<hbm>>
      tpu.enqueue_indirect_dma source(%dma_start3A_71 : memref<10000x16xf32, #tpu.memory_space<hbm>>) target(%dma_start3A_64 : memref<80x16xf32, #tpu.memory_space<vmem>>) offsets(%arg11 : memref<80xi32, #tpu.memory_space<vmem>>) semaphore(%arg14 : memref<!tpu.dma_semaphore, #tpu.memory_space<semaphore_mem>>)
      %dma_wait3A = arith.constant 0 : i32
      %dma_wait3A_72 = arith.constant 0 : i32
      %dma_wait3A_73 = tpu.memref_slice %arg12[%dma_wait3A, %dma_wait3A_72] : memref<160x144xf32, #tpu.memory_space<vmem>> -> memref<80x144xf32, #tpu.memory_space<vmem>>
      %dma_wait3A_74 = arith.constant 0 : i32
      %dma_wait3A_75 = tpu.memref_slice %arg9[%dma_wait3A_74] : memref<160xi32, #tpu.memory_space<vmem>> -> memref<80xi32, #tpu.memory_space<vmem>>
      %dma_wait3A_76 = arith.constant 0 : i32
      %dma_wait3A_77 = arith.constant 0 : i32
      %dma_wait3A_78 = tpu.memref_slice %arg2[%arg0, %dma_wait3A_76, %dma_wait3A_77] : memref<2x10000x144xf32, #tpu.memory_space<hbm>> -> memref<1x10000x144xf32, #tpu.memory_space<hbm>>
      %dma_wait3A_79 = tpu.memref_squeeze %dma_wait3A_78 : memref<1x10000x144xf32, #tpu.memory_space<hbm>> -> memref<10000x144xf32, #tpu.memory_space<hbm>>
      %dma_wait3A_80 = arith.constant 0 : i32
      %dma_wait3A_81 = arith.constant 0 : i32
      %dma_wait3A_82 = tpu.memref_slice %dma_wait3A_79[%dma_wait3A_80, %dma_wait3A_81] : memref<10000x144xf32, #tpu.memory_space<hbm>> -> memref<10000x144xf32, #tpu.memory_space<hbm>>
      tpu.wait_indirect_dma semaphore(%arg14 : memref<!tpu.dma_semaphore, #tpu.memory_space<semaphore_mem>>) src(%dma_wait3A_82 : memref<10000x144xf32, #tpu.memory_space<hbm>>) dst(%dma_wait3A_73 : memref<80x144xf32, #tpu.memory_space<vmem>>)
      %dma_wait3A_83 = arith.constant 0 : i32
      %dma_wait3A_84 = arith.constant 0 : i32
      %dma_wait3A_85 = tpu.memref_slice %arg13[%dma_wait3A_83, %dma_wait3A_84] : memref<160x16xf32, #tpu.memory_space<vmem>> -> memref<80x16xf32, #tpu.memory_space<vmem>>
      %dma_wait3A_86 = arith.constant 0 : i32
      %dma_wait3A_87 = arith.constant 0 : i32
      %dma_wait3A_88 = tpu.memref_slice %arg3[%arg0, %dma_wait3A_86, %dma_wait3A_87] : memref<2x10000x16xf32, #tpu.memory_space<hbm>> -> memref<1x10000x16xf32, #tpu.memory_space<hbm>>
      %dma_wait3A_89 = tpu.memref_squeeze %dma_wait3A_88 : memref<1x10000x16xf32, #tpu.memory_space<hbm>> -> memref<10000x16xf32, #tpu.memory_space<hbm>>
      %dma_wait3A_90 = arith.constant 0 : i32
      %dma_wait3A_91 = arith.constant 0 : i32
      %dma_wait3A_92 = tpu.memref_slice %dma_wait3A_89[%dma_wait3A_90, %dma_wait3A_91] : memref<10000x16xf32, #tpu.memory_space<hbm>> -> memref<10000x16xf32, #tpu.memory_space<hbm>>
      tpu.wait_indirect_dma semaphore(%arg14 : memref<!tpu.dma_semaphore, #tpu.memory_space<semaphore_mem>>) src(%dma_wait3A_92 : memref<10000x16xf32, #tpu.memory_space<hbm>>) dst(%dma_wait3A_85 : memref<80x16xf32, #tpu.memory_space<vmem>>)
      %dma_wait3A_93 = arith.constant 80 : i32
      %dma_wait3A_94 = arith.constant 0 : i32
      %dma_wait3A_95 = tpu.memref_slice %arg12[%dma_wait3A_93, %dma_wait3A_94] : memref<160x144xf32, #tpu.memory_space<vmem>> -> memref<80x144xf32, #tpu.memory_space<vmem>>
      %dma_wait3A_96 = arith.constant 80 : i32
      %dma_wait3A_97 = tpu.memref_slice %arg9[%dma_wait3A_96] : memref<160xi32, #tpu.memory_space<vmem>> -> memref<80xi32, #tpu.memory_space<vmem>>
      %dma_wait3A_98 = arith.constant 0 : i32
      %dma_wait3A_99 = arith.constant 0 : i32
      %dma_wait3A_100 = tpu.memref_slice %arg2[%arg0, %dma_wait3A_98, %dma_wait3A_99] : memref<2x10000x144xf32, #tpu.memory_space<hbm>> -> memref<1x10000x144xf32, #tpu.memory_space<hbm>>
      %dma_wait3A_101 = tpu.memref_squeeze %dma_wait3A_100 : memref<1x10000x144xf32, #tpu.memory_space<hbm>> -> memref<10000x144xf32, #tpu.memory_space<hbm>>
      %dma_wait3A_102 = arith.constant 0 : i32
      %dma_wait3A_103 = arith.constant 0 : i32
      %dma_wait3A_104 = tpu.memref_slice %dma_wait3A_101[%dma_wait3A_102, %dma_wait3A_103] : memref<10000x144xf32, #tpu.memory_space<hbm>> -> memref<10000x144xf32, #tpu.memory_space<hbm>>
      tpu.wait_indirect_dma semaphore(%arg14 : memref<!tpu.dma_semaphore, #tpu.memory_space<semaphore_mem>>) src(%dma_wait3A_104 : memref<10000x144xf32, #tpu.memory_space<hbm>>) dst(%dma_wait3A_95 : memref<80x144xf32, #tpu.memory_space<vmem>>)
      %dma_wait3A_105 = arith.constant 80 : i32
      %dma_wait3A_106 = arith.constant 0 : i32
      %dma_wait3A_107 = tpu.memref_slice %arg13[%dma_wait3A_105, %dma_wait3A_106] : memref<160x16xf32, #tpu.memory_space<vmem>> -> memref<80x16xf32, #tpu.memory_space<vmem>>
      %dma_wait3A_108 = arith.constant 0 : i32
      %dma_wait3A_109 = arith.constant 0 : i32
      %dma_wait3A_110 = tpu.memref_slice %arg3[%arg0, %dma_wait3A_108, %dma_wait3A_109] : memref<2x10000x16xf32, #tpu.memory_space<hbm>> -> memref<1x10000x16xf32, #tpu.memory_space<hbm>>
      %dma_wait3A_111 = tpu.memref_squeeze %dma_wait3A_110 : memref<1x10000x16xf32, #tpu.memory_space<hbm>> -> memref<10000x16xf32, #tpu.memory_space<hbm>>
      %dma_wait3A_112 = arith.constant 0 : i32
      %dma_wait3A_113 = arith.constant 0 : i32
      %dma_wait3A_114 = tpu.memref_slice %dma_wait3A_111[%dma_wait3A_112, %dma_wait3A_113] : memref<10000x16xf32, #tpu.memory_space<hbm>> -> memref<10000x16xf32, #tpu.memory_space<hbm>>
      tpu.wait_indirect_dma semaphore(%arg14 : memref<!tpu.dma_semaphore, #tpu.memory_space<semaphore_mem>>) src(%dma_wait3A_114 : memref<10000x16xf32, #tpu.memory_space<hbm>>) dst(%dma_wait3A_107 : memref<80x16xf32, #tpu.memory_space<vmem>>)
      %scan3A_115 = arith.constant 0 : i32
      %scan3A_116 = arith.constant 0 : i32
      %scan3A_117 = arith.constant 160 : i32
      %scan3A_118 = arith.addi %scan3A_116, %scan3A_117 : i32
      %scan3A_119 = arith.constant 1 : i32
      scf.for %scan3A_121 = %scan3A_116 to %scan3A_118 step %scan3A_119  : i32 {
        %get3A = arith.index_cast %scan3A_121 : i32 to index
        %get3A_122 = arith.constant 128 : index
        %get3A_123 = tpu.vector_load %arg12[%get3A, %get3A_122] {strides = array<i32>} : memref<160x144xf32, #tpu.memory_space<vmem>>, vector<1x16xf32>,
        %get3A_124 = vector.shape_cast %get3A_123 : vector<1x16xf32> to vector<16xf32>
        %get3A_125 = arith.index_cast %scan3A_121 : i32 to index
        %get3A_126 = arith.constant 0 : index
        %get3A_127 = tpu.vector_load %arg13[%get3A_125, %get3A_126] {strides = array<i32>} : memref<160x16xf32, #tpu.memory_space<vmem>>, vector<1x16xf32>,
        %get3A_128 = vector.shape_cast %get3A_127 : vector<1x16xf32> to vector<16xf32>
        %add3A_129 = arith.addf %get3A_124, %get3A_128 : vector<16xf32>
        %ge3A = arith.constant 0.000000e+00 : f32
        %ge3A_130 = vector.broadcast %ge3A : f32 to vector<16xf32>
        %ge3A_131 = arith.cmpf oge, %add3A_129, %ge3A_130 : vector<16xf32>
        %mul3A_132 = arith.constant 2.000000e-01 : f32
        %mul3A_133 = vector.broadcast %mul3A_132 : f32 to vector<16xf32>
        %mul3A_134 = arith.mulf %mul3A_133, %add3A_129 : vector<16xf32>
        %select_n3A = arith.select %ge3A_131, %add3A_129, %mul3A_134 : vector<16xi1>, vector<16xf32>
        %exp3A = math.exp %select_n3A : vector<16xf32>
        %slice3A = vector.extract_strided_slice %exp3A {offsets = [0], sizes = [1], strides = [1]} : vector<16xf32> to vector<1xf32>
        %squeeze3A = vector.extract %slice3A[0] : f32 from vector<1xf32>
        %slice3A_135 = vector.extract_strided_slice %exp3A {offsets = [1], sizes = [1], strides = [1]} : vector<16xf32> to vector<1xf32>
        %squeeze3A_136 = vector.extract %slice3A_135[0] : f32 from vector<1xf32>
        %get3A_137 = arith.index_cast %scan3A_121 : i32 to index
        %get3A_138 = arith.constant 0 : index
        %get3A_139 = tpu.vector_load %arg12[%get3A_137, %get3A_138] {strides = array<i32>} : memref<160x144xf32, #tpu.memory_space<vmem>>, vector<1x16xf32>,
        %get3A_140 = vector.shape_cast %get3A_139 : vector<1x16xf32> to vector<16xf32>
        %mul3A_141 = vector.broadcast %squeeze3A : f32 to vector<16xf32>
        %mul3A_142 = arith.mulf %get3A_140, %mul3A_141 : vector<16xf32>
        %swap3A = arith.index_cast %scan3A_121 : i32 to index
        %swap3A_143 = arith.constant 0 : index
        %swap3A_144 = tpu.vector_load %arg12[%swap3A, %swap3A_143] {strides = array<i32>} : memref<160x144xf32, #tpu.memory_space<vmem>>, vector<1x16xf32>,
        %swap3A_145 = vector.shape_cast %swap3A_144 : vector<1x16xf32> to vector<16xf32>
        %swap3A_146 = vector.shape_cast %mul3A_142 : vector<16xf32> to vector<1x16xf32>
        tpu.vector_store %arg12[%swap3A, %swap3A_143], %swap3A_146 {strides = array<i32>} : memref<160x144xf32, #tpu.memory_space<vmem>>, vector<1x16xf32>,
        %get3A_147 = arith.index_cast %scan3A_121 : i32 to index
        %get3A_148 = arith.constant 16 : index
        %get3A_149 = tpu.vector_load %arg12[%get3A_147, %get3A_148] {strides = array<i32>} : memref<160x144xf32, #tpu.memory_space<vmem>>, vector<1x16xf32>,
        %get3A_150 = vector.shape_cast %get3A_149 : vector<1x16xf32> to vector<16xf32>
        %mul3A_151 = vector.broadcast %squeeze3A : f32 to vector<16xf32>
        %mul3A_152 = arith.mulf %get3A_150, %mul3A_151 : vector<16xf32>
        %swap3A_153 = arith.index_cast %scan3A_121 : i32 to index
        %swap3A_154 = arith.constant 16 : index
        %swap3A_155 = tpu.vector_load %arg12[%swap3A_153, %swap3A_154] {strides = array<i32>} : memref<160x144xf32, #tpu.memory_space<vmem>>, vector<1x16xf32>,
        %swap3A_156 = vector.shape_cast %swap3A_155 : vector<1x16xf32> to vector<16xf32>
        %swap3A_157 = vector.shape_cast %mul3A_152 : vector<16xf32> to vector<1x16xf32>
        tpu.vector_store %arg12[%swap3A_153, %swap3A_154], %swap3A_157 {strides = array<i32>} : memref<160x144xf32, #tpu.memory_space<vmem>>, vector<1x16xf32>,
        %get3A_158 = arith.index_cast %scan3A_121 : i32 to index
        %get3A_159 = arith.constant 32 : index
        %get3A_160 = tpu.vector_load %arg12[%get3A_158, %get3A_159] {strides = array<i32>} : memref<160x144xf32, #tpu.memory_space<vmem>>, vector<1x16xf32>,
        %get3A_161 = vector.shape_cast %get3A_160 : vector<1x16xf32> to vector<16xf32>
        %mul3A_162 = vector.broadcast %squeeze3A : f32 to vector<16xf32>
        %mul3A_163 = arith.mulf %get3A_161, %mul3A_162 : vector<16xf32>
        %swap3A_164 = arith.index_cast %scan3A_121 : i32 to index
        %swap3A_165 = arith.constant 32 : index
        %swap3A_166 = tpu.vector_load %arg12[%swap3A_164, %swap3A_165] {strides = array<i32>} : memref<160x144xf32, #tpu.memory_space<vmem>>, vector<1x16xf32>,
        %swap3A_167 = vector.shape_cast %swap3A_166 : vector<1x16xf32> to vector<16xf32>
        %swap3A_168 = vector.shape_cast %mul3A_163 : vector<16xf32> to vector<1x16xf32>
        tpu.vector_store %arg12[%swap3A_164, %swap3A_165], %swap3A_168 {strides = array<i32>} : memref<160x144xf32, #tpu.memory_space<vmem>>, vector<1x16xf32>,
        %get3A_169 = arith.index_cast %scan3A_121 : i32 to index
        %get3A_170 = arith.constant 48 : index
        %get3A_171 = tpu.vector_load %arg12[%get3A_169, %get3A_170] {strides = array<i32>} : memref<160x144xf32, #tpu.memory_space<vmem>>, vector<1x16xf32>,
        %get3A_172 = vector.shape_cast %get3A_171 : vector<1x16xf32> to vector<16xf32>
        %mul3A_173 = vector.broadcast %squeeze3A : f32 to vector<16xf32>
        %mul3A_174 = arith.mulf %get3A_172, %mul3A_173 : vector<16xf32>
        %swap3A_175 = arith.index_cast %scan3A_121 : i32 to index
        %swap3A_176 = arith.constant 48 : index
        %swap3A_177 = tpu.vector_load %arg12[%swap3A_175, %swap3A_176] {strides = array<i32>} : memref<160x144xf32, #tpu.memory_space<vmem>>, vector<1x16xf32>,
        %swap3A_178 = vector.shape_cast %swap3A_177 : vector<1x16xf32> to vector<16xf32>
        %swap3A_179 = vector.shape_cast %mul3A_174 : vector<16xf32> to vector<1x16xf32>
        tpu.vector_store %arg12[%swap3A_175, %swap3A_176], %swap3A_179 {strides = array<i32>} : memref<160x144xf32, #tpu.memory_space<vmem>>, vector<1x16xf32>,
        %get3A_180 = arith.index_cast %scan3A_121 : i32 to index
        %get3A_181 = arith.constant 64 : index
        %get3A_182 = tpu.vector_load %arg12[%get3A_180, %get3A_181] {strides = array<i32>} : memref<160x144xf32, #tpu.memory_space<vmem>>, vector<1x16xf32>,
        %get3A_183 = vector.shape_cast %get3A_182 : vector<1x16xf32> to vector<16xf32>
        %mul3A_184 = vector.broadcast %squeeze3A_136 : f32 to vector<16xf32>
        %mul3A_185 = arith.mulf %get3A_183, %mul3A_184 : vector<16xf32>
        %swap3A_186 = arith.index_cast %scan3A_121 : i32 to index
        %swap3A_187 = arith.constant 64 : index
        %swap3A_188 = tpu.vector_load %arg12[%swap3A_186, %swap3A_187] {strides = array<i32>} : memref<160x144xf32, #tpu.memory_space<vmem>>, vector<1x16xf32>,
        %swap3A_189 = vector.shape_cast %swap3A_188 : vector<1x16xf32> to vector<16xf32>
        %swap3A_190 = vector.shape_cast %mul3A_185 : vector<16xf32> to vector<1x16xf32>
        tpu.vector_store %arg12[%swap3A_186, %swap3A_187], %swap3A_190 {strides = array<i32>} : memref<160x144xf32, #tpu.memory_space<vmem>>, vector<1x16xf32>,
        %get3A_191 = arith.index_cast %scan3A_121 : i32 to index
        %get3A_192 = arith.constant 80 : index
        %get3A_193 = tpu.vector_load %arg12[%get3A_191, %get3A_192] {strides = array<i32>} : memref<160x144xf32, #tpu.memory_space<vmem>>, vector<1x16xf32>,
        %get3A_194 = vector.shape_cast %get3A_193 : vector<1x16xf32> to vector<16xf32>
        %mul3A_195 = vector.broadcast %squeeze3A_136 : f32 to vector<16xf32>
        %mul3A_196 = arith.mulf %get3A_194, %mul3A_195 : vector<16xf32>
        %swap3A_197 = arith.index_cast %scan3A_121 : i32 to index
        %swap3A_198 = arith.constant 80 : index
        %swap3A_199 = tpu.vector_load %arg12[%swap3A_197, %swap3A_198] {strides = array<i32>} : memref<160x144xf32, #tpu.memory_space<vmem>>, vector<1x16xf32>,
        %swap3A_200 = vector.shape_cast %swap3A_199 : vector<1x16xf32> to vector<16xf32>
        %swap3A_201 = vector.shape_cast %mul3A_196 : vector<16xf32> to vector<1x16xf32>
        tpu.vector_store %arg12[%swap3A_197, %swap3A_198], %swap3A_201 {strides = array<i32>} : memref<160x144xf32, #tpu.memory_space<vmem>>, vector<1x16xf32>,
        %get3A_202 = arith.index_cast %scan3A_121 : i32 to index
        %get3A_203 = arith.constant 96 : index
        %get3A_204 = tpu.vector_load %arg12[%get3A_202, %get3A_203] {strides = array<i32>} : memref<160x144xf32, #tpu.memory_space<vmem>>, vector<1x16xf32>,
        %get3A_205 = vector.shape_cast %get3A_204 : vector<1x16xf32> to vector<16xf32>
        %mul3A_206 = vector.broadcast %squeeze3A_136 : f32 to vector<16xf32>
        %mul3A_207 = arith.mulf %get3A_205, %mul3A_206 : vector<16xf32>
        %swap3A_208 = arith.index_cast %scan3A_121 : i32 to index
        %swap3A_209 = arith.constant 96 : index
        %swap3A_210 = tpu.vector_load %arg12[%swap3A_208, %swap3A_209] {strides = array<i32>} : memref<160x144xf32, #tpu.memory_space<vmem>>, vector<1x16xf32>,
        %swap3A_211 = vector.shape_cast %swap3A_210 : vector<1x16xf32> to vector<16xf32>
        %swap3A_212 = vector.shape_cast %mul3A_207 : vector<16xf32> to vector<1x16xf32>
        tpu.vector_store %arg12[%swap3A_208, %swap3A_209], %swap3A_212 {strides = array<i32>} : memref<160x144xf32, #tpu.memory_space<vmem>>, vector<1x16xf32>,
        %get3A_213 = arith.index_cast %scan3A_121 : i32 to index
        %get3A_214 = arith.constant 112 : index
        %get3A_215 = tpu.vector_load %arg12[%get3A_213, %get3A_214] {strides = array<i32>} : memref<160x144xf32, #tpu.memory_space<vmem>>, vector<1x16xf32>,
        %get3A_216 = vector.shape_cast %get3A_215 : vector<1x16xf32> to vector<16xf32>
        %mul3A_217 = vector.broadcast %squeeze3A_136 : f32 to vector<16xf32>
        %mul3A_218 = arith.mulf %get3A_216, %mul3A_217 : vector<16xf32>
        %swap3A_219 = arith.index_cast %scan3A_121 : i32 to index
        %swap3A_220 = arith.constant 112 : index
        %swap3A_221 = tpu.vector_load %arg12[%swap3A_219, %swap3A_220] {strides = array<i32>} : memref<160x144xf32, #tpu.memory_space<vmem>>, vector<1x16xf32>,
        %swap3A_222 = vector.shape_cast %swap3A_221 : vector<1x16xf32> to vector<16xf32>
        %swap3A_223 = vector.shape_cast %mul3A_218 : vector<16xf32> to vector<1x16xf32>
        tpu.vector_store %arg12[%swap3A_219, %swap3A_220], %swap3A_223 {strides = array<i32>} : memref<160x144xf32, #tpu.memory_space<vmem>>, vector<1x16xf32>,
        %broadcast_in_dim3A = arith.constant 0.000000e+00 : f32
        %broadcast_in_dim3A_224 = vector.broadcast %broadcast_in_dim3A : f32 to vector<16xf32>
        %eq3A_225 = arith.constant 2 : i32
        %eq3A_226 = vector.broadcast %eq3A_225 : i32 to vector<16xi32>
        %eq3A_227 = arith.cmpi eq, %iota3A, %eq3A_226 : vector<16xi32>
        %broadcast_in_dim3A_228 = vector.broadcast %squeeze3A : f32 to vector<16xf32>
        %select_n3A_229 = arith.select %eq3A_227, %broadcast_in_dim3A_228, %broadcast_in_dim3A_224 : vector<16xi1>, vector<16xf32>
        %eq3A_230 = arith.constant 3 : i32
        %eq3A_231 = vector.broadcast %eq3A_230 : i32 to vector<16xi32>
        %eq3A_232 = arith.cmpi eq, %iota3A, %eq3A_231 : vector<16xi32>
        %broadcast_in_dim3A_233 = vector.broadcast %squeeze3A_136 : f32 to vector<16xf32>
        %select_n3A_234 = arith.select %eq3A_232, %broadcast_in_dim3A_233, %select_n3A_229 : vector<16xi1>, vector<16xf32>
        %mul3A_235 = arith.mulf %get3A_124, %select_n3A_234 : vector<16xf32>
        %swap3A_236 = arith.index_cast %scan3A_121 : i32 to index
        %swap3A_237 = arith.constant 128 : index
        %swap3A_238 = tpu.vector_load %arg12[%swap3A_236, %swap3A_237] {strides = array<i32>} : memref<160x144xf32, #tpu.memory_space<vmem>>, vector<1x16xf32>,
        %swap3A_239 = vector.shape_cast %swap3A_238 : vector<1x16xf32> to vector<16xf32>
        %swap3A_240 = vector.shape_cast %mul3A_235 : vector<16xf32> to vector<1x16xf32>
        tpu.vector_store %arg12[%swap3A_236, %swap3A_237], %swap3A_240 {strides = array<i32>} : memref<160x144xf32, #tpu.memory_space<vmem>>, vector<1x16xf32>,
      }
      %scan3A_120 = arith.constant 160 : i32
      "tpu.region"() ({
        %run_scoped3A = tpu.sem_alloc : memref<!tpu.dma_semaphore, #tpu.memory_space<semaphore_mem>>
        %dma_start3A_121 = arith.constant 0 : i32
        %dma_start3A_122 = arith.constant 0 : i32
        %dma_start3A_123 = tpu.memref_slice %arg12[%dma_start3A_121, %dma_start3A_122] : memref<160x144xf32, #tpu.memory_space<vmem>> -> memref<80x144xf32, #tpu.memory_space<vmem>>
        %dma_start3A_124 = arith.constant 0 : i32
        %dma_start3A_125 = arith.constant 0 : i32
        %dma_start3A_126 = tpu.memref_slice %arg8[%dma_start3A_124, %dma_start3A_125] : memref<10000x144xf32, #tpu.memory_space<vmem_shared>> -> memref<10000x144xf32, #tpu.memory_space<vmem_shared>>
        tpu.enqueue_indirect_dma source(%dma_start3A_123 : memref<80x144xf32, #tpu.memory_space<vmem>>) target(%dma_start3A_126 : memref<10000x144xf32, #tpu.memory_space<vmem_shared>>) offsets(%arg10 : memref<80xi32, #tpu.memory_space<vmem>>) semaphore(%run_scoped3A : memref<!tpu.dma_semaphore, #tpu.memory_space<semaphore_mem>>) {add = true}
        %dma_wait3A_127 = arith.constant 0 : i32
        %dma_wait3A_128 = arith.constant 0 : i32
        %dma_wait3A_129 = tpu.memref_slice %arg12[%dma_wait3A_127, %dma_wait3A_128] : memref<160x144xf32, #tpu.memory_space<vmem>> -> memref<80x144xf32, #tpu.memory_space<vmem>>
        %dma_wait3A_130 = arith.constant 0 : i32
        %dma_wait3A_131 = arith.constant 0 : i32
        %dma_wait3A_132 = tpu.memref_slice %arg8[%dma_wait3A_130, %dma_wait3A_131] : memref<10000x144xf32, #tpu.memory_space<vmem_shared>> -> memref<10000x144xf32, #tpu.memory_space<vmem_shared>>
        tpu.wait_indirect_dma semaphore(%run_scoped3A : memref<!tpu.dma_semaphore, #tpu.memory_space<semaphore_mem>>) src(%dma_wait3A_129 : memref<80x144xf32, #tpu.memory_space<vmem>>) dst(%dma_wait3A_132 : memref<10000x144xf32, #tpu.memory_space<vmem_shared>>)
        tpu.yield
      }) : () -> ()
      "tpu.region"() ({
        %run_scoped3A = tpu.sem_alloc : memref<!tpu.dma_semaphore, #tpu.memory_space<semaphore_mem>>
        %dma_start3A_121 = arith.constant 80 : i32
        %dma_start3A_122 = arith.constant 0 : i32
        %dma_start3A_123 = tpu.memref_slice %arg12[%dma_start3A_121, %dma_start3A_122] : memref<160x144xf32, #tpu.memory_space<vmem>> -> memref<80x144xf32, #tpu.memory_space<vmem>>
        %dma_start3A_124 = arith.constant 0 : i32
        %dma_start3A_125 = arith.constant 0 : i32
        %dma_start3A_126 = tpu.memref_slice %arg8[%dma_start3A_124, %dma_start3A_125] : memref<10000x144xf32, #tpu.memory_space<vmem_shared>> -> memref<10000x144xf32, #tpu.memory_space<vmem_shared>>
        tpu.enqueue_indirect_dma source(%dma_start3A_123 : memref<80x144xf32, #tpu.memory_space<vmem>>) target(%dma_start3A_126 : memref<10000x144xf32, #tpu.memory_space<vmem_shared>>) offsets(%arg11 : memref<80xi32, #tpu.memory_space<vmem>>) semaphore(%run_scoped3A : memref<!tpu.dma_semaphore, #tpu.memory_space<semaphore_mem>>) {add = true}
        %dma_wait3A_127 = arith.constant 80 : i32
        %dma_wait3A_128 = arith.constant 0 : i32
        %dma_wait3A_129 = tpu.memref_slice %arg12[%dma_wait3A_127, %dma_wait3A_128] : memref<160x144xf32, #tpu.memory_space<vmem>> -> memref<80x144xf32, #tpu.memory_space<vmem>>
        %dma_wait3A_130 = arith.constant 0 : i32
        %dma_wait3A_131 = arith.constant 0 : i32
        %dma_wait3A_132 = tpu.memref_slice %arg8[%dma_wait3A_130, %dma_wait3A_131] : memref<10000x144xf32, #tpu.memory_space<vmem_shared>> -> memref<10000x144xf32, #tpu.memory_space<vmem_shared>>
        tpu.wait_indirect_dma semaphore(%run_scoped3A : memref<!tpu.dma_semaphore, #tpu.memory_space<semaphore_mem>>) src(%dma_wait3A_129 : memref<80x144xf32, #tpu.memory_space<vmem>>) dst(%dma_wait3A_132 : memref<10000x144xf32, #tpu.memory_space<vmem_shared>>)
        tpu.yield
      }) : () -> ()
    }
    %scan3A_11 = arith.constant 125 : i32
    %barrier3A_12 = arith.constant 0 : index
    tpu.barrier barrier_id(%barrier3A_12)
    %mul3A_13 = arith.constant 624 : i32
    %mul3A_14 = arith.muli %arg1, %mul3A_13 : i32
    %mul3A_15 = arith.constant 624 : i32
    %mul3A_16 = arith.muli %arg1, %mul3A_15 : i32
    "tpu.region"() ({
      %run_scoped3A = tpu.sem_alloc : memref<!tpu.dma_semaphore, #tpu.memory_space<semaphore_mem>>
      %dma_start3A = arith.constant 0 : i32
      %dma_start3A_22 = arith.constant 0 : i32
      %dma_start3A_23 = tpu.memref_slice %arg7[%arg0, %dma_start3A, %dma_start3A_22] : memref<2x10000x144xf32, #tpu.memory_space<hbm>> -> memref<1x10000x144xf32, #tpu.memory_space<hbm>>
      %dma_start3A_24 = tpu.memref_squeeze %dma_start3A_23 : memref<1x10000x144xf32, #tpu.memory_space<hbm>> -> memref<10000x144xf32, #tpu.memory_space<hbm>>
      %dma_start3A_25 = arith.constant 0 : i32
      %dma_start3A_26 = tpu.memref_slice %dma_start3A_24[%mul3A_16, %dma_start3A_25] : memref<10000x144xf32, #tpu.memory_space<hbm>> -> memref<624x144xf32, #tpu.memory_space<hbm>>
      %dma_start3A_27 = arith.constant 0 : i32
      %dma_start3A_28 = tpu.memref_slice %arg8[%mul3A_14, %dma_start3A_27] : memref<10000x144xf32, #tpu.memory_space<vmem_shared>> -> memref<624x144xf32, #tpu.memory_space<vmem_shared>>
      tpu.enqueue_dma source(%dma_start3A_28 : memref<624x144xf32, #tpu.memory_space<vmem_shared>>) target(%dma_start3A_26 : memref<624x144xf32, #tpu.memory_space<hbm>>) target_semaphore(%run_scoped3A : memref<!tpu.dma_semaphore, #tpu.memory_space<semaphore_mem>>)
      %dma_wait3A = arith.constant 0 : i32
      %dma_wait3A_29 = arith.constant 0 : i32
      %dma_wait3A_30 = tpu.memref_slice %arg7[%arg0, %dma_wait3A, %dma_wait3A_29] : memref<2x10000x144xf32, #tpu.memory_space<hbm>> -> memref<1x10000x144xf32, #tpu.memory_space<hbm>>
      %dma_wait3A_31 = tpu.memref_squeeze %dma_wait3A_30 : memref<1x10000x144xf32, #tpu.memory_space<hbm>> -> memref<10000x144xf32, #tpu.memory_space<hbm>>
      %dma_wait3A_32 = arith.constant 0 : i32
      %dma_wait3A_33 = tpu.memref_slice %dma_wait3A_31[%mul3A_16, %dma_wait3A_32] : memref<10000x144xf32, #tpu.memory_space<hbm>> -> memref<624x144xf32, #tpu.memory_space<hbm>>
      %dma_wait3A_34 = arith.constant 0 : i32
      %dma_wait3A_35 = tpu.memref_slice %arg8[%mul3A_14, %dma_wait3A_34] : memref<10000x144xf32, #tpu.memory_space<vmem_shared>> -> memref<624x144xf32, #tpu.memory_space<vmem_shared>>
      tpu.wait_dma2 semaphore(%run_scoped3A : memref<!tpu.dma_semaphore, #tpu.memory_space<semaphore_mem>>) src(%dma_wait3A_35 : memref<624x144xf32, #tpu.memory_space<vmem_shared>>) dst(%dma_wait3A_33 : memref<624x144xf32, #tpu.memory_space<hbm>>)
      tpu.yield
    }) : () -> ()
    %eq3A_17 = arith.constant 15 : i32
    %eq3A_18 = arith.cmpi eq, %arg1, %eq3A_17 : i32
    %convert_element_type3A_19 = arith.extui %eq3A_18 : i1 to i32
    %cond3A_20 = arith.constant 0 : i32
    %cond3A_21 = arith.cmpi ne, %convert_element_type3A_19, %cond3A_20 : i32
    scf.if %cond3A_21 {
      "tpu.region"() ({
        %run_scoped3A = tpu.sem_alloc : memref<!tpu.dma_semaphore, #tpu.memory_space<semaphore_mem>>
        %dma_start3A = arith.constant 0 : i32
        %dma_start3A_22 = arith.constant 0 : i32
        %dma_start3A_23 = tpu.memref_slice %arg7[%arg0, %dma_start3A, %dma_start3A_22] : memref<2x10000x144xf32, #tpu.memory_space<hbm>> -> memref<1x10000x144xf32, #tpu.memory_space<hbm>>
        %dma_start3A_24 = tpu.memref_squeeze %dma_start3A_23 : memref<1x10000x144xf32, #tpu.memory_space<hbm>> -> memref<10000x144xf32, #tpu.memory_space<hbm>>
        %dma_start3A_25 = arith.constant 9984 : i32
        %dma_start3A_26 = arith.constant 0 : i32
        %dma_start3A_27 = tpu.memref_slice %dma_start3A_24[%dma_start3A_25, %dma_start3A_26] : memref<10000x144xf32, #tpu.memory_space<hbm>> -> memref<16x144xf32, #tpu.memory_space<hbm>>
        %dma_start3A_28 = arith.constant 9984 : i32
        %dma_start3A_29 = arith.constant 0 : i32
        %dma_start3A_30 = tpu.memref_slice %arg8[%dma_start3A_28, %dma_start3A_29] : memref<10000x144xf32, #tpu.memory_space<vmem_shared>> -> memref<16x144xf32, #tpu.memory_space<vmem_shared>>
        tpu.enqueue_dma source(%dma_start3A_30 : memref<16x144xf32, #tpu.memory_space<vmem_shared>>) target(%dma_start3A_27 : memref<16x144xf32, #tpu.memory_space<hbm>>) target_semaphore(%run_scoped3A : memref<!tpu.dma_semaphore, #tpu.memory_space<semaphore_mem>>)
        %dma_wait3A = arith.constant 0 : i32
        %dma_wait3A_31 = arith.constant 0 : i32
        %dma_wait3A_32 = tpu.memref_slice %arg7[%arg0, %dma_wait3A, %dma_wait3A_31] : memref<2x10000x144xf32, #tpu.memory_space<hbm>> -> memref<1x10000x144xf32, #tpu.memory_space<hbm>>
        %dma_wait3A_33 = tpu.memref_squeeze %dma_wait3A_32 : memref<1x10000x144xf32, #tpu.memory_space<hbm>> -> memref<10000x144xf32, #tpu.memory_space<hbm>>
        %dma_wait3A_34 = arith.constant 9984 : i32
        %dma_wait3A_35 = arith.constant 0 : i32
        %dma_wait3A_36 = tpu.memref_slice %dma_wait3A_33[%dma_wait3A_34, %dma_wait3A_35] : memref<10000x144xf32, #tpu.memory_space<hbm>> -> memref<16x144xf32, #tpu.memory_space<hbm>>
        %dma_wait3A_37 = arith.constant 9984 : i32
        %dma_wait3A_38 = arith.constant 0 : i32
        %dma_wait3A_39 = tpu.memref_slice %arg8[%dma_wait3A_37, %dma_wait3A_38] : memref<10000x144xf32, #tpu.memory_space<vmem_shared>> -> memref<16x144xf32, #tpu.memory_space<vmem_shared>>
        tpu.wait_dma2 semaphore(%run_scoped3A : memref<!tpu.dma_semaphore, #tpu.memory_space<semaphore_mem>>) src(%dma_wait3A_39 : memref<16x144xf32, #tpu.memory_space<vmem_shared>>) dst(%dma_wait3A_36 : memref<16x144xf32, #tpu.memory_space<hbm>>)
        tpu.yield
      }) : () -> ()
    } else {
    }
    return
  }
}

#map = affine_map<(d0, d1) -> (0, 0, 0)>
#map1 = affine_map<(d0, d1) -> (0)>
#map2 = affine_map<(d0, d1) -> (0, 0)>
module attributes {stable_mosaic.version = 14 : i64} {
  func.func @agg(%arg0: i32, %arg1: i32, %arg2: memref<1x10000x80xf32, #tpu.memory_space<hbm>>, %arg3: memref<1x10000x16xf32, #tpu.memory_space<hbm>>, %arg4: memref<320000xi32, #tpu.memory_space<hbm>>, %arg5: memref<320000xi32, #tpu.memory_space<hbm>>, %arg6: memref<10000x80xf32, #tpu.memory_space<hbm>>, %arg7: memref<2x10000x80xf32, #tpu.memory_space<hbm>>, %arg8: memref<10000x80xf32, #tpu.memory_space<vmem_shared>>, %arg9: memref<400xi32, #tpu.memory_space<vmem>>, %arg10: memref<80xi32, #tpu.memory_space<vmem>>, %arg11: memref<80xi32, #tpu.memory_space<vmem>>, %arg12: memref<80xi32, #tpu.memory_space<vmem>>, %arg13: memref<80xi32, #tpu.memory_space<vmem>>, %arg14: memref<80xi32, #tpu.memory_space<vmem>>, %arg15: memref<400x80xf32, #tpu.memory_space<vmem>>, %arg16: memref<400x16xf32, #tpu.memory_space<vmem>>, %arg17: memref<!tpu.dma_semaphore, #tpu.memory_space<semaphore_mem>>) attributes {dimension_semantics = [#tpu.dimension_semantics<core_parallel>, #tpu.dimension_semantics<subcore_parallel>], iteration_bounds = array<i64: 2, 16>, scalar_prefetch = 0 : i64, scratch_operands = 10 : i64, tpu.core_type = #tpu.core_type<sc_vector_subcore>, window_params = [{transform_indices = #map}, {transform_indices = #map}, {transform_indices = #map1}, {transform_indices = #map1}, {transform_indices = #map2}, {transform_indices = #map}]} {
    %mul3A = arith.constant 624 : i32
    %mul3A_0 = arith.muli %arg1, %mul3A : i32
    %mul3A_1 = arith.constant 624 : i32
    %mul3A_2 = arith.muli %arg1, %mul3A_1 : i32
    "tpu.region"() ({
      %run_scoped3A = tpu.sem_alloc : memref<!tpu.dma_semaphore, #tpu.memory_space<semaphore_mem>>
      %dma_start3A = arith.constant 0 : i32
      %dma_start3A_24 = tpu.memref_slice %arg8[%mul3A_2, %dma_start3A] : memref<10000x80xf32, #tpu.memory_space<vmem_shared>> -> memref<624x80xf32, #tpu.memory_space<vmem_shared>>
      %dma_start3A_25 = arith.constant 0 : i32
      %dma_start3A_26 = tpu.memref_slice %arg6[%mul3A_0, %dma_start3A_25] : memref<10000x80xf32, #tpu.memory_space<hbm>> -> memref<624x80xf32, #tpu.memory_space<hbm>>
      tpu.enqueue_dma source(%dma_start3A_26 : memref<624x80xf32, #tpu.memory_space<hbm>>) target(%dma_start3A_24 : memref<624x80xf32, #tpu.memory_space<vmem_shared>>) target_semaphore(%run_scoped3A : memref<!tpu.dma_semaphore, #tpu.memory_space<semaphore_mem>>)
      %dma_wait3A = arith.constant 0 : i32
      %dma_wait3A_27 = tpu.memref_slice %arg8[%mul3A_2, %dma_wait3A] : memref<10000x80xf32, #tpu.memory_space<vmem_shared>> -> memref<624x80xf32, #tpu.memory_space<vmem_shared>>
      %dma_wait3A_28 = arith.constant 0 : i32
      %dma_wait3A_29 = tpu.memref_slice %arg6[%mul3A_0, %dma_wait3A_28] : memref<10000x80xf32, #tpu.memory_space<hbm>> -> memref<624x80xf32, #tpu.memory_space<hbm>>
      tpu.wait_dma2 semaphore(%run_scoped3A : memref<!tpu.dma_semaphore, #tpu.memory_space<semaphore_mem>>) src(%dma_wait3A_29 : memref<624x80xf32, #tpu.memory_space<hbm>>) dst(%dma_wait3A_27 : memref<624x80xf32, #tpu.memory_space<vmem_shared>>)
      tpu.yield
    }) : () -> ()
    %eq3A = arith.constant 15 : i32
    %eq3A_3 = arith.cmpi eq, %arg1, %eq3A : i32
    %convert_element_type3A = arith.extui %eq3A_3 : i1 to i32
    %cond3A = arith.constant 0 : i32
    %cond3A_4 = arith.cmpi ne, %convert_element_type3A, %cond3A : i32
    scf.if %cond3A_4 {
      "tpu.region"() ({
        %run_scoped3A = tpu.sem_alloc : memref<!tpu.dma_semaphore, #tpu.memory_space<semaphore_mem>>
        %dma_start3A = arith.constant 9984 : i32
        %dma_start3A_24 = arith.constant 0 : i32
        %dma_start3A_25 = tpu.memref_slice %arg8[%dma_start3A, %dma_start3A_24] : memref<10000x80xf32, #tpu.memory_space<vmem_shared>> -> memref<16x80xf32, #tpu.memory_space<vmem_shared>>
        %dma_start3A_26 = arith.constant 9984 : i32
        %dma_start3A_27 = arith.constant 0 : i32
        %dma_start3A_28 = tpu.memref_slice %arg6[%dma_start3A_26, %dma_start3A_27] : memref<10000x80xf32, #tpu.memory_space<hbm>> -> memref<16x80xf32, #tpu.memory_space<hbm>>
        tpu.enqueue_dma source(%dma_start3A_28 : memref<16x80xf32, #tpu.memory_space<hbm>>) target(%dma_start3A_25 : memref<16x80xf32, #tpu.memory_space<vmem_shared>>) target_semaphore(%run_scoped3A : memref<!tpu.dma_semaphore, #tpu.memory_space<semaphore_mem>>)
        %dma_wait3A = arith.constant 9984 : i32
        %dma_wait3A_29 = arith.constant 0 : i32
        %dma_wait3A_30 = tpu.memref_slice %arg8[%dma_wait3A, %dma_wait3A_29] : memref<10000x80xf32, #tpu.memory_space<vmem_shared>> -> memref<16x80xf32, #tpu.memory_space<vmem_shared>>
        %dma_wait3A_31 = arith.constant 9984 : i32
        %dma_wait3A_32 = arith.constant 0 : i32
        %dma_wait3A_33 = tpu.memref_slice %arg6[%dma_wait3A_31, %dma_wait3A_32] : memref<10000x80xf32, #tpu.memory_space<hbm>> -> memref<16x80xf32, #tpu.memory_space<hbm>>
        tpu.wait_dma2 semaphore(%run_scoped3A : memref<!tpu.dma_semaphore, #tpu.memory_space<semaphore_mem>>) src(%dma_wait3A_33 : memref<16x80xf32, #tpu.memory_space<hbm>>) dst(%dma_wait3A_30 : memref<16x80xf32, #tpu.memory_space<vmem_shared>>)
        tpu.yield
      }) : () -> ()
    } else {
    }
    %barrier3A = arith.constant 0 : index
    tpu.barrier barrier_id(%barrier3A)
    %mul3A_5 = arith.constant 16 : i32
    %mul3A_6 = arith.muli %arg0, %mul3A_5 : i32
    %add3A = arith.addi %mul3A_6, %arg1 : i32
    %mul3A_7 = arith.constant 10000 : i32
    %mul3A_8 = arith.muli %add3A, %mul3A_7 : i32
    %iota3A = tpu.iota {dimensions = array<i32: 0>} : vector<16xi32>
    %scan3A = arith.constant 0 : i32
    %scan3A_9 = arith.constant 0 : i32
    %scan3A_10 = arith.constant 25 : i32
    %scan3A_11 = arith.addi %scan3A_9, %scan3A_10 : i32
    %scan3A_12 = arith.constant 1 : i32
    scf.for %scan3A_24 = %scan3A_9 to %scan3A_11 step %scan3A_12  : i32 {
      %mul3A_25 = arith.constant 400 : i32
      %mul3A_26 = arith.muli %scan3A_24, %mul3A_25 : i32
      %add3A_27 = arith.addi %mul3A_8, %mul3A_26 : i32
      "tpu.region"() ({
        %run_scoped3A = tpu.sem_alloc : memref<!tpu.dma_semaphore, #tpu.memory_space<semaphore_mem>>
        %dma_start3A_282 = tpu.memref_slice %arg4[%add3A_27] : memref<320000xi32, #tpu.memory_space<hbm>> -> memref<400xi32, #tpu.memory_space<hbm>>
        %dma_start3A_283 = tpu.memref_slice %arg4[%add3A_27] : memref<320000xi32, #tpu.memory_space<hbm>> -> memref<400xi32, #tpu.memory_space<hbm>>
        tpu.enqueue_dma source(%dma_start3A_283 : memref<400xi32, #tpu.memory_space<hbm>>) target(%arg9 : memref<400xi32, #tpu.memory_space<vmem>>) target_semaphore(%run_scoped3A : memref<!tpu.dma_semaphore, #tpu.memory_space<semaphore_mem>>)
        %dma_wait3A_284 = tpu.memref_slice %arg4[%add3A_27] : memref<320000xi32, #tpu.memory_space<hbm>> -> memref<400xi32, #tpu.memory_space<hbm>>
        %dma_wait3A_285 = tpu.memref_slice %arg4[%add3A_27] : memref<320000xi32, #tpu.memory_space<hbm>> -> memref<400xi32, #tpu.memory_space<hbm>>
        tpu.wait_dma2 semaphore(%run_scoped3A : memref<!tpu.dma_semaphore, #tpu.memory_space<semaphore_mem>>) src(%dma_wait3A_285 : memref<400xi32, #tpu.memory_space<hbm>>) dst(%arg9 : memref<400xi32, #tpu.memory_space<vmem>>)
        tpu.yield
      }) : () -> ()
      %add3A_28 = arith.constant 0 : i32
      %add3A_29 = arith.addi %add3A_27, %add3A_28 : i32
      "tpu.region"() ({
        %run_scoped3A = tpu.sem_alloc : memref<!tpu.dma_semaphore, #tpu.memory_space<semaphore_mem>>
        %dma_start3A_282 = tpu.memref_slice %arg5[%add3A_29] : memref<320000xi32, #tpu.memory_space<hbm>> -> memref<80xi32, #tpu.memory_space<hbm>>
        %dma_start3A_283 = tpu.memref_slice %arg5[%add3A_29] : memref<320000xi32, #tpu.memory_space<hbm>> -> memref<80xi32, #tpu.memory_space<hbm>>
        tpu.enqueue_dma source(%dma_start3A_283 : memref<80xi32, #tpu.memory_space<hbm>>) target(%arg10 : memref<80xi32, #tpu.memory_space<vmem>>) target_semaphore(%run_scoped3A : memref<!tpu.dma_semaphore, #tpu.memory_space<semaphore_mem>>)
        %dma_wait3A_284 = tpu.memref_slice %arg5[%add3A_29] : memref<320000xi32, #tpu.memory_space<hbm>> -> memref<80xi32, #tpu.memory_space<hbm>>
        %dma_wait3A_285 = tpu.memref_slice %arg5[%add3A_29] : memref<320000xi32, #tpu.memory_space<hbm>> -> memref<80xi32, #tpu.memory_space<hbm>>
        tpu.wait_dma2 semaphore(%run_scoped3A : memref<!tpu.dma_semaphore, #tpu.memory_space<semaphore_mem>>) src(%dma_wait3A_285 : memref<80xi32, #tpu.memory_space<hbm>>) dst(%arg10 : memref<80xi32, #tpu.memory_space<vmem>>)
        tpu.yield
      }) : () -> ()
      %add3A_30 = arith.constant 80 : i32
      %add3A_31 = arith.addi %add3A_27, %add3A_30 : i32
      "tpu.region"() ({
        %run_scoped3A = tpu.sem_alloc : memref<!tpu.dma_semaphore, #tpu.memory_space<semaphore_mem>>
        %dma_start3A_282 = tpu.memref_slice %arg5[%add3A_31] : memref<320000xi32, #tpu.memory_space<hbm>> -> memref<80xi32, #tpu.memory_space<hbm>>
        %dma_start3A_283 = tpu.memref_slice %arg5[%add3A_31] : memref<320000xi32, #tpu.memory_space<hbm>> -> memref<80xi32, #tpu.memory_space<hbm>>
        tpu.enqueue_dma source(%dma_start3A_283 : memref<80xi32, #tpu.memory_space<hbm>>) target(%arg11 : memref<80xi32, #tpu.memory_space<vmem>>) target_semaphore(%run_scoped3A : memref<!tpu.dma_semaphore, #tpu.memory_space<semaphore_mem>>)
        %dma_wait3A_284 = tpu.memref_slice %arg5[%add3A_31] : memref<320000xi32, #tpu.memory_space<hbm>> -> memref<80xi32, #tpu.memory_space<hbm>>
        %dma_wait3A_285 = tpu.memref_slice %arg5[%add3A_31] : memref<320000xi32, #tpu.memory_space<hbm>> -> memref<80xi32, #tpu.memory_space<hbm>>
        tpu.wait_dma2 semaphore(%run_scoped3A : memref<!tpu.dma_semaphore, #tpu.memory_space<semaphore_mem>>) src(%dma_wait3A_285 : memref<80xi32, #tpu.memory_space<hbm>>) dst(%arg11 : memref<80xi32, #tpu.memory_space<vmem>>)
        tpu.yield
      }) : () -> ()
      %add3A_32 = arith.constant 160 : i32
      %add3A_33 = arith.addi %add3A_27, %add3A_32 : i32
      "tpu.region"() ({
        %run_scoped3A = tpu.sem_alloc : memref<!tpu.dma_semaphore, #tpu.memory_space<semaphore_mem>>
        %dma_start3A_282 = tpu.memref_slice %arg5[%add3A_33] : memref<320000xi32, #tpu.memory_space<hbm>> -> memref<80xi32, #tpu.memory_space<hbm>>
        %dma_start3A_283 = tpu.memref_slice %arg5[%add3A_33] : memref<320000xi32, #tpu.memory_space<hbm>> -> memref<80xi32, #tpu.memory_space<hbm>>
        tpu.enqueue_dma source(%dma_start3A_283 : memref<80xi32, #tpu.memory_space<hbm>>) target(%arg12 : memref<80xi32, #tpu.memory_space<vmem>>) target_semaphore(%run_scoped3A : memref<!tpu.dma_semaphore, #tpu.memory_space<semaphore_mem>>)
        %dma_wait3A_284 = tpu.memref_slice %arg5[%add3A_33] : memref<320000xi32, #tpu.memory_space<hbm>> -> memref<80xi32, #tpu.memory_space<hbm>>
        %dma_wait3A_285 = tpu.memref_slice %arg5[%add3A_33] : memref<320000xi32, #tpu.memory_space<hbm>> -> memref<80xi32, #tpu.memory_space<hbm>>
        tpu.wait_dma2 semaphore(%run_scoped3A : memref<!tpu.dma_semaphore, #tpu.memory_space<semaphore_mem>>) src(%dma_wait3A_285 : memref<80xi32, #tpu.memory_space<hbm>>) dst(%arg12 : memref<80xi32, #tpu.memory_space<vmem>>)
        tpu.yield
      }) : () -> ()
      %add3A_34 = arith.constant 240 : i32
      %add3A_35 = arith.addi %add3A_27, %add3A_34 : i32
      "tpu.region"() ({
        %run_scoped3A = tpu.sem_alloc : memref<!tpu.dma_semaphore, #tpu.memory_space<semaphore_mem>>
        %dma_start3A_282 = tpu.memref_slice %arg5[%add3A_35] : memref<320000xi32, #tpu.memory_space<hbm>> -> memref<80xi32, #tpu.memory_space<hbm>>
        %dma_start3A_283 = tpu.memref_slice %arg5[%add3A_35] : memref<320000xi32, #tpu.memory_space<hbm>> -> memref<80xi32, #tpu.memory_space<hbm>>
        tpu.enqueue_dma source(%dma_start3A_283 : memref<80xi32, #tpu.memory_space<hbm>>) target(%arg13 : memref<80xi32, #tpu.memory_space<vmem>>) target_semaphore(%run_scoped3A : memref<!tpu.dma_semaphore, #tpu.memory_space<semaphore_mem>>)
        %dma_wait3A_284 = tpu.memref_slice %arg5[%add3A_35] : memref<320000xi32, #tpu.memory_space<hbm>> -> memref<80xi32, #tpu.memory_space<hbm>>
        %dma_wait3A_285 = tpu.memref_slice %arg5[%add3A_35] : memref<320000xi32, #tpu.memory_space<hbm>> -> memref<80xi32, #tpu.memory_space<hbm>>
        tpu.wait_dma2 semaphore(%run_scoped3A : memref<!tpu.dma_semaphore, #tpu.memory_space<semaphore_mem>>) src(%dma_wait3A_285 : memref<80xi32, #tpu.memory_space<hbm>>) dst(%arg13 : memref<80xi32, #tpu.memory_space<vmem>>)
        tpu.yield
      }) : () -> ()
      %add3A_36 = arith.constant 320 : i32
      %add3A_37 = arith.addi %add3A_27, %add3A_36 : i32
      "tpu.region"() ({
        %run_scoped3A = tpu.sem_alloc : memref<!tpu.dma_semaphore, #tpu.memory_space<semaphore_mem>>
        %dma_start3A_282 = tpu.memref_slice %arg5[%add3A_37] : memref<320000xi32, #tpu.memory_space<hbm>> -> memref<80xi32, #tpu.memory_space<hbm>>
        %dma_start3A_283 = tpu.memref_slice %arg5[%add3A_37] : memref<320000xi32, #tpu.memory_space<hbm>> -> memref<80xi32, #tpu.memory_space<hbm>>
        tpu.enqueue_dma source(%dma_start3A_283 : memref<80xi32, #tpu.memory_space<hbm>>) target(%arg14 : memref<80xi32, #tpu.memory_space<vmem>>) target_semaphore(%run_scoped3A : memref<!tpu.dma_semaphore, #tpu.memory_space<semaphore_mem>>)
        %dma_wait3A_284 = tpu.memref_slice %arg5[%add3A_37] : memref<320000xi32, #tpu.memory_space<hbm>> -> memref<80xi32, #tpu.memory_space<hbm>>
        %dma_wait3A_285 = tpu.memref_slice %arg5[%add3A_37] : memref<320000xi32, #tpu.memory_space<hbm>> -> memref<80xi32, #tpu.memory_space<hbm>>
        tpu.wait_dma2 semaphore(%run_scoped3A : memref<!tpu.dma_semaphore, #tpu.memory_space<semaphore_mem>>) src(%dma_wait3A_285 : memref<80xi32, #tpu.memory_space<hbm>>) dst(%arg14 : memref<80xi32, #tpu.memory_space<vmem>>)
        tpu.yield
      }) : () -> ()
      %dma_start3A = arith.constant 0 : i32
      %dma_start3A_38 = arith.constant 0 : i32
      %dma_start3A_39 = arith.constant 0 : i32
      %dma_start3A_40 = tpu.memref_slice %arg15[%dma_start3A_38, %dma_start3A_39] : memref<400x80xf32, #tpu.memory_space<vmem>> -> memref<80x80xf32, #tpu.memory_space<vmem>>
      %dma_start3A_41 = arith.constant 0 : i32
      %dma_start3A_42 = tpu.memref_slice %arg9[%dma_start3A_41] : memref<400xi32, #tpu.memory_space<vmem>> -> memref<80xi32, #tpu.memory_space<vmem>>
      %dma_start3A_43 = arith.constant 0 : i32
      %dma_start3A_44 = arith.constant 0 : i32
      %dma_start3A_45 = tpu.memref_slice %arg2[%dma_start3A, %dma_start3A_43, %dma_start3A_44] : memref<1x10000x80xf32, #tpu.memory_space<hbm>> -> memref<1x10000x80xf32, #tpu.memory_space<hbm>>
      %dma_start3A_46 = tpu.memref_squeeze %dma_start3A_45 : memref<1x10000x80xf32, #tpu.memory_space<hbm>> -> memref<10000x80xf32, #tpu.memory_space<hbm>>
      %dma_start3A_47 = arith.constant 0 : i32
      %dma_start3A_48 = arith.constant 0 : i32
      %dma_start3A_49 = tpu.memref_slice %dma_start3A_46[%dma_start3A_47, %dma_start3A_48] : memref<10000x80xf32, #tpu.memory_space<hbm>> -> memref<10000x80xf32, #tpu.memory_space<hbm>>
      tpu.enqueue_indirect_dma source(%dma_start3A_49 : memref<10000x80xf32, #tpu.memory_space<hbm>>) target(%dma_start3A_40 : memref<80x80xf32, #tpu.memory_space<vmem>>) offsets(%dma_start3A_42 : memref<80xi32, #tpu.memory_space<vmem>>) semaphore(%arg17 : memref<!tpu.dma_semaphore, #tpu.memory_space<semaphore_mem>>)
      %dma_start3A_50 = arith.constant 0 : i32
      %dma_start3A_51 = arith.constant 0 : i32
      %dma_start3A_52 = arith.constant 0 : i32
      %dma_start3A_53 = tpu.memref_slice %arg16[%dma_start3A_51, %dma_start3A_52] : memref<400x16xf32, #tpu.memory_space<vmem>> -> memref<80x16xf32, #tpu.memory_space<vmem>>
      %dma_start3A_54 = arith.constant 0 : i32
      %dma_start3A_55 = arith.constant 0 : i32
      %dma_start3A_56 = tpu.memref_slice %arg3[%dma_start3A_50, %dma_start3A_54, %dma_start3A_55] : memref<1x10000x16xf32, #tpu.memory_space<hbm>> -> memref<1x10000x16xf32, #tpu.memory_space<hbm>>
      %dma_start3A_57 = tpu.memref_squeeze %dma_start3A_56 : memref<1x10000x16xf32, #tpu.memory_space<hbm>> -> memref<10000x16xf32, #tpu.memory_space<hbm>>
      %dma_start3A_58 = arith.constant 0 : i32
      %dma_start3A_59 = arith.constant 0 : i32
      %dma_start3A_60 = tpu.memref_slice %dma_start3A_57[%dma_start3A_58, %dma_start3A_59] : memref<10000x16xf32, #tpu.memory_space<hbm>> -> memref<10000x16xf32, #tpu.memory_space<hbm>>
      tpu.enqueue_indirect_dma source(%dma_start3A_60 : memref<10000x16xf32, #tpu.memory_space<hbm>>) target(%dma_start3A_53 : memref<80x16xf32, #tpu.memory_space<vmem>>) offsets(%arg10 : memref<80xi32, #tpu.memory_space<vmem>>) semaphore(%arg17 : memref<!tpu.dma_semaphore, #tpu.memory_space<semaphore_mem>>)
      %dma_start3A_61 = arith.constant 0 : i32
      %dma_start3A_62 = arith.constant 80 : i32
      %dma_start3A_63 = arith.constant 0 : i32
      %dma_start3A_64 = tpu.memref_slice %arg15[%dma_start3A_62, %dma_start3A_63] : memref<400x80xf32, #tpu.memory_space<vmem>> -> memref<80x80xf32, #tpu.memory_space<vmem>>
      %dma_start3A_65 = arith.constant 80 : i32
      %dma_start3A_66 = tpu.memref_slice %arg9[%dma_start3A_65] : memref<400xi32, #tpu.memory_space<vmem>> -> memref<80xi32, #tpu.memory_space<vmem>>
      %dma_start3A_67 = arith.constant 0 : i32
      %dma_start3A_68 = arith.constant 0 : i32
      %dma_start3A_69 = tpu.memref_slice %arg2[%dma_start3A_61, %dma_start3A_67, %dma_start3A_68] : memref<1x10000x80xf32, #tpu.memory_space<hbm>> -> memref<1x10000x80xf32, #tpu.memory_space<hbm>>
      %dma_start3A_70 = tpu.memref_squeeze %dma_start3A_69 : memref<1x10000x80xf32, #tpu.memory_space<hbm>> -> memref<10000x80xf32, #tpu.memory_space<hbm>>
      %dma_start3A_71 = arith.constant 0 : i32
      %dma_start3A_72 = arith.constant 0 : i32
      %dma_start3A_73 = tpu.memref_slice %dma_start3A_70[%dma_start3A_71, %dma_start3A_72] : memref<10000x80xf32, #tpu.memory_space<hbm>> -> memref<10000x80xf32, #tpu.memory_space<hbm>>
      tpu.enqueue_indirect_dma source(%dma_start3A_73 : memref<10000x80xf32, #tpu.memory_space<hbm>>) target(%dma_start3A_64 : memref<80x80xf32, #tpu.memory_space<vmem>>) offsets(%dma_start3A_66 : memref<80xi32, #tpu.memory_space<vmem>>) semaphore(%arg17 : memref<!tpu.dma_semaphore, #tpu.memory_space<semaphore_mem>>)
      %dma_start3A_74 = arith.constant 0 : i32
      %dma_start3A_75 = arith.constant 80 : i32
      %dma_start3A_76 = arith.constant 0 : i32
      %dma_start3A_77 = tpu.memref_slice %arg16[%dma_start3A_75, %dma_start3A_76] : memref<400x16xf32, #tpu.memory_space<vmem>> -> memref<80x16xf32, #tpu.memory_space<vmem>>
      %dma_start3A_78 = arith.constant 0 : i32
      %dma_start3A_79 = arith.constant 0 : i32
      %dma_start3A_80 = tpu.memref_slice %arg3[%dma_start3A_74, %dma_start3A_78, %dma_start3A_79] : memref<1x10000x16xf32, #tpu.memory_space<hbm>> -> memref<1x10000x16xf32, #tpu.memory_space<hbm>>
      %dma_start3A_81 = tpu.memref_squeeze %dma_start3A_80 : memref<1x10000x16xf32, #tpu.memory_space<hbm>> -> memref<10000x16xf32, #tpu.memory_space<hbm>>
      %dma_start3A_82 = arith.constant 0 : i32
      %dma_start3A_83 = arith.constant 0 : i32
      %dma_start3A_84 = tpu.memref_slice %dma_start3A_81[%dma_start3A_82, %dma_start3A_83] : memref<10000x16xf32, #tpu.memory_space<hbm>> -> memref<10000x16xf32, #tpu.memory_space<hbm>>
      tpu.enqueue_indirect_dma source(%dma_start3A_84 : memref<10000x16xf32, #tpu.memory_space<hbm>>) target(%dma_start3A_77 : memref<80x16xf32, #tpu.memory_space<vmem>>) offsets(%arg11 : memref<80xi32, #tpu.memory_space<vmem>>) semaphore(%arg17 : memref<!tpu.dma_semaphore, #tpu.memory_space<semaphore_mem>>)
      %dma_start3A_85 = arith.constant 0 : i32
      %dma_start3A_86 = arith.constant 160 : i32
      %dma_start3A_87 = arith.constant 0 : i32
      %dma_start3A_88 = tpu.memref_slice %arg15[%dma_start3A_86, %dma_start3A_87] : memref<400x80xf32, #tpu.memory_space<vmem>> -> memref<80x80xf32, #tpu.memory_space<vmem>>
      %dma_start3A_89 = arith.constant 160 : i32
      %dma_start3A_90 = tpu.memref_slice %arg9[%dma_start3A_89] : memref<400xi32, #tpu.memory_space<vmem>> -> memref<80xi32, #tpu.memory_space<vmem>>
      %dma_start3A_91 = arith.constant 0 : i32
      %dma_start3A_92 = arith.constant 0 : i32
      %dma_start3A_93 = tpu.memref_slice %arg2[%dma_start3A_85, %dma_start3A_91, %dma_start3A_92] : memref<1x10000x80xf32, #tpu.memory_space<hbm>> -> memref<1x10000x80xf32, #tpu.memory_space<hbm>>
      %dma_start3A_94 = tpu.memref_squeeze %dma_start3A_93 : memref<1x10000x80xf32, #tpu.memory_space<hbm>> -> memref<10000x80xf32, #tpu.memory_space<hbm>>
      %dma_start3A_95 = arith.constant 0 : i32
      %dma_start3A_96 = arith.constant 0 : i32
      %dma_start3A_97 = tpu.memref_slice %dma_start3A_94[%dma_start3A_95, %dma_start3A_96] : memref<10000x80xf32, #tpu.memory_space<hbm>> -> memref<10000x80xf32, #tpu.memory_space<hbm>>
      tpu.enqueue_indirect_dma source(%dma_start3A_97 : memref<10000x80xf32, #tpu.memory_space<hbm>>) target(%dma_start3A_88 : memref<80x80xf32, #tpu.memory_space<vmem>>) offsets(%dma_start3A_90 : memref<80xi32, #tpu.memory_space<vmem>>) semaphore(%arg17 : memref<!tpu.dma_semaphore, #tpu.memory_space<semaphore_mem>>)
      %dma_start3A_98 = arith.constant 0 : i32
      %dma_start3A_99 = arith.constant 160 : i32
      %dma_start3A_100 = arith.constant 0 : i32
      %dma_start3A_101 = tpu.memref_slice %arg16[%dma_start3A_99, %dma_start3A_100] : memref<400x16xf32, #tpu.memory_space<vmem>> -> memref<80x16xf32, #tpu.memory_space<vmem>>
      %dma_start3A_102 = arith.constant 0 : i32
      %dma_start3A_103 = arith.constant 0 : i32
      %dma_start3A_104 = tpu.memref_slice %arg3[%dma_start3A_98, %dma_start3A_102, %dma_start3A_103] : memref<1x10000x16xf32, #tpu.memory_space<hbm>> -> memref<1x10000x16xf32, #tpu.memory_space<hbm>>
      %dma_start3A_105 = tpu.memref_squeeze %dma_start3A_104 : memref<1x10000x16xf32, #tpu.memory_space<hbm>> -> memref<10000x16xf32, #tpu.memory_space<hbm>>
      %dma_start3A_106 = arith.constant 0 : i32
      %dma_start3A_107 = arith.constant 0 : i32
      %dma_start3A_108 = tpu.memref_slice %dma_start3A_105[%dma_start3A_106, %dma_start3A_107] : memref<10000x16xf32, #tpu.memory_space<hbm>> -> memref<10000x16xf32, #tpu.memory_space<hbm>>
      tpu.enqueue_indirect_dma source(%dma_start3A_108 : memref<10000x16xf32, #tpu.memory_space<hbm>>) target(%dma_start3A_101 : memref<80x16xf32, #tpu.memory_space<vmem>>) offsets(%arg12 : memref<80xi32, #tpu.memory_space<vmem>>) semaphore(%arg17 : memref<!tpu.dma_semaphore, #tpu.memory_space<semaphore_mem>>)
      %dma_start3A_109 = arith.constant 0 : i32
      %dma_start3A_110 = arith.constant 240 : i32
      %dma_start3A_111 = arith.constant 0 : i32
      %dma_start3A_112 = tpu.memref_slice %arg15[%dma_start3A_110, %dma_start3A_111] : memref<400x80xf32, #tpu.memory_space<vmem>> -> memref<80x80xf32, #tpu.memory_space<vmem>>
      %dma_start3A_113 = arith.constant 240 : i32
      %dma_start3A_114 = tpu.memref_slice %arg9[%dma_start3A_113] : memref<400xi32, #tpu.memory_space<vmem>> -> memref<80xi32, #tpu.memory_space<vmem>>
      %dma_start3A_115 = arith.constant 0 : i32
      %dma_start3A_116 = arith.constant 0 : i32
      %dma_start3A_117 = tpu.memref_slice %arg2[%dma_start3A_109, %dma_start3A_115, %dma_start3A_116] : memref<1x10000x80xf32, #tpu.memory_space<hbm>> -> memref<1x10000x80xf32, #tpu.memory_space<hbm>>
      %dma_start3A_118 = tpu.memref_squeeze %dma_start3A_117 : memref<1x10000x80xf32, #tpu.memory_space<hbm>> -> memref<10000x80xf32, #tpu.memory_space<hbm>>
      %dma_start3A_119 = arith.constant 0 : i32
      %dma_start3A_120 = arith.constant 0 : i32
      %dma_start3A_121 = tpu.memref_slice %dma_start3A_118[%dma_start3A_119, %dma_start3A_120] : memref<10000x80xf32, #tpu.memory_space<hbm>> -> memref<10000x80xf32, #tpu.memory_space<hbm>>
      tpu.enqueue_indirect_dma source(%dma_start3A_121 : memref<10000x80xf32, #tpu.memory_space<hbm>>) target(%dma_start3A_112 : memref<80x80xf32, #tpu.memory_space<vmem>>) offsets(%dma_start3A_114 : memref<80xi32, #tpu.memory_space<vmem>>) semaphore(%arg17 : memref<!tpu.dma_semaphore, #tpu.memory_space<semaphore_mem>>)
      %dma_start3A_122 = arith.constant 0 : i32
      %dma_start3A_123 = arith.constant 240 : i32
      %dma_start3A_124 = arith.constant 0 : i32
      %dma_start3A_125 = tpu.memref_slice %arg16[%dma_start3A_123, %dma_start3A_124] : memref<400x16xf32, #tpu.memory_space<vmem>> -> memref<80x16xf32, #tpu.memory_space<vmem>>
      %dma_start3A_126 = arith.constant 0 : i32
      %dma_start3A_127 = arith.constant 0 : i32
      %dma_start3A_128 = tpu.memref_slice %arg3[%dma_start3A_122, %dma_start3A_126, %dma_start3A_127] : memref<1x10000x16xf32, #tpu.memory_space<hbm>> -> memref<1x10000x16xf32, #tpu.memory_space<hbm>>
      %dma_start3A_129 = tpu.memref_squeeze %dma_start3A_128 : memref<1x10000x16xf32, #tpu.memory_space<hbm>> -> memref<10000x16xf32, #tpu.memory_space<hbm>>
      %dma_start3A_130 = arith.constant 0 : i32
      %dma_start3A_131 = arith.constant 0 : i32
      %dma_start3A_132 = tpu.memref_slice %dma_start3A_129[%dma_start3A_130, %dma_start3A_131] : memref<10000x16xf32, #tpu.memory_space<hbm>> -> memref<10000x16xf32, #tpu.memory_space<hbm>>
      tpu.enqueue_indirect_dma source(%dma_start3A_132 : memref<10000x16xf32, #tpu.memory_space<hbm>>) target(%dma_start3A_125 : memref<80x16xf32, #tpu.memory_space<vmem>>) offsets(%arg13 : memref<80xi32, #tpu.memory_space<vmem>>) semaphore(%arg17 : memref<!tpu.dma_semaphore, #tpu.memory_space<semaphore_mem>>)
      %dma_start3A_133 = arith.constant 0 : i32
      %dma_start3A_134 = arith.constant 320 : i32
      %dma_start3A_135 = arith.constant 0 : i32
      %dma_start3A_136 = tpu.memref_slice %arg15[%dma_start3A_134, %dma_start3A_135] : memref<400x80xf32, #tpu.memory_space<vmem>> -> memref<80x80xf32, #tpu.memory_space<vmem>>
      %dma_start3A_137 = arith.constant 320 : i32
      %dma_start3A_138 = tpu.memref_slice %arg9[%dma_start3A_137] : memref<400xi32, #tpu.memory_space<vmem>> -> memref<80xi32, #tpu.memory_space<vmem>>
      %dma_start3A_139 = arith.constant 0 : i32
      %dma_start3A_140 = arith.constant 0 : i32
      %dma_start3A_141 = tpu.memref_slice %arg2[%dma_start3A_133, %dma_start3A_139, %dma_start3A_140] : memref<1x10000x80xf32, #tpu.memory_space<hbm>> -> memref<1x10000x80xf32, #tpu.memory_space<hbm>>
      %dma_start3A_142 = tpu.memref_squeeze %dma_start3A_141 : memref<1x10000x80xf32, #tpu.memory_space<hbm>> -> memref<10000x80xf32, #tpu.memory_space<hbm>>
      %dma_start3A_143 = arith.constant 0 : i32
      %dma_start3A_144 = arith.constant 0 : i32
      %dma_start3A_145 = tpu.memref_slice %dma_start3A_142[%dma_start3A_143, %dma_start3A_144] : memref<10000x80xf32, #tpu.memory_space<hbm>> -> memref<10000x80xf32, #tpu.memory_space<hbm>>
      tpu.enqueue_indirect_dma source(%dma_start3A_145 : memref<10000x80xf32, #tpu.memory_space<hbm>>) target(%dma_start3A_136 : memref<80x80xf32, #tpu.memory_space<vmem>>) offsets(%dma_start3A_138 : memref<80xi32, #tpu.memory_space<vmem>>) semaphore(%arg17 : memref<!tpu.dma_semaphore, #tpu.memory_space<semaphore_mem>>)
      %dma_start3A_146 = arith.constant 0 : i32
      %dma_start3A_147 = arith.constant 320 : i32
      %dma_start3A_148 = arith.constant 0 : i32
      %dma_start3A_149 = tpu.memref_slice %arg16[%dma_start3A_147, %dma_start3A_148] : memref<400x16xf32, #tpu.memory_space<vmem>> -> memref<80x16xf32, #tpu.memory_space<vmem>>
      %dma_start3A_150 = arith.constant 0 : i32
      %dma_start3A_151 = arith.constant 0 : i32
      %dma_start3A_152 = tpu.memref_slice %arg3[%dma_start3A_146, %dma_start3A_150, %dma_start3A_151] : memref<1x10000x16xf32, #tpu.memory_space<hbm>> -> memref<1x10000x16xf32, #tpu.memory_space<hbm>>
      %dma_start3A_153 = tpu.memref_squeeze %dma_start3A_152 : memref<1x10000x16xf32, #tpu.memory_space<hbm>> -> memref<10000x16xf32, #tpu.memory_space<hbm>>
      %dma_start3A_154 = arith.constant 0 : i32
      %dma_start3A_155 = arith.constant 0 : i32
      %dma_start3A_156 = tpu.memref_slice %dma_start3A_153[%dma_start3A_154, %dma_start3A_155] : memref<10000x16xf32, #tpu.memory_space<hbm>> -> memref<10000x16xf32, #tpu.memory_space<hbm>>
      tpu.enqueue_indirect_dma source(%dma_start3A_156 : memref<10000x16xf32, #tpu.memory_space<hbm>>) target(%dma_start3A_149 : memref<80x16xf32, #tpu.memory_space<vmem>>) offsets(%arg14 : memref<80xi32, #tpu.memory_space<vmem>>) semaphore(%arg17 : memref<!tpu.dma_semaphore, #tpu.memory_space<semaphore_mem>>)
      %dma_wait3A = arith.constant 0 : i32
      %dma_wait3A_157 = arith.constant 0 : i32
      %dma_wait3A_158 = arith.constant 0 : i32
      %dma_wait3A_159 = tpu.memref_slice %arg15[%dma_wait3A_157, %dma_wait3A_158] : memref<400x80xf32, #tpu.memory_space<vmem>> -> memref<80x80xf32, #tpu.memory_space<vmem>>
      %dma_wait3A_160 = arith.constant 0 : i32
      %dma_wait3A_161 = tpu.memref_slice %arg9[%dma_wait3A_160] : memref<400xi32, #tpu.memory_space<vmem>> -> memref<80xi32, #tpu.memory_space<vmem>>
      %dma_wait3A_162 = arith.constant 0 : i32
      %dma_wait3A_163 = arith.constant 0 : i32
      %dma_wait3A_164 = tpu.memref_slice %arg2[%dma_wait3A, %dma_wait3A_162, %dma_wait3A_163] : memref<1x10000x80xf32, #tpu.memory_space<hbm>> -> memref<1x10000x80xf32, #tpu.memory_space<hbm>>
      %dma_wait3A_165 = tpu.memref_squeeze %dma_wait3A_164 : memref<1x10000x80xf32, #tpu.memory_space<hbm>> -> memref<10000x80xf32, #tpu.memory_space<hbm>>
      %dma_wait3A_166 = arith.constant 0 : i32
      %dma_wait3A_167 = arith.constant 0 : i32
      %dma_wait3A_168 = tpu.memref_slice %dma_wait3A_165[%dma_wait3A_166, %dma_wait3A_167] : memref<10000x80xf32, #tpu.memory_space<hbm>> -> memref<10000x80xf32, #tpu.memory_space<hbm>>
      tpu.wait_indirect_dma semaphore(%arg17 : memref<!tpu.dma_semaphore, #tpu.memory_space<semaphore_mem>>) src(%dma_wait3A_168 : memref<10000x80xf32, #tpu.memory_space<hbm>>) dst(%dma_wait3A_159 : memref<80x80xf32, #tpu.memory_space<vmem>>)
      %dma_wait3A_169 = arith.constant 0 : i32
      %dma_wait3A_170 = arith.constant 0 : i32
      %dma_wait3A_171 = arith.constant 0 : i32
      %dma_wait3A_172 = tpu.memref_slice %arg16[%dma_wait3A_170, %dma_wait3A_171] : memref<400x16xf32, #tpu.memory_space<vmem>> -> memref<80x16xf32, #tpu.memory_space<vmem>>
      %dma_wait3A_173 = arith.constant 0 : i32
      %dma_wait3A_174 = arith.constant 0 : i32
      %dma_wait3A_175 = tpu.memref_slice %arg3[%dma_wait3A_169, %dma_wait3A_173, %dma_wait3A_174] : memref<1x10000x16xf32, #tpu.memory_space<hbm>> -> memref<1x10000x16xf32, #tpu.memory_space<hbm>>
      %dma_wait3A_176 = tpu.memref_squeeze %dma_wait3A_175 : memref<1x10000x16xf32, #tpu.memory_space<hbm>> -> memref<10000x16xf32, #tpu.memory_space<hbm>>
      %dma_wait3A_177 = arith.constant 0 : i32
      %dma_wait3A_178 = arith.constant 0 : i32
      %dma_wait3A_179 = tpu.memref_slice %dma_wait3A_176[%dma_wait3A_177, %dma_wait3A_178] : memref<10000x16xf32, #tpu.memory_space<hbm>> -> memref<10000x16xf32, #tpu.memory_space<hbm>>
      tpu.wait_indirect_dma semaphore(%arg17 : memref<!tpu.dma_semaphore, #tpu.memory_space<semaphore_mem>>) src(%dma_wait3A_179 : memref<10000x16xf32, #tpu.memory_space<hbm>>) dst(%dma_wait3A_172 : memref<80x16xf32, #tpu.memory_space<vmem>>)
      %dma_wait3A_180 = arith.constant 0 : i32
      %dma_wait3A_181 = arith.constant 80 : i32
      %dma_wait3A_182 = arith.constant 0 : i32
      %dma_wait3A_183 = tpu.memref_slice %arg15[%dma_wait3A_181, %dma_wait3A_182] : memref<400x80xf32, #tpu.memory_space<vmem>> -> memref<80x80xf32, #tpu.memory_space<vmem>>
      %dma_wait3A_184 = arith.constant 80 : i32
      %dma_wait3A_185 = tpu.memref_slice %arg9[%dma_wait3A_184] : memref<400xi32, #tpu.memory_space<vmem>> -> memref<80xi32, #tpu.memory_space<vmem>>
      %dma_wait3A_186 = arith.constant 0 : i32
      %dma_wait3A_187 = arith.constant 0 : i32
      %dma_wait3A_188 = tpu.memref_slice %arg2[%dma_wait3A_180, %dma_wait3A_186, %dma_wait3A_187] : memref<1x10000x80xf32, #tpu.memory_space<hbm>> -> memref<1x10000x80xf32, #tpu.memory_space<hbm>>
      %dma_wait3A_189 = tpu.memref_squeeze %dma_wait3A_188 : memref<1x10000x80xf32, #tpu.memory_space<hbm>> -> memref<10000x80xf32, #tpu.memory_space<hbm>>
      %dma_wait3A_190 = arith.constant 0 : i32
      %dma_wait3A_191 = arith.constant 0 : i32
      %dma_wait3A_192 = tpu.memref_slice %dma_wait3A_189[%dma_wait3A_190, %dma_wait3A_191] : memref<10000x80xf32, #tpu.memory_space<hbm>> -> memref<10000x80xf32, #tpu.memory_space<hbm>>
      tpu.wait_indirect_dma semaphore(%arg17 : memref<!tpu.dma_semaphore, #tpu.memory_space<semaphore_mem>>) src(%dma_wait3A_192 : memref<10000x80xf32, #tpu.memory_space<hbm>>) dst(%dma_wait3A_183 : memref<80x80xf32, #tpu.memory_space<vmem>>)
      %dma_wait3A_193 = arith.constant 0 : i32
      %dma_wait3A_194 = arith.constant 80 : i32
      %dma_wait3A_195 = arith.constant 0 : i32
      %dma_wait3A_196 = tpu.memref_slice %arg16[%dma_wait3A_194, %dma_wait3A_195] : memref<400x16xf32, #tpu.memory_space<vmem>> -> memref<80x16xf32, #tpu.memory_space<vmem>>
      %dma_wait3A_197 = arith.constant 0 : i32
      %dma_wait3A_198 = arith.constant 0 : i32
      %dma_wait3A_199 = tpu.memref_slice %arg3[%dma_wait3A_193, %dma_wait3A_197, %dma_wait3A_198] : memref<1x10000x16xf32, #tpu.memory_space<hbm>> -> memref<1x10000x16xf32, #tpu.memory_space<hbm>>
      %dma_wait3A_200 = tpu.memref_squeeze %dma_wait3A_199 : memref<1x10000x16xf32, #tpu.memory_space<hbm>> -> memref<10000x16xf32, #tpu.memory_space<hbm>>
      %dma_wait3A_201 = arith.constant 0 : i32
      %dma_wait3A_202 = arith.constant 0 : i32
      %dma_wait3A_203 = tpu.memref_slice %dma_wait3A_200[%dma_wait3A_201, %dma_wait3A_202] : memref<10000x16xf32, #tpu.memory_space<hbm>> -> memref<10000x16xf32, #tpu.memory_space<hbm>>
      tpu.wait_indirect_dma semaphore(%arg17 : memref<!tpu.dma_semaphore, #tpu.memory_space<semaphore_mem>>) src(%dma_wait3A_203 : memref<10000x16xf32, #tpu.memory_space<hbm>>) dst(%dma_wait3A_196 : memref<80x16xf32, #tpu.memory_space<vmem>>)
      %dma_wait3A_204 = arith.constant 0 : i32
      %dma_wait3A_205 = arith.constant 160 : i32
      %dma_wait3A_206 = arith.constant 0 : i32
      %dma_wait3A_207 = tpu.memref_slice %arg15[%dma_wait3A_205, %dma_wait3A_206] : memref<400x80xf32, #tpu.memory_space<vmem>> -> memref<80x80xf32, #tpu.memory_space<vmem>>
      %dma_wait3A_208 = arith.constant 160 : i32
      %dma_wait3A_209 = tpu.memref_slice %arg9[%dma_wait3A_208] : memref<400xi32, #tpu.memory_space<vmem>> -> memref<80xi32, #tpu.memory_space<vmem>>
      %dma_wait3A_210 = arith.constant 0 : i32
      %dma_wait3A_211 = arith.constant 0 : i32
      %dma_wait3A_212 = tpu.memref_slice %arg2[%dma_wait3A_204, %dma_wait3A_210, %dma_wait3A_211] : memref<1x10000x80xf32, #tpu.memory_space<hbm>> -> memref<1x10000x80xf32, #tpu.memory_space<hbm>>
      %dma_wait3A_213 = tpu.memref_squeeze %dma_wait3A_212 : memref<1x10000x80xf32, #tpu.memory_space<hbm>> -> memref<10000x80xf32, #tpu.memory_space<hbm>>
      %dma_wait3A_214 = arith.constant 0 : i32
      %dma_wait3A_215 = arith.constant 0 : i32
      %dma_wait3A_216 = tpu.memref_slice %dma_wait3A_213[%dma_wait3A_214, %dma_wait3A_215] : memref<10000x80xf32, #tpu.memory_space<hbm>> -> memref<10000x80xf32, #tpu.memory_space<hbm>>
      tpu.wait_indirect_dma semaphore(%arg17 : memref<!tpu.dma_semaphore, #tpu.memory_space<semaphore_mem>>) src(%dma_wait3A_216 : memref<10000x80xf32, #tpu.memory_space<hbm>>) dst(%dma_wait3A_207 : memref<80x80xf32, #tpu.memory_space<vmem>>)
      %dma_wait3A_217 = arith.constant 0 : i32
      %dma_wait3A_218 = arith.constant 160 : i32
      %dma_wait3A_219 = arith.constant 0 : i32
      %dma_wait3A_220 = tpu.memref_slice %arg16[%dma_wait3A_218, %dma_wait3A_219] : memref<400x16xf32, #tpu.memory_space<vmem>> -> memref<80x16xf32, #tpu.memory_space<vmem>>
      %dma_wait3A_221 = arith.constant 0 : i32
      %dma_wait3A_222 = arith.constant 0 : i32
      %dma_wait3A_223 = tpu.memref_slice %arg3[%dma_wait3A_217, %dma_wait3A_221, %dma_wait3A_222] : memref<1x10000x16xf32, #tpu.memory_space<hbm>> -> memref<1x10000x16xf32, #tpu.memory_space<hbm>>
      %dma_wait3A_224 = tpu.memref_squeeze %dma_wait3A_223 : memref<1x10000x16xf32, #tpu.memory_space<hbm>> -> memref<10000x16xf32, #tpu.memory_space<hbm>>
      %dma_wait3A_225 = arith.constant 0 : i32
      %dma_wait3A_226 = arith.constant 0 : i32
      %dma_wait3A_227 = tpu.memref_slice %dma_wait3A_224[%dma_wait3A_225, %dma_wait3A_226] : memref<10000x16xf32, #tpu.memory_space<hbm>> -> memref<10000x16xf32, #tpu.memory_space<hbm>>
      tpu.wait_indirect_dma semaphore(%arg17 : memref<!tpu.dma_semaphore, #tpu.memory_space<semaphore_mem>>) src(%dma_wait3A_227 : memref<10000x16xf32, #tpu.memory_space<hbm>>) dst(%dma_wait3A_220 : memref<80x16xf32, #tpu.memory_space<vmem>>)
      %dma_wait3A_228 = arith.constant 0 : i32
      %dma_wait3A_229 = arith.constant 240 : i32
      %dma_wait3A_230 = arith.constant 0 : i32
      %dma_wait3A_231 = tpu.memref_slice %arg15[%dma_wait3A_229, %dma_wait3A_230] : memref<400x80xf32, #tpu.memory_space<vmem>> -> memref<80x80xf32, #tpu.memory_space<vmem>>
      %dma_wait3A_232 = arith.constant 240 : i32
      %dma_wait3A_233 = tpu.memref_slice %arg9[%dma_wait3A_232] : memref<400xi32, #tpu.memory_space<vmem>> -> memref<80xi32, #tpu.memory_space<vmem>>
      %dma_wait3A_234 = arith.constant 0 : i32
      %dma_wait3A_235 = arith.constant 0 : i32
      %dma_wait3A_236 = tpu.memref_slice %arg2[%dma_wait3A_228, %dma_wait3A_234, %dma_wait3A_235] : memref<1x10000x80xf32, #tpu.memory_space<hbm>> -> memref<1x10000x80xf32, #tpu.memory_space<hbm>>
      %dma_wait3A_237 = tpu.memref_squeeze %dma_wait3A_236 : memref<1x10000x80xf32, #tpu.memory_space<hbm>> -> memref<10000x80xf32, #tpu.memory_space<hbm>>
      %dma_wait3A_238 = arith.constant 0 : i32
      %dma_wait3A_239 = arith.constant 0 : i32
      %dma_wait3A_240 = tpu.memref_slice %dma_wait3A_237[%dma_wait3A_238, %dma_wait3A_239] : memref<10000x80xf32, #tpu.memory_space<hbm>> -> memref<10000x80xf32, #tpu.memory_space<hbm>>
      tpu.wait_indirect_dma semaphore(%arg17 : memref<!tpu.dma_semaphore, #tpu.memory_space<semaphore_mem>>) src(%dma_wait3A_240 : memref<10000x80xf32, #tpu.memory_space<hbm>>) dst(%dma_wait3A_231 : memref<80x80xf32, #tpu.memory_space<vmem>>)
      %dma_wait3A_241 = arith.constant 0 : i32
      %dma_wait3A_242 = arith.constant 240 : i32
      %dma_wait3A_243 = arith.constant 0 : i32
      %dma_wait3A_244 = tpu.memref_slice %arg16[%dma_wait3A_242, %dma_wait3A_243] : memref<400x16xf32, #tpu.memory_space<vmem>> -> memref<80x16xf32, #tpu.memory_space<vmem>>
      %dma_wait3A_245 = arith.constant 0 : i32
      %dma_wait3A_246 = arith.constant 0 : i32
      %dma_wait3A_247 = tpu.memref_slice %arg3[%dma_wait3A_241, %dma_wait3A_245, %dma_wait3A_246] : memref<1x10000x16xf32, #tpu.memory_space<hbm>> -> memref<1x10000x16xf32, #tpu.memory_space<hbm>>
      %dma_wait3A_248 = tpu.memref_squeeze %dma_wait3A_247 : memref<1x10000x16xf32, #tpu.memory_space<hbm>> -> memref<10000x16xf32, #tpu.memory_space<hbm>>
      %dma_wait3A_249 = arith.constant 0 : i32
      %dma_wait3A_250 = arith.constant 0 : i32
      %dma_wait3A_251 = tpu.memref_slice %dma_wait3A_248[%dma_wait3A_249, %dma_wait3A_250] : memref<10000x16xf32, #tpu.memory_space<hbm>> -> memref<10000x16xf32, #tpu.memory_space<hbm>>
      tpu.wait_indirect_dma semaphore(%arg17 : memref<!tpu.dma_semaphore, #tpu.memory_space<semaphore_mem>>) src(%dma_wait3A_251 : memref<10000x16xf32, #tpu.memory_space<hbm>>) dst(%dma_wait3A_244 : memref<80x16xf32, #tpu.memory_space<vmem>>)
      %dma_wait3A_252 = arith.constant 0 : i32
      %dma_wait3A_253 = arith.constant 320 : i32
      %dma_wait3A_254 = arith.constant 0 : i32
      %dma_wait3A_255 = tpu.memref_slice %arg15[%dma_wait3A_253, %dma_wait3A_254] : memref<400x80xf32, #tpu.memory_space<vmem>> -> memref<80x80xf32, #tpu.memory_space<vmem>>
      %dma_wait3A_256 = arith.constant 320 : i32
      %dma_wait3A_257 = tpu.memref_slice %arg9[%dma_wait3A_256] : memref<400xi32, #tpu.memory_space<vmem>> -> memref<80xi32, #tpu.memory_space<vmem>>
      %dma_wait3A_258 = arith.constant 0 : i32
      %dma_wait3A_259 = arith.constant 0 : i32
      %dma_wait3A_260 = tpu.memref_slice %arg2[%dma_wait3A_252, %dma_wait3A_258, %dma_wait3A_259] : memref<1x10000x80xf32, #tpu.memory_space<hbm>> -> memref<1x10000x80xf32, #tpu.memory_space<hbm>>
      %dma_wait3A_261 = tpu.memref_squeeze %dma_wait3A_260 : memref<1x10000x80xf32, #tpu.memory_space<hbm>> -> memref<10000x80xf32, #tpu.memory_space<hbm>>
      %dma_wait3A_262 = arith.constant 0 : i32
      %dma_wait3A_263 = arith.constant 0 : i32
      %dma_wait3A_264 = tpu.memref_slice %dma_wait3A_261[%dma_wait3A_262, %dma_wait3A_263] : memref<10000x80xf32, #tpu.memory_space<hbm>> -> memref<10000x80xf32, #tpu.memory_space<hbm>>
      tpu.wait_indirect_dma semaphore(%arg17 : memref<!tpu.dma_semaphore, #tpu.memory_space<semaphore_mem>>) src(%dma_wait3A_264 : memref<10000x80xf32, #tpu.memory_space<hbm>>) dst(%dma_wait3A_255 : memref<80x80xf32, #tpu.memory_space<vmem>>)
      %dma_wait3A_265 = arith.constant 0 : i32
      %dma_wait3A_266 = arith.constant 320 : i32
      %dma_wait3A_267 = arith.constant 0 : i32
      %dma_wait3A_268 = tpu.memref_slice %arg16[%dma_wait3A_266, %dma_wait3A_267] : memref<400x16xf32, #tpu.memory_space<vmem>> -> memref<80x16xf32, #tpu.memory_space<vmem>>
      %dma_wait3A_269 = arith.constant 0 : i32
      %dma_wait3A_270 = arith.constant 0 : i32
      %dma_wait3A_271 = tpu.memref_slice %arg3[%dma_wait3A_265, %dma_wait3A_269, %dma_wait3A_270] : memref<1x10000x16xf32, #tpu.memory_space<hbm>> -> memref<1x10000x16xf32, #tpu.memory_space<hbm>>
      %dma_wait3A_272 = tpu.memref_squeeze %dma_wait3A_271 : memref<1x10000x16xf32, #tpu.memory_space<hbm>> -> memref<10000x16xf32, #tpu.memory_space<hbm>>
      %dma_wait3A_273 = arith.constant 0 : i32
      %dma_wait3A_274 = arith.constant 0 : i32
      %dma_wait3A_275 = tpu.memref_slice %dma_wait3A_272[%dma_wait3A_273, %dma_wait3A_274] : memref<10000x16xf32, #tpu.memory_space<hbm>> -> memref<10000x16xf32, #tpu.memory_space<hbm>>
      tpu.wait_indirect_dma semaphore(%arg17 : memref<!tpu.dma_semaphore, #tpu.memory_space<semaphore_mem>>) src(%dma_wait3A_275 : memref<10000x16xf32, #tpu.memory_space<hbm>>) dst(%dma_wait3A_268 : memref<80x16xf32, #tpu.memory_space<vmem>>)
      %scan3A_276 = arith.constant 0 : i32
      %scan3A_277 = arith.constant 0 : i32
      %scan3A_278 = arith.constant 400 : i32
      %scan3A_279 = arith.addi %scan3A_277, %scan3A_278 : i32
      %scan3A_280 = arith.constant 1 : i32
      scf.for %scan3A_282 = %scan3A_277 to %scan3A_279 step %scan3A_280  : i32 {
        %get3A = arith.index_cast %scan3A_282 : i32 to index
        %get3A_283 = arith.constant 64 : index
        %get3A_284 = tpu.vector_load %arg15[%get3A, %get3A_283] {strides = array<i32>} : memref<400x80xf32, #tpu.memory_space<vmem>>, vector<1x16xf32>,
        %get3A_285 = vector.shape_cast %get3A_284 : vector<1x16xf32> to vector<16xf32>
        %get3A_286 = arith.index_cast %scan3A_282 : i32 to index
        %get3A_287 = arith.constant 0 : index
        %get3A_288 = tpu.vector_load %arg16[%get3A_286, %get3A_287] {strides = array<i32>} : memref<400x16xf32, #tpu.memory_space<vmem>>, vector<1x16xf32>,
        %get3A_289 = vector.shape_cast %get3A_288 : vector<1x16xf32> to vector<16xf32>
        %add3A_290 = arith.addf %get3A_285, %get3A_289 : vector<16xf32>
        %ge3A = arith.constant 0.000000e+00 : f32
        %ge3A_291 = vector.broadcast %ge3A : f32 to vector<16xf32>
        %ge3A_292 = arith.cmpf oge, %add3A_290, %ge3A_291 : vector<16xf32>
        %mul3A_293 = arith.constant 2.000000e-01 : f32
        %mul3A_294 = vector.broadcast %mul3A_293 : f32 to vector<16xf32>
        %mul3A_295 = arith.mulf %mul3A_294, %add3A_290 : vector<16xf32>
        %select_n3A = arith.select %ge3A_292, %add3A_290, %mul3A_295 : vector<16xi1>, vector<16xf32>
        %exp3A = math.exp %select_n3A : vector<16xf32>
        %slice3A = vector.extract_strided_slice %exp3A {offsets = [0], sizes = [1], strides = [1]} : vector<16xf32> to vector<1xf32>
        %squeeze3A = vector.extract %slice3A[0] : f32 from vector<1xf32>
        %get3A_296 = arith.index_cast %scan3A_282 : i32 to index
        %get3A_297 = arith.constant 0 : index
        %get3A_298 = tpu.vector_load %arg15[%get3A_296, %get3A_297] {strides = array<i32>} : memref<400x80xf32, #tpu.memory_space<vmem>>, vector<1x16xf32>,
        %get3A_299 = vector.shape_cast %get3A_298 : vector<1x16xf32> to vector<16xf32>
        %mul3A_300 = vector.broadcast %squeeze3A : f32 to vector<16xf32>
        %mul3A_301 = arith.mulf %get3A_299, %mul3A_300 : vector<16xf32>
        %swap3A = arith.index_cast %scan3A_282 : i32 to index
        %swap3A_302 = arith.constant 0 : index
        %swap3A_303 = tpu.vector_load %arg15[%swap3A, %swap3A_302] {strides = array<i32>} : memref<400x80xf32, #tpu.memory_space<vmem>>, vector<1x16xf32>,
        %swap3A_304 = vector.shape_cast %swap3A_303 : vector<1x16xf32> to vector<16xf32>
        %swap3A_305 = vector.shape_cast %mul3A_301 : vector<16xf32> to vector<1x16xf32>
        tpu.vector_store %arg15[%swap3A, %swap3A_302], %swap3A_305 {strides = array<i32>} : memref<400x80xf32, #tpu.memory_space<vmem>>, vector<1x16xf32>,
        %get3A_306 = arith.index_cast %scan3A_282 : i32 to index
        %get3A_307 = arith.constant 16 : index
        %get3A_308 = tpu.vector_load %arg15[%get3A_306, %get3A_307] {strides = array<i32>} : memref<400x80xf32, #tpu.memory_space<vmem>>, vector<1x16xf32>,
        %get3A_309 = vector.shape_cast %get3A_308 : vector<1x16xf32> to vector<16xf32>
        %mul3A_310 = vector.broadcast %squeeze3A : f32 to vector<16xf32>
        %mul3A_311 = arith.mulf %get3A_309, %mul3A_310 : vector<16xf32>
        %swap3A_312 = arith.index_cast %scan3A_282 : i32 to index
        %swap3A_313 = arith.constant 16 : index
        %swap3A_314 = tpu.vector_load %arg15[%swap3A_312, %swap3A_313] {strides = array<i32>} : memref<400x80xf32, #tpu.memory_space<vmem>>, vector<1x16xf32>,
        %swap3A_315 = vector.shape_cast %swap3A_314 : vector<1x16xf32> to vector<16xf32>
        %swap3A_316 = vector.shape_cast %mul3A_311 : vector<16xf32> to vector<1x16xf32>
        tpu.vector_store %arg15[%swap3A_312, %swap3A_313], %swap3A_316 {strides = array<i32>} : memref<400x80xf32, #tpu.memory_space<vmem>>, vector<1x16xf32>,
        %get3A_317 = arith.index_cast %scan3A_282 : i32 to index
        %get3A_318 = arith.constant 32 : index
        %get3A_319 = tpu.vector_load %arg15[%get3A_317, %get3A_318] {strides = array<i32>} : memref<400x80xf32, #tpu.memory_space<vmem>>, vector<1x16xf32>,
        %get3A_320 = vector.shape_cast %get3A_319 : vector<1x16xf32> to vector<16xf32>
        %mul3A_321 = vector.broadcast %squeeze3A : f32 to vector<16xf32>
        %mul3A_322 = arith.mulf %get3A_320, %mul3A_321 : vector<16xf32>
        %swap3A_323 = arith.index_cast %scan3A_282 : i32 to index
        %swap3A_324 = arith.constant 32 : index
        %swap3A_325 = tpu.vector_load %arg15[%swap3A_323, %swap3A_324] {strides = array<i32>} : memref<400x80xf32, #tpu.memory_space<vmem>>, vector<1x16xf32>,
        %swap3A_326 = vector.shape_cast %swap3A_325 : vector<1x16xf32> to vector<16xf32>
        %swap3A_327 = vector.shape_cast %mul3A_322 : vector<16xf32> to vector<1x16xf32>
        tpu.vector_store %arg15[%swap3A_323, %swap3A_324], %swap3A_327 {strides = array<i32>} : memref<400x80xf32, #tpu.memory_space<vmem>>, vector<1x16xf32>,
        %get3A_328 = arith.index_cast %scan3A_282 : i32 to index
        %get3A_329 = arith.constant 48 : index
        %get3A_330 = tpu.vector_load %arg15[%get3A_328, %get3A_329] {strides = array<i32>} : memref<400x80xf32, #tpu.memory_space<vmem>>, vector<1x16xf32>,
        %get3A_331 = vector.shape_cast %get3A_330 : vector<1x16xf32> to vector<16xf32>
        %mul3A_332 = vector.broadcast %squeeze3A : f32 to vector<16xf32>
        %mul3A_333 = arith.mulf %get3A_331, %mul3A_332 : vector<16xf32>
        %swap3A_334 = arith.index_cast %scan3A_282 : i32 to index
        %swap3A_335 = arith.constant 48 : index
        %swap3A_336 = tpu.vector_load %arg15[%swap3A_334, %swap3A_335] {strides = array<i32>} : memref<400x80xf32, #tpu.memory_space<vmem>>, vector<1x16xf32>,
        %swap3A_337 = vector.shape_cast %swap3A_336 : vector<1x16xf32> to vector<16xf32>
        %swap3A_338 = vector.shape_cast %mul3A_333 : vector<16xf32> to vector<1x16xf32>
        tpu.vector_store %arg15[%swap3A_334, %swap3A_335], %swap3A_338 {strides = array<i32>} : memref<400x80xf32, #tpu.memory_space<vmem>>, vector<1x16xf32>,
        %broadcast_in_dim3A = arith.constant 0.000000e+00 : f32
        %broadcast_in_dim3A_339 = vector.broadcast %broadcast_in_dim3A : f32 to vector<16xf32>
        %eq3A_340 = arith.constant 1 : i32
        %eq3A_341 = vector.broadcast %eq3A_340 : i32 to vector<16xi32>
        %eq3A_342 = arith.cmpi eq, %iota3A, %eq3A_341 : vector<16xi32>
        %broadcast_in_dim3A_343 = vector.broadcast %squeeze3A : f32 to vector<16xf32>
        %select_n3A_344 = arith.select %eq3A_342, %broadcast_in_dim3A_343, %broadcast_in_dim3A_339 : vector<16xi1>, vector<16xf32>
        %mul3A_345 = arith.mulf %get3A_285, %select_n3A_344 : vector<16xf32>
        %swap3A_346 = arith.index_cast %scan3A_282 : i32 to index
        %swap3A_347 = arith.constant 64 : index
        %swap3A_348 = tpu.vector_load %arg15[%swap3A_346, %swap3A_347] {strides = array<i32>} : memref<400x80xf32, #tpu.memory_space<vmem>>, vector<1x16xf32>,
        %swap3A_349 = vector.shape_cast %swap3A_348 : vector<1x16xf32> to vector<16xf32>
        %swap3A_350 = vector.shape_cast %mul3A_345 : vector<16xf32> to vector<1x16xf32>
        tpu.vector_store %arg15[%swap3A_346, %swap3A_347], %swap3A_350 {strides = array<i32>} : memref<400x80xf32, #tpu.memory_space<vmem>>, vector<1x16xf32>,
      }
      %scan3A_281 = arith.constant 400 : i32
      "tpu.region"() ({
        %run_scoped3A = tpu.sem_alloc : memref<!tpu.dma_semaphore, #tpu.memory_space<semaphore_mem>>
        %dma_start3A_282 = arith.constant 0 : i32
        %dma_start3A_283 = arith.constant 0 : i32
        %dma_start3A_284 = tpu.memref_slice %arg15[%dma_start3A_282, %dma_start3A_283] : memref<400x80xf32, #tpu.memory_space<vmem>> -> memref<80x80xf32, #tpu.memory_space<vmem>>
        %dma_start3A_285 = arith.constant 0 : i32
        %dma_start3A_286 = arith.constant 0 : i32
        %dma_start3A_287 = tpu.memref_slice %arg8[%dma_start3A_285, %dma_start3A_286] : memref<10000x80xf32, #tpu.memory_space<vmem_shared>> -> memref<10000x80xf32, #tpu.memory_space<vmem_shared>>
        tpu.enqueue_indirect_dma source(%dma_start3A_284 : memref<80x80xf32, #tpu.memory_space<vmem>>) target(%dma_start3A_287 : memref<10000x80xf32, #tpu.memory_space<vmem_shared>>) offsets(%arg10 : memref<80xi32, #tpu.memory_space<vmem>>) semaphore(%run_scoped3A : memref<!tpu.dma_semaphore, #tpu.memory_space<semaphore_mem>>) {add = true}
        %dma_wait3A_288 = arith.constant 0 : i32
        %dma_wait3A_289 = arith.constant 0 : i32
        %dma_wait3A_290 = tpu.memref_slice %arg15[%dma_wait3A_288, %dma_wait3A_289] : memref<400x80xf32, #tpu.memory_space<vmem>> -> memref<80x80xf32, #tpu.memory_space<vmem>>
        %dma_wait3A_291 = arith.constant 0 : i32
        %dma_wait3A_292 = arith.constant 0 : i32
        %dma_wait3A_293 = tpu.memref_slice %arg8[%dma_wait3A_291, %dma_wait3A_292] : memref<10000x80xf32, #tpu.memory_space<vmem_shared>> -> memref<10000x80xf32, #tpu.memory_space<vmem_shared>>
        tpu.wait_indirect_dma semaphore(%run_scoped3A : memref<!tpu.dma_semaphore, #tpu.memory_space<semaphore_mem>>) src(%dma_wait3A_290 : memref<80x80xf32, #tpu.memory_space<vmem>>) dst(%dma_wait3A_293 : memref<10000x80xf32, #tpu.memory_space<vmem_shared>>)
        tpu.yield
      }) : () -> ()
      "tpu.region"() ({
        %run_scoped3A = tpu.sem_alloc : memref<!tpu.dma_semaphore, #tpu.memory_space<semaphore_mem>>
        %dma_start3A_282 = arith.constant 80 : i32
        %dma_start3A_283 = arith.constant 0 : i32
        %dma_start3A_284 = tpu.memref_slice %arg15[%dma_start3A_282, %dma_start3A_283] : memref<400x80xf32, #tpu.memory_space<vmem>> -> memref<80x80xf32, #tpu.memory_space<vmem>>
        %dma_start3A_285 = arith.constant 0 : i32
        %dma_start3A_286 = arith.constant 0 : i32
        %dma_start3A_287 = tpu.memref_slice %arg8[%dma_start3A_285, %dma_start3A_286] : memref<10000x80xf32, #tpu.memory_space<vmem_shared>> -> memref<10000x80xf32, #tpu.memory_space<vmem_shared>>
        tpu.enqueue_indirect_dma source(%dma_start3A_284 : memref<80x80xf32, #tpu.memory_space<vmem>>) target(%dma_start3A_287 : memref<10000x80xf32, #tpu.memory_space<vmem_shared>>) offsets(%arg11 : memref<80xi32, #tpu.memory_space<vmem>>) semaphore(%run_scoped3A : memref<!tpu.dma_semaphore, #tpu.memory_space<semaphore_mem>>) {add = true}
        %dma_wait3A_288 = arith.constant 80 : i32
        %dma_wait3A_289 = arith.constant 0 : i32
        %dma_wait3A_290 = tpu.memref_slice %arg15[%dma_wait3A_288, %dma_wait3A_289] : memref<400x80xf32, #tpu.memory_space<vmem>> -> memref<80x80xf32, #tpu.memory_space<vmem>>
        %dma_wait3A_291 = arith.constant 0 : i32
        %dma_wait3A_292 = arith.constant 0 : i32
        %dma_wait3A_293 = tpu.memref_slice %arg8[%dma_wait3A_291, %dma_wait3A_292] : memref<10000x80xf32, #tpu.memory_space<vmem_shared>> -> memref<10000x80xf32, #tpu.memory_space<vmem_shared>>
        tpu.wait_indirect_dma semaphore(%run_scoped3A : memref<!tpu.dma_semaphore, #tpu.memory_space<semaphore_mem>>) src(%dma_wait3A_290 : memref<80x80xf32, #tpu.memory_space<vmem>>) dst(%dma_wait3A_293 : memref<10000x80xf32, #tpu.memory_space<vmem_shared>>)
        tpu.yield
      }) : () -> ()
      "tpu.region"() ({
        %run_scoped3A = tpu.sem_alloc : memref<!tpu.dma_semaphore, #tpu.memory_space<semaphore_mem>>
        %dma_start3A_282 = arith.constant 160 : i32
        %dma_start3A_283 = arith.constant 0 : i32
        %dma_start3A_284 = tpu.memref_slice %arg15[%dma_start3A_282, %dma_start3A_283] : memref<400x80xf32, #tpu.memory_space<vmem>> -> memref<80x80xf32, #tpu.memory_space<vmem>>
        %dma_start3A_285 = arith.constant 0 : i32
        %dma_start3A_286 = arith.constant 0 : i32
        %dma_start3A_287 = tpu.memref_slice %arg8[%dma_start3A_285, %dma_start3A_286] : memref<10000x80xf32, #tpu.memory_space<vmem_shared>> -> memref<10000x80xf32, #tpu.memory_space<vmem_shared>>
        tpu.enqueue_indirect_dma source(%dma_start3A_284 : memref<80x80xf32, #tpu.memory_space<vmem>>) target(%dma_start3A_287 : memref<10000x80xf32, #tpu.memory_space<vmem_shared>>) offsets(%arg12 : memref<80xi32, #tpu.memory_space<vmem>>) semaphore(%run_scoped3A : memref<!tpu.dma_semaphore, #tpu.memory_space<semaphore_mem>>) {add = true}
        %dma_wait3A_288 = arith.constant 160 : i32
        %dma_wait3A_289 = arith.constant 0 : i32
        %dma_wait3A_290 = tpu.memref_slice %arg15[%dma_wait3A_288, %dma_wait3A_289] : memref<400x80xf32, #tpu.memory_space<vmem>> -> memref<80x80xf32, #tpu.memory_space<vmem>>
        %dma_wait3A_291 = arith.constant 0 : i32
        %dma_wait3A_292 = arith.constant 0 : i32
        %dma_wait3A_293 = tpu.memref_slice %arg8[%dma_wait3A_291, %dma_wait3A_292] : memref<10000x80xf32, #tpu.memory_space<vmem_shared>> -> memref<10000x80xf32, #tpu.memory_space<vmem_shared>>
        tpu.wait_indirect_dma semaphore(%run_scoped3A : memref<!tpu.dma_semaphore, #tpu.memory_space<semaphore_mem>>) src(%dma_wait3A_290 : memref<80x80xf32, #tpu.memory_space<vmem>>) dst(%dma_wait3A_293 : memref<10000x80xf32, #tpu.memory_space<vmem_shared>>)
        tpu.yield
      }) : () -> ()
      "tpu.region"() ({
        %run_scoped3A = tpu.sem_alloc : memref<!tpu.dma_semaphore, #tpu.memory_space<semaphore_mem>>
        %dma_start3A_282 = arith.constant 240 : i32
        %dma_start3A_283 = arith.constant 0 : i32
        %dma_start3A_284 = tpu.memref_slice %arg15[%dma_start3A_282, %dma_start3A_283] : memref<400x80xf32, #tpu.memory_space<vmem>> -> memref<80x80xf32, #tpu.memory_space<vmem>>
        %dma_start3A_285 = arith.constant 0 : i32
        %dma_start3A_286 = arith.constant 0 : i32
        %dma_start3A_287 = tpu.memref_slice %arg8[%dma_start3A_285, %dma_start3A_286] : memref<10000x80xf32, #tpu.memory_space<vmem_shared>> -> memref<10000x80xf32, #tpu.memory_space<vmem_shared>>
        tpu.enqueue_indirect_dma source(%dma_start3A_284 : memref<80x80xf32, #tpu.memory_space<vmem>>) target(%dma_start3A_287 : memref<10000x80xf32, #tpu.memory_space<vmem_shared>>) offsets(%arg13 : memref<80xi32, #tpu.memory_space<vmem>>) semaphore(%run_scoped3A : memref<!tpu.dma_semaphore, #tpu.memory_space<semaphore_mem>>) {add = true}
        %dma_wait3A_288 = arith.constant 240 : i32
        %dma_wait3A_289 = arith.constant 0 : i32
        %dma_wait3A_290 = tpu.memref_slice %arg15[%dma_wait3A_288, %dma_wait3A_289] : memref<400x80xf32, #tpu.memory_space<vmem>> -> memref<80x80xf32, #tpu.memory_space<vmem>>
        %dma_wait3A_291 = arith.constant 0 : i32
        %dma_wait3A_292 = arith.constant 0 : i32
        %dma_wait3A_293 = tpu.memref_slice %arg8[%dma_wait3A_291, %dma_wait3A_292] : memref<10000x80xf32, #tpu.memory_space<vmem_shared>> -> memref<10000x80xf32, #tpu.memory_space<vmem_shared>>
        tpu.wait_indirect_dma semaphore(%run_scoped3A : memref<!tpu.dma_semaphore, #tpu.memory_space<semaphore_mem>>) src(%dma_wait3A_290 : memref<80x80xf32, #tpu.memory_space<vmem>>) dst(%dma_wait3A_293 : memref<10000x80xf32, #tpu.memory_space<vmem_shared>>)
        tpu.yield
      }) : () -> ()
      "tpu.region"() ({
        %run_scoped3A = tpu.sem_alloc : memref<!tpu.dma_semaphore, #tpu.memory_space<semaphore_mem>>
        %dma_start3A_282 = arith.constant 320 : i32
        %dma_start3A_283 = arith.constant 0 : i32
        %dma_start3A_284 = tpu.memref_slice %arg15[%dma_start3A_282, %dma_start3A_283] : memref<400x80xf32, #tpu.memory_space<vmem>> -> memref<80x80xf32, #tpu.memory_space<vmem>>
        %dma_start3A_285 = arith.constant 0 : i32
        %dma_start3A_286 = arith.constant 0 : i32
        %dma_start3A_287 = tpu.memref_slice %arg8[%dma_start3A_285, %dma_start3A_286] : memref<10000x80xf32, #tpu.memory_space<vmem_shared>> -> memref<10000x80xf32, #tpu.memory_space<vmem_shared>>
        tpu.enqueue_indirect_dma source(%dma_start3A_284 : memref<80x80xf32, #tpu.memory_space<vmem>>) target(%dma_start3A_287 : memref<10000x80xf32, #tpu.memory_space<vmem_shared>>) offsets(%arg14 : memref<80xi32, #tpu.memory_space<vmem>>) semaphore(%run_scoped3A : memref<!tpu.dma_semaphore, #tpu.memory_space<semaphore_mem>>) {add = true}
        %dma_wait3A_288 = arith.constant 320 : i32
        %dma_wait3A_289 = arith.constant 0 : i32
        %dma_wait3A_290 = tpu.memref_slice %arg15[%dma_wait3A_288, %dma_wait3A_289] : memref<400x80xf32, #tpu.memory_space<vmem>> -> memref<80x80xf32, #tpu.memory_space<vmem>>
        %dma_wait3A_291 = arith.constant 0 : i32
        %dma_wait3A_292 = arith.constant 0 : i32
        %dma_wait3A_293 = tpu.memref_slice %arg8[%dma_wait3A_291, %dma_wait3A_292] : memref<10000x80xf32, #tpu.memory_space<vmem_shared>> -> memref<10000x80xf32, #tpu.memory_space<vmem_shared>>
        tpu.wait_indirect_dma semaphore(%run_scoped3A : memref<!tpu.dma_semaphore, #tpu.memory_space<semaphore_mem>>) src(%dma_wait3A_290 : memref<80x80xf32, #tpu.memory_space<vmem>>) dst(%dma_wait3A_293 : memref<10000x80xf32, #tpu.memory_space<vmem_shared>>)
        tpu.yield
      }) : () -> ()
    }
    %scan3A_13 = arith.constant 25 : i32
    %barrier3A_14 = arith.constant 0 : index
    tpu.barrier barrier_id(%barrier3A_14)
    %mul3A_15 = arith.constant 624 : i32
    %mul3A_16 = arith.muli %arg1, %mul3A_15 : i32
    %mul3A_17 = arith.constant 624 : i32
    %mul3A_18 = arith.muli %arg1, %mul3A_17 : i32
    "tpu.region"() ({
      %run_scoped3A = tpu.sem_alloc : memref<!tpu.dma_semaphore, #tpu.memory_space<semaphore_mem>>
      %dma_start3A = arith.constant 0 : i32
      %dma_start3A_24 = arith.constant 0 : i32
      %dma_start3A_25 = tpu.memref_slice %arg7[%arg0, %dma_start3A, %dma_start3A_24] : memref<2x10000x80xf32, #tpu.memory_space<hbm>> -> memref<1x10000x80xf32, #tpu.memory_space<hbm>>
      %dma_start3A_26 = tpu.memref_squeeze %dma_start3A_25 : memref<1x10000x80xf32, #tpu.memory_space<hbm>> -> memref<10000x80xf32, #tpu.memory_space<hbm>>
      %dma_start3A_27 = arith.constant 0 : i32
      %dma_start3A_28 = tpu.memref_slice %dma_start3A_26[%mul3A_18, %dma_start3A_27] : memref<10000x80xf32, #tpu.memory_space<hbm>> -> memref<624x80xf32, #tpu.memory_space<hbm>>
      %dma_start3A_29 = arith.constant 0 : i32
      %dma_start3A_30 = tpu.memref_slice %arg8[%mul3A_16, %dma_start3A_29] : memref<10000x80xf32, #tpu.memory_space<vmem_shared>> -> memref<624x80xf32, #tpu.memory_space<vmem_shared>>
      tpu.enqueue_dma source(%dma_start3A_30 : memref<624x80xf32, #tpu.memory_space<vmem_shared>>) target(%dma_start3A_28 : memref<624x80xf32, #tpu.memory_space<hbm>>) target_semaphore(%run_scoped3A : memref<!tpu.dma_semaphore, #tpu.memory_space<semaphore_mem>>)
      %dma_wait3A = arith.constant 0 : i32
      %dma_wait3A_31 = arith.constant 0 : i32
      %dma_wait3A_32 = tpu.memref_slice %arg7[%arg0, %dma_wait3A, %dma_wait3A_31] : memref<2x10000x80xf32, #tpu.memory_space<hbm>> -> memref<1x10000x80xf32, #tpu.memory_space<hbm>>
      %dma_wait3A_33 = tpu.memref_squeeze %dma_wait3A_32 : memref<1x10000x80xf32, #tpu.memory_space<hbm>> -> memref<10000x80xf32, #tpu.memory_space<hbm>>
      %dma_wait3A_34 = arith.constant 0 : i32
      %dma_wait3A_35 = tpu.memref_slice %dma_wait3A_33[%mul3A_18, %dma_wait3A_34] : memref<10000x80xf32, #tpu.memory_space<hbm>> -> memref<624x80xf32, #tpu.memory_space<hbm>>
      %dma_wait3A_36 = arith.constant 0 : i32
      %dma_wait3A_37 = tpu.memref_slice %arg8[%mul3A_16, %dma_wait3A_36] : memref<10000x80xf32, #tpu.memory_space<vmem_shared>> -> memref<624x80xf32, #tpu.memory_space<vmem_shared>>
      tpu.wait_dma2 semaphore(%run_scoped3A : memref<!tpu.dma_semaphore, #tpu.memory_space<semaphore_mem>>) src(%dma_wait3A_37 : memref<624x80xf32, #tpu.memory_space<vmem_shared>>) dst(%dma_wait3A_35 : memref<624x80xf32, #tpu.memory_space<hbm>>)
      tpu.yield
    }) : () -> ()
    %eq3A_19 = arith.constant 15 : i32
    %eq3A_20 = arith.cmpi eq, %arg1, %eq3A_19 : i32
    %convert_element_type3A_21 = arith.extui %eq3A_20 : i1 to i32
    %cond3A_22 = arith.constant 0 : i32
    %cond3A_23 = arith.cmpi ne, %convert_element_type3A_21, %cond3A_22 : i32
    scf.if %cond3A_23 {
      "tpu.region"() ({
        %run_scoped3A = tpu.sem_alloc : memref<!tpu.dma_semaphore, #tpu.memory_space<semaphore_mem>>
        %dma_start3A = arith.constant 0 : i32
        %dma_start3A_24 = arith.constant 0 : i32
        %dma_start3A_25 = tpu.memref_slice %arg7[%arg0, %dma_start3A, %dma_start3A_24] : memref<2x10000x80xf32, #tpu.memory_space<hbm>> -> memref<1x10000x80xf32, #tpu.memory_space<hbm>>
        %dma_start3A_26 = tpu.memref_squeeze %dma_start3A_25 : memref<1x10000x80xf32, #tpu.memory_space<hbm>> -> memref<10000x80xf32, #tpu.memory_space<hbm>>
        %dma_start3A_27 = arith.constant 9984 : i32
        %dma_start3A_28 = arith.constant 0 : i32
        %dma_start3A_29 = tpu.memref_slice %dma_start3A_26[%dma_start3A_27, %dma_start3A_28] : memref<10000x80xf32, #tpu.memory_space<hbm>> -> memref<16x80xf32, #tpu.memory_space<hbm>>
        %dma_start3A_30 = arith.constant 9984 : i32
        %dma_start3A_31 = arith.constant 0 : i32
        %dma_start3A_32 = tpu.memref_slice %arg8[%dma_start3A_30, %dma_start3A_31] : memref<10000x80xf32, #tpu.memory_space<vmem_shared>> -> memref<16x80xf32, #tpu.memory_space<vmem_shared>>
        tpu.enqueue_dma source(%dma_start3A_32 : memref<16x80xf32, #tpu.memory_space<vmem_shared>>) target(%dma_start3A_29 : memref<16x80xf32, #tpu.memory_space<hbm>>) target_semaphore(%run_scoped3A : memref<!tpu.dma_semaphore, #tpu.memory_space<semaphore_mem>>)
        %dma_wait3A = arith.constant 0 : i32
        %dma_wait3A_33 = arith.constant 0 : i32
        %dma_wait3A_34 = tpu.memref_slice %arg7[%arg0, %dma_wait3A, %dma_wait3A_33] : memref<2x10000x80xf32, #tpu.memory_space<hbm>> -> memref<1x10000x80xf32, #tpu.memory_space<hbm>>
        %dma_wait3A_35 = tpu.memref_squeeze %dma_wait3A_34 : memref<1x10000x80xf32, #tpu.memory_space<hbm>> -> memref<10000x80xf32, #tpu.memory_space<hbm>>
        %dma_wait3A_36 = arith.constant 9984 : i32
        %dma_wait3A_37 = arith.constant 0 : i32
        %dma_wait3A_38 = tpu.memref_slice %dma_wait3A_35[%dma_wait3A_36, %dma_wait3A_37] : memref<10000x80xf32, #tpu.memory_space<hbm>> -> memref<16x80xf32, #tpu.memory_space<hbm>>
        %dma_wait3A_39 = arith.constant 9984 : i32
        %dma_wait3A_40 = arith.constant 0 : i32
        %dma_wait3A_41 = tpu.memref_slice %arg8[%dma_wait3A_39, %dma_wait3A_40] : memref<10000x80xf32, #tpu.memory_space<vmem_shared>> -> memref<16x80xf32, #tpu.memory_space<vmem_shared>>
        tpu.wait_dma2 semaphore(%run_scoped3A : memref<!tpu.dma_semaphore, #tpu.memory_space<semaphore_mem>>) src(%dma_wait3A_41 : memref<16x80xf32, #tpu.memory_space<vmem_shared>>) dst(%dma_wait3A_38 : memref<16x80xf32, #tpu.memory_space<hbm>>)
        tpu.yield
      }) : () -> ()
    } else {
    }
    return
  }
}

#map = affine_map<(d0, d1) -> (0, 0, 0)>
#map1 = affine_map<(d0, d1) -> (0)>
#map2 = affine_map<(d0, d1) -> (0, 0)>
module attributes {stable_mosaic.version = 14 : i64} {
  func.func @agg(%arg0: i32, %arg1: i32, %arg2: memref<1x10000x80xf32, #tpu.memory_space<hbm>>, %arg3: memref<1x10000x16xf32, #tpu.memory_space<hbm>>, %arg4: memref<320000xi32, #tpu.memory_space<hbm>>, %arg5: memref<320000xi32, #tpu.memory_space<hbm>>, %arg6: memref<10000x80xf32, #tpu.memory_space<hbm>>, %arg7: memref<2x10000x80xf32, #tpu.memory_space<hbm>>, %arg8: memref<10000x80xf32, #tpu.memory_space<vmem_shared>>, %arg9: memref<400xi32, #tpu.memory_space<vmem>>, %arg10: memref<80xi32, #tpu.memory_space<vmem>>, %arg11: memref<80xi32, #tpu.memory_space<vmem>>, %arg12: memref<80xi32, #tpu.memory_space<vmem>>, %arg13: memref<80xi32, #tpu.memory_space<vmem>>, %arg14: memref<80xi32, #tpu.memory_space<vmem>>, %arg15: memref<400x80xf32, #tpu.memory_space<vmem>>, %arg16: memref<400x16xf32, #tpu.memory_space<vmem>>, %arg17: memref<!tpu.dma_semaphore, #tpu.memory_space<semaphore_mem>>) attributes {dimension_semantics = [#tpu.dimension_semantics<core_parallel>, #tpu.dimension_semantics<subcore_parallel>], iteration_bounds = array<i64: 2, 16>, scalar_prefetch = 0 : i64, scratch_operands = 10 : i64, tpu.core_type = #tpu.core_type<sc_vector_subcore>, window_params = [{transform_indices = #map}, {transform_indices = #map}, {transform_indices = #map1}, {transform_indices = #map1}, {transform_indices = #map2}, {transform_indices = #map}]} {
    %mul3A = arith.constant 624 : i32
    %mul3A_0 = arith.muli %arg1, %mul3A : i32
    %mul3A_1 = arith.constant 624 : i32
    %mul3A_2 = arith.muli %arg1, %mul3A_1 : i32
    "tpu.region"() ({
      %run_scoped3A = tpu.sem_alloc : memref<!tpu.dma_semaphore, #tpu.memory_space<semaphore_mem>>
      %dma_start3A = arith.constant 0 : i32
      %dma_start3A_24 = tpu.memref_slice %arg8[%mul3A_2, %dma_start3A] : memref<10000x80xf32, #tpu.memory_space<vmem_shared>> -> memref<624x80xf32, #tpu.memory_space<vmem_shared>>
      %dma_start3A_25 = arith.constant 0 : i32
      %dma_start3A_26 = tpu.memref_slice %arg6[%mul3A_0, %dma_start3A_25] : memref<10000x80xf32, #tpu.memory_space<hbm>> -> memref<624x80xf32, #tpu.memory_space<hbm>>
      tpu.enqueue_dma source(%dma_start3A_26 : memref<624x80xf32, #tpu.memory_space<hbm>>) target(%dma_start3A_24 : memref<624x80xf32, #tpu.memory_space<vmem_shared>>) target_semaphore(%run_scoped3A : memref<!tpu.dma_semaphore, #tpu.memory_space<semaphore_mem>>)
      %dma_wait3A = arith.constant 0 : i32
      %dma_wait3A_27 = tpu.memref_slice %arg8[%mul3A_2, %dma_wait3A] : memref<10000x80xf32, #tpu.memory_space<vmem_shared>> -> memref<624x80xf32, #tpu.memory_space<vmem_shared>>
      %dma_wait3A_28 = arith.constant 0 : i32
      %dma_wait3A_29 = tpu.memref_slice %arg6[%mul3A_0, %dma_wait3A_28] : memref<10000x80xf32, #tpu.memory_space<hbm>> -> memref<624x80xf32, #tpu.memory_space<hbm>>
      tpu.wait_dma2 semaphore(%run_scoped3A : memref<!tpu.dma_semaphore, #tpu.memory_space<semaphore_mem>>) src(%dma_wait3A_29 : memref<624x80xf32, #tpu.memory_space<hbm>>) dst(%dma_wait3A_27 : memref<624x80xf32, #tpu.memory_space<vmem_shared>>)
      tpu.yield
    }) : () -> ()
    %eq3A = arith.constant 15 : i32
    %eq3A_3 = arith.cmpi eq, %arg1, %eq3A : i32
    %convert_element_type3A = arith.extui %eq3A_3 : i1 to i32
    %cond3A = arith.constant 0 : i32
    %cond3A_4 = arith.cmpi ne, %convert_element_type3A, %cond3A : i32
    scf.if %cond3A_4 {
      "tpu.region"() ({
        %run_scoped3A = tpu.sem_alloc : memref<!tpu.dma_semaphore, #tpu.memory_space<semaphore_mem>>
        %dma_start3A = arith.constant 9984 : i32
        %dma_start3A_24 = arith.constant 0 : i32
        %dma_start3A_25 = tpu.memref_slice %arg8[%dma_start3A, %dma_start3A_24] : memref<10000x80xf32, #tpu.memory_space<vmem_shared>> -> memref<16x80xf32, #tpu.memory_space<vmem_shared>>
        %dma_start3A_26 = arith.constant 9984 : i32
        %dma_start3A_27 = arith.constant 0 : i32
        %dma_start3A_28 = tpu.memref_slice %arg6[%dma_start3A_26, %dma_start3A_27] : memref<10000x80xf32, #tpu.memory_space<hbm>> -> memref<16x80xf32, #tpu.memory_space<hbm>>
        tpu.enqueue_dma source(%dma_start3A_28 : memref<16x80xf32, #tpu.memory_space<hbm>>) target(%dma_start3A_25 : memref<16x80xf32, #tpu.memory_space<vmem_shared>>) target_semaphore(%run_scoped3A : memref<!tpu.dma_semaphore, #tpu.memory_space<semaphore_mem>>)
        %dma_wait3A = arith.constant 9984 : i32
        %dma_wait3A_29 = arith.constant 0 : i32
        %dma_wait3A_30 = tpu.memref_slice %arg8[%dma_wait3A, %dma_wait3A_29] : memref<10000x80xf32, #tpu.memory_space<vmem_shared>> -> memref<16x80xf32, #tpu.memory_space<vmem_shared>>
        %dma_wait3A_31 = arith.constant 9984 : i32
        %dma_wait3A_32 = arith.constant 0 : i32
        %dma_wait3A_33 = tpu.memref_slice %arg6[%dma_wait3A_31, %dma_wait3A_32] : memref<10000x80xf32, #tpu.memory_space<hbm>> -> memref<16x80xf32, #tpu.memory_space<hbm>>
        tpu.wait_dma2 semaphore(%run_scoped3A : memref<!tpu.dma_semaphore, #tpu.memory_space<semaphore_mem>>) src(%dma_wait3A_33 : memref<16x80xf32, #tpu.memory_space<hbm>>) dst(%dma_wait3A_30 : memref<16x80xf32, #tpu.memory_space<vmem_shared>>)
        tpu.yield
      }) : () -> ()
    } else {
    }
    %barrier3A = arith.constant 0 : index
    tpu.barrier barrier_id(%barrier3A)
    %mul3A_5 = arith.constant 16 : i32
    %mul3A_6 = arith.muli %arg0, %mul3A_5 : i32
    %add3A = arith.addi %mul3A_6, %arg1 : i32
    %mul3A_7 = arith.constant 10000 : i32
    %mul3A_8 = arith.muli %add3A, %mul3A_7 : i32
    %iota3A = tpu.iota {dimensions = array<i32: 0>} : vector<16xi32>
    %scan3A = arith.constant 0 : i32
    %scan3A_9 = arith.constant 0 : i32
    %scan3A_10 = arith.constant 25 : i32
    %scan3A_11 = arith.addi %scan3A_9, %scan3A_10 : i32
    %scan3A_12 = arith.constant 1 : i32
    scf.for %scan3A_24 = %scan3A_9 to %scan3A_11 step %scan3A_12  : i32 {
      %mul3A_25 = arith.constant 400 : i32
      %mul3A_26 = arith.muli %scan3A_24, %mul3A_25 : i32
      %add3A_27 = arith.addi %mul3A_8, %mul3A_26 : i32
      "tpu.region"() ({
        %run_scoped3A = tpu.sem_alloc : memref<!tpu.dma_semaphore, #tpu.memory_space<semaphore_mem>>
        %dma_start3A_282 = tpu.memref_slice %arg4[%add3A_27] : memref<320000xi32, #tpu.memory_space<hbm>> -> memref<400xi32, #tpu.memory_space<hbm>>
        %dma_start3A_283 = tpu.memref_slice %arg4[%add3A_27] : memref<320000xi32, #tpu.memory_space<hbm>> -> memref<400xi32, #tpu.memory_space<hbm>>
        tpu.enqueue_dma source(%dma_start3A_283 : memref<400xi32, #tpu.memory_space<hbm>>) target(%arg9 : memref<400xi32, #tpu.memory_space<vmem>>) target_semaphore(%run_scoped3A : memref<!tpu.dma_semaphore, #tpu.memory_space<semaphore_mem>>)
        %dma_wait3A_284 = tpu.memref_slice %arg4[%add3A_27] : memref<320000xi32, #tpu.memory_space<hbm>> -> memref<400xi32, #tpu.memory_space<hbm>>
        %dma_wait3A_285 = tpu.memref_slice %arg4[%add3A_27] : memref<320000xi32, #tpu.memory_space<hbm>> -> memref<400xi32, #tpu.memory_space<hbm>>
        tpu.wait_dma2 semaphore(%run_scoped3A : memref<!tpu.dma_semaphore, #tpu.memory_space<semaphore_mem>>) src(%dma_wait3A_285 : memref<400xi32, #tpu.memory_space<hbm>>) dst(%arg9 : memref<400xi32, #tpu.memory_space<vmem>>)
        tpu.yield
      }) : () -> ()
      %add3A_28 = arith.constant 0 : i32
      %add3A_29 = arith.addi %add3A_27, %add3A_28 : i32
      "tpu.region"() ({
        %run_scoped3A = tpu.sem_alloc : memref<!tpu.dma_semaphore, #tpu.memory_space<semaphore_mem>>
        %dma_start3A_282 = tpu.memref_slice %arg5[%add3A_29] : memref<320000xi32, #tpu.memory_space<hbm>> -> memref<80xi32, #tpu.memory_space<hbm>>
        %dma_start3A_283 = tpu.memref_slice %arg5[%add3A_29] : memref<320000xi32, #tpu.memory_space<hbm>> -> memref<80xi32, #tpu.memory_space<hbm>>
        tpu.enqueue_dma source(%dma_start3A_283 : memref<80xi32, #tpu.memory_space<hbm>>) target(%arg10 : memref<80xi32, #tpu.memory_space<vmem>>) target_semaphore(%run_scoped3A : memref<!tpu.dma_semaphore, #tpu.memory_space<semaphore_mem>>)
        %dma_wait3A_284 = tpu.memref_slice %arg5[%add3A_29] : memref<320000xi32, #tpu.memory_space<hbm>> -> memref<80xi32, #tpu.memory_space<hbm>>
        %dma_wait3A_285 = tpu.memref_slice %arg5[%add3A_29] : memref<320000xi32, #tpu.memory_space<hbm>> -> memref<80xi32, #tpu.memory_space<hbm>>
        tpu.wait_dma2 semaphore(%run_scoped3A : memref<!tpu.dma_semaphore, #tpu.memory_space<semaphore_mem>>) src(%dma_wait3A_285 : memref<80xi32, #tpu.memory_space<hbm>>) dst(%arg10 : memref<80xi32, #tpu.memory_space<vmem>>)
        tpu.yield
      }) : () -> ()
      %add3A_30 = arith.constant 80 : i32
      %add3A_31 = arith.addi %add3A_27, %add3A_30 : i32
      "tpu.region"() ({
        %run_scoped3A = tpu.sem_alloc : memref<!tpu.dma_semaphore, #tpu.memory_space<semaphore_mem>>
        %dma_start3A_282 = tpu.memref_slice %arg5[%add3A_31] : memref<320000xi32, #tpu.memory_space<hbm>> -> memref<80xi32, #tpu.memory_space<hbm>>
        %dma_start3A_283 = tpu.memref_slice %arg5[%add3A_31] : memref<320000xi32, #tpu.memory_space<hbm>> -> memref<80xi32, #tpu.memory_space<hbm>>
        tpu.enqueue_dma source(%dma_start3A_283 : memref<80xi32, #tpu.memory_space<hbm>>) target(%arg11 : memref<80xi32, #tpu.memory_space<vmem>>) target_semaphore(%run_scoped3A : memref<!tpu.dma_semaphore, #tpu.memory_space<semaphore_mem>>)
        %dma_wait3A_284 = tpu.memref_slice %arg5[%add3A_31] : memref<320000xi32, #tpu.memory_space<hbm>> -> memref<80xi32, #tpu.memory_space<hbm>>
        %dma_wait3A_285 = tpu.memref_slice %arg5[%add3A_31] : memref<320000xi32, #tpu.memory_space<hbm>> -> memref<80xi32, #tpu.memory_space<hbm>>
        tpu.wait_dma2 semaphore(%run_scoped3A : memref<!tpu.dma_semaphore, #tpu.memory_space<semaphore_mem>>) src(%dma_wait3A_285 : memref<80xi32, #tpu.memory_space<hbm>>) dst(%arg11 : memref<80xi32, #tpu.memory_space<vmem>>)
        tpu.yield
      }) : () -> ()
      %add3A_32 = arith.constant 160 : i32
      %add3A_33 = arith.addi %add3A_27, %add3A_32 : i32
      "tpu.region"() ({
        %run_scoped3A = tpu.sem_alloc : memref<!tpu.dma_semaphore, #tpu.memory_space<semaphore_mem>>
        %dma_start3A_282 = tpu.memref_slice %arg5[%add3A_33] : memref<320000xi32, #tpu.memory_space<hbm>> -> memref<80xi32, #tpu.memory_space<hbm>>
        %dma_start3A_283 = tpu.memref_slice %arg5[%add3A_33] : memref<320000xi32, #tpu.memory_space<hbm>> -> memref<80xi32, #tpu.memory_space<hbm>>
        tpu.enqueue_dma source(%dma_start3A_283 : memref<80xi32, #tpu.memory_space<hbm>>) target(%arg12 : memref<80xi32, #tpu.memory_space<vmem>>) target_semaphore(%run_scoped3A : memref<!tpu.dma_semaphore, #tpu.memory_space<semaphore_mem>>)
        %dma_wait3A_284 = tpu.memref_slice %arg5[%add3A_33] : memref<320000xi32, #tpu.memory_space<hbm>> -> memref<80xi32, #tpu.memory_space<hbm>>
        %dma_wait3A_285 = tpu.memref_slice %arg5[%add3A_33] : memref<320000xi32, #tpu.memory_space<hbm>> -> memref<80xi32, #tpu.memory_space<hbm>>
        tpu.wait_dma2 semaphore(%run_scoped3A : memref<!tpu.dma_semaphore, #tpu.memory_space<semaphore_mem>>) src(%dma_wait3A_285 : memref<80xi32, #tpu.memory_space<hbm>>) dst(%arg12 : memref<80xi32, #tpu.memory_space<vmem>>)
        tpu.yield
      }) : () -> ()
      %add3A_34 = arith.constant 240 : i32
      %add3A_35 = arith.addi %add3A_27, %add3A_34 : i32
      "tpu.region"() ({
        %run_scoped3A = tpu.sem_alloc : memref<!tpu.dma_semaphore, #tpu.memory_space<semaphore_mem>>
        %dma_start3A_282 = tpu.memref_slice %arg5[%add3A_35] : memref<320000xi32, #tpu.memory_space<hbm>> -> memref<80xi32, #tpu.memory_space<hbm>>
        %dma_start3A_283 = tpu.memref_slice %arg5[%add3A_35] : memref<320000xi32, #tpu.memory_space<hbm>> -> memref<80xi32, #tpu.memory_space<hbm>>
        tpu.enqueue_dma source(%dma_start3A_283 : memref<80xi32, #tpu.memory_space<hbm>>) target(%arg13 : memref<80xi32, #tpu.memory_space<vmem>>) target_semaphore(%run_scoped3A : memref<!tpu.dma_semaphore, #tpu.memory_space<semaphore_mem>>)
        %dma_wait3A_284 = tpu.memref_slice %arg5[%add3A_35] : memref<320000xi32, #tpu.memory_space<hbm>> -> memref<80xi32, #tpu.memory_space<hbm>>
        %dma_wait3A_285 = tpu.memref_slice %arg5[%add3A_35] : memref<320000xi32, #tpu.memory_space<hbm>> -> memref<80xi32, #tpu.memory_space<hbm>>
        tpu.wait_dma2 semaphore(%run_scoped3A : memref<!tpu.dma_semaphore, #tpu.memory_space<semaphore_mem>>) src(%dma_wait3A_285 : memref<80xi32, #tpu.memory_space<hbm>>) dst(%arg13 : memref<80xi32, #tpu.memory_space<vmem>>)
        tpu.yield
      }) : () -> ()
      %add3A_36 = arith.constant 320 : i32
      %add3A_37 = arith.addi %add3A_27, %add3A_36 : i32
      "tpu.region"() ({
        %run_scoped3A = tpu.sem_alloc : memref<!tpu.dma_semaphore, #tpu.memory_space<semaphore_mem>>
        %dma_start3A_282 = tpu.memref_slice %arg5[%add3A_37] : memref<320000xi32, #tpu.memory_space<hbm>> -> memref<80xi32, #tpu.memory_space<hbm>>
        %dma_start3A_283 = tpu.memref_slice %arg5[%add3A_37] : memref<320000xi32, #tpu.memory_space<hbm>> -> memref<80xi32, #tpu.memory_space<hbm>>
        tpu.enqueue_dma source(%dma_start3A_283 : memref<80xi32, #tpu.memory_space<hbm>>) target(%arg14 : memref<80xi32, #tpu.memory_space<vmem>>) target_semaphore(%run_scoped3A : memref<!tpu.dma_semaphore, #tpu.memory_space<semaphore_mem>>)
        %dma_wait3A_284 = tpu.memref_slice %arg5[%add3A_37] : memref<320000xi32, #tpu.memory_space<hbm>> -> memref<80xi32, #tpu.memory_space<hbm>>
        %dma_wait3A_285 = tpu.memref_slice %arg5[%add3A_37] : memref<320000xi32, #tpu.memory_space<hbm>> -> memref<80xi32, #tpu.memory_space<hbm>>
        tpu.wait_dma2 semaphore(%run_scoped3A : memref<!tpu.dma_semaphore, #tpu.memory_space<semaphore_mem>>) src(%dma_wait3A_285 : memref<80xi32, #tpu.memory_space<hbm>>) dst(%arg14 : memref<80xi32, #tpu.memory_space<vmem>>)
        tpu.yield
      }) : () -> ()
      %dma_start3A = arith.constant 0 : i32
      %dma_start3A_38 = arith.constant 0 : i32
      %dma_start3A_39 = arith.constant 0 : i32
      %dma_start3A_40 = tpu.memref_slice %arg15[%dma_start3A_38, %dma_start3A_39] : memref<400x80xf32, #tpu.memory_space<vmem>> -> memref<80x80xf32, #tpu.memory_space<vmem>>
      %dma_start3A_41 = arith.constant 0 : i32
      %dma_start3A_42 = tpu.memref_slice %arg9[%dma_start3A_41] : memref<400xi32, #tpu.memory_space<vmem>> -> memref<80xi32, #tpu.memory_space<vmem>>
      %dma_start3A_43 = arith.constant 0 : i32
      %dma_start3A_44 = arith.constant 0 : i32
      %dma_start3A_45 = tpu.memref_slice %arg2[%dma_start3A, %dma_start3A_43, %dma_start3A_44] : memref<1x10000x80xf32, #tpu.memory_space<hbm>> -> memref<1x10000x80xf32, #tpu.memory_space<hbm>>
      %dma_start3A_46 = tpu.memref_squeeze %dma_start3A_45 : memref<1x10000x80xf32, #tpu.memory_space<hbm>> -> memref<10000x80xf32, #tpu.memory_space<hbm>>
      %dma_start3A_47 = arith.constant 0 : i32
      %dma_start3A_48 = arith.constant 0 : i32
      %dma_start3A_49 = tpu.memref_slice %dma_start3A_46[%dma_start3A_47, %dma_start3A_48] : memref<10000x80xf32, #tpu.memory_space<hbm>> -> memref<10000x80xf32, #tpu.memory_space<hbm>>
      tpu.enqueue_indirect_dma source(%dma_start3A_49 : memref<10000x80xf32, #tpu.memory_space<hbm>>) target(%dma_start3A_40 : memref<80x80xf32, #tpu.memory_space<vmem>>) offsets(%dma_start3A_42 : memref<80xi32, #tpu.memory_space<vmem>>) semaphore(%arg17 : memref<!tpu.dma_semaphore, #tpu.memory_space<semaphore_mem>>)
      %dma_start3A_50 = arith.constant 0 : i32
      %dma_start3A_51 = arith.constant 0 : i32
      %dma_start3A_52 = arith.constant 0 : i32
      %dma_start3A_53 = tpu.memref_slice %arg16[%dma_start3A_51, %dma_start3A_52] : memref<400x16xf32, #tpu.memory_space<vmem>> -> memref<80x16xf32, #tpu.memory_space<vmem>>
      %dma_start3A_54 = arith.constant 0 : i32
      %dma_start3A_55 = arith.constant 0 : i32
      %dma_start3A_56 = tpu.memref_slice %arg3[%dma_start3A_50, %dma_start3A_54, %dma_start3A_55] : memref<1x10000x16xf32, #tpu.memory_space<hbm>> -> memref<1x10000x16xf32, #tpu.memory_space<hbm>>
      %dma_start3A_57 = tpu.memref_squeeze %dma_start3A_56 : memref<1x10000x16xf32, #tpu.memory_space<hbm>> -> memref<10000x16xf32, #tpu.memory_space<hbm>>
      %dma_start3A_58 = arith.constant 0 : i32
      %dma_start3A_59 = arith.constant 0 : i32
      %dma_start3A_60 = tpu.memref_slice %dma_start3A_57[%dma_start3A_58, %dma_start3A_59] : memref<10000x16xf32, #tpu.memory_space<hbm>> -> memref<10000x16xf32, #tpu.memory_space<hbm>>
      tpu.enqueue_indirect_dma source(%dma_start3A_60 : memref<10000x16xf32, #tpu.memory_space<hbm>>) target(%dma_start3A_53 : memref<80x16xf32, #tpu.memory_space<vmem>>) offsets(%arg10 : memref<80xi32, #tpu.memory_space<vmem>>) semaphore(%arg17 : memref<!tpu.dma_semaphore, #tpu.memory_space<semaphore_mem>>)
      %dma_start3A_61 = arith.constant 0 : i32
      %dma_start3A_62 = arith.constant 80 : i32
      %dma_start3A_63 = arith.constant 0 : i32
      %dma_start3A_64 = tpu.memref_slice %arg15[%dma_start3A_62, %dma_start3A_63] : memref<400x80xf32, #tpu.memory_space<vmem>> -> memref<80x80xf32, #tpu.memory_space<vmem>>
      %dma_start3A_65 = arith.constant 80 : i32
      %dma_start3A_66 = tpu.memref_slice %arg9[%dma_start3A_65] : memref<400xi32, #tpu.memory_space<vmem>> -> memref<80xi32, #tpu.memory_space<vmem>>
      %dma_start3A_67 = arith.constant 0 : i32
      %dma_start3A_68 = arith.constant 0 : i32
      %dma_start3A_69 = tpu.memref_slice %arg2[%dma_start3A_61, %dma_start3A_67, %dma_start3A_68] : memref<1x10000x80xf32, #tpu.memory_space<hbm>> -> memref<1x10000x80xf32, #tpu.memory_space<hbm>>
      %dma_start3A_70 = tpu.memref_squeeze %dma_start3A_69 : memref<1x10000x80xf32, #tpu.memory_space<hbm>> -> memref<10000x80xf32, #tpu.memory_space<hbm>>
      %dma_start3A_71 = arith.constant 0 : i32
      %dma_start3A_72 = arith.constant 0 : i32
      %dma_start3A_73 = tpu.memref_slice %dma_start3A_70[%dma_start3A_71, %dma_start3A_72] : memref<10000x80xf32, #tpu.memory_space<hbm>> -> memref<10000x80xf32, #tpu.memory_space<hbm>>
      tpu.enqueue_indirect_dma source(%dma_start3A_73 : memref<10000x80xf32, #tpu.memory_space<hbm>>) target(%dma_start3A_64 : memref<80x80xf32, #tpu.memory_space<vmem>>) offsets(%dma_start3A_66 : memref<80xi32, #tpu.memory_space<vmem>>) semaphore(%arg17 : memref<!tpu.dma_semaphore, #tpu.memory_space<semaphore_mem>>)
      %dma_start3A_74 = arith.constant 0 : i32
      %dma_start3A_75 = arith.constant 80 : i32
      %dma_start3A_76 = arith.constant 0 : i32
      %dma_start3A_77 = tpu.memref_slice %arg16[%dma_start3A_75, %dma_start3A_76] : memref<400x16xf32, #tpu.memory_space<vmem>> -> memref<80x16xf32, #tpu.memory_space<vmem>>
      %dma_start3A_78 = arith.constant 0 : i32
      %dma_start3A_79 = arith.constant 0 : i32
      %dma_start3A_80 = tpu.memref_slice %arg3[%dma_start3A_74, %dma_start3A_78, %dma_start3A_79] : memref<1x10000x16xf32, #tpu.memory_space<hbm>> -> memref<1x10000x16xf32, #tpu.memory_space<hbm>>
      %dma_start3A_81 = tpu.memref_squeeze %dma_start3A_80 : memref<1x10000x16xf32, #tpu.memory_space<hbm>> -> memref<10000x16xf32, #tpu.memory_space<hbm>>
      %dma_start3A_82 = arith.constant 0 : i32
      %dma_start3A_83 = arith.constant 0 : i32
      %dma_start3A_84 = tpu.memref_slice %dma_start3A_81[%dma_start3A_82, %dma_start3A_83] : memref<10000x16xf32, #tpu.memory_space<hbm>> -> memref<10000x16xf32, #tpu.memory_space<hbm>>
      tpu.enqueue_indirect_dma source(%dma_start3A_84 : memref<10000x16xf32, #tpu.memory_space<hbm>>) target(%dma_start3A_77 : memref<80x16xf32, #tpu.memory_space<vmem>>) offsets(%arg11 : memref<80xi32, #tpu.memory_space<vmem>>) semaphore(%arg17 : memref<!tpu.dma_semaphore, #tpu.memory_space<semaphore_mem>>)
      %dma_start3A_85 = arith.constant 0 : i32
      %dma_start3A_86 = arith.constant 160 : i32
      %dma_start3A_87 = arith.constant 0 : i32
      %dma_start3A_88 = tpu.memref_slice %arg15[%dma_start3A_86, %dma_start3A_87] : memref<400x80xf32, #tpu.memory_space<vmem>> -> memref<80x80xf32, #tpu.memory_space<vmem>>
      %dma_start3A_89 = arith.constant 160 : i32
      %dma_start3A_90 = tpu.memref_slice %arg9[%dma_start3A_89] : memref<400xi32, #tpu.memory_space<vmem>> -> memref<80xi32, #tpu.memory_space<vmem>>
      %dma_start3A_91 = arith.constant 0 : i32
      %dma_start3A_92 = arith.constant 0 : i32
      %dma_start3A_93 = tpu.memref_slice %arg2[%dma_start3A_85, %dma_start3A_91, %dma_start3A_92] : memref<1x10000x80xf32, #tpu.memory_space<hbm>> -> memref<1x10000x80xf32, #tpu.memory_space<hbm>>
      %dma_start3A_94 = tpu.memref_squeeze %dma_start3A_93 : memref<1x10000x80xf32, #tpu.memory_space<hbm>> -> memref<10000x80xf32, #tpu.memory_space<hbm>>
      %dma_start3A_95 = arith.constant 0 : i32
      %dma_start3A_96 = arith.constant 0 : i32
      %dma_start3A_97 = tpu.memref_slice %dma_start3A_94[%dma_start3A_95, %dma_start3A_96] : memref<10000x80xf32, #tpu.memory_space<hbm>> -> memref<10000x80xf32, #tpu.memory_space<hbm>>
      tpu.enqueue_indirect_dma source(%dma_start3A_97 : memref<10000x80xf32, #tpu.memory_space<hbm>>) target(%dma_start3A_88 : memref<80x80xf32, #tpu.memory_space<vmem>>) offsets(%dma_start3A_90 : memref<80xi32, #tpu.memory_space<vmem>>) semaphore(%arg17 : memref<!tpu.dma_semaphore, #tpu.memory_space<semaphore_mem>>)
      %dma_start3A_98 = arith.constant 0 : i32
      %dma_start3A_99 = arith.constant 160 : i32
      %dma_start3A_100 = arith.constant 0 : i32
      %dma_start3A_101 = tpu.memref_slice %arg16[%dma_start3A_99, %dma_start3A_100] : memref<400x16xf32, #tpu.memory_space<vmem>> -> memref<80x16xf32, #tpu.memory_space<vmem>>
      %dma_start3A_102 = arith.constant 0 : i32
      %dma_start3A_103 = arith.constant 0 : i32
      %dma_start3A_104 = tpu.memref_slice %arg3[%dma_start3A_98, %dma_start3A_102, %dma_start3A_103] : memref<1x10000x16xf32, #tpu.memory_space<hbm>> -> memref<1x10000x16xf32, #tpu.memory_space<hbm>>
      %dma_start3A_105 = tpu.memref_squeeze %dma_start3A_104 : memref<1x10000x16xf32, #tpu.memory_space<hbm>> -> memref<10000x16xf32, #tpu.memory_space<hbm>>
      %dma_start3A_106 = arith.constant 0 : i32
      %dma_start3A_107 = arith.constant 0 : i32
      %dma_start3A_108 = tpu.memref_slice %dma_start3A_105[%dma_start3A_106, %dma_start3A_107] : memref<10000x16xf32, #tpu.memory_space<hbm>> -> memref<10000x16xf32, #tpu.memory_space<hbm>>
      tpu.enqueue_indirect_dma source(%dma_start3A_108 : memref<10000x16xf32, #tpu.memory_space<hbm>>) target(%dma_start3A_101 : memref<80x16xf32, #tpu.memory_space<vmem>>) offsets(%arg12 : memref<80xi32, #tpu.memory_space<vmem>>) semaphore(%arg17 : memref<!tpu.dma_semaphore, #tpu.memory_space<semaphore_mem>>)
      %dma_start3A_109 = arith.constant 0 : i32
      %dma_start3A_110 = arith.constant 240 : i32
      %dma_start3A_111 = arith.constant 0 : i32
      %dma_start3A_112 = tpu.memref_slice %arg15[%dma_start3A_110, %dma_start3A_111] : memref<400x80xf32, #tpu.memory_space<vmem>> -> memref<80x80xf32, #tpu.memory_space<vmem>>
      %dma_start3A_113 = arith.constant 240 : i32
      %dma_start3A_114 = tpu.memref_slice %arg9[%dma_start3A_113] : memref<400xi32, #tpu.memory_space<vmem>> -> memref<80xi32, #tpu.memory_space<vmem>>
      %dma_start3A_115 = arith.constant 0 : i32
      %dma_start3A_116 = arith.constant 0 : i32
      %dma_start3A_117 = tpu.memref_slice %arg2[%dma_start3A_109, %dma_start3A_115, %dma_start3A_116] : memref<1x10000x80xf32, #tpu.memory_space<hbm>> -> memref<1x10000x80xf32, #tpu.memory_space<hbm>>
      %dma_start3A_118 = tpu.memref_squeeze %dma_start3A_117 : memref<1x10000x80xf32, #tpu.memory_space<hbm>> -> memref<10000x80xf32, #tpu.memory_space<hbm>>
      %dma_start3A_119 = arith.constant 0 : i32
      %dma_start3A_120 = arith.constant 0 : i32
      %dma_start3A_121 = tpu.memref_slice %dma_start3A_118[%dma_start3A_119, %dma_start3A_120] : memref<10000x80xf32, #tpu.memory_space<hbm>> -> memref<10000x80xf32, #tpu.memory_space<hbm>>
      tpu.enqueue_indirect_dma source(%dma_start3A_121 : memref<10000x80xf32, #tpu.memory_space<hbm>>) target(%dma_start3A_112 : memref<80x80xf32, #tpu.memory_space<vmem>>) offsets(%dma_start3A_114 : memref<80xi32, #tpu.memory_space<vmem>>) semaphore(%arg17 : memref<!tpu.dma_semaphore, #tpu.memory_space<semaphore_mem>>)
      %dma_start3A_122 = arith.constant 0 : i32
      %dma_start3A_123 = arith.constant 240 : i32
      %dma_start3A_124 = arith.constant 0 : i32
      %dma_start3A_125 = tpu.memref_slice %arg16[%dma_start3A_123, %dma_start3A_124] : memref<400x16xf32, #tpu.memory_space<vmem>> -> memref<80x16xf32, #tpu.memory_space<vmem>>
      %dma_start3A_126 = arith.constant 0 : i32
      %dma_start3A_127 = arith.constant 0 : i32
      %dma_start3A_128 = tpu.memref_slice %arg3[%dma_start3A_122, %dma_start3A_126, %dma_start3A_127] : memref<1x10000x16xf32, #tpu.memory_space<hbm>> -> memref<1x10000x16xf32, #tpu.memory_space<hbm>>
      %dma_start3A_129 = tpu.memref_squeeze %dma_start3A_128 : memref<1x10000x16xf32, #tpu.memory_space<hbm>> -> memref<10000x16xf32, #tpu.memory_space<hbm>>
      %dma_start3A_130 = arith.constant 0 : i32
      %dma_start3A_131 = arith.constant 0 : i32
      %dma_start3A_132 = tpu.memref_slice %dma_start3A_129[%dma_start3A_130, %dma_start3A_131] : memref<10000x16xf32, #tpu.memory_space<hbm>> -> memref<10000x16xf32, #tpu.memory_space<hbm>>
      tpu.enqueue_indirect_dma source(%dma_start3A_132 : memref<10000x16xf32, #tpu.memory_space<hbm>>) target(%dma_start3A_125 : memref<80x16xf32, #tpu.memory_space<vmem>>) offsets(%arg13 : memref<80xi32, #tpu.memory_space<vmem>>) semaphore(%arg17 : memref<!tpu.dma_semaphore, #tpu.memory_space<semaphore_mem>>)
      %dma_start3A_133 = arith.constant 0 : i32
      %dma_start3A_134 = arith.constant 320 : i32
      %dma_start3A_135 = arith.constant 0 : i32
      %dma_start3A_136 = tpu.memref_slice %arg15[%dma_start3A_134, %dma_start3A_135] : memref<400x80xf32, #tpu.memory_space<vmem>> -> memref<80x80xf32, #tpu.memory_space<vmem>>
      %dma_start3A_137 = arith.constant 320 : i32
      %dma_start3A_138 = tpu.memref_slice %arg9[%dma_start3A_137] : memref<400xi32, #tpu.memory_space<vmem>> -> memref<80xi32, #tpu.memory_space<vmem>>
      %dma_start3A_139 = arith.constant 0 : i32
      %dma_start3A_140 = arith.constant 0 : i32
      %dma_start3A_141 = tpu.memref_slice %arg2[%dma_start3A_133, %dma_start3A_139, %dma_start3A_140] : memref<1x10000x80xf32, #tpu.memory_space<hbm>> -> memref<1x10000x80xf32, #tpu.memory_space<hbm>>
      %dma_start3A_142 = tpu.memref_squeeze %dma_start3A_141 : memref<1x10000x80xf32, #tpu.memory_space<hbm>> -> memref<10000x80xf32, #tpu.memory_space<hbm>>
      %dma_start3A_143 = arith.constant 0 : i32
      %dma_start3A_144 = arith.constant 0 : i32
      %dma_start3A_145 = tpu.memref_slice %dma_start3A_142[%dma_start3A_143, %dma_start3A_144] : memref<10000x80xf32, #tpu.memory_space<hbm>> -> memref<10000x80xf32, #tpu.memory_space<hbm>>
      tpu.enqueue_indirect_dma source(%dma_start3A_145 : memref<10000x80xf32, #tpu.memory_space<hbm>>) target(%dma_start3A_136 : memref<80x80xf32, #tpu.memory_space<vmem>>) offsets(%dma_start3A_138 : memref<80xi32, #tpu.memory_space<vmem>>) semaphore(%arg17 : memref<!tpu.dma_semaphore, #tpu.memory_space<semaphore_mem>>)
      %dma_start3A_146 = arith.constant 0 : i32
      %dma_start3A_147 = arith.constant 320 : i32
      %dma_start3A_148 = arith.constant 0 : i32
      %dma_start3A_149 = tpu.memref_slice %arg16[%dma_start3A_147, %dma_start3A_148] : memref<400x16xf32, #tpu.memory_space<vmem>> -> memref<80x16xf32, #tpu.memory_space<vmem>>
      %dma_start3A_150 = arith.constant 0 : i32
      %dma_start3A_151 = arith.constant 0 : i32
      %dma_start3A_152 = tpu.memref_slice %arg3[%dma_start3A_146, %dma_start3A_150, %dma_start3A_151] : memref<1x10000x16xf32, #tpu.memory_space<hbm>> -> memref<1x10000x16xf32, #tpu.memory_space<hbm>>
      %dma_start3A_153 = tpu.memref_squeeze %dma_start3A_152 : memref<1x10000x16xf32, #tpu.memory_space<hbm>> -> memref<10000x16xf32, #tpu.memory_space<hbm>>
      %dma_start3A_154 = arith.constant 0 : i32
      %dma_start3A_155 = arith.constant 0 : i32
      %dma_start3A_156 = tpu.memref_slice %dma_start3A_153[%dma_start3A_154, %dma_start3A_155] : memref<10000x16xf32, #tpu.memory_space<hbm>> -> memref<10000x16xf32, #tpu.memory_space<hbm>>
      tpu.enqueue_indirect_dma source(%dma_start3A_156 : memref<10000x16xf32, #tpu.memory_space<hbm>>) target(%dma_start3A_149 : memref<80x16xf32, #tpu.memory_space<vmem>>) offsets(%arg14 : memref<80xi32, #tpu.memory_space<vmem>>) semaphore(%arg17 : memref<!tpu.dma_semaphore, #tpu.memory_space<semaphore_mem>>)
      %dma_wait3A = arith.constant 0 : i32
      %dma_wait3A_157 = arith.constant 0 : i32
      %dma_wait3A_158 = arith.constant 0 : i32
      %dma_wait3A_159 = tpu.memref_slice %arg15[%dma_wait3A_157, %dma_wait3A_158] : memref<400x80xf32, #tpu.memory_space<vmem>> -> memref<80x80xf32, #tpu.memory_space<vmem>>
      %dma_wait3A_160 = arith.constant 0 : i32
      %dma_wait3A_161 = tpu.memref_slice %arg9[%dma_wait3A_160] : memref<400xi32, #tpu.memory_space<vmem>> -> memref<80xi32, #tpu.memory_space<vmem>>
      %dma_wait3A_162 = arith.constant 0 : i32
      %dma_wait3A_163 = arith.constant 0 : i32
      %dma_wait3A_164 = tpu.memref_slice %arg2[%dma_wait3A, %dma_wait3A_162, %dma_wait3A_163] : memref<1x10000x80xf32, #tpu.memory_space<hbm>> -> memref<1x10000x80xf32, #tpu.memory_space<hbm>>
      %dma_wait3A_165 = tpu.memref_squeeze %dma_wait3A_164 : memref<1x10000x80xf32, #tpu.memory_space<hbm>> -> memref<10000x80xf32, #tpu.memory_space<hbm>>
      %dma_wait3A_166 = arith.constant 0 : i32
      %dma_wait3A_167 = arith.constant 0 : i32
      %dma_wait3A_168 = tpu.memref_slice %dma_wait3A_165[%dma_wait3A_166, %dma_wait3A_167] : memref<10000x80xf32, #tpu.memory_space<hbm>> -> memref<10000x80xf32, #tpu.memory_space<hbm>>
      tpu.wait_indirect_dma semaphore(%arg17 : memref<!tpu.dma_semaphore, #tpu.memory_space<semaphore_mem>>) src(%dma_wait3A_168 : memref<10000x80xf32, #tpu.memory_space<hbm>>) dst(%dma_wait3A_159 : memref<80x80xf32, #tpu.memory_space<vmem>>)
      %dma_wait3A_169 = arith.constant 0 : i32
      %dma_wait3A_170 = arith.constant 0 : i32
      %dma_wait3A_171 = arith.constant 0 : i32
      %dma_wait3A_172 = tpu.memref_slice %arg16[%dma_wait3A_170, %dma_wait3A_171] : memref<400x16xf32, #tpu.memory_space<vmem>> -> memref<80x16xf32, #tpu.memory_space<vmem>>
      %dma_wait3A_173 = arith.constant 0 : i32
      %dma_wait3A_174 = arith.constant 0 : i32
      %dma_wait3A_175 = tpu.memref_slice %arg3[%dma_wait3A_169, %dma_wait3A_173, %dma_wait3A_174] : memref<1x10000x16xf32, #tpu.memory_space<hbm>> -> memref<1x10000x16xf32, #tpu.memory_space<hbm>>
      %dma_wait3A_176 = tpu.memref_squeeze %dma_wait3A_175 : memref<1x10000x16xf32, #tpu.memory_space<hbm>> -> memref<10000x16xf32, #tpu.memory_space<hbm>>
      %dma_wait3A_177 = arith.constant 0 : i32
      %dma_wait3A_178 = arith.constant 0 : i32
      %dma_wait3A_179 = tpu.memref_slice %dma_wait3A_176[%dma_wait3A_177, %dma_wait3A_178] : memref<10000x16xf32, #tpu.memory_space<hbm>> -> memref<10000x16xf32, #tpu.memory_space<hbm>>
      tpu.wait_indirect_dma semaphore(%arg17 : memref<!tpu.dma_semaphore, #tpu.memory_space<semaphore_mem>>) src(%dma_wait3A_179 : memref<10000x16xf32, #tpu.memory_space<hbm>>) dst(%dma_wait3A_172 : memref<80x16xf32, #tpu.memory_space<vmem>>)
      %dma_wait3A_180 = arith.constant 0 : i32
      %dma_wait3A_181 = arith.constant 80 : i32
      %dma_wait3A_182 = arith.constant 0 : i32
      %dma_wait3A_183 = tpu.memref_slice %arg15[%dma_wait3A_181, %dma_wait3A_182] : memref<400x80xf32, #tpu.memory_space<vmem>> -> memref<80x80xf32, #tpu.memory_space<vmem>>
      %dma_wait3A_184 = arith.constant 80 : i32
      %dma_wait3A_185 = tpu.memref_slice %arg9[%dma_wait3A_184] : memref<400xi32, #tpu.memory_space<vmem>> -> memref<80xi32, #tpu.memory_space<vmem>>
      %dma_wait3A_186 = arith.constant 0 : i32
      %dma_wait3A_187 = arith.constant 0 : i32
      %dma_wait3A_188 = tpu.memref_slice %arg2[%dma_wait3A_180, %dma_wait3A_186, %dma_wait3A_187] : memref<1x10000x80xf32, #tpu.memory_space<hbm>> -> memref<1x10000x80xf32, #tpu.memory_space<hbm>>
      %dma_wait3A_189 = tpu.memref_squeeze %dma_wait3A_188 : memref<1x10000x80xf32, #tpu.memory_space<hbm>> -> memref<10000x80xf32, #tpu.memory_space<hbm>>
      %dma_wait3A_190 = arith.constant 0 : i32
      %dma_wait3A_191 = arith.constant 0 : i32
      %dma_wait3A_192 = tpu.memref_slice %dma_wait3A_189[%dma_wait3A_190, %dma_wait3A_191] : memref<10000x80xf32, #tpu.memory_space<hbm>> -> memref<10000x80xf32, #tpu.memory_space<hbm>>
      tpu.wait_indirect_dma semaphore(%arg17 : memref<!tpu.dma_semaphore, #tpu.memory_space<semaphore_mem>>) src(%dma_wait3A_192 : memref<10000x80xf32, #tpu.memory_space<hbm>>) dst(%dma_wait3A_183 : memref<80x80xf32, #tpu.memory_space<vmem>>)
      %dma_wait3A_193 = arith.constant 0 : i32
      %dma_wait3A_194 = arith.constant 80 : i32
      %dma_wait3A_195 = arith.constant 0 : i32
      %dma_wait3A_196 = tpu.memref_slice %arg16[%dma_wait3A_194, %dma_wait3A_195] : memref<400x16xf32, #tpu.memory_space<vmem>> -> memref<80x16xf32, #tpu.memory_space<vmem>>
      %dma_wait3A_197 = arith.constant 0 : i32
      %dma_wait3A_198 = arith.constant 0 : i32
      %dma_wait3A_199 = tpu.memref_slice %arg3[%dma_wait3A_193, %dma_wait3A_197, %dma_wait3A_198] : memref<1x10000x16xf32, #tpu.memory_space<hbm>> -> memref<1x10000x16xf32, #tpu.memory_space<hbm>>
      %dma_wait3A_200 = tpu.memref_squeeze %dma_wait3A_199 : memref<1x10000x16xf32, #tpu.memory_space<hbm>> -> memref<10000x16xf32, #tpu.memory_space<hbm>>
      %dma_wait3A_201 = arith.constant 0 : i32
      %dma_wait3A_202 = arith.constant 0 : i32
      %dma_wait3A_203 = tpu.memref_slice %dma_wait3A_200[%dma_wait3A_201, %dma_wait3A_202] : memref<10000x16xf32, #tpu.memory_space<hbm>> -> memref<10000x16xf32, #tpu.memory_space<hbm>>
      tpu.wait_indirect_dma semaphore(%arg17 : memref<!tpu.dma_semaphore, #tpu.memory_space<semaphore_mem>>) src(%dma_wait3A_203 : memref<10000x16xf32, #tpu.memory_space<hbm>>) dst(%dma_wait3A_196 : memref<80x16xf32, #tpu.memory_space<vmem>>)
      %dma_wait3A_204 = arith.constant 0 : i32
      %dma_wait3A_205 = arith.constant 160 : i32
      %dma_wait3A_206 = arith.constant 0 : i32
      %dma_wait3A_207 = tpu.memref_slice %arg15[%dma_wait3A_205, %dma_wait3A_206] : memref<400x80xf32, #tpu.memory_space<vmem>> -> memref<80x80xf32, #tpu.memory_space<vmem>>
      %dma_wait3A_208 = arith.constant 160 : i32
      %dma_wait3A_209 = tpu.memref_slice %arg9[%dma_wait3A_208] : memref<400xi32, #tpu.memory_space<vmem>> -> memref<80xi32, #tpu.memory_space<vmem>>
      %dma_wait3A_210 = arith.constant 0 : i32
      %dma_wait3A_211 = arith.constant 0 : i32
      %dma_wait3A_212 = tpu.memref_slice %arg2[%dma_wait3A_204, %dma_wait3A_210, %dma_wait3A_211] : memref<1x10000x80xf32, #tpu.memory_space<hbm>> -> memref<1x10000x80xf32, #tpu.memory_space<hbm>>
      %dma_wait3A_213 = tpu.memref_squeeze %dma_wait3A_212 : memref<1x10000x80xf32, #tpu.memory_space<hbm>> -> memref<10000x80xf32, #tpu.memory_space<hbm>>
      %dma_wait3A_214 = arith.constant 0 : i32
      %dma_wait3A_215 = arith.constant 0 : i32
      %dma_wait3A_216 = tpu.memref_slice %dma_wait3A_213[%dma_wait3A_214, %dma_wait3A_215] : memref<10000x80xf32, #tpu.memory_space<hbm>> -> memref<10000x80xf32, #tpu.memory_space<hbm>>
      tpu.wait_indirect_dma semaphore(%arg17 : memref<!tpu.dma_semaphore, #tpu.memory_space<semaphore_mem>>) src(%dma_wait3A_216 : memref<10000x80xf32, #tpu.memory_space<hbm>>) dst(%dma_wait3A_207 : memref<80x80xf32, #tpu.memory_space<vmem>>)
      %dma_wait3A_217 = arith.constant 0 : i32
      %dma_wait3A_218 = arith.constant 160 : i32
      %dma_wait3A_219 = arith.constant 0 : i32
      %dma_wait3A_220 = tpu.memref_slice %arg16[%dma_wait3A_218, %dma_wait3A_219] : memref<400x16xf32, #tpu.memory_space<vmem>> -> memref<80x16xf32, #tpu.memory_space<vmem>>
      %dma_wait3A_221 = arith.constant 0 : i32
      %dma_wait3A_222 = arith.constant 0 : i32
      %dma_wait3A_223 = tpu.memref_slice %arg3[%dma_wait3A_217, %dma_wait3A_221, %dma_wait3A_222] : memref<1x10000x16xf32, #tpu.memory_space<hbm>> -> memref<1x10000x16xf32, #tpu.memory_space<hbm>>
      %dma_wait3A_224 = tpu.memref_squeeze %dma_wait3A_223 : memref<1x10000x16xf32, #tpu.memory_space<hbm>> -> memref<10000x16xf32, #tpu.memory_space<hbm>>
      %dma_wait3A_225 = arith.constant 0 : i32
      %dma_wait3A_226 = arith.constant 0 : i32
      %dma_wait3A_227 = tpu.memref_slice %dma_wait3A_224[%dma_wait3A_225, %dma_wait3A_226] : memref<10000x16xf32, #tpu.memory_space<hbm>> -> memref<10000x16xf32, #tpu.memory_space<hbm>>
      tpu.wait_indirect_dma semaphore(%arg17 : memref<!tpu.dma_semaphore, #tpu.memory_space<semaphore_mem>>) src(%dma_wait3A_227 : memref<10000x16xf32, #tpu.memory_space<hbm>>) dst(%dma_wait3A_220 : memref<80x16xf32, #tpu.memory_space<vmem>>)
      %dma_wait3A_228 = arith.constant 0 : i32
      %dma_wait3A_229 = arith.constant 240 : i32
      %dma_wait3A_230 = arith.constant 0 : i32
      %dma_wait3A_231 = tpu.memref_slice %arg15[%dma_wait3A_229, %dma_wait3A_230] : memref<400x80xf32, #tpu.memory_space<vmem>> -> memref<80x80xf32, #tpu.memory_space<vmem>>
      %dma_wait3A_232 = arith.constant 240 : i32
      %dma_wait3A_233 = tpu.memref_slice %arg9[%dma_wait3A_232] : memref<400xi32, #tpu.memory_space<vmem>> -> memref<80xi32, #tpu.memory_space<vmem>>
      %dma_wait3A_234 = arith.constant 0 : i32
      %dma_wait3A_235 = arith.constant 0 : i32
      %dma_wait3A_236 = tpu.memref_slice %arg2[%dma_wait3A_228, %dma_wait3A_234, %dma_wait3A_235] : memref<1x10000x80xf32, #tpu.memory_space<hbm>> -> memref<1x10000x80xf32, #tpu.memory_space<hbm>>
      %dma_wait3A_237 = tpu.memref_squeeze %dma_wait3A_236 : memref<1x10000x80xf32, #tpu.memory_space<hbm>> -> memref<10000x80xf32, #tpu.memory_space<hbm>>
      %dma_wait3A_238 = arith.constant 0 : i32
      %dma_wait3A_239 = arith.constant 0 : i32
      %dma_wait3A_240 = tpu.memref_slice %dma_wait3A_237[%dma_wait3A_238, %dma_wait3A_239] : memref<10000x80xf32, #tpu.memory_space<hbm>> -> memref<10000x80xf32, #tpu.memory_space<hbm>>
      tpu.wait_indirect_dma semaphore(%arg17 : memref<!tpu.dma_semaphore, #tpu.memory_space<semaphore_mem>>) src(%dma_wait3A_240 : memref<10000x80xf32, #tpu.memory_space<hbm>>) dst(%dma_wait3A_231 : memref<80x80xf32, #tpu.memory_space<vmem>>)
      %dma_wait3A_241 = arith.constant 0 : i32
      %dma_wait3A_242 = arith.constant 240 : i32
      %dma_wait3A_243 = arith.constant 0 : i32
      %dma_wait3A_244 = tpu.memref_slice %arg16[%dma_wait3A_242, %dma_wait3A_243] : memref<400x16xf32, #tpu.memory_space<vmem>> -> memref<80x16xf32, #tpu.memory_space<vmem>>
      %dma_wait3A_245 = arith.constant 0 : i32
      %dma_wait3A_246 = arith.constant 0 : i32
      %dma_wait3A_247 = tpu.memref_slice %arg3[%dma_wait3A_241, %dma_wait3A_245, %dma_wait3A_246] : memref<1x10000x16xf32, #tpu.memory_space<hbm>> -> memref<1x10000x16xf32, #tpu.memory_space<hbm>>
      %dma_wait3A_248 = tpu.memref_squeeze %dma_wait3A_247 : memref<1x10000x16xf32, #tpu.memory_space<hbm>> -> memref<10000x16xf32, #tpu.memory_space<hbm>>
      %dma_wait3A_249 = arith.constant 0 : i32
      %dma_wait3A_250 = arith.constant 0 : i32
      %dma_wait3A_251 = tpu.memref_slice %dma_wait3A_248[%dma_wait3A_249, %dma_wait3A_250] : memref<10000x16xf32, #tpu.memory_space<hbm>> -> memref<10000x16xf32, #tpu.memory_space<hbm>>
      tpu.wait_indirect_dma semaphore(%arg17 : memref<!tpu.dma_semaphore, #tpu.memory_space<semaphore_mem>>) src(%dma_wait3A_251 : memref<10000x16xf32, #tpu.memory_space<hbm>>) dst(%dma_wait3A_244 : memref<80x16xf32, #tpu.memory_space<vmem>>)
      %dma_wait3A_252 = arith.constant 0 : i32
      %dma_wait3A_253 = arith.constant 320 : i32
      %dma_wait3A_254 = arith.constant 0 : i32
      %dma_wait3A_255 = tpu.memref_slice %arg15[%dma_wait3A_253, %dma_wait3A_254] : memref<400x80xf32, #tpu.memory_space<vmem>> -> memref<80x80xf32, #tpu.memory_space<vmem>>
      %dma_wait3A_256 = arith.constant 320 : i32
      %dma_wait3A_257 = tpu.memref_slice %arg9[%dma_wait3A_256] : memref<400xi32, #tpu.memory_space<vmem>> -> memref<80xi32, #tpu.memory_space<vmem>>
      %dma_wait3A_258 = arith.constant 0 : i32
      %dma_wait3A_259 = arith.constant 0 : i32
      %dma_wait3A_260 = tpu.memref_slice %arg2[%dma_wait3A_252, %dma_wait3A_258, %dma_wait3A_259] : memref<1x10000x80xf32, #tpu.memory_space<hbm>> -> memref<1x10000x80xf32, #tpu.memory_space<hbm>>
      %dma_wait3A_261 = tpu.memref_squeeze %dma_wait3A_260 : memref<1x10000x80xf32, #tpu.memory_space<hbm>> -> memref<10000x80xf32, #tpu.memory_space<hbm>>
      %dma_wait3A_262 = arith.constant 0 : i32
      %dma_wait3A_263 = arith.constant 0 : i32
      %dma_wait3A_264 = tpu.memref_slice %dma_wait3A_261[%dma_wait3A_262, %dma_wait3A_263] : memref<10000x80xf32, #tpu.memory_space<hbm>> -> memref<10000x80xf32, #tpu.memory_space<hbm>>
      tpu.wait_indirect_dma semaphore(%arg17 : memref<!tpu.dma_semaphore, #tpu.memory_space<semaphore_mem>>) src(%dma_wait3A_264 : memref<10000x80xf32, #tpu.memory_space<hbm>>) dst(%dma_wait3A_255 : memref<80x80xf32, #tpu.memory_space<vmem>>)
      %dma_wait3A_265 = arith.constant 0 : i32
      %dma_wait3A_266 = arith.constant 320 : i32
      %dma_wait3A_267 = arith.constant 0 : i32
      %dma_wait3A_268 = tpu.memref_slice %arg16[%dma_wait3A_266, %dma_wait3A_267] : memref<400x16xf32, #tpu.memory_space<vmem>> -> memref<80x16xf32, #tpu.memory_space<vmem>>
      %dma_wait3A_269 = arith.constant 0 : i32
      %dma_wait3A_270 = arith.constant 0 : i32
      %dma_wait3A_271 = tpu.memref_slice %arg3[%dma_wait3A_265, %dma_wait3A_269, %dma_wait3A_270] : memref<1x10000x16xf32, #tpu.memory_space<hbm>> -> memref<1x10000x16xf32, #tpu.memory_space<hbm>>
      %dma_wait3A_272 = tpu.memref_squeeze %dma_wait3A_271 : memref<1x10000x16xf32, #tpu.memory_space<hbm>> -> memref<10000x16xf32, #tpu.memory_space<hbm>>
      %dma_wait3A_273 = arith.constant 0 : i32
      %dma_wait3A_274 = arith.constant 0 : i32
      %dma_wait3A_275 = tpu.memref_slice %dma_wait3A_272[%dma_wait3A_273, %dma_wait3A_274] : memref<10000x16xf32, #tpu.memory_space<hbm>> -> memref<10000x16xf32, #tpu.memory_space<hbm>>
      tpu.wait_indirect_dma semaphore(%arg17 : memref<!tpu.dma_semaphore, #tpu.memory_space<semaphore_mem>>) src(%dma_wait3A_275 : memref<10000x16xf32, #tpu.memory_space<hbm>>) dst(%dma_wait3A_268 : memref<80x16xf32, #tpu.memory_space<vmem>>)
      %scan3A_276 = arith.constant 0 : i32
      %scan3A_277 = arith.constant 0 : i32
      %scan3A_278 = arith.constant 400 : i32
      %scan3A_279 = arith.addi %scan3A_277, %scan3A_278 : i32
      %scan3A_280 = arith.constant 1 : i32
      scf.for %scan3A_282 = %scan3A_277 to %scan3A_279 step %scan3A_280  : i32 {
        %get3A = arith.index_cast %scan3A_282 : i32 to index
        %get3A_283 = arith.constant 64 : index
        %get3A_284 = tpu.vector_load %arg15[%get3A, %get3A_283] {strides = array<i32>} : memref<400x80xf32, #tpu.memory_space<vmem>>, vector<1x16xf32>,
        %get3A_285 = vector.shape_cast %get3A_284 : vector<1x16xf32> to vector<16xf32>
        %get3A_286 = arith.index_cast %scan3A_282 : i32 to index
        %get3A_287 = arith.constant 0 : index
        %get3A_288 = tpu.vector_load %arg16[%get3A_286, %get3A_287] {strides = array<i32>} : memref<400x16xf32, #tpu.memory_space<vmem>>, vector<1x16xf32>,
        %get3A_289 = vector.shape_cast %get3A_288 : vector<1x16xf32> to vector<16xf32>
        %add3A_290 = arith.addf %get3A_285, %get3A_289 : vector<16xf32>
        %ge3A = arith.constant 0.000000e+00 : f32
        %ge3A_291 = vector.broadcast %ge3A : f32 to vector<16xf32>
        %ge3A_292 = arith.cmpf oge, %add3A_290, %ge3A_291 : vector<16xf32>
        %mul3A_293 = arith.constant 2.000000e-01 : f32
        %mul3A_294 = vector.broadcast %mul3A_293 : f32 to vector<16xf32>
        %mul3A_295 = arith.mulf %mul3A_294, %add3A_290 : vector<16xf32>
        %select_n3A = arith.select %ge3A_292, %add3A_290, %mul3A_295 : vector<16xi1>, vector<16xf32>
        %exp3A = math.exp %select_n3A : vector<16xf32>
        %slice3A = vector.extract_strided_slice %exp3A {offsets = [0], sizes = [1], strides = [1]} : vector<16xf32> to vector<1xf32>
        %squeeze3A = vector.extract %slice3A[0] : f32 from vector<1xf32>
        %get3A_296 = arith.index_cast %scan3A_282 : i32 to index
        %get3A_297 = arith.constant 0 : index
        %get3A_298 = tpu.vector_load %arg15[%get3A_296, %get3A_297] {strides = array<i32>} : memref<400x80xf32, #tpu.memory_space<vmem>>, vector<1x16xf32>,
        %get3A_299 = vector.shape_cast %get3A_298 : vector<1x16xf32> to vector<16xf32>
        %mul3A_300 = vector.broadcast %squeeze3A : f32 to vector<16xf32>
        %mul3A_301 = arith.mulf %get3A_299, %mul3A_300 : vector<16xf32>
        %swap3A = arith.index_cast %scan3A_282 : i32 to index
        %swap3A_302 = arith.constant 0 : index
        %swap3A_303 = tpu.vector_load %arg15[%swap3A, %swap3A_302] {strides = array<i32>} : memref<400x80xf32, #tpu.memory_space<vmem>>, vector<1x16xf32>,
        %swap3A_304 = vector.shape_cast %swap3A_303 : vector<1x16xf32> to vector<16xf32>
        %swap3A_305 = vector.shape_cast %mul3A_301 : vector<16xf32> to vector<1x16xf32>
        tpu.vector_store %arg15[%swap3A, %swap3A_302], %swap3A_305 {strides = array<i32>} : memref<400x80xf32, #tpu.memory_space<vmem>>, vector<1x16xf32>,
        %get3A_306 = arith.index_cast %scan3A_282 : i32 to index
        %get3A_307 = arith.constant 16 : index
        %get3A_308 = tpu.vector_load %arg15[%get3A_306, %get3A_307] {strides = array<i32>} : memref<400x80xf32, #tpu.memory_space<vmem>>, vector<1x16xf32>,
        %get3A_309 = vector.shape_cast %get3A_308 : vector<1x16xf32> to vector<16xf32>
        %mul3A_310 = vector.broadcast %squeeze3A : f32 to vector<16xf32>
        %mul3A_311 = arith.mulf %get3A_309, %mul3A_310 : vector<16xf32>
        %swap3A_312 = arith.index_cast %scan3A_282 : i32 to index
        %swap3A_313 = arith.constant 16 : index
        %swap3A_314 = tpu.vector_load %arg15[%swap3A_312, %swap3A_313] {strides = array<i32>} : memref<400x80xf32, #tpu.memory_space<vmem>>, vector<1x16xf32>,
        %swap3A_315 = vector.shape_cast %swap3A_314 : vector<1x16xf32> to vector<16xf32>
        %swap3A_316 = vector.shape_cast %mul3A_311 : vector<16xf32> to vector<1x16xf32>
        tpu.vector_store %arg15[%swap3A_312, %swap3A_313], %swap3A_316 {strides = array<i32>} : memref<400x80xf32, #tpu.memory_space<vmem>>, vector<1x16xf32>,
        %get3A_317 = arith.index_cast %scan3A_282 : i32 to index
        %get3A_318 = arith.constant 32 : index
        %get3A_319 = tpu.vector_load %arg15[%get3A_317, %get3A_318] {strides = array<i32>} : memref<400x80xf32, #tpu.memory_space<vmem>>, vector<1x16xf32>,
        %get3A_320 = vector.shape_cast %get3A_319 : vector<1x16xf32> to vector<16xf32>
        %mul3A_321 = vector.broadcast %squeeze3A : f32 to vector<16xf32>
        %mul3A_322 = arith.mulf %get3A_320, %mul3A_321 : vector<16xf32>
        %swap3A_323 = arith.index_cast %scan3A_282 : i32 to index
        %swap3A_324 = arith.constant 32 : index
        %swap3A_325 = tpu.vector_load %arg15[%swap3A_323, %swap3A_324] {strides = array<i32>} : memref<400x80xf32, #tpu.memory_space<vmem>>, vector<1x16xf32>,
        %swap3A_326 = vector.shape_cast %swap3A_325 : vector<1x16xf32> to vector<16xf32>
        %swap3A_327 = vector.shape_cast %mul3A_322 : vector<16xf32> to vector<1x16xf32>
        tpu.vector_store %arg15[%swap3A_323, %swap3A_324], %swap3A_327 {strides = array<i32>} : memref<400x80xf32, #tpu.memory_space<vmem>>, vector<1x16xf32>,
        %get3A_328 = arith.index_cast %scan3A_282 : i32 to index
        %get3A_329 = arith.constant 48 : index
        %get3A_330 = tpu.vector_load %arg15[%get3A_328, %get3A_329] {strides = array<i32>} : memref<400x80xf32, #tpu.memory_space<vmem>>, vector<1x16xf32>,
        %get3A_331 = vector.shape_cast %get3A_330 : vector<1x16xf32> to vector<16xf32>
        %mul3A_332 = vector.broadcast %squeeze3A : f32 to vector<16xf32>
        %mul3A_333 = arith.mulf %get3A_331, %mul3A_332 : vector<16xf32>
        %swap3A_334 = arith.index_cast %scan3A_282 : i32 to index
        %swap3A_335 = arith.constant 48 : index
        %swap3A_336 = tpu.vector_load %arg15[%swap3A_334, %swap3A_335] {strides = array<i32>} : memref<400x80xf32, #tpu.memory_space<vmem>>, vector<1x16xf32>,
        %swap3A_337 = vector.shape_cast %swap3A_336 : vector<1x16xf32> to vector<16xf32>
        %swap3A_338 = vector.shape_cast %mul3A_333 : vector<16xf32> to vector<1x16xf32>
        tpu.vector_store %arg15[%swap3A_334, %swap3A_335], %swap3A_338 {strides = array<i32>} : memref<400x80xf32, #tpu.memory_space<vmem>>, vector<1x16xf32>,
        %broadcast_in_dim3A = arith.constant 0.000000e+00 : f32
        %broadcast_in_dim3A_339 = vector.broadcast %broadcast_in_dim3A : f32 to vector<16xf32>
        %eq3A_340 = arith.constant 1 : i32
        %eq3A_341 = vector.broadcast %eq3A_340 : i32 to vector<16xi32>
        %eq3A_342 = arith.cmpi eq, %iota3A, %eq3A_341 : vector<16xi32>
        %broadcast_in_dim3A_343 = vector.broadcast %squeeze3A : f32 to vector<16xf32>
        %select_n3A_344 = arith.select %eq3A_342, %broadcast_in_dim3A_343, %broadcast_in_dim3A_339 : vector<16xi1>, vector<16xf32>
        %mul3A_345 = arith.mulf %get3A_285, %select_n3A_344 : vector<16xf32>
        %swap3A_346 = arith.index_cast %scan3A_282 : i32 to index
        %swap3A_347 = arith.constant 64 : index
        %swap3A_348 = tpu.vector_load %arg15[%swap3A_346, %swap3A_347] {strides = array<i32>} : memref<400x80xf32, #tpu.memory_space<vmem>>, vector<1x16xf32>,
        %swap3A_349 = vector.shape_cast %swap3A_348 : vector<1x16xf32> to vector<16xf32>
        %swap3A_350 = vector.shape_cast %mul3A_345 : vector<16xf32> to vector<1x16xf32>
        tpu.vector_store %arg15[%swap3A_346, %swap3A_347], %swap3A_350 {strides = array<i32>} : memref<400x80xf32, #tpu.memory_space<vmem>>, vector<1x16xf32>,
      }
      %scan3A_281 = arith.constant 400 : i32
      "tpu.region"() ({
        %run_scoped3A = tpu.sem_alloc : memref<!tpu.dma_semaphore, #tpu.memory_space<semaphore_mem>>
        %dma_start3A_282 = arith.constant 0 : i32
        %dma_start3A_283 = arith.constant 0 : i32
        %dma_start3A_284 = tpu.memref_slice %arg15[%dma_start3A_282, %dma_start3A_283] : memref<400x80xf32, #tpu.memory_space<vmem>> -> memref<80x80xf32, #tpu.memory_space<vmem>>
        %dma_start3A_285 = arith.constant 0 : i32
        %dma_start3A_286 = arith.constant 0 : i32
        %dma_start3A_287 = tpu.memref_slice %arg8[%dma_start3A_285, %dma_start3A_286] : memref<10000x80xf32, #tpu.memory_space<vmem_shared>> -> memref<10000x80xf32, #tpu.memory_space<vmem_shared>>
        tpu.enqueue_indirect_dma source(%dma_start3A_284 : memref<80x80xf32, #tpu.memory_space<vmem>>) target(%dma_start3A_287 : memref<10000x80xf32, #tpu.memory_space<vmem_shared>>) offsets(%arg10 : memref<80xi32, #tpu.memory_space<vmem>>) semaphore(%run_scoped3A : memref<!tpu.dma_semaphore, #tpu.memory_space<semaphore_mem>>) {add = true}
        %dma_wait3A_288 = arith.constant 0 : i32
        %dma_wait3A_289 = arith.constant 0 : i32
        %dma_wait3A_290 = tpu.memref_slice %arg15[%dma_wait3A_288, %dma_wait3A_289] : memref<400x80xf32, #tpu.memory_space<vmem>> -> memref<80x80xf32, #tpu.memory_space<vmem>>
        %dma_wait3A_291 = arith.constant 0 : i32
        %dma_wait3A_292 = arith.constant 0 : i32
        %dma_wait3A_293 = tpu.memref_slice %arg8[%dma_wait3A_291, %dma_wait3A_292] : memref<10000x80xf32, #tpu.memory_space<vmem_shared>> -> memref<10000x80xf32, #tpu.memory_space<vmem_shared>>
        tpu.wait_indirect_dma semaphore(%run_scoped3A : memref<!tpu.dma_semaphore, #tpu.memory_space<semaphore_mem>>) src(%dma_wait3A_290 : memref<80x80xf32, #tpu.memory_space<vmem>>) dst(%dma_wait3A_293 : memref<10000x80xf32, #tpu.memory_space<vmem_shared>>)
        tpu.yield
      }) : () -> ()
      "tpu.region"() ({
        %run_scoped3A = tpu.sem_alloc : memref<!tpu.dma_semaphore, #tpu.memory_space<semaphore_mem>>
        %dma_start3A_282 = arith.constant 80 : i32
        %dma_start3A_283 = arith.constant 0 : i32
        %dma_start3A_284 = tpu.memref_slice %arg15[%dma_start3A_282, %dma_start3A_283] : memref<400x80xf32, #tpu.memory_space<vmem>> -> memref<80x80xf32, #tpu.memory_space<vmem>>
        %dma_start3A_285 = arith.constant 0 : i32
        %dma_start3A_286 = arith.constant 0 : i32
        %dma_start3A_287 = tpu.memref_slice %arg8[%dma_start3A_285, %dma_start3A_286] : memref<10000x80xf32, #tpu.memory_space<vmem_shared>> -> memref<10000x80xf32, #tpu.memory_space<vmem_shared>>
        tpu.enqueue_indirect_dma source(%dma_start3A_284 : memref<80x80xf32, #tpu.memory_space<vmem>>) target(%dma_start3A_287 : memref<10000x80xf32, #tpu.memory_space<vmem_shared>>) offsets(%arg11 : memref<80xi32, #tpu.memory_space<vmem>>) semaphore(%run_scoped3A : memref<!tpu.dma_semaphore, #tpu.memory_space<semaphore_mem>>) {add = true}
        %dma_wait3A_288 = arith.constant 80 : i32
        %dma_wait3A_289 = arith.constant 0 : i32
        %dma_wait3A_290 = tpu.memref_slice %arg15[%dma_wait3A_288, %dma_wait3A_289] : memref<400x80xf32, #tpu.memory_space<vmem>> -> memref<80x80xf32, #tpu.memory_space<vmem>>
        %dma_wait3A_291 = arith.constant 0 : i32
        %dma_wait3A_292 = arith.constant 0 : i32
        %dma_wait3A_293 = tpu.memref_slice %arg8[%dma_wait3A_291, %dma_wait3A_292] : memref<10000x80xf32, #tpu.memory_space<vmem_shared>> -> memref<10000x80xf32, #tpu.memory_space<vmem_shared>>
        tpu.wait_indirect_dma semaphore(%run_scoped3A : memref<!tpu.dma_semaphore, #tpu.memory_space<semaphore_mem>>) src(%dma_wait3A_290 : memref<80x80xf32, #tpu.memory_space<vmem>>) dst(%dma_wait3A_293 : memref<10000x80xf32, #tpu.memory_space<vmem_shared>>)
        tpu.yield
      }) : () -> ()
      "tpu.region"() ({
        %run_scoped3A = tpu.sem_alloc : memref<!tpu.dma_semaphore, #tpu.memory_space<semaphore_mem>>
        %dma_start3A_282 = arith.constant 160 : i32
        %dma_start3A_283 = arith.constant 0 : i32
        %dma_start3A_284 = tpu.memref_slice %arg15[%dma_start3A_282, %dma_start3A_283] : memref<400x80xf32, #tpu.memory_space<vmem>> -> memref<80x80xf32, #tpu.memory_space<vmem>>
        %dma_start3A_285 = arith.constant 0 : i32
        %dma_start3A_286 = arith.constant 0 : i32
        %dma_start3A_287 = tpu.memref_slice %arg8[%dma_start3A_285, %dma_start3A_286] : memref<10000x80xf32, #tpu.memory_space<vmem_shared>> -> memref<10000x80xf32, #tpu.memory_space<vmem_shared>>
        tpu.enqueue_indirect_dma source(%dma_start3A_284 : memref<80x80xf32, #tpu.memory_space<vmem>>) target(%dma_start3A_287 : memref<10000x80xf32, #tpu.memory_space<vmem_shared>>) offsets(%arg12 : memref<80xi32, #tpu.memory_space<vmem>>) semaphore(%run_scoped3A : memref<!tpu.dma_semaphore, #tpu.memory_space<semaphore_mem>>) {add = true}
        %dma_wait3A_288 = arith.constant 160 : i32
        %dma_wait3A_289 = arith.constant 0 : i32
        %dma_wait3A_290 = tpu.memref_slice %arg15[%dma_wait3A_288, %dma_wait3A_289] : memref<400x80xf32, #tpu.memory_space<vmem>> -> memref<80x80xf32, #tpu.memory_space<vmem>>
        %dma_wait3A_291 = arith.constant 0 : i32
        %dma_wait3A_292 = arith.constant 0 : i32
        %dma_wait3A_293 = tpu.memref_slice %arg8[%dma_wait3A_291, %dma_wait3A_292] : memref<10000x80xf32, #tpu.memory_space<vmem_shared>> -> memref<10000x80xf32, #tpu.memory_space<vmem_shared>>
        tpu.wait_indirect_dma semaphore(%run_scoped3A : memref<!tpu.dma_semaphore, #tpu.memory_space<semaphore_mem>>) src(%dma_wait3A_290 : memref<80x80xf32, #tpu.memory_space<vmem>>) dst(%dma_wait3A_293 : memref<10000x80xf32, #tpu.memory_space<vmem_shared>>)
        tpu.yield
      }) : () -> ()
      "tpu.region"() ({
        %run_scoped3A = tpu.sem_alloc : memref<!tpu.dma_semaphore, #tpu.memory_space<semaphore_mem>>
        %dma_start3A_282 = arith.constant 240 : i32
        %dma_start3A_283 = arith.constant 0 : i32
        %dma_start3A_284 = tpu.memref_slice %arg15[%dma_start3A_282, %dma_start3A_283] : memref<400x80xf32, #tpu.memory_space<vmem>> -> memref<80x80xf32, #tpu.memory_space<vmem>>
        %dma_start3A_285 = arith.constant 0 : i32
        %dma_start3A_286 = arith.constant 0 : i32
        %dma_start3A_287 = tpu.memref_slice %arg8[%dma_start3A_285, %dma_start3A_286] : memref<10000x80xf32, #tpu.memory_space<vmem_shared>> -> memref<10000x80xf32, #tpu.memory_space<vmem_shared>>
        tpu.enqueue_indirect_dma source(%dma_start3A_284 : memref<80x80xf32, #tpu.memory_space<vmem>>) target(%dma_start3A_287 : memref<10000x80xf32, #tpu.memory_space<vmem_shared>>) offsets(%arg13 : memref<80xi32, #tpu.memory_space<vmem>>) semaphore(%run_scoped3A : memref<!tpu.dma_semaphore, #tpu.memory_space<semaphore_mem>>) {add = true}
        %dma_wait3A_288 = arith.constant 240 : i32
        %dma_wait3A_289 = arith.constant 0 : i32
        %dma_wait3A_290 = tpu.memref_slice %arg15[%dma_wait3A_288, %dma_wait3A_289] : memref<400x80xf32, #tpu.memory_space<vmem>> -> memref<80x80xf32, #tpu.memory_space<vmem>>
        %dma_wait3A_291 = arith.constant 0 : i32
        %dma_wait3A_292 = arith.constant 0 : i32
        %dma_wait3A_293 = tpu.memref_slice %arg8[%dma_wait3A_291, %dma_wait3A_292] : memref<10000x80xf32, #tpu.memory_space<vmem_shared>> -> memref<10000x80xf32, #tpu.memory_space<vmem_shared>>
        tpu.wait_indirect_dma semaphore(%run_scoped3A : memref<!tpu.dma_semaphore, #tpu.memory_space<semaphore_mem>>) src(%dma_wait3A_290 : memref<80x80xf32, #tpu.memory_space<vmem>>) dst(%dma_wait3A_293 : memref<10000x80xf32, #tpu.memory_space<vmem_shared>>)
        tpu.yield
      }) : () -> ()
      "tpu.region"() ({
        %run_scoped3A = tpu.sem_alloc : memref<!tpu.dma_semaphore, #tpu.memory_space<semaphore_mem>>
        %dma_start3A_282 = arith.constant 320 : i32
        %dma_start3A_283 = arith.constant 0 : i32
        %dma_start3A_284 = tpu.memref_slice %arg15[%dma_start3A_282, %dma_start3A_283] : memref<400x80xf32, #tpu.memory_space<vmem>> -> memref<80x80xf32, #tpu.memory_space<vmem>>
        %dma_start3A_285 = arith.constant 0 : i32
        %dma_start3A_286 = arith.constant 0 : i32
        %dma_start3A_287 = tpu.memref_slice %arg8[%dma_start3A_285, %dma_start3A_286] : memref<10000x80xf32, #tpu.memory_space<vmem_shared>> -> memref<10000x80xf32, #tpu.memory_space<vmem_shared>>
        tpu.enqueue_indirect_dma source(%dma_start3A_284 : memref<80x80xf32, #tpu.memory_space<vmem>>) target(%dma_start3A_287 : memref<10000x80xf32, #tpu.memory_space<vmem_shared>>) offsets(%arg14 : memref<80xi32, #tpu.memory_space<vmem>>) semaphore(%run_scoped3A : memref<!tpu.dma_semaphore, #tpu.memory_space<semaphore_mem>>) {add = true}
        %dma_wait3A_288 = arith.constant 320 : i32
        %dma_wait3A_289 = arith.constant 0 : i32
        %dma_wait3A_290 = tpu.memref_slice %arg15[%dma_wait3A_288, %dma_wait3A_289] : memref<400x80xf32, #tpu.memory_space<vmem>> -> memref<80x80xf32, #tpu.memory_space<vmem>>
        %dma_wait3A_291 = arith.constant 0 : i32
        %dma_wait3A_292 = arith.constant 0 : i32
        %dma_wait3A_293 = tpu.memref_slice %arg8[%dma_wait3A_291, %dma_wait3A_292] : memref<10000x80xf32, #tpu.memory_space<vmem_shared>> -> memref<10000x80xf32, #tpu.memory_space<vmem_shared>>
        tpu.wait_indirect_dma semaphore(%run_scoped3A : memref<!tpu.dma_semaphore, #tpu.memory_space<semaphore_mem>>) src(%dma_wait3A_290 : memref<80x80xf32, #tpu.memory_space<vmem>>) dst(%dma_wait3A_293 : memref<10000x80xf32, #tpu.memory_space<vmem_shared>>)
        tpu.yield
      }) : () -> ()
    }
    %scan3A_13 = arith.constant 25 : i32
    %barrier3A_14 = arith.constant 0 : index
    tpu.barrier barrier_id(%barrier3A_14)
    %mul3A_15 = arith.constant 624 : i32
    %mul3A_16 = arith.muli %arg1, %mul3A_15 : i32
    %mul3A_17 = arith.constant 624 : i32
    %mul3A_18 = arith.muli %arg1, %mul3A_17 : i32
    "tpu.region"() ({
      %run_scoped3A = tpu.sem_alloc : memref<!tpu.dma_semaphore, #tpu.memory_space<semaphore_mem>>
      %dma_start3A = arith.constant 0 : i32
      %dma_start3A_24 = arith.constant 0 : i32
      %dma_start3A_25 = tpu.memref_slice %arg7[%arg0, %dma_start3A, %dma_start3A_24] : memref<2x10000x80xf32, #tpu.memory_space<hbm>> -> memref<1x10000x80xf32, #tpu.memory_space<hbm>>
      %dma_start3A_26 = tpu.memref_squeeze %dma_start3A_25 : memref<1x10000x80xf32, #tpu.memory_space<hbm>> -> memref<10000x80xf32, #tpu.memory_space<hbm>>
      %dma_start3A_27 = arith.constant 0 : i32
      %dma_start3A_28 = tpu.memref_slice %dma_start3A_26[%mul3A_18, %dma_start3A_27] : memref<10000x80xf32, #tpu.memory_space<hbm>> -> memref<624x80xf32, #tpu.memory_space<hbm>>
      %dma_start3A_29 = arith.constant 0 : i32
      %dma_start3A_30 = tpu.memref_slice %arg8[%mul3A_16, %dma_start3A_29] : memref<10000x80xf32, #tpu.memory_space<vmem_shared>> -> memref<624x80xf32, #tpu.memory_space<vmem_shared>>
      tpu.enqueue_dma source(%dma_start3A_30 : memref<624x80xf32, #tpu.memory_space<vmem_shared>>) target(%dma_start3A_28 : memref<624x80xf32, #tpu.memory_space<hbm>>) target_semaphore(%run_scoped3A : memref<!tpu.dma_semaphore, #tpu.memory_space<semaphore_mem>>)
      %dma_wait3A = arith.constant 0 : i32
      %dma_wait3A_31 = arith.constant 0 : i32
      %dma_wait3A_32 = tpu.memref_slice %arg7[%arg0, %dma_wait3A, %dma_wait3A_31] : memref<2x10000x80xf32, #tpu.memory_space<hbm>> -> memref<1x10000x80xf32, #tpu.memory_space<hbm>>
      %dma_wait3A_33 = tpu.memref_squeeze %dma_wait3A_32 : memref<1x10000x80xf32, #tpu.memory_space<hbm>> -> memref<10000x80xf32, #tpu.memory_space<hbm>>
      %dma_wait3A_34 = arith.constant 0 : i32
      %dma_wait3A_35 = tpu.memref_slice %dma_wait3A_33[%mul3A_18, %dma_wait3A_34] : memref<10000x80xf32, #tpu.memory_space<hbm>> -> memref<624x80xf32, #tpu.memory_space<hbm>>
      %dma_wait3A_36 = arith.constant 0 : i32
      %dma_wait3A_37 = tpu.memref_slice %arg8[%mul3A_16, %dma_wait3A_36] : memref<10000x80xf32, #tpu.memory_space<vmem_shared>> -> memref<624x80xf32, #tpu.memory_space<vmem_shared>>
      tpu.wait_dma2 semaphore(%run_scoped3A : memref<!tpu.dma_semaphore, #tpu.memory_space<semaphore_mem>>) src(%dma_wait3A_37 : memref<624x80xf32, #tpu.memory_space<vmem_shared>>) dst(%dma_wait3A_35 : memref<624x80xf32, #tpu.memory_space<hbm>>)
      tpu.yield
    }) : () -> ()
    %eq3A_19 = arith.constant 15 : i32
    %eq3A_20 = arith.cmpi eq, %arg1, %eq3A_19 : i32
    %convert_element_type3A_21 = arith.extui %eq3A_20 : i1 to i32
    %cond3A_22 = arith.constant 0 : i32
    %cond3A_23 = arith.cmpi ne, %convert_element_type3A_21, %cond3A_22 : i32
    scf.if %cond3A_23 {
      "tpu.region"() ({
        %run_scoped3A = tpu.sem_alloc : memref<!tpu.dma_semaphore, #tpu.memory_space<semaphore_mem>>
        %dma_start3A = arith.constant 0 : i32
        %dma_start3A_24 = arith.constant 0 : i32
        %dma_start3A_25 = tpu.memref_slice %arg7[%arg0, %dma_start3A, %dma_start3A_24] : memref<2x10000x80xf32, #tpu.memory_space<hbm>> -> memref<1x10000x80xf32, #tpu.memory_space<hbm>>
        %dma_start3A_26 = tpu.memref_squeeze %dma_start3A_25 : memref<1x10000x80xf32, #tpu.memory_space<hbm>> -> memref<10000x80xf32, #tpu.memory_space<hbm>>
        %dma_start3A_27 = arith.constant 9984 : i32
        %dma_start3A_28 = arith.constant 0 : i32
        %dma_start3A_29 = tpu.memref_slice %dma_start3A_26[%dma_start3A_27, %dma_start3A_28] : memref<10000x80xf32, #tpu.memory_space<hbm>> -> memref<16x80xf32, #tpu.memory_space<hbm>>
        %dma_start3A_30 = arith.constant 9984 : i32
        %dma_start3A_31 = arith.constant 0 : i32
        %dma_start3A_32 = tpu.memref_slice %arg8[%dma_start3A_30, %dma_start3A_31] : memref<10000x80xf32, #tpu.memory_space<vmem_shared>> -> memref<16x80xf32, #tpu.memory_space<vmem_shared>>
        tpu.enqueue_dma source(%dma_start3A_32 : memref<16x80xf32, #tpu.memory_space<vmem_shared>>) target(%dma_start3A_29 : memref<16x80xf32, #tpu.memory_space<hbm>>) target_semaphore(%run_scoped3A : memref<!tpu.dma_semaphore, #tpu.memory_space<semaphore_mem>>)
        %dma_wait3A = arith.constant 0 : i32
        %dma_wait3A_33 = arith.constant 0 : i32
        %dma_wait3A_34 = tpu.memref_slice %arg7[%arg0, %dma_wait3A, %dma_wait3A_33] : memref<2x10000x80xf32, #tpu.memory_space<hbm>> -> memref<1x10000x80xf32, #tpu.memory_space<hbm>>
        %dma_wait3A_35 = tpu.memref_squeeze %dma_wait3A_34 : memref<1x10000x80xf32, #tpu.memory_space<hbm>> -> memref<10000x80xf32, #tpu.memory_space<hbm>>
        %dma_wait3A_36 = arith.constant 9984 : i32
        %dma_wait3A_37 = arith.constant 0 : i32
        %dma_wait3A_38 = tpu.memref_slice %dma_wait3A_35[%dma_wait3A_36, %dma_wait3A_37] : memref<10000x80xf32, #tpu.memory_space<hbm>> -> memref<16x80xf32, #tpu.memory_space<hbm>>
        %dma_wait3A_39 = arith.constant 9984 : i32
        %dma_wait3A_40 = arith.constant 0 : i32
        %dma_wait3A_41 = tpu.memref_slice %arg8[%dma_wait3A_39, %dma_wait3A_40] : memref<10000x80xf32, #tpu.memory_space<vmem_shared>> -> memref<16x80xf32, #tpu.memory_space<vmem_shared>>
        tpu.wait_dma2 semaphore(%run_scoped3A : memref<!tpu.dma_semaphore, #tpu.memory_space<semaphore_mem>>) src(%dma_wait3A_41 : memref<16x80xf32, #tpu.memory_space<vmem_shared>>) dst(%dma_wait3A_38 : memref<16x80xf32, #tpu.memory_space<hbm>>)
        tpu.yield
      }) : () -> ()
    } else {
    }
    return
  }
}

module attributes {stable_mosaic.version = 14 : i64} {
  func.func @_k1_body(%arg0: i32, %arg1: i32, %arg2: memref<2000x128xf32, #tpu.memory_space<vmem>>, %arg3: memref<128x64xf32, #tpu.memory_space<vmem>>, %arg4: memref<1x64xf32, #tpu.memory_space<vmem>>, %arg5: memref<1x64x144xf32, #tpu.memory_space<vmem>>, %arg6: memref<1x1x144xf32, #tpu.memory_space<vmem>>, %arg7: memref<1x64x16xf32, #tpu.memory_space<vmem>>, %arg8: memref<1x64x144xf32, #tpu.memory_space<vmem>>, %arg9: memref<1x1x144xf32, #tpu.memory_space<vmem>>, %arg10: memref<1x64x16xf32, #tpu.memory_space<vmem>>, %arg11: memref<1x2000x144xf32, #tpu.memory_space<vmem>>, %arg12: memref<1x2000x16xf32, #tpu.memory_space<vmem>>, %arg13: memref<1x2000x144xf32, #tpu.memory_space<vmem>>, %arg14: memref<1x2000x16xf32, #tpu.memory_space<vmem>>) attributes {dimension_semantics = [#tpu.dimension_semantics<arbitrary>, #tpu.dimension_semantics<arbitrary>], iteration_bounds = array<i64: 5, 2>, scalar_prefetch = 0 : i64, scratch_operands = 0 : i64, tpu.core_type = #tpu.core_type<tc>, window_params = [{transform_indices = @transform_0, window_bounds = array<i64: 2000, 128>}, {pipeline_mode = #tpu.pipeline_mode<synchronous>, transform_indices = @transform_1, window_bounds = array<i64: 128, 64>}, {pipeline_mode = #tpu.pipeline_mode<synchronous>, transform_indices = @transform_2, window_bounds = array<i64: 1, 64>}, {transform_indices = @transform_3, window_bounds = array<i64: 1, 64, 144>}, {transform_indices = @transform_4, window_bounds = array<i64: 1, 1, 144>}, {transform_indices = @transform_5, window_bounds = array<i64: 1, 64, 16>}, {transform_indices = @transform_6, window_bounds = array<i64: 1, 64, 144>}, {transform_indices = @transform_7, window_bounds = array<i64: 1, 1, 144>}, {transform_indices = @transform_8, window_bounds = array<i64: 1, 64, 16>}, {transform_indices = @transform_9, window_bounds = array<i64: 1, 2000, 144>}, {transform_indices = @transform_10, window_bounds = array<i64: 1, 2000, 16>}, {transform_indices = @transform_11, window_bounds = array<i64: 1, 2000, 144>}, {transform_indices = @transform_12, window_bounds = array<i64: 1, 2000, 16>}]} {
    %get3A = arith.constant 0 : index
    %get3A_0 = arith.constant 0 : index
    %get3A_1 = vector.load %arg2[%get3A, %get3A_0] : memref<2000x128xf32, #tpu.memory_space<vmem>>, vector<2000x128xf32>
    %get3A_2 = arith.constant 0 : index
    %get3A_3 = arith.constant 0 : index
    %get3A_4 = vector.load %arg3[%get3A_2, %get3A_3] : memref<128x64xf32, #tpu.memory_space<vmem>>, vector<128x64xf32>
    %dot_general3A = arith.constant dense<0.000000e+00> : vector<2000x64xf32>
    %dot_general3A_5 = tpu.matmul %get3A_1, %get3A_4, %dot_general3A {dimension_numbers = #tpu.dot_dimension_numbers<[1], [0], [0], [1], [0, 0, 1, 1], [], []>, transpose_lhs_hint = false} : vector<2000x128xf32>, vector<128x64xf32>, vector<2000x64xf32> -> vector<2000x64xf32>
    %get3A_6 = arith.constant 0 : index
    %get3A_7 = arith.constant 0 : index
    %get3A_8 = vector.load %arg4[%get3A_6, %get3A_7] : memref<1x64xf32, #tpu.memory_space<vmem>>, vector<1x64xf32>
    %add3A = vector.broadcast %get3A_8 : vector<1x64xf32> to vector<2000x64xf32>
    %add3A_9 = arith.addf %dot_general3A_5, %add3A : vector<2000x64xf32>
    %max3A = arith.constant 0.000000e+00 : f32
    %max3A_10 = vector.broadcast %max3A : f32 to vector<2000x64xf32>
    %max3A_11 = arith.maximumf %add3A_9, %max3A_10 : vector<2000x64xf32>
    %get3A_12 = arith.constant 0 : index
    %get3A_13 = arith.constant 0 : index
    %get3A_14 = arith.constant 0 : index
    %get3A_15 = vector.load %arg5[%get3A_12, %get3A_13, %get3A_14] : memref<1x64x144xf32, #tpu.memory_space<vmem>>, vector<1x64x144xf32>
    %get3A_16 = vector.shape_cast %get3A_15 : vector<1x64x144xf32> to vector<64x144xf32>
    %dot_general3A_17 = arith.constant dense<0.000000e+00> : vector<2000x144xf32>
    %dot_general3A_18 = tpu.matmul %max3A_11, %get3A_16, %dot_general3A_17 {dimension_numbers = #tpu.dot_dimension_numbers<[1], [0], [0], [1], [0, 0, 1, 1], [], []>, transpose_lhs_hint = false} : vector<2000x64xf32>, vector<64x144xf32>, vector<2000x144xf32> -> vector<2000x144xf32>
    %get3A_19 = arith.constant 0 : index
    %get3A_20 = arith.constant 0 : index
    %get3A_21 = arith.constant 0 : index
    %get3A_22 = vector.load %arg6[%get3A_19, %get3A_20, %get3A_21] : memref<1x1x144xf32, #tpu.memory_space<vmem>>, vector<1x1x144xf32>
    %get3A_23 = vector.shape_cast %get3A_22 : vector<1x1x144xf32> to vector<1x144xf32>
    %add3A_24 = vector.broadcast %get3A_23 : vector<1x144xf32> to vector<2000x144xf32>
    %add3A_25 = arith.addf %dot_general3A_18, %add3A_24 : vector<2000x144xf32>
    %swap3A = arith.constant 0 : index
    %swap3A_26 = arith.constant 0 : index
    %swap3A_27 = arith.constant 0 : index
    %swap3A_28 = vector.load %arg11[%swap3A, %swap3A_26, %swap3A_27] : memref<1x2000x144xf32, #tpu.memory_space<vmem>>, vector<1x2000x144xf32>
    %swap3A_29 = vector.shape_cast %swap3A_28 : vector<1x2000x144xf32> to vector<2000x144xf32>
    %swap3A_30 = vector.shape_cast %add3A_25 : vector<2000x144xf32> to vector<1x2000x144xf32>
    tpu.vector_store %arg11[%swap3A, %swap3A_26, %swap3A_27], %swap3A_30 {strides = array<i32>} : memref<1x2000x144xf32, #tpu.memory_space<vmem>>, vector<1x2000x144xf32>,
    %get3A_31 = arith.constant 0 : index
    %get3A_32 = arith.constant 0 : index
    %get3A_33 = arith.constant 0 : index
    %get3A_34 = vector.load %arg7[%get3A_31, %get3A_32, %get3A_33] : memref<1x64x16xf32, #tpu.memory_space<vmem>>, vector<1x64x16xf32>
    %get3A_35 = vector.shape_cast %get3A_34 : vector<1x64x16xf32> to vector<64x16xf32>
    %dot_general3A_36 = arith.constant dense<0.000000e+00> : vector<2000x16xf32>
    %dot_general3A_37 = tpu.matmul %max3A_11, %get3A_35, %dot_general3A_36 {dimension_numbers = #tpu.dot_dimension_numbers<[1], [0], [0], [1], [0, 0, 1, 1], [], []>, transpose_lhs_hint = false} : vector<2000x64xf32>, vector<64x16xf32>, vector<2000x16xf32> -> vector<2000x16xf32>
    %swap3A_38 = arith.constant 0 : index
    %swap3A_39 = arith.constant 0 : index
    %swap3A_40 = arith.constant 0 : index
    %swap3A_41 = vector.load %arg12[%swap3A_38, %swap3A_39, %swap3A_40] : memref<1x2000x16xf32, #tpu.memory_space<vmem>>, vector<1x2000x16xf32>
    %swap3A_42 = vector.shape_cast %swap3A_41 : vector<1x2000x16xf32> to vector<2000x16xf32>
    %swap3A_43 = vector.shape_cast %dot_general3A_37 : vector<2000x16xf32> to vector<1x2000x16xf32>
    tpu.vector_store %arg12[%swap3A_38, %swap3A_39, %swap3A_40], %swap3A_43 {strides = array<i32>} : memref<1x2000x16xf32, #tpu.memory_space<vmem>>, vector<1x2000x16xf32>,
    %get3A_44 = arith.constant 0 : index
    %get3A_45 = arith.constant 0 : index
    %get3A_46 = arith.constant 0 : index
    %get3A_47 = vector.load %arg8[%get3A_44, %get3A_45, %get3A_46] : memref<1x64x144xf32, #tpu.memory_space<vmem>>, vector<1x64x144xf32>
    %get3A_48 = vector.shape_cast %get3A_47 : vector<1x64x144xf32> to vector<64x144xf32>
    %dot_general3A_49 = arith.constant dense<0.000000e+00> : vector<2000x144xf32>
    %dot_general3A_50 = tpu.matmul %max3A_11, %get3A_48, %dot_general3A_49 {dimension_numbers = #tpu.dot_dimension_numbers<[1], [0], [0], [1], [0, 0, 1, 1], [], []>, transpose_lhs_hint = false} : vector<2000x64xf32>, vector<64x144xf32>, vector<2000x144xf32> -> vector<2000x144xf32>
    %get3A_51 = arith.constant 0 : index
    %get3A_52 = arith.constant 0 : index
    %get3A_53 = arith.constant 0 : index
    %get3A_54 = vector.load %arg9[%get3A_51, %get3A_52, %get3A_53] : memref<1x1x144xf32, #tpu.memory_space<vmem>>, vector<1x1x144xf32>
    %get3A_55 = vector.shape_cast %get3A_54 : vector<1x1x144xf32> to vector<1x144xf32>
    %add3A_56 = vector.broadcast %get3A_55 : vector<1x144xf32> to vector<2000x144xf32>
    %add3A_57 = arith.addf %dot_general3A_50, %add3A_56 : vector<2000x144xf32>
    %swap3A_58 = arith.constant 0 : index
    %swap3A_59 = arith.constant 0 : index
    %swap3A_60 = arith.constant 0 : index
    %swap3A_61 = vector.load %arg13[%swap3A_58, %swap3A_59, %swap3A_60] : memref<1x2000x144xf32, #tpu.memory_space<vmem>>, vector<1x2000x144xf32>
    %swap3A_62 = vector.shape_cast %swap3A_61 : vector<1x2000x144xf32> to vector<2000x144xf32>
    %swap3A_63 = vector.shape_cast %add3A_57 : vector<2000x144xf32> to vector<1x2000x144xf32>
    tpu.vector_store %arg13[%swap3A_58, %swap3A_59, %swap3A_60], %swap3A_63 {strides = array<i32>} : memref<1x2000x144xf32, #tpu.memory_space<vmem>>, vector<1x2000x144xf32>,
    %get3A_64 = arith.constant 0 : index
    %get3A_65 = arith.constant 0 : index
    %get3A_66 = arith.constant 0 : index
    %get3A_67 = vector.load %arg10[%get3A_64, %get3A_65, %get3A_66] : memref<1x64x16xf32, #tpu.memory_space<vmem>>, vector<1x64x16xf32>
    %get3A_68 = vector.shape_cast %get3A_67 : vector<1x64x16xf32> to vector<64x16xf32>
    %dot_general3A_69 = arith.constant dense<0.000000e+00> : vector<2000x16xf32>
    %dot_general3A_70 = tpu.matmul %max3A_11, %get3A_68, %dot_general3A_69 {dimension_numbers = #tpu.dot_dimension_numbers<[1], [0], [0], [1], [0, 0, 1, 1], [], []>, transpose_lhs_hint = false} : vector<2000x64xf32>, vector<64x16xf32>, vector<2000x16xf32> -> vector<2000x16xf32>
    %swap3A_71 = arith.constant 0 : index
    %swap3A_72 = arith.constant 0 : index
    %swap3A_73 = arith.constant 0 : index
    %swap3A_74 = vector.load %arg14[%swap3A_71, %swap3A_72, %swap3A_73] : memref<1x2000x16xf32, #tpu.memory_space<vmem>>, vector<1x2000x16xf32>
    %swap3A_75 = vector.shape_cast %swap3A_74 : vector<1x2000x16xf32> to vector<2000x16xf32>
    %swap3A_76 = vector.shape_cast %dot_general3A_70 : vector<2000x16xf32> to vector<1x2000x16xf32>
    tpu.vector_store %arg14[%swap3A_71, %swap3A_72, %swap3A_73], %swap3A_76 {strides = array<i32>} : memref<1x2000x16xf32, #tpu.memory_space<vmem>>, vector<1x2000x16xf32>,
    return
  }
  func.func @transform_0(%arg0: i32, %arg1: i32) -> (i32, i32) {
    %c0_i32 = arith.constant 0 : i32
    %c0_i32_0 = arith.constant 0 : i32
    return %arg0, %c0_i32 : i32, i32
  }
  func.func @transform_1(%arg0: i32, %arg1: i32) -> (i32, i32) {
    %c0_i32 = arith.constant 0 : i32
    %c0_i32_0 = arith.constant 0 : i32
    %c0_i32_1 = arith.constant 0 : i32
    return %c0_i32, %c0_i32_0 : i32, i32
  }
  func.func @transform_2(%arg0: i32, %arg1: i32) -> (i32, i32) {
    %c0_i32 = arith.constant 0 : i32
    %c0_i32_0 = arith.constant 0 : i32
    %c0_i32_1 = arith.constant 0 : i32
    return %c0_i32, %c0_i32_0 : i32, i32
  }
  func.func @transform_3(%arg0: i32, %arg1: i32) -> (i32, i32, i32) {
    %c0_i32 = arith.constant 0 : i32
    %c0_i32_0 = arith.constant 0 : i32
    %c0_i32_1 = arith.constant 0 : i32
    return %arg1, %c0_i32, %c0_i32_0 : i32, i32, i32
  }
  func.func @transform_4(%arg0: i32, %arg1: i32) -> (i32, i32, i32) {
    %c0_i32 = arith.constant 0 : i32
    %c0_i32_0 = arith.constant 0 : i32
    %c0_i32_1 = arith.constant 0 : i32
    return %arg1, %c0_i32, %c0_i32_0 : i32, i32, i32
  }
  func.func @transform_5(%arg0: i32, %arg1: i32) -> (i32, i32, i32) {
    %c0_i32 = arith.constant 0 : i32
    %c0_i32_0 = arith.constant 0 : i32
    %c0_i32_1 = arith.constant 0 : i32
    return %arg1, %c0_i32, %c0_i32_0 : i32, i32, i32
  }
  func.func @transform_6(%arg0: i32, %arg1: i32) -> (i32, i32, i32) {
    %c0_i32 = arith.constant 0 : i32
    %c0_i32_0 = arith.constant 0 : i32
    %c0_i32_1 = arith.constant 0 : i32
    return %arg1, %c0_i32, %c0_i32_0 : i32, i32, i32
  }
  func.func @transform_7(%arg0: i32, %arg1: i32) -> (i32, i32, i32) {
    %c0_i32 = arith.constant 0 : i32
    %c0_i32_0 = arith.constant 0 : i32
    %c0_i32_1 = arith.constant 0 : i32
    return %arg1, %c0_i32, %c0_i32_0 : i32, i32, i32
  }
  func.func @transform_8(%arg0: i32, %arg1: i32) -> (i32, i32, i32) {
    %c0_i32 = arith.constant 0 : i32
    %c0_i32_0 = arith.constant 0 : i32
    %c0_i32_1 = arith.constant 0 : i32
    return %arg1, %c0_i32, %c0_i32_0 : i32, i32, i32
  }
  func.func @transform_9(%arg0: i32, %arg1: i32) -> (i32, i32, i32) {
    %c0_i32 = arith.constant 0 : i32
    %c0_i32_0 = arith.constant 0 : i32
    return %arg1, %arg0, %c0_i32 : i32, i32, i32
  }
  func.func @transform_10(%arg0: i32, %arg1: i32) -> (i32, i32, i32) {
    %c0_i32 = arith.constant 0 : i32
    %c0_i32_0 = arith.constant 0 : i32
    return %arg1, %arg0, %c0_i32 : i32, i32, i32
  }
  func.func @transform_11(%arg0: i32, %arg1: i32) -> (i32, i32, i32) {
    %c0_i32 = arith.constant 0 : i32
    %c0_i32_0 = arith.constant 0 : i32
    return %arg1, %arg0, %c0_i32 : i32, i32, i32
  }
  func.func @transform_12(%arg0: i32, %arg1: i32) -> (i32, i32, i32) {
    %c0_i32 = arith.constant 0 : i32
    %c0_i32_0 = arith.constant 0 : i32
    return %arg1, %arg0, %c0_i32 : i32, i32, i32
  }
}

module attributes {stable_mosaic.version = 14 : i64} {
  func.func @_k2_body(%arg0: i32, %arg1: memref<2x2000x144xf32, #tpu.memory_space<vmem>>, %arg2: memref<2x2000x144xf32, #tpu.memory_space<vmem>>, %arg3: memref<16x128xf32, #tpu.memory_space<vmem>>, %arg4: memref<1x256xf32, #tpu.memory_space<vmem>>, %arg5: memref<1x256xf32, #tpu.memory_space<vmem>>, %arg6: memref<256x80xf32, #tpu.memory_space<vmem>>, %arg7: memref<1x80xf32, #tpu.memory_space<vmem>>, %arg8: memref<256x16xf32, #tpu.memory_space<vmem>>, %arg9: memref<256x80xf32, #tpu.memory_space<vmem>>, %arg10: memref<1x80xf32, #tpu.memory_space<vmem>>, %arg11: memref<256x16xf32, #tpu.memory_space<vmem>>, %arg12: memref<1x2000x80xf32, #tpu.memory_space<vmem>>, %arg13: memref<1x2000x16xf32, #tpu.memory_space<vmem>>, %arg14: memref<1x2000x80xf32, #tpu.memory_space<vmem>>, %arg15: memref<1x2000x16xf32, #tpu.memory_space<vmem>>) attributes {dimension_semantics = [#tpu.dimension_semantics<arbitrary>], iteration_bounds = array<i64: 5>, scalar_prefetch = 0 : i64, scratch_operands = 0 : i64, tpu.core_type = #tpu.core_type<tc>, window_params = [{transform_indices = @transform_0, window_bounds = array<i64: 2, 2000, 144>}, {transform_indices = @transform_1, window_bounds = array<i64: 2, 2000, 144>}, {pipeline_mode = #tpu.pipeline_mode<synchronous>, transform_indices = @transform_2, window_bounds = array<i64: 16, 128>}, {pipeline_mode = #tpu.pipeline_mode<synchronous>, transform_indices = @transform_3, window_bounds = array<i64: 1, 256>}, {pipeline_mode = #tpu.pipeline_mode<synchronous>, transform_indices = @transform_4, window_bounds = array<i64: 1, 256>}, {pipeline_mode = #tpu.pipeline_mode<synchronous>, transform_indices = @transform_5, window_bounds = array<i64: 256, 80>}, {pipeline_mode = #tpu.pipeline_mode<synchronous>, transform_indices = @transform_6, window_bounds = array<i64: 1, 80>}, {pipeline_mode = #tpu.pipeline_mode<synchronous>, transform_indices = @transform_7, window_bounds = array<i64: 256, 16>}, {pipeline_mode = #tpu.pipeline_mode<synchronous>, transform_indices = @transform_8, window_bounds = array<i64: 256, 80>}, {pipeline_mode = #tpu.pipeline_mode<synchronous>, transform_indices = @transform_9, window_bounds = array<i64: 1, 80>}, {pipeline_mode = #tpu.pipeline_mode<synchronous>, transform_indices = @transform_10, window_bounds = array<i64: 256, 16>}, {transform_indices = @transform_11, window_bounds = array<i64: 1, 2000, 80>}, {transform_indices = @transform_12, window_bounds = array<i64: 1, 2000, 16>}, {transform_indices = @transform_13, window_bounds = array<i64: 1, 2000, 80>}, {transform_indices = @transform_14, window_bounds = array<i64: 1, 2000, 16>}]} {
    %get3A = arith.constant 0 : index
    %get3A_0 = arith.constant 0 : index
    %get3A_1 = vector.load %arg3[%get3A, %get3A_0] : memref<16x128xf32, #tpu.memory_space<vmem>>, vector<16x128xf32>
    %get3A_2 = arith.constant 0 : index
    %get3A_3 = arith.constant 0 : index
    %get3A_4 = arith.constant 0 : index
    %get3A_5 = vector.load %arg1[%get3A_2, %get3A_3, %get3A_4] : memref<2x2000x144xf32, #tpu.memory_space<vmem>>, vector<2x2000x144xf32>
    %slice3A = vector.extract_strided_slice %get3A_5 {offsets = [0, 0, 0], sizes = [1, 2000, 144], strides = [1, 1, 1]} : vector<2x2000x144xf32> to vector<1x2000x144xf32>
    %squeeze3A = vector.shape_cast %slice3A : vector<1x2000x144xf32> to vector<2000x144xf32>
    %slice3A_6 = vector.extract_strided_slice %squeeze3A {offsets = [0, 0], sizes = [2000, 128], strides = [1, 1]} : vector<2000x144xf32> to vector<2000x128xf32>
    %slice3A_7 = vector.extract_strided_slice %get3A_5 {offsets = [0, 0, 0], sizes = [1, 2000, 144], strides = [1, 1, 1]} : vector<2x2000x144xf32> to vector<1x2000x144xf32>
    %squeeze3A_8 = vector.shape_cast %slice3A_7 : vector<1x2000x144xf32> to vector<2000x144xf32>
    %slice3A_9 = vector.extract_strided_slice %squeeze3A_8 {offsets = [0, 128], sizes = [2000, 16], strides = [1, 1]} : vector<2000x144xf32> to vector<2000x16xf32>
    %add3A = arith.constant 1.000000e-16 : f32
    %add3A_10 = vector.broadcast %add3A : f32 to vector<2000x16xf32>
    %add3A_11 = arith.addf %slice3A_9, %add3A_10 : vector<2000x16xf32>
    %div3A = arith.constant 1.000000e+00 : f32
    %div3A_12 = vector.broadcast %div3A : f32 to vector<2000x16xf32>
    %div3A_13 = arith.divf %div3A_12, %add3A_11 : vector<2000x16xf32>
    %dot_general3A = arith.constant dense<0.000000e+00> : vector<2000x128xf32>
    %dot_general3A_14 = tpu.matmul %div3A_13, %get3A_1, %dot_general3A {dimension_numbers = #tpu.dot_dimension_numbers<[1], [0], [0], [1], [0, 0, 1, 1], [], []>, transpose_lhs_hint = false} : vector<2000x16xf32>, vector<16x128xf32>, vector<2000x128xf32> -> vector<2000x128xf32>
    %mul3A = arith.mulf %slice3A_6, %dot_general3A_14 : vector<2000x128xf32>
    %slice3A_15 = vector.extract_strided_slice %get3A_5 {offsets = [1, 0, 0], sizes = [1, 2000, 144], strides = [1, 1, 1]} : vector<2x2000x144xf32> to vector<1x2000x144xf32>
    %squeeze3A_16 = vector.shape_cast %slice3A_15 : vector<1x2000x144xf32> to vector<2000x144xf32>
    %slice3A_17 = vector.extract_strided_slice %squeeze3A_16 {offsets = [0, 0], sizes = [2000, 128], strides = [1, 1]} : vector<2000x144xf32> to vector<2000x128xf32>
    %slice3A_18 = vector.extract_strided_slice %get3A_5 {offsets = [1, 0, 0], sizes = [1, 2000, 144], strides = [1, 1, 1]} : vector<2x2000x144xf32> to vector<1x2000x144xf32>
    %squeeze3A_19 = vector.shape_cast %slice3A_18 : vector<1x2000x144xf32> to vector<2000x144xf32>
    %slice3A_20 = vector.extract_strided_slice %squeeze3A_19 {offsets = [0, 128], sizes = [2000, 16], strides = [1, 1]} : vector<2000x144xf32> to vector<2000x16xf32>
    %add3A_21 = arith.constant 1.000000e-16 : f32
    %add3A_22 = vector.broadcast %add3A_21 : f32 to vector<2000x16xf32>
    %add3A_23 = arith.addf %slice3A_20, %add3A_22 : vector<2000x16xf32>
    %div3A_24 = arith.constant 1.000000e+00 : f32
    %div3A_25 = vector.broadcast %div3A_24 : f32 to vector<2000x16xf32>
    %div3A_26 = arith.divf %div3A_25, %add3A_23 : vector<2000x16xf32>
    %dot_general3A_27 = arith.constant dense<0.000000e+00> : vector<2000x128xf32>
    %dot_general3A_28 = tpu.matmul %div3A_26, %get3A_1, %dot_general3A_27 {dimension_numbers = #tpu.dot_dimension_numbers<[1], [0], [0], [1], [0, 0, 1, 1], [], []>, transpose_lhs_hint = false} : vector<2000x16xf32>, vector<16x128xf32>, vector<2000x128xf32> -> vector<2000x128xf32>
    %mul3A_29 = arith.mulf %slice3A_17, %dot_general3A_28 : vector<2000x128xf32>
    %concatenate3A = tpu.concatenate %mul3A, %mul3A_29 in 1 : vector<2000x128xf32>, vector<2000x128xf32> -> vector<2000x256xf32>
    %get3A_30 = arith.constant 0 : index
    %get3A_31 = arith.constant 0 : index
    %get3A_32 = vector.load %arg4[%get3A_30, %get3A_31] : memref<1x256xf32, #tpu.memory_space<vmem>>, vector<1x256xf32>
    %add3A_33 = vector.broadcast %get3A_32 : vector<1x256xf32> to vector<2000x256xf32>
    %add3A_34 = arith.addf %concatenate3A, %add3A_33 : vector<2000x256xf32>
    %get3A_35 = arith.constant 0 : index
    %get3A_36 = arith.constant 0 : index
    %get3A_37 = arith.constant 0 : index
    %get3A_38 = vector.load %arg2[%get3A_35, %get3A_36, %get3A_37] : memref<2x2000x144xf32, #tpu.memory_space<vmem>>, vector<2x2000x144xf32>
    %slice3A_39 = vector.extract_strided_slice %get3A_38 {offsets = [0, 0, 0], sizes = [1, 2000, 144], strides = [1, 1, 1]} : vector<2x2000x144xf32> to vector<1x2000x144xf32>
    %squeeze3A_40 = vector.shape_cast %slice3A_39 : vector<1x2000x144xf32> to vector<2000x144xf32>
    %slice3A_41 = vector.extract_strided_slice %squeeze3A_40 {offsets = [0, 0], sizes = [2000, 128], strides = [1, 1]} : vector<2000x144xf32> to vector<2000x128xf32>
    %slice3A_42 = vector.extract_strided_slice %get3A_38 {offsets = [0, 0, 0], sizes = [1, 2000, 144], strides = [1, 1, 1]} : vector<2x2000x144xf32> to vector<1x2000x144xf32>
    %squeeze3A_43 = vector.shape_cast %slice3A_42 : vector<1x2000x144xf32> to vector<2000x144xf32>
    %slice3A_44 = vector.extract_strided_slice %squeeze3A_43 {offsets = [0, 128], sizes = [2000, 16], strides = [1, 1]} : vector<2000x144xf32> to vector<2000x16xf32>
    %add3A_45 = arith.constant 1.000000e-16 : f32
    %add3A_46 = vector.broadcast %add3A_45 : f32 to vector<2000x16xf32>
    %add3A_47 = arith.addf %slice3A_44, %add3A_46 : vector<2000x16xf32>
    %div3A_48 = arith.constant 1.000000e+00 : f32
    %div3A_49 = vector.broadcast %div3A_48 : f32 to vector<2000x16xf32>
    %div3A_50 = arith.divf %div3A_49, %add3A_47 : vector<2000x16xf32>
    %dot_general3A_51 = arith.constant dense<0.000000e+00> : vector<2000x128xf32>
    %dot_general3A_52 = tpu.matmul %div3A_50, %get3A_1, %dot_general3A_51 {dimension_numbers = #tpu.dot_dimension_numbers<[1], [0], [0], [1], [0, 0, 1, 1], [], []>, transpose_lhs_hint = false} : vector<2000x16xf32>, vector<16x128xf32>, vector<2000x128xf32> -> vector<2000x128xf32>
    %mul3A_53 = arith.mulf %slice3A_41, %dot_general3A_52 : vector<2000x128xf32>
    %slice3A_54 = vector.extract_strided_slice %get3A_38 {offsets = [1, 0, 0], sizes = [1, 2000, 144], strides = [1, 1, 1]} : vector<2x2000x144xf32> to vector<1x2000x144xf32>
    %squeeze3A_55 = vector.shape_cast %slice3A_54 : vector<1x2000x144xf32> to vector<2000x144xf32>
    %slice3A_56 = vector.extract_strided_slice %squeeze3A_55 {offsets = [0, 0], sizes = [2000, 128], strides = [1, 1]} : vector<2000x144xf32> to vector<2000x128xf32>
    %slice3A_57 = vector.extract_strided_slice %get3A_38 {offsets = [1, 0, 0], sizes = [1, 2000, 144], strides = [1, 1, 1]} : vector<2x2000x144xf32> to vector<1x2000x144xf32>
    %squeeze3A_58 = vector.shape_cast %slice3A_57 : vector<1x2000x144xf32> to vector<2000x144xf32>
    %slice3A_59 = vector.extract_strided_slice %squeeze3A_58 {offsets = [0, 128], sizes = [2000, 16], strides = [1, 1]} : vector<2000x144xf32> to vector<2000x16xf32>
    %add3A_60 = arith.constant 1.000000e-16 : f32
    %add3A_61 = vector.broadcast %add3A_60 : f32 to vector<2000x16xf32>
    %add3A_62 = arith.addf %slice3A_59, %add3A_61 : vector<2000x16xf32>
    %div3A_63 = arith.constant 1.000000e+00 : f32
    %div3A_64 = vector.broadcast %div3A_63 : f32 to vector<2000x16xf32>
    %div3A_65 = arith.divf %div3A_64, %add3A_62 : vector<2000x16xf32>
    %dot_general3A_66 = arith.constant dense<0.000000e+00> : vector<2000x128xf32>
    %dot_general3A_67 = tpu.matmul %div3A_65, %get3A_1, %dot_general3A_66 {dimension_numbers = #tpu.dot_dimension_numbers<[1], [0], [0], [1], [0, 0, 1, 1], [], []>, transpose_lhs_hint = false} : vector<2000x16xf32>, vector<16x128xf32>, vector<2000x128xf32> -> vector<2000x128xf32>
    %mul3A_68 = arith.mulf %slice3A_56, %dot_general3A_67 : vector<2000x128xf32>
    %concatenate3A_69 = tpu.concatenate %mul3A_53, %mul3A_68 in 1 : vector<2000x128xf32>, vector<2000x128xf32> -> vector<2000x256xf32>
    %add3A_70 = arith.addf %add3A_34, %concatenate3A_69 : vector<2000x256xf32>
    %get3A_71 = arith.constant 0 : index
    %get3A_72 = arith.constant 0 : index
    %get3A_73 = vector.load %arg5[%get3A_71, %get3A_72] : memref<1x256xf32, #tpu.memory_space<vmem>>, vector<1x256xf32>
    %add3A_74 = vector.broadcast %get3A_73 : vector<1x256xf32> to vector<2000x256xf32>
    %add3A_75 = arith.addf %add3A_70, %add3A_74 : vector<2000x256xf32>
    %gt3A = arith.constant 0.000000e+00 : f32
    %gt3A_76 = vector.broadcast %gt3A : f32 to vector<2000x256xf32>
    %gt3A_77 = arith.cmpf ogt, %add3A_75, %gt3A_76 : vector<2000x256xf32>
    %min3A = arith.constant 0.000000e+00 : f32
    %min3A_78 = vector.broadcast %min3A : f32 to vector<2000x256xf32>
    %min3A_79 = arith.minimumf %add3A_75, %min3A_78 : vector<2000x256xf32>
    %exp3A = math.exp %min3A_79 : vector<2000x256xf32>
    %sub3A = arith.constant 1.000000e+00 : f32
    %sub3A_80 = vector.broadcast %sub3A : f32 to vector<2000x256xf32>
    %sub3A_81 = arith.subf %exp3A, %sub3A_80 : vector<2000x256xf32>
    %select_n3A = arith.select %gt3A_77, %add3A_75, %sub3A_81 : vector<2000x256xi1>, vector<2000x256xf32>
    %get3A_82 = arith.constant 0 : index
    %get3A_83 = arith.constant 0 : index
    %get3A_84 = vector.load %arg6[%get3A_82, %get3A_83] : memref<256x80xf32, #tpu.memory_space<vmem>>, vector<256x80xf32>
    %dot_general3A_85 = arith.constant dense<0.000000e+00> : vector<2000x80xf32>
    %dot_general3A_86 = tpu.matmul %select_n3A, %get3A_84, %dot_general3A_85 {dimension_numbers = #tpu.dot_dimension_numbers<[1], [0], [0], [1], [0, 0, 1, 1], [], []>, transpose_lhs_hint = false} : vector<2000x256xf32>, vector<256x80xf32>, vector<2000x80xf32> -> vector<2000x80xf32>
    %get3A_87 = arith.constant 0 : index
    %get3A_88 = arith.constant 0 : index
    %get3A_89 = vector.load %arg7[%get3A_87, %get3A_88] : memref<1x80xf32, #tpu.memory_space<vmem>>, vector<1x80xf32>
    %add3A_90 = vector.broadcast %get3A_89 : vector<1x80xf32> to vector<2000x80xf32>
    %add3A_91 = arith.addf %dot_general3A_86, %add3A_90 : vector<2000x80xf32>
    %swap3A = arith.constant 0 : index
    %swap3A_92 = arith.constant 0 : index
    %swap3A_93 = arith.constant 0 : index
    %swap3A_94 = vector.load %arg12[%swap3A, %swap3A_92, %swap3A_93] : memref<1x2000x80xf32, #tpu.memory_space<vmem>>, vector<1x2000x80xf32>
    %swap3A_95 = vector.shape_cast %swap3A_94 : vector<1x2000x80xf32> to vector<2000x80xf32>
    %swap3A_96 = vector.shape_cast %add3A_91 : vector<2000x80xf32> to vector<1x2000x80xf32>
    tpu.vector_store %arg12[%swap3A, %swap3A_92, %swap3A_93], %swap3A_96 {strides = array<i32>} : memref<1x2000x80xf32, #tpu.memory_space<vmem>>, vector<1x2000x80xf32>,
    %get3A_97 = arith.constant 0 : index
    %get3A_98 = arith.constant 0 : index
    %get3A_99 = vector.load %arg8[%get3A_97, %get3A_98] : memref<256x16xf32, #tpu.memory_space<vmem>>, vector<256x16xf32>
    %dot_general3A_100 = arith.constant dense<0.000000e+00> : vector<2000x16xf32>
    %dot_general3A_101 = tpu.matmul %select_n3A, %get3A_99, %dot_general3A_100 {dimension_numbers = #tpu.dot_dimension_numbers<[1], [0], [0], [1], [0, 0, 1, 1], [], []>, transpose_lhs_hint = false} : vector<2000x256xf32>, vector<256x16xf32>, vector<2000x16xf32> -> vector<2000x16xf32>
    %swap3A_102 = arith.constant 0 : index
    %swap3A_103 = arith.constant 0 : index
    %swap3A_104 = arith.constant 0 : index
    %swap3A_105 = vector.load %arg13[%swap3A_102, %swap3A_103, %swap3A_104] : memref<1x2000x16xf32, #tpu.memory_space<vmem>>, vector<1x2000x16xf32>
    %swap3A_106 = vector.shape_cast %swap3A_105 : vector<1x2000x16xf32> to vector<2000x16xf32>
    %swap3A_107 = vector.shape_cast %dot_general3A_101 : vector<2000x16xf32> to vector<1x2000x16xf32>
    tpu.vector_store %arg13[%swap3A_102, %swap3A_103, %swap3A_104], %swap3A_107 {strides = array<i32>} : memref<1x2000x16xf32, #tpu.memory_space<vmem>>, vector<1x2000x16xf32>,
    %get3A_108 = arith.constant 0 : index
    %get3A_109 = arith.constant 0 : index
    %get3A_110 = vector.load %arg9[%get3A_108, %get3A_109] : memref<256x80xf32, #tpu.memory_space<vmem>>, vector<256x80xf32>
    %dot_general3A_111 = arith.constant dense<0.000000e+00> : vector<2000x80xf32>
    %dot_general3A_112 = tpu.matmul %select_n3A, %get3A_110, %dot_general3A_111 {dimension_numbers = #tpu.dot_dimension_numbers<[1], [0], [0], [1], [0, 0, 1, 1], [], []>, transpose_lhs_hint = false} : vector<2000x256xf32>, vector<256x80xf32>, vector<2000x80xf32> -> vector<2000x80xf32>
    %get3A_113 = arith.constant 0 : index
    %get3A_114 = arith.constant 0 : index
    %get3A_115 = vector.load %arg10[%get3A_113, %get3A_114] : memref<1x80xf32, #tpu.memory_space<vmem>>, vector<1x80xf32>
    %add3A_116 = vector.broadcast %get3A_115 : vector<1x80xf32> to vector<2000x80xf32>
    %add3A_117 = arith.addf %dot_general3A_112, %add3A_116 : vector<2000x80xf32>
    %swap3A_118 = arith.constant 0 : index
    %swap3A_119 = arith.constant 0 : index
    %swap3A_120 = arith.constant 0 : index
    %swap3A_121 = vector.load %arg14[%swap3A_118, %swap3A_119, %swap3A_120] : memref<1x2000x80xf32, #tpu.memory_space<vmem>>, vector<1x2000x80xf32>
    %swap3A_122 = vector.shape_cast %swap3A_121 : vector<1x2000x80xf32> to vector<2000x80xf32>
    %swap3A_123 = vector.shape_cast %add3A_117 : vector<2000x80xf32> to vector<1x2000x80xf32>
    tpu.vector_store %arg14[%swap3A_118, %swap3A_119, %swap3A_120], %swap3A_123 {strides = array<i32>} : memref<1x2000x80xf32, #tpu.memory_space<vmem>>, vector<1x2000x80xf32>,
    %get3A_124 = arith.constant 0 : index
    %get3A_125 = arith.constant 0 : index
    %get3A_126 = vector.load %arg11[%get3A_124, %get3A_125] : memref<256x16xf32, #tpu.memory_space<vmem>>, vector<256x16xf32>
    %dot_general3A_127 = arith.constant dense<0.000000e+00> : vector<2000x16xf32>
    %dot_general3A_128 = tpu.matmul %select_n3A, %get3A_126, %dot_general3A_127 {dimension_numbers = #tpu.dot_dimension_numbers<[1], [0], [0], [1], [0, 0, 1, 1], [], []>, transpose_lhs_hint = false} : vector<2000x256xf32>, vector<256x16xf32>, vector<2000x16xf32> -> vector<2000x16xf32>
    %swap3A_129 = arith.constant 0 : index
    %swap3A_130 = arith.constant 0 : index
    %swap3A_131 = arith.constant 0 : index
    %swap3A_132 = vector.load %arg15[%swap3A_129, %swap3A_130, %swap3A_131] : memref<1x2000x16xf32, #tpu.memory_space<vmem>>, vector<1x2000x16xf32>
    %swap3A_133 = vector.shape_cast %swap3A_132 : vector<1x2000x16xf32> to vector<2000x16xf32>
    %swap3A_134 = vector.shape_cast %dot_general3A_128 : vector<2000x16xf32> to vector<1x2000x16xf32>
    tpu.vector_store %arg15[%swap3A_129, %swap3A_130, %swap3A_131], %swap3A_134 {strides = array<i32>} : memref<1x2000x16xf32, #tpu.memory_space<vmem>>, vector<1x2000x16xf32>,
    return
  }
  func.func @transform_0(%arg0: i32) -> (i32, i32, i32) {
    %c0_i32 = arith.constant 0 : i32
    %c0_i32_0 = arith.constant 0 : i32
    %c0_i32_1 = arith.constant 0 : i32
    return %c0_i32, %arg0, %c0_i32_0 : i32, i32, i32
  }
  func.func @transform_1(%arg0: i32) -> (i32, i32, i32) {
    %c0_i32 = arith.constant 0 : i32
    %c0_i32_0 = arith.constant 0 : i32
    %c0_i32_1 = arith.constant 0 : i32
    return %c0_i32, %arg0, %c0_i32_0 : i32, i32, i32
  }
  func.func @transform_2(%arg0: i32) -> (i32, i32) {
    %c0_i32 = arith.constant 0 : i32
    %c0_i32_0 = arith.constant 0 : i32
    %c0_i32_1 = arith.constant 0 : i32
    return %c0_i32, %c0_i32_0 : i32, i32
  }
  func.func @transform_3(%arg0: i32) -> (i32, i32) {
    %c0_i32 = arith.constant 0 : i32
    %c0_i32_0 = arith.constant 0 : i32
    %c0_i32_1 = arith.constant 0 : i32
    return %c0_i32, %c0_i32_0 : i32, i32
  }
  func.func @transform_4(%arg0: i32) -> (i32, i32) {
    %c0_i32 = arith.constant 0 : i32
    %c0_i32_0 = arith.constant 0 : i32
    %c0_i32_1 = arith.constant 0 : i32
    return %c0_i32, %c0_i32_0 : i32, i32
  }
  func.func @transform_5(%arg0: i32) -> (i32, i32) {
    %c0_i32 = arith.constant 0 : i32
    %c0_i32_0 = arith.constant 0 : i32
    %c0_i32_1 = arith.constant 0 : i32
    return %c0_i32, %c0_i32_0 : i32, i32
  }
  func.func @transform_6(%arg0: i32) -> (i32, i32) {
    %c0_i32 = arith.constant 0 : i32
    %c0_i32_0 = arith.constant 0 : i32
    %c0_i32_1 = arith.constant 0 : i32
    return %c0_i32, %c0_i32_0 : i32, i32
  }
  func.func @transform_7(%arg0: i32) -> (i32, i32) {
    %c0_i32 = arith.constant 0 : i32
    %c0_i32_0 = arith.constant 0 : i32
    %c0_i32_1 = arith.constant 0 : i32
    return %c0_i32, %c0_i32_0 : i32, i32
  }
  func.func @transform_8(%arg0: i32) -> (i32, i32) {
    %c0_i32 = arith.constant 0 : i32
    %c0_i32_0 = arith.constant 0 : i32
    %c0_i32_1 = arith.constant 0 : i32
    return %c0_i32, %c0_i32_0 : i32, i32
  }
  func.func @transform_9(%arg0: i32) -> (i32, i32) {
    %c0_i32 = arith.constant 0 : i32
    %c0_i32_0 = arith.constant 0 : i32
    %c0_i32_1 = arith.constant 0 : i32
    return %c0_i32, %c0_i32_0 : i32, i32
  }
  func.func @transform_10(%arg0: i32) -> (i32, i32) {
    %c0_i32 = arith.constant 0 : i32
    %c0_i32_0 = arith.constant 0 : i32
    %c0_i32_1 = arith.constant 0 : i32
    return %c0_i32, %c0_i32_0 : i32, i32
  }
  func.func @transform_11(%arg0: i32) -> (i32, i32, i32) {
    %c0_i32 = arith.constant 0 : i32
    %c0_i32_0 = arith.constant 0 : i32
    %c0_i32_1 = arith.constant 0 : i32
    return %c0_i32, %arg0, %c0_i32_0 : i32, i32, i32
  }
  func.func @transform_12(%arg0: i32) -> (i32, i32, i32) {
    %c0_i32 = arith.constant 0 : i32
    %c0_i32_0 = arith.constant 0 : i32
    %c0_i32_1 = arith.constant 0 : i32
    return %c0_i32, %arg0, %c0_i32_0 : i32, i32, i32
  }
  func.func @transform_13(%arg0: i32) -> (i32, i32, i32) {
    %c0_i32 = arith.constant 0 : i32
    %c0_i32_0 = arith.constant 0 : i32
    %c0_i32_1 = arith.constant 0 : i32
    return %c0_i32, %arg0, %c0_i32_0 : i32, i32, i32
  }
  func.func @transform_14(%arg0: i32) -> (i32, i32, i32) {
    %c0_i32 = arith.constant 0 : i32
    %c0_i32_0 = arith.constant 0 : i32
    %c0_i32_1 = arith.constant 0 : i32
    return %c0_i32, %arg0, %c0_i32_0 : i32, i32, i32
  }
}

module attributes {stable_mosaic.version = 14 : i64} {
  func.func @_k3_body(%arg0: i32, %arg1: memref<2x2000x80xf32, #tpu.memory_space<vmem>>, %arg2: memref<2x2000x80xf32, #tpu.memory_space<vmem>>, %arg3: memref<16x64xf32, #tpu.memory_space<vmem>>, %arg4: memref<1x64xf32, #tpu.memory_space<vmem>>, %arg5: memref<1x64xf32, #tpu.memory_space<vmem>>, %arg6: memref<64x128xf32, #tpu.memory_space<vmem>>, %arg7: memref<1x128xf32, #tpu.memory_space<vmem>>, %arg8: memref<1x128xf32, #tpu.memory_space<vmem>>, %arg9: memref<64x128xf32, #tpu.memory_space<vmem>>, %arg10: memref<1x128xf32, #tpu.memory_space<vmem>>, %arg11: memref<2000x128xf32, #tpu.memory_space<vmem>>) attributes {dimension_semantics = [#tpu.dimension_semantics<arbitrary>], iteration_bounds = array<i64: 5>, scalar_prefetch = 0 : i64, scratch_operands = 0 : i64, tpu.core_type = #tpu.core_type<tc>, window_params = [{transform_indices = @transform_0, window_bounds = array<i64: 2, 2000, 80>}, {transform_indices = @transform_1, window_bounds = array<i64: 2, 2000, 80>}, {pipeline_mode = #tpu.pipeline_mode<synchronous>, transform_indices = @transform_2, window_bounds = array<i64: 16, 64>}, {pipeline_mode = #tpu.pipeline_mode<synchronous>, transform_indices = @transform_3, window_bounds = array<i64: 1, 64>}, {pipeline_mode = #tpu.pipeline_mode<synchronous>, transform_indices = @transform_4, window_bounds = array<i64: 1, 64>}, {pipeline_mode = #tpu.pipeline_mode<synchronous>, transform_indices = @transform_5, window_bounds = array<i64: 64, 128>}, {pipeline_mode = #tpu.pipeline_mode<synchronous>, transform_indices = @transform_6, window_bounds = array<i64: 1, 128>}, {pipeline_mode = #tpu.pipeline_mode<synchronous>, transform_indices = @transform_7, window_bounds = array<i64: 1, 128>}, {pipeline_mode = #tpu.pipeline_mode<synchronous>, transform_indices = @transform_8, window_bounds = array<i64: 64, 128>}, {pipeline_mode = #tpu.pipeline_mode<synchronous>, transform_indices = @transform_9, window_bounds = array<i64: 1, 128>}, {transform_indices = @transform_10, window_bounds = array<i64: 2000, 128>}]} {
    %get3A = arith.constant 0 : index
    %get3A_0 = arith.constant 0 : index
    %get3A_1 = vector.load %arg3[%get3A, %get3A_0] : memref<16x64xf32, #tpu.memory_space<vmem>>, vector<16x64xf32>
    %get3A_2 = arith.constant 0 : index
    %get3A_3 = arith.constant 0 : index
    %get3A_4 = arith.constant 0 : index
    %get3A_5 = vector.load %arg1[%get3A_2, %get3A_3, %get3A_4] : memref<2x2000x80xf32, #tpu.memory_space<vmem>>, vector<2x2000x80xf32>
    %get3A_6 = arith.constant 0 : index
    %get3A_7 = arith.constant 0 : index
    %get3A_8 = vector.load %arg4[%get3A_6, %get3A_7] : memref<1x64xf32, #tpu.memory_space<vmem>>, vector<1x64xf32>
    %slice3A = vector.extract_strided_slice %get3A_5 {offsets = [0, 0, 0], sizes = [1, 2000, 80], strides = [1, 1, 1]} : vector<2x2000x80xf32> to vector<1x2000x80xf32>
    %squeeze3A = vector.shape_cast %slice3A : vector<1x2000x80xf32> to vector<2000x80xf32>
    %slice3A_9 = vector.extract_strided_slice %squeeze3A {offsets = [0, 0], sizes = [2000, 64], strides = [1, 1]} : vector<2000x80xf32> to vector<2000x64xf32>
    %slice3A_10 = vector.extract_strided_slice %get3A_5 {offsets = [1, 0, 0], sizes = [1, 2000, 80], strides = [1, 1, 1]} : vector<2x2000x80xf32> to vector<1x2000x80xf32>
    %squeeze3A_11 = vector.shape_cast %slice3A_10 : vector<1x2000x80xf32> to vector<2000x80xf32>
    %slice3A_12 = vector.extract_strided_slice %squeeze3A_11 {offsets = [0, 0], sizes = [2000, 64], strides = [1, 1]} : vector<2000x80xf32> to vector<2000x64xf32>
    %add3A = arith.addf %slice3A_9, %slice3A_12 : vector<2000x64xf32>
    %slice3A_13 = vector.extract_strided_slice %get3A_5 {offsets = [0, 0, 0], sizes = [1, 2000, 80], strides = [1, 1, 1]} : vector<2x2000x80xf32> to vector<1x2000x80xf32>
    %squeeze3A_14 = vector.shape_cast %slice3A_13 : vector<1x2000x80xf32> to vector<2000x80xf32>
    %slice3A_15 = vector.extract_strided_slice %squeeze3A_14 {offsets = [0, 64], sizes = [2000, 16], strides = [1, 1]} : vector<2000x80xf32> to vector<2000x16xf32>
    %slice3A_16 = vector.extract_strided_slice %get3A_5 {offsets = [1, 0, 0], sizes = [1, 2000, 80], strides = [1, 1, 1]} : vector<2x2000x80xf32> to vector<1x2000x80xf32>
    %squeeze3A_17 = vector.shape_cast %slice3A_16 : vector<1x2000x80xf32> to vector<2000x80xf32>
    %slice3A_18 = vector.extract_strided_slice %squeeze3A_17 {offsets = [0, 64], sizes = [2000, 16], strides = [1, 1]} : vector<2000x80xf32> to vector<2000x16xf32>
    %add3A_19 = arith.addf %slice3A_15, %slice3A_18 : vector<2000x16xf32>
    %add3A_20 = arith.constant 1.000000e-16 : f32
    %add3A_21 = vector.broadcast %add3A_20 : f32 to vector<2000x16xf32>
    %add3A_22 = arith.addf %add3A_19, %add3A_21 : vector<2000x16xf32>
    %div3A = arith.constant 1.000000e+00 : f32
    %div3A_23 = vector.broadcast %div3A : f32 to vector<2000x16xf32>
    %div3A_24 = arith.divf %div3A_23, %add3A_22 : vector<2000x16xf32>
    %dot_general3A = arith.constant dense<0.000000e+00> : vector<2000x64xf32>
    %dot_general3A_25 = tpu.matmul %div3A_24, %get3A_1, %dot_general3A {dimension_numbers = #tpu.dot_dimension_numbers<[1], [0], [0], [1], [0, 0, 1, 1], [], []>, transpose_lhs_hint = false} : vector<2000x16xf32>, vector<16x64xf32>, vector<2000x64xf32> -> vector<2000x64xf32>
    %mul3A = arith.mulf %add3A, %dot_general3A_25 : vector<2000x64xf32>
    %add3A_26 = vector.broadcast %get3A_8 : vector<1x64xf32> to vector<2000x64xf32>
    %add3A_27 = arith.addf %mul3A, %add3A_26 : vector<2000x64xf32>
    %get3A_28 = arith.constant 0 : index
    %get3A_29 = arith.constant 0 : index
    %get3A_30 = arith.constant 0 : index
    %get3A_31 = vector.load %arg2[%get3A_28, %get3A_29, %get3A_30] : memref<2x2000x80xf32, #tpu.memory_space<vmem>>, vector<2x2000x80xf32>
    %get3A_32 = arith.constant 0 : index
    %get3A_33 = arith.constant 0 : index
    %get3A_34 = vector.load %arg5[%get3A_32, %get3A_33] : memref<1x64xf32, #tpu.memory_space<vmem>>, vector<1x64xf32>
    %slice3A_35 = vector.extract_strided_slice %get3A_31 {offsets = [0, 0, 0], sizes = [1, 2000, 80], strides = [1, 1, 1]} : vector<2x2000x80xf32> to vector<1x2000x80xf32>
    %squeeze3A_36 = vector.shape_cast %slice3A_35 : vector<1x2000x80xf32> to vector<2000x80xf32>
    %slice3A_37 = vector.extract_strided_slice %squeeze3A_36 {offsets = [0, 0], sizes = [2000, 64], strides = [1, 1]} : vector<2000x80xf32> to vector<2000x64xf32>
    %slice3A_38 = vector.extract_strided_slice %get3A_31 {offsets = [1, 0, 0], sizes = [1, 2000, 80], strides = [1, 1, 1]} : vector<2x2000x80xf32> to vector<1x2000x80xf32>
    %squeeze3A_39 = vector.shape_cast %slice3A_38 : vector<1x2000x80xf32> to vector<2000x80xf32>
    %slice3A_40 = vector.extract_strided_slice %squeeze3A_39 {offsets = [0, 0], sizes = [2000, 64], strides = [1, 1]} : vector<2000x80xf32> to vector<2000x64xf32>
    %add3A_41 = arith.addf %slice3A_37, %slice3A_40 : vector<2000x64xf32>
    %slice3A_42 = vector.extract_strided_slice %get3A_31 {offsets = [0, 0, 0], sizes = [1, 2000, 80], strides = [1, 1, 1]} : vector<2x2000x80xf32> to vector<1x2000x80xf32>
    %squeeze3A_43 = vector.shape_cast %slice3A_42 : vector<1x2000x80xf32> to vector<2000x80xf32>
    %slice3A_44 = vector.extract_strided_slice %squeeze3A_43 {offsets = [0, 64], sizes = [2000, 16], strides = [1, 1]} : vector<2000x80xf32> to vector<2000x16xf32>
    %slice3A_45 = vector.extract_strided_slice %get3A_31 {offsets = [1, 0, 0], sizes = [1, 2000, 80], strides = [1, 1, 1]} : vector<2x2000x80xf32> to vector<1x2000x80xf32>
    %squeeze3A_46 = vector.shape_cast %slice3A_45 : vector<1x2000x80xf32> to vector<2000x80xf32>
    %slice3A_47 = vector.extract_strided_slice %squeeze3A_46 {offsets = [0, 64], sizes = [2000, 16], strides = [1, 1]} : vector<2000x80xf32> to vector<2000x16xf32>
    %add3A_48 = arith.addf %slice3A_44, %slice3A_47 : vector<2000x16xf32>
    %add3A_49 = arith.constant 1.000000e-16 : f32
    %add3A_50 = vector.broadcast %add3A_49 : f32 to vector<2000x16xf32>
    %add3A_51 = arith.addf %add3A_48, %add3A_50 : vector<2000x16xf32>
    %div3A_52 = arith.constant 1.000000e+00 : f32
    %div3A_53 = vector.broadcast %div3A_52 : f32 to vector<2000x16xf32>
    %div3A_54 = arith.divf %div3A_53, %add3A_51 : vector<2000x16xf32>
    %dot_general3A_55 = arith.constant dense<0.000000e+00> : vector<2000x64xf32>
    %dot_general3A_56 = tpu.matmul %div3A_54, %get3A_1, %dot_general3A_55 {dimension_numbers = #tpu.dot_dimension_numbers<[1], [0], [0], [1], [0, 0, 1, 1], [], []>, transpose_lhs_hint = false} : vector<2000x16xf32>, vector<16x64xf32>, vector<2000x64xf32> -> vector<2000x64xf32>
    %mul3A_57 = arith.mulf %add3A_41, %dot_general3A_56 : vector<2000x64xf32>
    %add3A_58 = vector.broadcast %get3A_34 : vector<1x64xf32> to vector<2000x64xf32>
    %add3A_59 = arith.addf %mul3A_57, %add3A_58 : vector<2000x64xf32>
    %add3A_60 = arith.addf %add3A_27, %add3A_59 : vector<2000x64xf32>
    %get3A_61 = arith.constant 0 : index
    %get3A_62 = arith.constant 0 : index
    %get3A_63 = vector.load %arg6[%get3A_61, %get3A_62] : memref<64x128xf32, #tpu.memory_space<vmem>>, vector<64x128xf32>
    %dot_general3A_64 = arith.constant dense<0.000000e+00> : vector<2000x128xf32>
    %dot_general3A_65 = tpu.matmul %add3A_60, %get3A_63, %dot_general3A_64 {dimension_numbers = #tpu.dot_dimension_numbers<[1], [0], [0], [1], [0, 0, 1, 1], [], []>, transpose_lhs_hint = false} : vector<2000x64xf32>, vector<64x128xf32>, vector<2000x128xf32> -> vector<2000x128xf32>
    %get3A_66 = arith.constant 0 : index
    %get3A_67 = arith.constant 0 : index
    %get3A_68 = vector.load %arg7[%get3A_66, %get3A_67] : memref<1x128xf32, #tpu.memory_space<vmem>>, vector<1x128xf32>
    %add3A_69 = vector.broadcast %get3A_68 : vector<1x128xf32> to vector<2000x128xf32>
    %add3A_70 = arith.addf %dot_general3A_65, %add3A_69 : vector<2000x128xf32>
    %tanh3A = math.tanh %add3A_70 : vector<2000x128xf32>
    %get3A_71 = arith.constant 0 : index
    %get3A_72 = arith.constant 0 : index
    %get3A_73 = vector.load %arg8[%get3A_71, %get3A_72] : memref<1x128xf32, #tpu.memory_space<vmem>>, vector<1x128xf32>
    %mul3A_74 = vector.broadcast %get3A_73 : vector<1x128xf32> to vector<2000x128xf32>
    %mul3A_75 = arith.mulf %tanh3A, %mul3A_74 : vector<2000x128xf32>
    %reduce_sum3A = arith.constant dense<0.000000e+00> : vector<2000xf32>
    %reduce_sum3A_76 = vector.multi_reduction <add>, %mul3A_75, %reduce_sum3A [1] : vector<2000x128xf32> to vector<2000xf32>
    %broadcast_in_dim3A = vector.shape_cast %reduce_sum3A_76 : vector<2000xf32> to vector<2000x1xf32>
    %logistic3A = arith.negf %broadcast_in_dim3A : vector<2000x1xf32>
    %logistic3A_77 = math.exp %logistic3A : vector<2000x1xf32>
    %logistic3A_78 = arith.constant 1.000000e+00 : f32
    %logistic3A_79 = vector.broadcast %logistic3A_78 : f32 to vector<2000x1xf32>
    %logistic3A_80 = arith.addf %logistic3A_79, %logistic3A_77 : vector<2000x1xf32>
    %logistic3A_81 = arith.divf %logistic3A_79, %logistic3A_80 : vector<2000x1xf32>
    %mul3A_82 = vector.broadcast %logistic3A_81 : vector<2000x1xf32> to vector<2000x64xf32>
    %mul3A_83 = arith.mulf %add3A_60, %mul3A_82 : vector<2000x64xf32>
    %get3A_84 = arith.constant 0 : index
    %get3A_85 = arith.constant 0 : index
    %get3A_86 = vector.load %arg9[%get3A_84, %get3A_85] : memref<64x128xf32, #tpu.memory_space<vmem>>, vector<64x128xf32>
    %dot_general3A_87 = arith.constant dense<0.000000e+00> : vector<2000x128xf32>
    %dot_general3A_88 = tpu.matmul %mul3A_83, %get3A_86, %dot_general3A_87 {dimension_numbers = #tpu.dot_dimension_numbers<[1], [0], [0], [1], [0, 0, 1, 1], [], []>, transpose_lhs_hint = false} : vector<2000x64xf32>, vector<64x128xf32>, vector<2000x128xf32> -> vector<2000x128xf32>
    %get3A_89 = arith.constant 0 : index
    %get3A_90 = arith.constant 0 : index
    %get3A_91 = vector.load %arg10[%get3A_89, %get3A_90] : memref<1x128xf32, #tpu.memory_space<vmem>>, vector<1x128xf32>
    %add3A_92 = vector.broadcast %get3A_91 : vector<1x128xf32> to vector<2000x128xf32>
    %add3A_93 = arith.addf %dot_general3A_88, %add3A_92 : vector<2000x128xf32>
    %swap3A = arith.constant 0 : index
    %swap3A_94 = arith.constant 0 : index
    %swap3A_95 = vector.load %arg11[%swap3A, %swap3A_94] : memref<2000x128xf32, #tpu.memory_space<vmem>>, vector<2000x128xf32>
    tpu.vector_store %arg11[%swap3A, %swap3A_94], %add3A_93 {strides = array<i32>} : memref<2000x128xf32, #tpu.memory_space<vmem>>, vector<2000x128xf32>,
    return
  }
  func.func @transform_0(%arg0: i32) -> (i32, i32, i32) {
    %c0_i32 = arith.constant 0 : i32
    %c0_i32_0 = arith.constant 0 : i32
    %c0_i32_1 = arith.constant 0 : i32
    return %c0_i32, %arg0, %c0_i32_0 : i32, i32, i32
  }
  func.func @transform_1(%arg0: i32) -> (i32, i32, i32) {
    %c0_i32 = arith.constant 0 : i32
    %c0_i32_0 = arith.constant 0 : i32
    %c0_i32_1 = arith.constant 0 : i32
    return %c0_i32, %arg0, %c0_i32_0 : i32, i32, i32
  }
  func.func @transform_2(%arg0: i32) -> (i32, i32) {
    %c0_i32 = arith.constant 0 : i32
    %c0_i32_0 = arith.constant 0 : i32
    %c0_i32_1 = arith.constant 0 : i32
    return %c0_i32, %c0_i32_0 : i32, i32
  }
  func.func @transform_3(%arg0: i32) -> (i32, i32) {
    %c0_i32 = arith.constant 0 : i32
    %c0_i32_0 = arith.constant 0 : i32
    %c0_i32_1 = arith.constant 0 : i32
    return %c0_i32, %c0_i32_0 : i32, i32
  }
  func.func @transform_4(%arg0: i32) -> (i32, i32) {
    %c0_i32 = arith.constant 0 : i32
    %c0_i32_0 = arith.constant 0 : i32
    %c0_i32_1 = arith.constant 0 : i32
    return %c0_i32, %c0_i32_0 : i32, i32
  }
  func.func @transform_5(%arg0: i32) -> (i32, i32) {
    %c0_i32 = arith.constant 0 : i32
    %c0_i32_0 = arith.constant 0 : i32
    %c0_i32_1 = arith.constant 0 : i32
    return %c0_i32, %c0_i32_0 : i32, i32
  }
  func.func @transform_6(%arg0: i32) -> (i32, i32) {
    %c0_i32 = arith.constant 0 : i32
    %c0_i32_0 = arith.constant 0 : i32
    %c0_i32_1 = arith.constant 0 : i32
    return %c0_i32, %c0_i32_0 : i32, i32
  }
  func.func @transform_7(%arg0: i32) -> (i32, i32) {
    %c0_i32 = arith.constant 0 : i32
    %c0_i32_0 = arith.constant 0 : i32
    %c0_i32_1 = arith.constant 0 : i32
    return %c0_i32, %c0_i32_0 : i32, i32
  }
  func.func @transform_8(%arg0: i32) -> (i32, i32) {
    %c0_i32 = arith.constant 0 : i32
    %c0_i32_0 = arith.constant 0 : i32
    %c0_i32_1 = arith.constant 0 : i32
    return %c0_i32, %c0_i32_0 : i32, i32
  }
  func.func @transform_9(%arg0: i32) -> (i32, i32) {
    %c0_i32 = arith.constant 0 : i32
    %c0_i32_0 = arith.constant 0 : i32
    %c0_i32_1 = arith.constant 0 : i32
    return %c0_i32, %c0_i32_0 : i32, i32
  }
  func.func @transform_10(%arg0: i32) -> (i32, i32) {
    %c0_i32 = arith.constant 0 : i32
    %c0_i32_0 = arith.constant 0 : i32
    return %arg0, %c0_i32 : i32, i32
  }
}

</mosaic_0001>

<sc_bundles>
// kernel: kernel.12.cloned.1.call-start
scs
__scs_entry_jumppad:
0x0: {  	(pc) =	sbr.rel $0x88, $3  }
0x1: {  	(tag) =	ssettag $0x0;
	lr =	simm.s32 $0x1  }
0x2: {  	[smem:$0x3F85] =	sst lr;
	_ =	strace $0xD0000000  }
0x3: {  	_ = 	snop  }
0x4: {  	_ = 	snop  }
0x5: {  	_ = 	snop  }
0x6: {  	_ = 	snop  }
0x7: {  	_ = 	snop  }
__scs_overlays_trampoline_lowered:
0x8: {  	[smem:$0x3F94] =	sst s0  }
0x9: {  	[smem:$0x3F95] =	sst s1  }
0xa: {  	[smem:$0x3F96] =	sst s2  }
0xb: {  	[smem:$0x3F97] =	sst s3  }
0xc: {  	[smem:$0x3F98] =	sst s4  }
0xd: {  	[smem:$0x3F99] =	sst s5  }
0xe: {  	[smem:$0x3F9A] =	sst s6  }
0xf: {  	[smem:$0x3F9B] =	sst s7  }
0x10: {  	[smem:$0x3F9C] =	sst s8  }
0x11: {  	[smem:$0x3F9D] =	sst s9;
	s0 =	simm.s32 @!p0 $0x0  }
0x12: {  	s1 =	sld [smem:$0x3F83];
	s0 =	simm.s32 @p0 $0x1  }
0x13: {  	[smem:$0x3F9E] =	sst s0;
	s0 =	simm.s32 @!p1 $0x0  }
0x14: {  	s2 =	sld [smem:$0x3F82];
	s0 =	simm.s32 @p1 $0x1  }
0x15: {  	[smem:$0x3F9F] =	sst s0;
	s0 =	simm.s32 @!p2 $0x0  }
0x16: {  	s3 =	sld [smem:$0x3FDB];
	s0 =	simm.s32 @p2 $0x1  }
0x17: {  	s4 =	simm.s32 $0x1BF5;
	[smem:$0x3FA1] =	sst s0  }
0x18: {  	s0 =	sld [smem:$0x3F84];
	_ =	swait.ge [sflag:s4], $0x0  }
0x19: {  	s7 =	sld [smem:$0x3F85]  }
0x1a: {  	s8 =	sadd.s32 $0xFFFFE003, lr  }
0x1b: {  	s9 =	sadd.s32 $0xFFFFFEF7, lr;
	s5 =	simm.s32 $0xFFFFFFFF;
	p2 =	slt.u32 s8, $0xFFFFF086  }
0x1c: {  	p1 =	slt.u32 s9, $0xF7A;
	s5 =	simm.s32 @!p2 $0x0  }
0x1d: {  	s5 =	simm.s32 @p1 $0x1;
	p0 =	seq.s32 s7, s2  }
0x1e: {  	s7 =	smul.u32 @!p0 $0xF7A, s2;
	p2 =	seq.s32 @!p0 s5, $0x0  }
0x1f: {  	s9 =	smul.u32 $0xF7A, s1;
	s8 =	simm.s32 @!p0 $0x1BF5;
	p2 =	por !p2, p0  }
0x20: {  	[sflag:s8] =	ssyncset.s32 @!p0 $0xFFFFF086;
	s6 =	sadd.s32 @!p0 s3, s7;
	s7 =	simm.s32 @!p0 $0x108  }
0x21: {  	s3 =	sadd.s32 s3, s9;
	s6 =	sadd.s32 @!p0 $0x88, s6;
	s7 =	simm.s32 @p2 $0x1082  }
0x22: {  	[simem:s7], [sflag:s8] =	dma.local @!p0 [hbm:s6], $0xF7A  }
0x23: {  	s9 =	sor.u32 $0xD0000000, s2;
	s6 =	simm.s32 $0x108;
	_ =	swait.ge @!p0 [sflag:s8], $0x0  }
0x24: {  	s3 =	sadd.s32 $0x88, s3;
	s6 =	simm.s32 @!p1 $0x1082;
	[sflag:s4] =	ssyncset.s32 $0xFFFFF086  }
0x25: {  	[simem:s6], [sflag:s4] =	dma.local [hbm:s3], $0xF7A  }
0x26: {  	[smem:$0x3F85] =	sst s1;
	(tag) =	ssettag s2;
	_ =	strace s9  }
0x27: {  	s1 =	sld [smem:$0x3F95]  }
0x28: {  	s2 =	sld [smem:$0x3F96]  }
0x29: {  	s4 =	sld [smem:$0x3F98]  }
0x2a: {  	p0 =	seq.s32 s5, $0x0;
	s5 =	sld [smem:$0x3F99]  }
0x2b: {  	s6 =	sld [smem:$0x3F9A]  }
0x2c: {  	s7 =	sld [smem:$0x3F9B]  }
0x2d: {  	s3 =	simm.s32 $0x108;
	s8 =	sld [smem:$0x3F9C]  }
0x2e: {  	s3 =	simm.s32 @!p0 $0x1082;
	s9 =	sld [smem:$0x3F9D]  }
0x2f: {  	lr =	sadd.s32 s0, s3;
	s0 =	sld [smem:$0x3F94]  }
0x30: {  	s3 =	sld [smem:$0x3F97]  }
0x31: {  	[smem:$0x3FA0] =	sst s10  }
0x32: {  	s10 =	sld [smem:$0x3F9E];
	_ =	sdelay $0x3  }
0x33: {  	p0 =	seq.s32 s10, $0x1;
	s10 =	sld [smem:$0x3FA0];
	_ =	sdelay $0x3  }
0x34: {  	[smem:$0x3FA0] =	sst s10  }
0x35: {  	s10 =	sld [smem:$0x3F9F];
	_ =	sdelay $0x3  }
0x36: {  	p1 =	seq.s32 s10, $0x1;
	s10 =	sld [smem:$0x3FA0];
	_ =	sdelay $0x3  }
0x37: {  	[smem:$0x3FA0] =	sst s10  }
0x38: {  	s10 =	sld [smem:$0x3FA1]  }
0x39: {  	_ = 	snop;
	(pc) =	sbr.ind lr, $3  }
0x3a: {  	_ = 	snop  }
0x3b: {  	_ = 	snop  }
0x3c: {  	p2 =	seq.s32 s10, $0x1;
	s10 =	sld [smem:$0x3FA0]  }
0x3d: {  	_ =	shalt  }
0x3e: {  	_ =	shalt  }
0x3f: {  	_ =	shalt  }
0x40: {  	_ =	shalt  }
0x41: {  	_ =	shalt  }
0x42: {  	_ =	shalt  }
0x43: {  	_ =	shalt  }
0x44: {  	_ =	shalt  }
0x45: {  	_ =	shalt  }
0x46: {  	_ =	shalt  }
0x47: {  	_ =	shalt  }
0x48: {  	_ =	shalt  }
0x49: {  	_ =	shalt  }
0x4a: {  	_ =	shalt  }
0x4b: {  	_ =	shalt  }
0x4c: {  	_ =	shalt  }
0x4d: {  	_ =	shalt  }
0x4e: {  	_ =	shalt  }
0x4f: {  	_ =	shalt  }
0x50: {  	_ =	shalt  }
0x51: {  	_ =	shalt  }
0x52: {  	_ =	shalt  }
0x53: {  	_ =	shalt  }
0x54: {  	_ =	shalt  }
0x55: {  	_ =	shalt  }
0x56: {  	_ =	shalt  }
0x57: {  	_ =	shalt  }
0x58: {  	_ =	shalt  }
0x59: {  	_ =	shalt  }
0x5a: {  	_ =	shalt  }
0x5b: {  	_ =	shalt  }
0x5c: {  	_ =	shalt  }
0x5d: {  	_ =	shalt  }
0x5e: {  	_ =	shalt  }
0x5f: {  	_ =	shalt  }
0x60: {  	_ =	shalt  }
0x61: {  	_ =	shalt  }
0x62: {  	_ =	shalt  }
0x63: {  	_ =	shalt  }
0x64: {  	_ =	shalt  }
0x65: {  	_ =	shalt  }
0x66: {  	_ =	shalt  }
0x67: {  	_ =	shalt  }
0x68: {  	_ =	shalt  }
0x69: {  	_ =	shalt  }
0x6a: {  	_ =	shalt  }
0x6b: {  	_ =	shalt  }
0x6c: {  	_ =	shalt  }
0x6d: {  	_ =	shalt  }
0x6e: {  	_ =	shalt  }
0x6f: {  	_ =	shalt  }
0x70: {  	_ =	shalt  }
0x71: {  	_ =	shalt  }
0x72: {  	_ =	shalt  }
0x73: {  	_ =	shalt  }
0x74: {  	_ =	shalt  }
0x75: {  	_ =	shalt  }
0x76: {  	_ =	shalt  }
0x77: {  	_ =	shalt  }
0x78: {  	_ =	shalt  }
0x79: {  	_ =	shalt  }
0x7a: {  	_ =	shalt  }
0x7b: {  	_ =	shalt  }
0x7c: {  	_ =	shalt  }
0x7d: {  	_ =	shalt  }
0x7e: {  	_ =	shalt  }
0x7f: {  	_ =	shalt  }
0x80: {  	_ =	shalt  }
0x81: {  	_ =	shalt  }
0x82: {  	_ =	shalt  }
0x83: {  	_ =	shalt  }
0x84: {  	_ =	shalt  }
0x85: {  	_ =	shalt  }
0x86: {  	_ =	shalt  }
0x87: {  	_ =	shalt  }
.Lfunc_end0:
.L_simem_size_0:
called_computation.1_lowered:
.L_overlay_start_0:
0x88: {  	s2 =	sld [smem:$0x3FD9]  }
0x89: {  	s3 =	sld [smem:$0x3FFE];
	_ =	sdelay $0x1  }
0x8a: {  	s1 =	srdreg.scid  }
0x8b: {  	s0 =	sand.u32 $0x1, s1  }
0x8c: {  	s16 =	sshll.u32 s0, $0xA;
	s2 =	sadd.s32 s3, s2  }
0x8d: {  	s2 =	sadd.s32 s2, s16  }
0x8e: {  	[smem:$0x3FAC] =	sst s2  }
0x8f: {  	_ = 	snop  }
0x90: {  	(tm) =	ssettm $0x1  }
0x91: {  	s17 =	sld [smem:$0x3FFB];
	_ =	sdelay $0x3  }
0x92: {  	_ =	strace s17  }
0x93: {  	s2 =	sld [smem:$0x3FFC];
	_ =	sdelay $0x3  }
0x94: {  	_ =	strace s2  }
0x95: {  	s2 =	sld [smem:$0x3FFD];
	_ =	sdelay $0x3  }
0x96: {  	_ =	strace s2  }
0x97: {  	_ =	strace $0x8FFFFFFF  }
0x98: {  	s18 =	sld [smem:$0x3FDB];
	_ =	sdelay $0x1  }
0x99: {  	s19 =	simm.s32 $_scs_section_size  }
0x9a: {  	s4 =	simm.s32 $_size__tile_overlayer_lowered;
	s5 =	simm.s32 $_tile_overlayer_lowered  }
0x9b: {  	s22 =	simm.s32 $0x1BFF;
	s21 =	sshll.u32 s5, $0x1;
	s2 =	sadd.s32 s19, s18  }
0x9c: {  	s6 =	simm.s32 $0x0;
	s20 =	sshll.u32 s4, $0x1;
	s4 =	sadd.s32 s21, s2  }
0x9d: {  	[timem:s6], [sflag:s22] =	dma.local [hbm:s4], s20  }
0x9e: {  	_ =	swait.ge [sflag:s22], s20  }
0x9f: {  	s3 =	ssub.s32 $0x0, s20;
	[sflag:s22] =	ssyncset.done $0x0  }
0xa0: {  	[sflag:s22] =	ssyncadd.s32 s3;
	_ =	sdelay $0x1  }
0xa1: {  	s23 =	simm.s32 $0x1B8B  }
0xa2: {  	_ =	swait.ge [sflag:s23], $0x1  }
0xa3: {  	[sflag:s23] =	ssyncset.done $0x0  }
0xa4: {  	s25 =	simm.s32 $0x1B8E;
	s24 =	sld [smem:$0x3FFE];
	[sflag:s23] =	ssyncadd.s32 $0xFFFFFFFF  }
0xa5: {  	s26 =	simm.s32 $execute0_lowered;
	[smem:$0x3FD2] =	sst s25  }
0xa6: {  	s4 =	sshll.u32 s26, $0x1;
	_ =	strace $0x80000046;
	[dreg:$0x1] =	wrdreg $0xFFFFFFFF  }
0xa7: {  	s28 =	simm.s32 $_size_execute0_lowered;
	s2 =	sadd.s32 s2, s4;
	[dreg:$0x0] =	wrdreg $0x0  }
0xa8: {  	s4 =	sshll.u32 s28, $0x1;
	[dreg:$0x2] =	wrdreg s2  }
0xa9: {  	[dreg:$0x3] =	wrdreg s4  }
0xaa: {  	[dreg:$0x4] =	wrdreg $0xC0  }
0xab: {  	_ =	task [dreg:s6], $0x5FFFF  }
0xac: {  	[dreg:$0x1] =	wrdreg $0xFFFFFFFF  }
0xad: {  	[dreg:$0x0] =	wrdreg $0x60  }
0xae: {  	[dreg:$0x2] =	wrdreg s24  }
0xaf: {  	[dreg:$0x3] =	wrdreg $0x0  }
0xb0: {  	[dreg:$0x4] =	wrdreg $0xA  }
0xb1: {  	_ =	task.clear_ibuf [dreg:s6], $0x5FFFF;
	_ =	strace $0x90000046  }
0xb2: {  	s29 =	simm.s32 $0xA;
	_ =	strace $0x80000048  }
0xb3: {  	_ =	swait.ge [sflag:s29], $0x1  }
0xb4: {  	[sflag:s29] =	ssyncadd.s32 $0xFFFFFFFF  }
0xb5: {  	_ =	strace $0x90000048  }
0xb6: {  	_ =	sfence  }
0xb7: {  	s30 =	sld [smem:$0x0];
	_ =	sdelay $0x2  }
0xb8: {  	s31 =	sshll.u32 s1, $0xD;
	s1 =	sshrl.u32 s1, $0x2  }
0xb9: {  	s3 =	sand.u32 $0x4000, s31;
	s1 =	sadd.s32 s1, s30  }
0xba: {  	s0 =	sor.u32 s3, s0;
	s1 =	sshll.u32 s1, $0x11  }
0xbb: {  	s0 =	sor.u32 s1, s0  }
0xbc: {  	s0 =	sadd.s32 $0x8F2B, s0  }
0xbd: {  	[sflag:s0] =	ssyncadd.remote.s32 $0x1  }
0xbe: {  	_ =	sfence.sel $0xFFFF  }
0xbf: {  	[dreg:$0x0] =	wrdreg $0xFFFFFFFF;
	(pc) =	sbr.abs _section_cstart, $3  }
0xc0: {  	[dreg:$0x1] =	wrdreg $0xFFFFFFFF  }
0xc1: {  	_ =	task.clear_ibuf [dreg:s6], $0x2FFFF;
	_ =	strace $0x9FFFFFFF  }
0xc2: {  	(tm) =	ssettm $0x7FFFFFFF  }
0xc3: {  	_ =	shalt  }
tec
execute0_lowered:
.L_overlay_start_1:
0x0: {  	(tag) =	ssettag $0x1  }
0x1: {  	s0 =	rddreg [dreg:$0x0]  }
0x2: {  	s1 =	rddreg [dreg:$0x1];
	s2 =	srdreg.scid  }
0x3: {  	s3 =	simm.s32 $0x0;
	s30 =	stileid.u32;
	s16 =	simm.s32 $0x2  }
0x4: {  	s18 =	simm.s32 $0x15F90;
	s19 =	simm.s32 $0x16030;
	s20 =	simm.s32 $0x16080  }
0x5: {  	s21 =	simm.s32 $0x50;
	s22 =	simm.s32 $0x160D0;
	s23 =	simm.s32 $0x1BAD0  }
0x6: {  	s24 =	simm.s32 $0x15FE0;
	s25 =	simm.s32 $0x18DD0;
	s26 =	simm.s32 $0x1BFD0  }
0x7: {  	s28 =	simm.s32 $0x1;
	s6 =	sand.u32 $0x1, s2;
	[smem:$0x7FF] =	sst s3  }
0x8: {  	s7 =	smul.u32 $0x15F00, s30;
	s31 =	sshll.u32 s30, $0x6;
	s17 =	sadd.s32 $0x15F000, s1  }
0x9: {  	p0 =	sne.s32 s30, $0xF;
	s4 =	smul.u32 $0x4E20, s6;
	_ =	strace $0x80000047  }
0xa: {  	s8 =	smul.u32 $0x2BF20, s6;
	s9 =	ssub.s32 $0x2, s6;
	s6 =	sadd.s32 $0xEA00, s0  }
0xb: {  	s17 =	sshrl.u32 @!p0 s17, $0x3;
	s5 =	sshrl.u32 s7, $0x3;
	s11 =	sshrl.u32 s9, $0x1  }
0xc: {  	s15 =	sadd.s32 s7, s1;
	s12 =	sadd.s32 s4, s0;
	s4 =	sadd.s32 $0x18800, s0  }
0xd: {  	s10 =	sadd.s32 s5, s0;
	s13 =	sadd.s32 s8, s0;
	s14 =	ssub.s32 s9, s11  }
0xe: {  	s8 =	sor.u32 $0x1C02, s31;
	s9 =	sadd.s32 $0x4E400, s0;
	s15 =	sshrl.u32 s15, $0x3  }
0xf: {  	s7 =	sadd.s32 $0x22600, s10;
	s10 =	smul.u32 $0x4E20, s30;
	s11 =	sadd.s32 $0x18B600, s13  }
0x10: {  	vm0 =	vcmask $0xB08;
	vm1 =	vcmask $0xB10;
	s12 =	sadd.s32 $0x4C00, s12;
	s13 =	sadd.s32 $0x4E600, s13;
	s14 =	smax.u32 s14, $0x1  }
.LBB2_1:
0x11: {  	[spmem:s15], [sflag:s8] =	dma.local [hbm:s7], $0x2BE0  }
0x12: {  	_ =	swait.ge [sflag:s16], $0x2BE0  }
0x13: {  	[sflag:s16] =	ssyncset.done $0x0  }
0x14: {  	s0 =	simm.s32 @!p0 $0x2;
	[sflag:s16] =	ssyncadd.s32 $0xFFFFD420  }
0x15: {  	[spmem:s17], [sflag:s8] =	dma.local @!p0 [hbm:s9], $0x120  }
0x16: {  	_ =	swait.ge @!p0 [sflag:s0], $0x120  }
0x17: {  	[sflag:s0] =	ssyncset.done @!p0 $0x0  }
0x18: {  	[sflag:s0] =	ssyncadd.s32 @!p0 $0xFFFFFEE0  }
0x19: {  	s29 =	simm.s32 $0x0;
	[bflag:$0x0] =	sbarrier.arrive $0xFFFF  }
.LBB2_2:
0x1a: {  	s0 =	smul.u32 $0xA0, s29;
	_ =	sdelay $0x1  }
0x1b: {  	s0 =	sadd.s32 s10, s0  }
0x1c: {  	s0 =	sshrl.u32 s0, $0x3  }
0x1d: {  	s31 =	simm.s32 $0x0;
	s30 =	sadd.s32 s4, s0  }
0x1e: {  	[tilespmem:s18], [sflag:$0x2] =	stream.linear.gather [hbm4b:s30+s31], $0xA0, $0x38;
	[tilespmem:$0x1C4D0] =	vst v63  }
0x1f: {  	_ =	swait.ge [sflag:s16], $0xA0  }
0x20: {  	[sflag:s16] =	ssyncset.done $0x0  }
0x21: {  	s0 =	sadd.s32 s6, s0;
	[sflag:s16] =	ssyncadd.s32 $0xFFFFFF60  }
0x22: {  	[tilespmem:s19], [sflag:$0x2] =	stream.linear.gather [hbm4b:s0+s31], $0x50, $0x38;
	[tilespmem:$0x1C4D0] =	vst v63  }
0x23: {  	_ =	swait.ge [sflag:s16], $0x50  }
0x24: {  	[sflag:s16] =	ssyncset.done $0x0  }
0x25: {  	s0 =	sadd.s32 $0xA, s0;
	[sflag:s16] =	ssyncadd.s32 $0xFFFFFFB0  }
0x26: {  	[tilespmem:s20], [sflag:$0x2] =	stream.linear.gather [hbm4b:s0+s31], $0x50, $0x38;
	[tilespmem:$0x1C4D0] =	vst v63  }
0x27: {  	_ =	swait.ge [sflag:s16], $0x50  }
0x28: {  	[sflag:s16] =	ssyncset.done $0x0  }
0x29: {  	[sflag:s16] =	ssyncadd.s32 $0xFFFFFFB0  }
0x2a: {  	[tilespmem:s22], [sflag:$0x1] =	stream.indirect.gather [hbm4b:s11+s21], $0x90, s18, s21, $0xb8;
	[tilespmem:$0x1C4D0] =	vst v63  }
0x2b: {  	_ = 	snop  }
0x2c: {  	[tilespmem:s23], [sflag:$0x1] =	stream.indirect.gather [hbm4b:s12+s21], $0x10, s19, s21, $0xb8;
	[tilespmem:$0x1C4D0] =	vst v63  }
0x2d: {  	_ = 	snop  }
0x2e: {  	[tilespmem:s25], [sflag:$0x1] =	stream.indirect.gather [hbm4b:s11+s21], $0x90, s24, s21, $0xb8;
	[tilespmem:$0x1C4D0] =	vst v63  }
0x2f: {  	_ = 	snop  }
0x30: {  	[tilespmem:s26], [sflag:$0x1] =	stream.indirect.gather [hbm4b:s12+s21], $0x10, s20, s21, $0xb8;
	[tilespmem:$0x1C4D0] =	vst v63  }
0x31: {  	_ =	swait.ge [sflag:s28], $0x2D00  }
0x32: {  	[sflag:s28] =	ssyncset.done $0x0  }
0x33: {  	[sflag:s28] =	ssyncadd.s32 $0xFFFFD300  }
0x34: {  	_ =	swait.ge [sflag:s28], $0x500  }
0x35: {  	[sflag:s28] =	ssyncset.done $0x0  }
0x36: {  	[sflag:s28] =	ssyncadd.s32 $0xFFFFFB00  }
0x37: {  	_ =	swait.ge [sflag:s28], $0x2D00  }
0x38: {  	[sflag:s28] =	ssyncset.done $0x0  }
0x39: {  	[sflag:s28] =	ssyncadd.s32 $0xFFFFD300  }
0x3a: {  	_ =	swait.ge [sflag:s28], $0x500  }
0x3b: {  	[sflag:s28] =	ssyncset.done $0x0  }
0x3c: {  	s30 =	simm.s32 $0x16110;
	[sflag:s28] =	ssyncadd.s32 $0xFFFFFB00  }
0x3d: {  	s2 =	simm.s32 $0x0;
	v2 =	vld [tilespmem:s30+$0x40]  }
0x3e: {  	v0 =	vld [tilespmem:s2+$0x1BAD0];
	_ =	sdelay $0x4  }
0x3f: {  	v0 =	vadd.f32 v0, v2;
	_ =	sdelay $0x1  }
0x40: {  	v1 =	vmul.f32 $2.000000030e-01, v0  }
0x41: {  	vm2 =	vge.f32 v0, $0.0e+00  }
0x42: {  	v0 =	vsel vm2, v0, v1  }
0x43: {  	v0 =	vmul.f32 $1.442695020e+00, v0;
	_ =	sdelay $0x1  }
0x44: {  	(erf) = vpow2.f32 v0;
	_ =	sdelay $0x3  }
0x45: {  	v3 =	vld [tilespmem:s30+$0xFFFFFFF0]  }
0x46: {  	v4 =	vld [tilespmem:s30+$0xFFFFFFC0]  }
0x47: {  	v5 =	vld [tilespmem:s30+$0x20]  }
0x48: {  	v1 =	vld [tilespmem:s30+$0xFFFFFFD0]  }
0x49: {  	v7 =	vld [tilespmem:s30+$0x0]  }
0x4a: {  	v8 =	vld [tilespmem:s30+$0x30];
	v6 =	vpop (erf)  }
0x4b: {  	v9 =	vld [tilespmem:s30+$0x10];
	v0 =	vbroadcast v6, $0x0  }
0x4c: {  	v10 =	vbroadcast v6, $0x1  }
0x4d: {  	v11 =	vmul.f32 v0, v4;
	v12 =	vmul.f32 v0, v1;
	v1 =	vld [tilespmem:s30+$0xFFFFFFE0]  }
0x4e: {  	v13 =	vnsel vm0, $0x0, v0;
	v6 =	vmul.f32 v3, v0;
	v4 =	vmul.f32 v7, v10  }
0x4f: {  	v5 =	vmul.f32 v5, v10;
	v7 =	vmul.f32 v8, v10;
	v3 =	vsel vm1, v13, v10;
	[tilespmem:s30+$0xFFFFFFC0] =	vst v11  }
0x50: {  	s31 =	simm.s32 $0x40;
	s0 =	simm.s32 $0x16110;
	v2 =	vmul.f32 v3, v2;
	[tilespmem:s30+$0xFFFFFFD0] =	vst v12;
	v3 =	vmul.f32 v9, v10  }
.LBB2_3:
0x51: {  	p1 =	sne.s32 s31, $0x27C0  }
0x52: {  	v0 =	vmul.f32 v0, v1;
	[tilespmem:s30+$0xFFFFFFF0] =	vst v6;
	s0 =	sadd.s32 $0x90, s0;
	s2 =	smov.u32 s31;
	s31 =	sadd.s32 $0x40, s31  }
0x53: {  	[tilespmem:s30+$0x0] =	vst v4  }
0x54: {  	[tilespmem:s30+$0x20] =	vst v5  }
0x55: {  	[tilespmem:s30+$0xFFFFFFE0] =	vst v0  }
0x56: {  	[tilespmem:s30+$0x30] =	vst v7  }
0x57: {  	[tilespmem:s30+$0x40] =	vst v2  }
0x58: {  	s2 =	sshra.s32 s2, $0x2;
	v2 =	vld [tilespmem:s0+$0x40];
	[tilespmem:s30+$0x10] =	vst v3;
	s30 =	smov.u32 s0  }
0x59: {  	v0 =	vld [tilespmem:s2+$0x1BAD0];
	_ =	sdelay $0x4  }
0x5a: {  	v0 =	vadd.f32 v0, v2;
	_ =	sdelay $0x1  }
0x5b: {  	v1 =	vmul.f32 $2.000000030e-01, v0  }
0x5c: {  	vm2 =	vge.f32 v0, $0.0e+00  }
0x5d: {  	v0 =	vsel vm2, v0, v1  }
0x5e: {  	v0 =	vmul.f32 $1.442695020e+00, v0;
	_ =	sdelay $0x1  }
0x5f: {  	(erf) = vpow2.f32 v0;
	_ =	sdelay $0x3  }
0x60: {  	v3 =	vld [tilespmem:s0+$0xFFFFFFF0]  }
0x61: {  	v4 =	vld [tilespmem:s0+$0xFFFFFFD0]  }
0x62: {  	v5 =	vld [tilespmem:s0+$0xFFFFFFC0]  }
0x63: {  	v7 =	vld [tilespmem:s0+$0x20]  }
0x64: {  	v8 =	vld [tilespmem:s0+$0x0]  }
0x65: {  	v9 =	vld [tilespmem:s0+$0x30];
	v6 =	vpop (erf)  }
0x66: {  	v0 =	vbroadcast v6, $0x0;
	v10 =	vld [tilespmem:s0+$0x10]  }
.Ltmp0:
0x67: {  	v11 =	vbroadcast v6, $0x1;
	v1 =	vld [tilespmem:s0+$0xFFFFFFE0];
	(pc) =	sbr.rel @p1 .LBB2_3-.Ltmp0, $4  }
0x68: {  	v5 =	vmul.f32 v0, v5;
	v12 =	vmul.f32 v0, v4;
	v13 =	vnsel vm0, $0x0, v0  }
0x69: {  	v6 =	vmul.f32 v3, v0;
	v4 =	vmul.f32 v8, v11;
	v3 =	vsel vm1, v13, v11  }
0x6a: {  	[tilespmem:s0+$0xFFFFFFC0] =	vst v5;
	v5 =	vmul.f32 v7, v11;
	v2 =	vmul.f32 v3, v2  }
0x6b: {  	v7 =	vmul.f32 v9, v11;
	[tilespmem:s0+$0xFFFFFFD0] =	vst v12;
	v3 =	vmul.f32 v10, v11  }
0x6c: {  	[tilespmem:s30+$0xFFFFFFF0] =	vst v6  }
0x6d: {  	[tilespmem:s30+$0x0] =	vst v4  }
0x6e: {  	[tilespmem:s30+$0x20] =	vst v5  }
0x6f: {  	[tilespmem:s30+$0x40] =	vst v2  }
0x70: {  	v0 =	vmul.f32 v0, v1;
	[tilespmem:s30+$0x30] =	vst v7  }
0x71: {  	[tilespmem:s30+$0x10] =	vst v3  }
0x72: {  	[tilespmem:s30+$0xFFFFFFE0] =	vst v0  }
0x73: {  	[spmem:s1] =	stream.indirect.scatter.add.f32 [tilespmem:s22], [sflag:$0x2], $0x90, s19, s21, $0xb8;
	[tilespmem:$0x1C4D0] =	vst v63  }
0x74: {  	s29 =	sadd.s32 $0x1, s29;
	_ =	swait.ge [sflag:s16], $0x2D00  }
0x75: {  	p1 =	sne.s32 s29, $0x7D;
	[sflag:s16] =	ssyncset.done $0x0  }
.Ltmp1:
0x76: {  	[sflag:s16] =	ssyncadd.s32 $0xFFFFD300;
	(pc) =	sbr.rel @p1 .LBB2_2-.Ltmp1, $4  }
0x77: {  	[spmem:s1] =	stream.indirect.scatter.add.f32 [tilespmem:s25], [sflag:$0x2], $0x90, s20, s21, $0xb8;
	[tilespmem:$0x1C4D0] =	vst v63  }
0x78: {  	_ =	swait.ge [sflag:s16], $0x2D00  }
0x79: {  	[sflag:s16] =	ssyncset.done $0x0  }
0x7a: {  	[sflag:s16] =	ssyncadd.s32 $0xFFFFD300  }
0x7b: {  	[bflag:$0x0] =	sbarrier.arrive $0xFFFF;
	s0 =	sadd.s32 s5, s13  }
0x7c: {  	[hbm:s0], [sflag:s8] =	dma.local [spmem:s15], $0x2BE0  }
0x7d: {  	_ =	swait.ge [sflag:s16], $0x2BE0  }
0x7e: {  	s3 =	sadd.s32 $0x1, s3;
	[sflag:s16] =	ssyncset.done $0x0  }
0x7f: {  	s0 =	sadd.s32 @!p0 $0x2BE00, s13;
	p1 =	sne.s32 s3, s14;
	[sflag:s16] =	ssyncadd.s32 $0xFFFFD420  }
0x80: {  	[hbm:s0], [sflag:s8] =	dma.local @!p0 [spmem:s17], $0x120  }
.Ltmp2:
0x81: {  	_ = 	snop;
	(pc) =	sbr.rel @p1 .LBB2_1-.Ltmp2, $4  }
0x82: {  	s0 =	simm.s32 @!p0 $0x2  }
0x83: {  	_ =	swait.ge @!p0 [sflag:s0], $0x120  }
0x84: {  	[sflag:s0] =	ssyncset.done @!p0 $0x0  }
0x85: {  	[sflag:s0] =	ssyncadd.s32 @!p0 $0xFFFFFEE0  }
0x86: {  	_ =	sfence.sel $0x180000  }
0x87: {  	[bflag:$0x0] =	sbarrier.arrive $0xFFFF  }
0x88: {  	_ =	strace $0x90000047  }
0x89: {  	s0 =	stileid.u32;
	[bflag:$0x2] =	sbarrier.arrive $0xFFFF  }
0x8a: {  	p0 =	sne.s32 s0, $0x0;
	s0 =	rddreg [dreg:$0x2]  }
0x8b: {  	s0 =	sadd.s32 @!p0 $0x100000, s0  }
0x8c: {  	[sflag:s0] =	ssyncadd.tile.s32 @!p0 $0x1;
	_ =	shalt  }
.Lfunc_end2:
_tile_overlayer_lowered:
.L_overlay_start_2:
0x8d: {  	(tag) =	ssettag $0x2  }
0x8e: {  	s0 =	rddreg [dreg:$0x0];
	s2 =	stileid.u32  }
0x8f: {  	s1 =	rddreg [dreg:$0x1];
	p0 =	sne.s32 s2, $0x0  }
0x90: {  	s3 =	rddreg [dreg:$0x2];
	[bflag:$0x3] =	sbarrier.arrive $0xFFFF;
	s2 =	simm.s32 @!p0 $0x1C02  }
0x91: {  	[timem:s3], [sflag:s2] =	dma.local @!p0 [hbm:s0], s1  }
0x92: {  	s0 =	simm.s32 @!p0 $0x2  }
0x93: {  	_ =	swait.ge @!p0 [sflag:s0], s1  }
0x94: {  	s1 =	ssub.s32 @!p0 $0x0, s1;
	[sflag:s0] =	ssyncset.done @!p0 $0x0  }
0x95: {  	[sflag:s0] =	ssyncadd.s32 @!p0 s1  }
0x96: {  	[bflag:$0x3] =	sbarrier.arrive $0xFFFF  }
0x97: {  	_ =	shalt  }

// kernel: kernel.15.cloned.1.call-start
scs
__scs_entry_jumppad:
0x0: {  	(pc) =	sbr.rel $0x88, $3  }
0x1: {  	(tag) =	ssettag $0x0;
	lr =	simm.s32 $0x1  }
0x2: {  	[smem:$0x3F85] =	sst lr;
	_ =	strace $0xD0000000  }
0x3: {  	_ = 	snop  }
0x4: {  	_ = 	snop  }
0x5: {  	_ = 	snop  }
0x6: {  	_ = 	snop  }
0x7: {  	_ = 	snop  }
__scs_overlays_trampoline_lowered:
0x8: {  	[smem:$0x3F94] =	sst s0  }
0x9: {  	[smem:$0x3F95] =	sst s1  }
0xa: {  	[smem:$0x3F96] =	sst s2  }
0xb: {  	[smem:$0x3F97] =	sst s3  }
0xc: {  	[smem:$0x3F98] =	sst s4  }
0xd: {  	[smem:$0x3F99] =	sst s5  }
0xe: {  	[smem:$0x3F9A] =	sst s6  }
0xf: {  	[smem:$0x3F9B] =	sst s7  }
0x10: {  	[smem:$0x3F9C] =	sst s8  }
0x11: {  	[smem:$0x3F9D] =	sst s9;
	s0 =	simm.s32 @!p0 $0x0  }
0x12: {  	s1 =	sld [smem:$0x3F83];
	s0 =	simm.s32 @p0 $0x1  }
0x13: {  	[smem:$0x3F9E] =	sst s0;
	s0 =	simm.s32 @!p1 $0x0  }
0x14: {  	s2 =	sld [smem:$0x3F82];
	s0 =	simm.s32 @p1 $0x1  }
0x15: {  	[smem:$0x3F9F] =	sst s0;
	s0 =	simm.s32 @!p2 $0x0  }
0x16: {  	s3 =	sld [smem:$0x3FDB];
	s0 =	simm.s32 @p2 $0x1  }
0x17: {  	s4 =	simm.s32 $0x1BF5;
	[smem:$0x3FA1] =	sst s0  }
0x18: {  	s0 =	sld [smem:$0x3F84];
	_ =	swait.ge [sflag:s4], $0x0  }
0x19: {  	s7 =	sld [smem:$0x3F85]  }
0x1a: {  	s8 =	sadd.s32 $0xFFFFE003, lr  }
0x1b: {  	s9 =	sadd.s32 $0xFFFFFEF7, lr;
	s5 =	simm.s32 $0xFFFFFFFF;
	p2 =	slt.u32 s8, $0xFFFFF086  }
0x1c: {  	p1 =	slt.u32 s9, $0xF7A;
	s5 =	simm.s32 @!p2 $0x0  }
0x1d: {  	s5 =	simm.s32 @p1 $0x1;
	p0 =	seq.s32 s7, s2  }
0x1e: {  	s7 =	smul.u32 @!p0 $0xF7A, s2;
	p2 =	seq.s32 @!p0 s5, $0x0  }
0x1f: {  	s9 =	smul.u32 $0xF7A, s1;
	s8 =	simm.s32 @!p0 $0x1BF5;
	p2 =	por !p2, p0  }
0x20: {  	[sflag:s8] =	ssyncset.s32 @!p0 $0xFFFFF086;
	s6 =	sadd.s32 @!p0 s3, s7;
	s7 =	simm.s32 @!p0 $0x108  }
0x21: {  	s3 =	sadd.s32 s3, s9;
	s6 =	sadd.s32 @!p0 $0x88, s6;
	s7 =	simm.s32 @p2 $0x1082  }
0x22: {  	[simem:s7], [sflag:s8] =	dma.local @!p0 [hbm:s6], $0xF7A  }
0x23: {  	s9 =	sor.u32 $0xD0000000, s2;
	s6 =	simm.s32 $0x108;
	_ =	swait.ge @!p0 [sflag:s8], $0x0  }
0x24: {  	s3 =	sadd.s32 $0x88, s3;
	s6 =	simm.s32 @!p1 $0x1082;
	[sflag:s4] =	ssyncset.s32 $0xFFFFF086  }
0x25: {  	[simem:s6], [sflag:s4] =	dma.local [hbm:s3], $0xF7A  }
0x26: {  	[smem:$0x3F85] =	sst s1;
	(tag) =	ssettag s2;
	_ =	strace s9  }
0x27: {  	s1 =	sld [smem:$0x3F95]  }
0x28: {  	s2 =	sld [smem:$0x3F96]  }
0x29: {  	s4 =	sld [smem:$0x3F98]  }
0x2a: {  	p0 =	seq.s32 s5, $0x0;
	s5 =	sld [smem:$0x3F99]  }
0x2b: {  	s6 =	sld [smem:$0x3F9A]  }
0x2c: {  	s7 =	sld [smem:$0x3F9B]  }
0x2d: {  	s3 =	simm.s32 $0x108;
	s8 =	sld [smem:$0x3F9C]  }
0x2e: {  	s3 =	simm.s32 @!p0 $0x1082;
	s9 =	sld [smem:$0x3F9D]  }
0x2f: {  	lr =	sadd.s32 s0, s3;
	s0 =	sld [smem:$0x3F94]  }
0x30: {  	s3 =	sld [smem:$0x3F97]  }
0x31: {  	[smem:$0x3FA0] =	sst s10  }
0x32: {  	s10 =	sld [smem:$0x3F9E];
	_ =	sdelay $0x3  }
0x33: {  	p0 =	seq.s32 s10, $0x1;
	s10 =	sld [smem:$0x3FA0];
	_ =	sdelay $0x3  }
0x34: {  	[smem:$0x3FA0] =	sst s10  }
0x35: {  	s10 =	sld [smem:$0x3F9F];
	_ =	sdelay $0x3  }
0x36: {  	p1 =	seq.s32 s10, $0x1;
	s10 =	sld [smem:$0x3FA0];
	_ =	sdelay $0x3  }
0x37: {  	[smem:$0x3FA0] =	sst s10  }
0x38: {  	s10 =	sld [smem:$0x3FA1]  }
0x39: {  	_ = 	snop;
	(pc) =	sbr.ind lr, $3  }
0x3a: {  	_ = 	snop  }
0x3b: {  	_ = 	snop  }
0x3c: {  	p2 =	seq.s32 s10, $0x1;
	s10 =	sld [smem:$0x3FA0]  }
0x3d: {  	_ =	shalt  }
0x3e: {  	_ =	shalt  }
0x3f: {  	_ =	shalt  }
0x40: {  	_ =	shalt  }
0x41: {  	_ =	shalt  }
0x42: {  	_ =	shalt  }
0x43: {  	_ =	shalt  }
0x44: {  	_ =	shalt  }
0x45: {  	_ =	shalt  }
0x46: {  	_ =	shalt  }
0x47: {  	_ =	shalt  }
0x48: {  	_ =	shalt  }
0x49: {  	_ =	shalt  }
0x4a: {  	_ =	shalt  }
0x4b: {  	_ =	shalt  }
0x4c: {  	_ =	shalt  }
0x4d: {  	_ =	shalt  }
0x4e: {  	_ =	shalt  }
0x4f: {  	_ =	shalt  }
0x50: {  	_ =	shalt  }
0x51: {  	_ =	shalt  }
0x52: {  	_ =	shalt  }
0x53: {  	_ =	shalt  }
0x54: {  	_ =	shalt  }
0x55: {  	_ =	shalt  }
0x56: {  	_ =	shalt  }
0x57: {  	_ =	shalt  }
0x58: {  	_ =	shalt  }
0x59: {  	_ =	shalt  }
0x5a: {  	_ =	shalt  }
0x5b: {  	_ =	shalt  }
0x5c: {  	_ =	shalt  }
0x5d: {  	_ =	shalt  }
0x5e: {  	_ =	shalt  }
0x5f: {  	_ =	shalt  }
0x60: {  	_ =	shalt  }
0x61: {  	_ =	shalt  }
0x62: {  	_ =	shalt  }
0x63: {  	_ =	shalt  }
0x64: {  	_ =	shalt  }
0x65: {  	_ =	shalt  }
0x66: {  	_ =	shalt  }
0x67: {  	_ =	shalt  }
0x68: {  	_ =	shalt  }
0x69: {  	_ =	shalt  }
0x6a: {  	_ =	shalt  }
0x6b: {  	_ =	shalt  }
0x6c: {  	_ =	shalt  }
0x6d: {  	_ =	shalt  }
0x6e: {  	_ =	shalt  }
0x6f: {  	_ =	shalt  }
0x70: {  	_ =	shalt  }
0x71: {  	_ =	shalt  }
0x72: {  	_ =	shalt  }
0x73: {  	_ =	shalt  }
0x74: {  	_ =	shalt  }
0x75: {  	_ =	shalt  }
0x76: {  	_ =	shalt  }
0x77: {  	_ =	shalt  }
0x78: {  	_ =	shalt  }
0x79: {  	_ =	shalt  }
0x7a: {  	_ =	shalt  }
0x7b: {  	_ =	shalt  }
0x7c: {  	_ =	shalt  }
0x7d: {  	_ =	shalt  }
0x7e: {  	_ =	shalt  }
0x7f: {  	_ =	shalt  }
0x80: {  	_ =	shalt  }
0x81: {  	_ =	shalt  }
0x82: {  	_ =	shalt  }
0x83: {  	_ =	shalt  }
0x84: {  	_ =	shalt  }
0x85: {  	_ =	shalt  }
0x86: {  	_ =	shalt  }
0x87: {  	_ =	shalt  }
.Lfunc_end0:
.L_simem_size_0:
called_computation.2_lowered:
.L_overlay_start_0:
0x88: {  	s2 =	sld [smem:$0x3FD9]  }
0x89: {  	s3 =	sld [smem:$0x3FFE];
	_ =	sdelay $0x1  }
0x8a: {  	s1 =	srdreg.scid  }
0x8b: {  	s0 =	sand.u32 $0x1, s1  }
0x8c: {  	s17 =	sshll.u32 s0, $0xA;
	s2 =	sadd.s32 s3, s2  }
0x8d: {  	s2 =	sadd.s32 s2, s17  }
0x8e: {  	[smem:$0x3FAC] =	sst s2  }
0x8f: {  	_ = 	snop  }
0x90: {  	(tm) =	ssettm $0x1  }
0x91: {  	s18 =	sld [smem:$0x3FFB];
	_ =	sdelay $0x3  }
0x92: {  	_ =	strace s18  }
0x93: {  	s2 =	sld [smem:$0x3FFC];
	_ =	sdelay $0x3  }
0x94: {  	_ =	strace s2  }
0x95: {  	s2 =	sld [smem:$0x3FFD];
	_ =	sdelay $0x3  }
0x96: {  	_ =	strace s2  }
0x97: {  	_ =	strace $0x8FFFFFFF  }
0x98: {  	s19 =	sld [smem:$0x3FDB];
	_ =	sdelay $0x1  }
0x99: {  	s20 =	simm.s32 $_scs_section_size  }
0x9a: {  	s4 =	simm.s32 $_size__tile_overlayer_lowered;
	s5 =	simm.s32 $_tile_overlayer_lowered  }
0x9b: {  	s6 =	simm.s32 $0x1BFF;
	s21 =	sshll.u32 s5, $0x1;
	s3 =	sadd.s32 s20, s19  }
0x9c: {  	s22 =	simm.s32 $0x0;
	s4 =	sshll.u32 s4, $0x1;
	s5 =	sadd.s32 s21, s3  }
0x9d: {  	[timem:s22], [sflag:s6] =	dma.local [hbm:s5], s4  }
0x9e: {  	_ =	swait.ge [sflag:s6], s4  }
0x9f: {  	s4 =	ssub.s32 $0x0, s4;
	[sflag:s6] =	ssyncset.done $0x0  }
0xa0: {  	[sflag:s6] =	ssyncadd.s32 s4;
	_ =	sdelay $0x1  }
0xa1: {  	s23 =	simm.s32 $0x1B8B  }
0xa2: {  	_ =	swait.ge [sflag:s23], $0x1  }
0xa3: {  	[sflag:s23] =	ssyncset.done $0x0  }
0xa4: {  	[sflag:s23] =	ssyncadd.s32 $0xFFFFFFFF  }
0xa5: {  	s4 =	sld [smem:$0x0]  }
0xa6: {  	s5 =	sand.u32 $0xFFFFFFFE, s1  }
0xa7: {  	p0 =	sne.s32 s1, s5  }
0xa8: {  	s5 =	sshll.u32 @p0 s5, $0xE  }
0xa9: {  	s5 =	sadd.s32 @p0 $0x11B8D, s5;
	s6 =	sshll.u32 @p0 s4, $0x11  }
0xaa: {  	s5 =	sor.u32 @p0 s6, s5  }
0xab: {  	[sflag:s5] =	ssyncadd.remote.s32 @p0 $0x1;
	_ =	sdelay $0x1  }
0xac: {  	s5 =	simm.s32 @p0 $0x1B8D  }
0xad: {  	_ =	swait.eq @p0 [sflag:s5], $0x1  }
0xae: {  	[sflag:s5] =	ssyncadd.s32 @p0 $0xFFFFFFFF  }
0xaf: {  	s6 =	sshll.u32 @!p0 s1, $0xE  }
0xb0: {  	s6 =	sor.u32 @!p0 $0x4000, s6;
	s5 =	simm.s32 @!p0 $0x1B8D  }
0xb1: {  	s4 =	sshll.u32 @!p0 s4, $0x11;
	s6 =	sadd.s32 @!p0 $0x11B8D, s6;
	_ =	swait.eq @!p0 [sflag:s5], $0x1  }
0xb2: {  	s4 =	sor.u32 @!p0 s4, s6;
	[sflag:s5] =	ssyncadd.s32 @!p0 $0xFFFFFFFF  }
0xb3: {  	s25 =	simm.s32 $0x1B8E;
	s24 =	sld [smem:$0x3FFE];
	[sflag:s4] =	ssyncadd.remote.s32 @!p0 $0x1  }
0xb4: {  	s26 =	simm.s32 $execute0_lowered;
	[smem:$0x3FD2] =	sst s25  }
0xb5: {  	s5 =	sshll.u32 s26, $0x1;
	_ =	strace $0x8000004F;
	[dreg:$0x1] =	wrdreg $0xFFFFFFFF  }
0xb6: {  	s28 =	simm.s32 $_size_execute0_lowered;
	s3 =	sadd.s32 s3, s5;
	[dreg:$0x0] =	wrdreg $0x0  }
0xb7: {  	s5 =	sshll.u32 s28, $0x1;
	[dreg:$0x2] =	wrdreg s3  }
0xb8: {  	[dreg:$0x3] =	wrdreg s5  }
0xb9: {  	[dreg:$0x4] =	wrdreg $0xC0  }
0xba: {  	_ =	task [dreg:s22], $0x5FFFF  }
0xbb: {  	[dreg:$0x1] =	wrdreg $0xFFFFFFFF  }
0xbc: {  	[dreg:$0x0] =	wrdreg $0x60  }
0xbd: {  	[dreg:$0x2] =	wrdreg s24  }
0xbe: {  	[dreg:$0x3] =	wrdreg $0x0  }
0xbf: {  	[dreg:$0x4] =	wrdreg $0x9  }
0xc0: {  	_ =	task.clear_ibuf [dreg:s22], $0x5FFFF;
	_ =	strace $0x9000004F  }
0xc1: {  	s29 =	simm.s32 $0x9;
	_ =	strace $0x80000051  }
0xc2: {  	_ =	swait.ge [sflag:s29], $0x1  }
0xc3: {  	[sflag:s29] =	ssyncadd.s32 $0xFFFFFFFF  }
0xc4: {  	_ =	strace $0x90000051  }
0xc5: {  	_ =	sfence  }
0xc6: {  	s30 =	sld [smem:$0x0];
	_ =	sdelay $0x2  }
0xc7: {  	s31 =	sshll.u32 s1, $0xD;
	s1 =	sshrl.u32 s1, $0x2  }
0xc8: {  	s4 =	sand.u32 $0x4000, s31;
	s1 =	sadd.s32 s1, s30  }
0xc9: {  	s0 =	sor.u32 s4, s0;
	s1 =	sshll.u32 s1, $0x11  }
0xca: {  	s0 =	sor.u32 s1, s0  }
0xcb: {  	s0 =	sadd.s32 $0x8F2B, s0  }
0xcc: {  	[sflag:s0] =	ssyncadd.remote.s32 $0x1  }
0xcd: {  	_ =	sfence.sel $0xFFFF  }
0xce: {  	[dreg:$0x0] =	wrdreg $0xFFFFFFFF;
	(pc) =	sbr.abs _section_cstart, $3  }
0xcf: {  	[dreg:$0x1] =	wrdreg $0xFFFFFFFF  }
0xd0: {  	_ =	task.clear_ibuf [dreg:s22], $0x2FFFF;
	_ =	strace $0x9FFFFFFF  }
0xd1: {  	(tm) =	ssettm $0x7FFFFFFF  }
tec
execute0_lowered:
.L_overlay_start_1:
0x0: {  	(tag) =	ssettag $0x1  }
0x1: {  	s0 =	rddreg [dreg:$0x0]  }
0x2: {  	s1 =	rddreg [dreg:$0x1]  }
0x3: {  	s26 =	simm.s32 $0x0;
	s13 =	stileid.u32;
	s3 =	srdreg.scid  }
0x4: {  	s16 =	simm.s32 $0x2;
	s18 =	simm.s32 $0xC350;
	s19 =	simm.s32 $0xC4E0  }
0x5: {  	s20 =	simm.s32 $0xC530;
	s21 =	simm.s32 $0xC580;
	s22 =	simm.s32 $0xC5D0  }
0x6: {  	s31 =	simm.s32 $0x14370;
	s29 =	simm.s32 $0xDF70;
	s14 =	simm.s32 $0xC490  }
0x7: {  	s15 =	simm.s32 $0x15770;
	s17 =	simm.s32 $0x1;
	[smem:$0x7FF] =	sst s26  }
0x8: {  	s4 =	sadd.s32 $0x84400, s0;
	s2 =	smul.u32 $0xC300, s13;
	s5 =	sadd.s32 $0x9CC00, s0  }
0x9: {  	s6 =	sadd.s32 $0x112200, s0;
	s3 =	sand.u32 $0x1, s3;
	s8 =	sadd.s32 $0x108400, s0  }
0xa: {  	s23 =	sshll.u32 s13, $0x6;
	p0 =	sne.s32 s13, $0xF;
	_ =	strace $0x80000050  }
0xb: {  	s7 =	smul.u32 $0x186A0, s3;
	s9 =	ssub.s32 $0x2, s3;
	s3 =	sshll.u32 s3, $0x4  }
0xc: {  	s28 =	sor.u32 $0x1C02, s23;
	s23 =	simm.s32 $0xC620;
	s10 =	sshrl.u32 s2, $0x3  }
0xd: {  	s11 =	sshrl.u32 s9, $0x1;
	s2 =	sadd.s32 s2, s1;
	[dreg:$0x6] =	wrdreg s28  }
0xe: {  	s3 =	sor.u32 s13, s3;
	s13 =	simm.s32 $0x12A70;
	[dreg:$0x4] =	wrdreg s10  }
0xf: {  	s10 =	sadd.s32 s10, s0;
	s7 =	sadd.s32 s7, s0;
	s9 =	ssub.s32 s9, s11  }
0x10: {  	s0 =	sadd.s32 $0x53400, s0;
	s12 =	smul.u32 $0x2710, s3;
	s30 =	sshrl.u32 s2, $0x3  }
0x11: {  	s2 =	simm.s32 $0x14D70;
	s11 =	simm.s32 $0x15270;
	[dreg:$0x7] =	wrdreg s0  }
0x12: {  	s10 =	sadd.s32 $0x3AE00, s10;
	s24 =	sadd.s32 $0xA1C00, s7;
	[dreg:$0xa] =	wrdreg s30  }
0x13: {  	s25 =	smax.u32 s9, $0x1;
	s0 =	simm.s32 $0xF870;
	[dreg:$0x5] =	wrdreg s10  }
0x14: {  	s7 =	simm.s32 $0xC440;
	s10 =	sadd.s32 $0xC3000, s1;
	[dreg:$0x8] =	wrdreg s24  }
0x15: {  	s9 =	simm.s32 $0x11170;
	[dreg:$0x9] =	wrdreg s25;
	s10 =	sshrl.u32 @!p0 s10, $0x3  }
0x16: {  	vm0 =	vcmask $0x704;
	s24 =	simm.s32 $0x50;
	s25 =	simm.s32 $0xC670;
	[dreg:$0xb] =	wrdreg s10  }
.LBB2_1:
0x17: {  	[dreg:$0x3] =	wrdreg s26  }
0x18: {  	s3 =	rddreg [dreg:$0x5]  }
0x19: {  	[spmem:s30], [sflag:s28] =	dma.local [hbm:s3], $0x1860  }
0x1a: {  	_ =	swait.ge [sflag:s16], $0x1860  }
0x1b: {  	[sflag:s16] =	ssyncset.done $0x0  }
0x1c: {  	s3 =	rddreg [dreg:$0x7];
	[sflag:s16] =	ssyncadd.s32 $0xFFFFE7A0  }
0x1d: {  	[spmem:s10], [sflag:s28] =	dma.local @!p0 [hbm:s3], $0xA0  }
0x1e: {  	s3 =	simm.s32 @!p0 $0x2  }
0x1f: {  	_ =	swait.ge @!p0 [sflag:s3], $0xA0  }
0x20: {  	[sflag:s3] =	ssyncset.done @!p0 $0x0  }
0x21: {  	[sflag:s3] =	ssyncadd.s32 @!p0 $0xFFFFFF60  }
0x22: {  	s10 =	simm.s32 $0x0;
	[bflag:$0x0] =	sbarrier.arrive $0xFFFF  }
.LBB2_2:
0x23: {  	s3 =	smul.u32 $0x190, s10;
	_ =	sdelay $0x1  }
0x24: {  	s3 =	sadd.s32 s12, s3  }
0x25: {  	s3 =	sshrl.u32 s3, $0x3  }
0x26: {  	s28 =	simm.s32 $0x0;
	s26 =	sadd.s32 s6, s3  }
0x27: {  	[tilespmem:s18], [sflag:$0x2] =	stream.linear.gather [hbm4b:s26+s28], $0x190, $0x38;
	[tilespmem:$0x15C70] =	vst v63  }
0x28: {  	_ =	swait.ge [sflag:s16], $0x190  }
0x29: {  	[sflag:s16] =	ssyncset.done $0x0  }
0x2a: {  	s3 =	sadd.s32 s8, s3;
	[sflag:s16] =	ssyncadd.s32 $0xFFFFFE70  }
0x2b: {  	[tilespmem:s19], [sflag:$0x2] =	stream.linear.gather [hbm4b:s3+s28], $0x50, $0x38;
	[tilespmem:$0x15C70] =	vst v63  }
0x2c: {  	_ =	swait.ge [sflag:s16], $0x50  }
0x2d: {  	[sflag:s16] =	ssyncset.done $0x0  }
0x2e: {  	s30 =	sadd.s32 $0xA, s3;
	[sflag:s16] =	ssyncadd.s32 $0xFFFFFFB0  }
0x2f: {  	[tilespmem:s20], [sflag:$0x2] =	stream.linear.gather [hbm4b:s30+s28], $0x50, $0x38;
	[tilespmem:$0x15C70] =	vst v63  }
0x30: {  	_ =	swait.ge [sflag:s16], $0x50  }
0x31: {  	[sflag:s16] =	ssyncset.done $0x0  }
0x32: {  	s30 =	sadd.s32 $0x14, s3;
	[sflag:s16] =	ssyncadd.s32 $0xFFFFFFB0  }
0x33: {  	[tilespmem:s21], [sflag:$0x2] =	stream.linear.gather [hbm4b:s30+s28], $0x50, $0x38;
	[tilespmem:$0x15C70] =	vst v63  }
0x34: {  	_ =	swait.ge [sflag:s16], $0x50  }
0x35: {  	[sflag:s16] =	ssyncset.done $0x0  }
0x36: {  	s30 =	sadd.s32 $0x1E, s3;
	[sflag:s16] =	ssyncadd.s32 $0xFFFFFFB0  }
0x37: {  	[tilespmem:s22], [sflag:$0x2] =	stream.linear.gather [hbm4b:s30+s28], $0x50, $0x38;
	[tilespmem:$0x15C70] =	vst v63  }
0x38: {  	_ =	swait.ge [sflag:s16], $0x50  }
0x39: {  	[sflag:s16] =	ssyncset.done $0x0  }
0x3a: {  	s3 =	sadd.s32 $0x28, s3;
	[sflag:s16] =	ssyncadd.s32 $0xFFFFFFB0  }
0x3b: {  	[tilespmem:s23], [sflag:$0x2] =	stream.linear.gather [hbm4b:s3+s28], $0x50, $0x38;
	[tilespmem:$0x15C70] =	vst v63  }
0x3c: {  	_ =	swait.ge [sflag:s16], $0x50  }
0x3d: {  	[sflag:s16] =	ssyncset.done $0x0  }
0x3e: {  	[sflag:s16] =	ssyncadd.s32 $0xFFFFFFB0  }
0x3f: {  	[tilespmem:s25], [sflag:$0x1] =	stream.indirect.gather [hbm4b:s4+s24], $0x50, s18, s24, $0xb8;
	[tilespmem:$0x15C70] =	vst v63  }
0x40: {  	_ = 	snop  }
0x41: {  	[tilespmem:s31], [sflag:$0x1] =	stream.indirect.gather [hbm4b:s5+s24], $0x10, s19, s24, $0xb8;
	[tilespmem:$0x15C70] =	vst v63  }
0x42: {  	s26 =	simm.s32 $0xC3A0  }
0x43: {  	[tilespmem:s29], [sflag:$0x1] =	stream.indirect.gather [hbm4b:s4+s24], $0x50, s26, s24, $0xb8;
	[tilespmem:$0x15C70] =	vst v63  }
0x44: {  	s30 =	simm.s32 $0x14870  }
0x45: {  	[tilespmem:s30], [sflag:$0x1] =	stream.indirect.gather [hbm4b:s5+s24], $0x10, s20, s24, $0xb8;
	[tilespmem:$0x15C70] =	vst v63  }
0x46: {  	s26 =	simm.s32 $0xC3F0  }
0x47: {  	[tilespmem:s0], [sflag:$0x1] =	stream.indirect.gather [hbm4b:s4+s24], $0x50, s26, s24, $0xb8;
	[tilespmem:$0x15C70] =	vst v63  }
0x48: {  	_ = 	snop  }
0x49: {  	[tilespmem:s2], [sflag:$0x1] =	stream.indirect.gather [hbm4b:s5+s24], $0x10, s21, s24, $0xb8;
	[tilespmem:$0x15C70] =	vst v63  }
0x4a: {  	_ = 	snop  }
0x4b: {  	[tilespmem:s9], [sflag:$0x1] =	stream.indirect.gather [hbm4b:s4+s24], $0x50, s7, s24, $0xb8;
	[tilespmem:$0x15C70] =	vst v63  }
0x4c: {  	_ = 	snop  }
0x4d: {  	[tilespmem:s11], [sflag:$0x1] =	stream.indirect.gather [hbm4b:s5+s24], $0x10, s22, s24, $0xb8;
	[tilespmem:$0x15C70] =	vst v63  }
0x4e: {  	_ = 	snop  }
0x4f: {  	[tilespmem:s13], [sflag:$0x1] =	stream.indirect.gather [hbm4b:s4+s24], $0x50, s14, s24, $0xb8;
	[tilespmem:$0x15C70] =	vst v63  }
0x50: {  	_ = 	snop  }
0x51: {  	[tilespmem:s15], [sflag:$0x1] =	stream.indirect.gather [hbm4b:s5+s24], $0x10, s23, s24, $0xb8;
	[tilespmem:$0x15C70] =	vst v63  }
0x52: {  	_ =	swait.ge [sflag:s17], $0x1900  }
0x53: {  	[sflag:s17] =	ssyncset.done $0x0  }
0x54: {  	[sflag:s17] =	ssyncadd.s32 $0xFFFFE700  }
0x55: {  	_ =	swait.ge [sflag:s17], $0x500  }
0x56: {  	[sflag:s17] =	ssyncset.done $0x0  }
0x57: {  	[sflag:s17] =	ssyncadd.s32 $0xFFFFFB00  }
0x58: {  	_ =	swait.ge [sflag:s17], $0x1900  }
0x59: {  	[sflag:s17] =	ssyncset.done $0x0  }
0x5a: {  	[sflag:s17] =	ssyncadd.s32 $0xFFFFE700  }
0x5b: {  	_ =	swait.ge [sflag:s17], $0x500  }
0x5c: {  	[sflag:s17] =	ssyncset.done $0x0  }
0x5d: {  	[sflag:s17] =	ssyncadd.s32 $0xFFFFFB00  }
0x5e: {  	_ =	swait.ge [sflag:s17], $0x1900  }
0x5f: {  	[sflag:s17] =	ssyncset.done $0x0  }
0x60: {  	[sflag:s17] =	ssyncadd.s32 $0xFFFFE700  }
0x61: {  	_ =	swait.ge [sflag:s17], $0x500  }
0x62: {  	[sflag:s17] =	ssyncset.done $0x0  }
0x63: {  	[sflag:s17] =	ssyncadd.s32 $0xFFFFFB00  }
0x64: {  	_ =	swait.ge [sflag:s17], $0x1900  }
0x65: {  	[sflag:s17] =	ssyncset.done $0x0  }
0x66: {  	[sflag:s17] =	ssyncadd.s32 $0xFFFFE700  }
0x67: {  	_ =	swait.ge [sflag:s17], $0x500  }
0x68: {  	[sflag:s17] =	ssyncset.done $0x0  }
0x69: {  	[sflag:s17] =	ssyncadd.s32 $0xFFFFFB00  }
0x6a: {  	_ =	swait.ge [sflag:s17], $0x1900  }
0x6b: {  	[sflag:s17] =	ssyncset.done $0x0  }
0x6c: {  	[sflag:s17] =	ssyncadd.s32 $0xFFFFE700  }
0x6d: {  	_ =	swait.ge [sflag:s17], $0x500  }
0x6e: {  	[sflag:s17] =	ssyncset.done $0x0  }
0x6f: {  	s3 =	simm.s32 $0xC690;
	[sflag:s17] =	ssyncadd.s32 $0xFFFFFB00  }
0x70: {  	s30 =	simm.s32 $0x0;
	v1 =	vld [tilespmem:s3+$0x20]  }
0x71: {  	v0 =	vld [tilespmem:s30+$0x14370];
	_ =	sdelay $0x4  }
0x72: {  	v0 =	vadd.f32 v0, v1;
	_ =	sdelay $0x1  }
0x73: {  	v2 =	vmul.f32 $2.000000030e-01, v0  }
0x74: {  	vm1 =	vge.f32 v0, $0.0e+00  }
0x75: {  	v0 =	vsel vm1, v0, v2  }
0x76: {  	v0 =	vmul.f32 $1.442695020e+00, v0;
	_ =	sdelay $0x1  }
0x77: {  	(erf) = vpow2.f32 v0;
	_ =	sdelay $0x5  }
0x78: {  	v4 =	vld [tilespmem:s3+$0x10]  }
0x79: {  	v2 =	vld [tilespmem:s3+$0xFFFFFFE0]  }
0x7a: {  	v0 =	vld [tilespmem:s3+$0xFFFFFFF0]  }
0x7b: {  	v5 =	vld [tilespmem:s3+$0x0];
	v3 =	vpop (erf)  }
0x7c: {  	v6 =	vbroadcast v3, $0x0;
	_ =	sdelay $0x1  }
0x7d: {  	v2 =	vmul.f32 v6, v2  }
0x7e: {  	v3 =	vmul.f32 v6, v0;
	v7 =	vnsel vm0, $0x0, v6;
	v0 =	vmul.f32 v4, v6  }
0x7f: {  	s28 =	simm.s32 $0xC690;
	s26 =	simm.s32 $0x40;
	v1 =	vmul.f32 v7, v1;
	[tilespmem:s3+$0xFFFFFFE0] =	vst v2;
	v2 =	vmul.f32 v6, v5  }
.LBB2_3:
0x80: {  	p1 =	sne.s32 s26, $0x63C0  }
0x81: {  	[tilespmem:s3+$0xFFFFFFF0] =	vst v3;
	s28 =	sadd.s32 $0x50, s28;
	s30 =	smov.u32 s26;
	s26 =	sadd.s32 $0x40, s26  }
0x82: {  	[tilespmem:s3+$0x10] =	vst v0  }
0x83: {  	[tilespmem:s3+$0x20] =	vst v1  }
0x84: {  	s30 =	sshra.s32 s30, $0x2;
	v1 =	vld [tilespmem:s28+$0x20];
	[tilespmem:s3+$0x0] =	vst v2;
	s3 =	smov.u32 s28  }
0x85: {  	v0 =	vld [tilespmem:s30+$0x14370];
	_ =	sdelay $0x4  }
0x86: {  	v0 =	vadd.f32 v0, v1;
	_ =	sdelay $0x1  }
0x87: {  	v2 =	vmul.f32 $2.000000030e-01, v0  }
0x88: {  	vm1 =	vge.f32 v0, $0.0e+00  }
0x89: {  	v0 =	vsel vm1, v0, v2  }
0x8a: {  	v0 =	vmul.f32 $1.442695020e+00, v0;
	_ =	sdelay $0x1  }
0x8b: {  	(erf) = vpow2.f32 v0;
	_ =	sdelay $0x5  }
0x8c: {  	v0 =	vld [tilespmem:s28+$0xFFFFFFF0]  }
0x8d: {  	v2 =	vld [tilespmem:s28+$0xFFFFFFE0]  }
0x8e: {  	v4 =	vld [tilespmem:s28+$0x10]  }
0x8f: {  	v5 =	vld [tilespmem:s28+$0x0];
	v3 =	vpop (erf)  }
.Ltmp0:
0x90: {  	v6 =	vbroadcast v3, $0x0;
	(pc) =	sbr.rel @p1 .LBB2_3-.Ltmp0, $4  }
0x91: {  	_ = 	snop  }
0x92: {  	v2 =	vmul.f32 v6, v2;
	v3 =	vmul.f32 v6, v0;
	v7 =	vnsel vm0, $0x0, v6  }
0x93: {  	v0 =	vmul.f32 v4, v6;
	v1 =	vmul.f32 v7, v1  }
0x94: {  	[tilespmem:s28+$0xFFFFFFE0] =	vst v2;
	v2 =	vmul.f32 v6, v5  }
0x95: {  	[tilespmem:s3+$0xFFFFFFF0] =	vst v3  }
0x96: {  	[tilespmem:s3+$0x10] =	vst v0  }
0x97: {  	[tilespmem:s3+$0x20] =	vst v1  }
0x98: {  	[tilespmem:s3+$0x0] =	vst v2  }
0x99: {  	[spmem:s1] =	stream.indirect.scatter.add.f32 [tilespmem:s25], [sflag:$0x2], $0x50, s19, s24, $0xb8;
	[tilespmem:$0x15C70] =	vst v63  }
0x9a: {  	_ =	swait.ge [sflag:s16], $0x1900  }
0x9b: {  	[sflag:s16] =	ssyncset.done $0x0  }
0x9c: {  	[sflag:s16] =	ssyncadd.s32 $0xFFFFE700  }
0x9d: {  	[spmem:s1] =	stream.indirect.scatter.add.f32 [tilespmem:s29], [sflag:$0x2], $0x50, s20, s24, $0xb8;
	[tilespmem:$0x15C70] =	vst v63  }
0x9e: {  	_ =	swait.ge [sflag:s16], $0x1900  }
0x9f: {  	[sflag:s16] =	ssyncset.done $0x0  }
0xa0: {  	[sflag:s16] =	ssyncadd.s32 $0xFFFFE700  }
0xa1: {  	[spmem:s1] =	stream.indirect.scatter.add.f32 [tilespmem:s0], [sflag:$0x2], $0x50, s21, s24, $0xb8;
	[tilespmem:$0x15C70] =	vst v63  }
0xa2: {  	_ =	swait.ge [sflag:s16], $0x1900  }
0xa3: {  	[sflag:s16] =	ssyncset.done $0x0  }
0xa4: {  	[sflag:s16] =	ssyncadd.s32 $0xFFFFE700  }
0xa5: {  	[spmem:s1] =	stream.indirect.scatter.add.f32 [tilespmem:s9], [sflag:$0x2], $0x50, s22, s24, $0xb8;
	[tilespmem:$0x15C70] =	vst v63  }
0xa6: {  	s10 =	sadd.s32 $0x1, s10;
	_ =	swait.ge [sflag:s16], $0x1900  }
0xa7: {  	p1 =	sne.s32 s10, $0x19;
	[sflag:s16] =	ssyncset.done $0x0  }
.Ltmp1:
0xa8: {  	[sflag:s16] =	ssyncadd.s32 $0xFFFFE700;
	(pc) =	sbr.rel @p1 .LBB2_2-.Ltmp1, $4  }
0xa9: {  	[spmem:s1] =	stream.indirect.scatter.add.f32 [tilespmem:s13], [sflag:$0x2], $0x50, s23, s24, $0xb8;
	[tilespmem:$0x15C70] =	vst v63  }
0xaa: {  	_ =	swait.ge [sflag:s16], $0x1900  }
0xab: {  	[sflag:s16] =	ssyncset.done $0x0  }
0xac: {  	[sflag:s16] =	ssyncadd.s32 $0xFFFFE700  }
0xad: {  	[bflag:$0x0] =	sbarrier.arrive $0xFFFF  }
0xae: {  	s3 =	rddreg [dreg:$0x4]  }
0xaf: {  	s10 =	rddreg [dreg:$0x8]  }
0xb0: {  	s28 =	rddreg [dreg:$0x6]  }
0xb1: {  	s30 =	rddreg [dreg:$0xa];
	s3 =	sadd.s32 s3, s10  }
0xb2: {  	[hbm:s3], [sflag:s28] =	dma.local [spmem:s30], $0x1860  }
0xb3: {  	_ =	swait.ge [sflag:s16], $0x1860  }
0xb4: {  	[sflag:s16] =	ssyncset.done $0x0  }
0xb5: {  	s3 =	sadd.s32 @!p0 $0x18600, s10;
	s31 =	rddreg [dreg:$0xb];
	[sflag:s16] =	ssyncadd.s32 $0xFFFFE7A0  }
0xb6: {  	[hbm:s3], [sflag:s28] =	dma.local @!p0 [spmem:s31], $0xA0  }
0xb7: {  	s3 =	simm.s32 @!p0 $0x2  }
0xb8: {  	_ =	swait.ge @!p0 [sflag:s3], $0xA0  }
0xb9: {  	s26 =	rddreg [dreg:$0x3]  }
0xba: {  	s10 =	rddreg [dreg:$0x9];
	s26 =	sadd.s32 $0x1, s26  }
0xbb: {  	p1 =	sne.s32 s26, s10  }
.Ltmp2:
0xbc: {  	_ = 	snop;
	(pc) =	sbr.rel @p1 .LBB2_1-.Ltmp2, $3  }
0xbd: {  	_ =	sdelay $0x1  }
0xbe: {  	[sflag:s3] =	ssyncset.done @!p0 $0x0  }
0xbf: {  	[sflag:s3] =	ssyncadd.s32 @!p0 $0xFFFFFF60;
	s10 =	smov.u32 s31;
	s31 =	simm.s32 $0x14370  }
0xc0: {  	_ =	sfence.sel $0x180000  }
0xc1: {  	[bflag:$0x0] =	sbarrier.arrive $0xFFFF  }
0xc2: {  	_ =	strace $0x90000050  }
0xc3: {  	s0 =	stileid.u32;
	[bflag:$0x2] =	sbarrier.arrive $0xFFFF  }
0xc4: {  	p0 =	sne.s32 s0, $0x0;
	s0 =	rddreg [dreg:$0x2]  }
0xc5: {  	s0 =	sadd.s32 @!p0 $0x100000, s0  }
0xc6: {  	[sflag:s0] =	ssyncadd.tile.s32 @!p0 $0x1;
	_ =	shalt  }
.Lfunc_end2:
_tile_overlayer_lowered:
.L_overlay_start_2:
0xc7: {  	(tag) =	ssettag $0x2  }
0xc8: {  	s0 =	rddreg [dreg:$0x0];
	s2 =	stileid.u32  }
0xc9: {  	s1 =	rddreg [dreg:$0x1];
	p0 =	sne.s32 s2, $0x0  }
0xca: {  	s3 =	rddreg [dreg:$0x2];
	[bflag:$0x3] =	sbarrier.arrive $0xFFFF;
	s2 =	simm.s32 @!p0 $0x1C02  }
0xcb: {  	[timem:s3], [sflag:s2] =	dma.local @!p0 [hbm:s0], s1  }
0xcc: {  	s0 =	simm.s32 @!p0 $0x2  }
0xcd: {  	_ =	swait.ge @!p0 [sflag:s0], s1  }
0xce: {  	s1 =	ssub.s32 @!p0 $0x0, s1;
	[sflag:s0] =	ssyncset.done @!p0 $0x0  }
0xcf: {  	[sflag:s0] =	ssyncadd.s32 @!p0 s1  }
0xd0: {  	[bflag:$0x3] =	sbarrier.arrive $0xFFFF  }
0xd1: {  	_ =	shalt  }

// kernel: kernel.18.cloned.1.call-start
scs
__scs_entry_jumppad:
0x0: {  	(pc) =	sbr.rel $0x88, $3  }
0x1: {  	(tag) =	ssettag $0x0;
	lr =	simm.s32 $0x1  }
0x2: {  	[smem:$0x3F85] =	sst lr;
	_ =	strace $0xD0000000  }
0x3: {  	_ = 	snop  }
0x4: {  	_ = 	snop  }
0x5: {  	_ = 	snop  }
0x6: {  	_ = 	snop  }
0x7: {  	_ = 	snop  }
__scs_overlays_trampoline_lowered:
0x8: {  	[smem:$0x3F94] =	sst s0  }
0x9: {  	[smem:$0x3F95] =	sst s1  }
0xa: {  	[smem:$0x3F96] =	sst s2  }
0xb: {  	[smem:$0x3F97] =	sst s3  }
0xc: {  	[smem:$0x3F98] =	sst s4  }
0xd: {  	[smem:$0x3F99] =	sst s5  }
0xe: {  	[smem:$0x3F9A] =	sst s6  }
0xf: {  	[smem:$0x3F9B] =	sst s7  }
0x10: {  	[smem:$0x3F9C] =	sst s8  }
0x11: {  	[smem:$0x3F9D] =	sst s9;
	s0 =	simm.s32 @!p0 $0x0  }
0x12: {  	s1 =	sld [smem:$0x3F83];
	s0 =	simm.s32 @p0 $0x1  }
0x13: {  	[smem:$0x3F9E] =	sst s0;
	s0 =	simm.s32 @!p1 $0x0  }
0x14: {  	s2 =	sld [smem:$0x3F82];
	s0 =	simm.s32 @p1 $0x1  }
0x15: {  	[smem:$0x3F9F] =	sst s0;
	s0 =	simm.s32 @!p2 $0x0  }
0x16: {  	s3 =	sld [smem:$0x3FDB];
	s0 =	simm.s32 @p2 $0x1  }
0x17: {  	s4 =	simm.s32 $0x1BF5;
	[smem:$0x3FA1] =	sst s0  }
0x18: {  	s0 =	sld [smem:$0x3F84];
	_ =	swait.ge [sflag:s4], $0x0  }
0x19: {  	s7 =	sld [smem:$0x3F85]  }
0x1a: {  	s8 =	sadd.s32 $0xFFFFE003, lr  }
0x1b: {  	s9 =	sadd.s32 $0xFFFFFEF7, lr;
	s5 =	simm.s32 $0xFFFFFFFF;
	p2 =	slt.u32 s8, $0xFFFFF086  }
0x1c: {  	p1 =	slt.u32 s9, $0xF7A;
	s5 =	simm.s32 @!p2 $0x0  }
0x1d: {  	s5 =	simm.s32 @p1 $0x1;
	p0 =	seq.s32 s7, s2  }
0x1e: {  	s7 =	smul.u32 @!p0 $0xF7A, s2;
	p2 =	seq.s32 @!p0 s5, $0x0  }
0x1f: {  	s9 =	smul.u32 $0xF7A, s1;
	s8 =	simm.s32 @!p0 $0x1BF5;
	p2 =	por !p2, p0  }
0x20: {  	[sflag:s8] =	ssyncset.s32 @!p0 $0xFFFFF086;
	s6 =	sadd.s32 @!p0 s3, s7;
	s7 =	simm.s32 @!p0 $0x108  }
0x21: {  	s3 =	sadd.s32 s3, s9;
	s6 =	sadd.s32 @!p0 $0x88, s6;
	s7 =	simm.s32 @p2 $0x1082  }
0x22: {  	[simem:s7], [sflag:s8] =	dma.local @!p0 [hbm:s6], $0xF7A  }
0x23: {  	s9 =	sor.u32 $0xD0000000, s2;
	s6 =	simm.s32 $0x108;
	_ =	swait.ge @!p0 [sflag:s8], $0x0  }
0x24: {  	s3 =	sadd.s32 $0x88, s3;
	s6 =	simm.s32 @!p1 $0x1082;
	[sflag:s4] =	ssyncset.s32 $0xFFFFF086  }
0x25: {  	[simem:s6], [sflag:s4] =	dma.local [hbm:s3], $0xF7A  }
0x26: {  	[smem:$0x3F85] =	sst s1;
	(tag) =	ssettag s2;
	_ =	strace s9  }
0x27: {  	s1 =	sld [smem:$0x3F95]  }
0x28: {  	s2 =	sld [smem:$0x3F96]  }
0x29: {  	s4 =	sld [smem:$0x3F98]  }
0x2a: {  	p0 =	seq.s32 s5, $0x0;
	s5 =	sld [smem:$0x3F99]  }
0x2b: {  	s6 =	sld [smem:$0x3F9A]  }
0x2c: {  	s7 =	sld [smem:$0x3F9B]  }
0x2d: {  	s3 =	simm.s32 $0x108;
	s8 =	sld [smem:$0x3F9C]  }
0x2e: {  	s3 =	simm.s32 @!p0 $0x1082;
	s9 =	sld [smem:$0x3F9D]  }
0x2f: {  	lr =	sadd.s32 s0, s3;
	s0 =	sld [smem:$0x3F94]  }
0x30: {  	s3 =	sld [smem:$0x3F97]  }
0x31: {  	[smem:$0x3FA0] =	sst s10  }
0x32: {  	s10 =	sld [smem:$0x3F9E];
	_ =	sdelay $0x3  }
0x33: {  	p0 =	seq.s32 s10, $0x1;
	s10 =	sld [smem:$0x3FA0];
	_ =	sdelay $0x3  }
0x34: {  	[smem:$0x3FA0] =	sst s10  }
0x35: {  	s10 =	sld [smem:$0x3F9F];
	_ =	sdelay $0x3  }
0x36: {  	p1 =	seq.s32 s10, $0x1;
	s10 =	sld [smem:$0x3FA0];
	_ =	sdelay $0x3  }
0x37: {  	[smem:$0x3FA0] =	sst s10  }
0x38: {  	s10 =	sld [smem:$0x3FA1]  }
0x39: {  	_ = 	snop;
	(pc) =	sbr.ind lr, $3  }
0x3a: {  	_ = 	snop  }
0x3b: {  	_ = 	snop  }
0x3c: {  	p2 =	seq.s32 s10, $0x1;
	s10 =	sld [smem:$0x3FA0]  }
0x3d: {  	_ =	shalt  }
0x3e: {  	_ =	shalt  }
0x3f: {  	_ =	shalt  }
0x40: {  	_ =	shalt  }
0x41: {  	_ =	shalt  }
0x42: {  	_ =	shalt  }
0x43: {  	_ =	shalt  }
0x44: {  	_ =	shalt  }
0x45: {  	_ =	shalt  }
0x46: {  	_ =	shalt  }
0x47: {  	_ =	shalt  }
0x48: {  	_ =	shalt  }
0x49: {  	_ =	shalt  }
0x4a: {  	_ =	shalt  }
0x4b: {  	_ =	shalt  }
0x4c: {  	_ =	shalt  }
0x4d: {  	_ =	shalt  }
0x4e: {  	_ =	shalt  }
0x4f: {  	_ =	shalt  }
0x50: {  	_ =	shalt  }
0x51: {  	_ =	shalt  }
0x52: {  	_ =	shalt  }
0x53: {  	_ =	shalt  }
0x54: {  	_ =	shalt  }
0x55: {  	_ =	shalt  }
0x56: {  	_ =	shalt  }
0x57: {  	_ =	shalt  }
0x58: {  	_ =	shalt  }
0x59: {  	_ =	shalt  }
0x5a: {  	_ =	shalt  }
0x5b: {  	_ =	shalt  }
0x5c: {  	_ =	shalt  }
0x5d: {  	_ =	shalt  }
0x5e: {  	_ =	shalt  }
0x5f: {  	_ =	shalt  }
0x60: {  	_ =	shalt  }
0x61: {  	_ =	shalt  }
0x62: {  	_ =	shalt  }
0x63: {  	_ =	shalt  }
0x64: {  	_ =	shalt  }
0x65: {  	_ =	shalt  }
0x66: {  	_ =	shalt  }
0x67: {  	_ =	shalt  }
0x68: {  	_ =	shalt  }
0x69: {  	_ =	shalt  }
0x6a: {  	_ =	shalt  }
0x6b: {  	_ =	shalt  }
0x6c: {  	_ =	shalt  }
0x6d: {  	_ =	shalt  }
0x6e: {  	_ =	shalt  }
0x6f: {  	_ =	shalt  }
0x70: {  	_ =	shalt  }
0x71: {  	_ =	shalt  }
0x72: {  	_ =	shalt  }
0x73: {  	_ =	shalt  }
0x74: {  	_ =	shalt  }
0x75: {  	_ =	shalt  }
0x76: {  	_ =	shalt  }
0x77: {  	_ =	shalt  }
0x78: {  	_ =	shalt  }
0x79: {  	_ =	shalt  }
0x7a: {  	_ =	shalt  }
0x7b: {  	_ =	shalt  }
0x7c: {  	_ =	shalt  }
0x7d: {  	_ =	shalt  }
0x7e: {  	_ =	shalt  }
0x7f: {  	_ =	shalt  }
0x80: {  	_ =	shalt  }
0x81: {  	_ =	shalt  }
0x82: {  	_ =	shalt  }
0x83: {  	_ =	shalt  }
0x84: {  	_ =	shalt  }
0x85: {  	_ =	shalt  }
0x86: {  	_ =	shalt  }
0x87: {  	_ =	shalt  }
.Lfunc_end0:
.L_simem_size_0:
called_computation.3_lowered:
.L_overlay_start_0:
0x88: {  	s2 =	sld [smem:$0x3FD9]  }
0x89: {  	s3 =	sld [smem:$0x3FFE];
	_ =	sdelay $0x1  }
0x8a: {  	s1 =	srdreg.scid  }
0x8b: {  	s0 =	sand.u32 $0x1, s1  }
0x8c: {  	s16 =	sshll.u32 s0, $0xA;
	s2 =	sadd.s32 s3, s2  }
0x8d: {  	s2 =	sadd.s32 s2, s16  }
0x8e: {  	[smem:$0x3FAC] =	sst s2  }
0x8f: {  	_ = 	snop  }
0x90: {  	(tm) =	ssettm $0x1  }
0x91: {  	s17 =	sld [smem:$0x3FFB];
	_ =	sdelay $0x3  }
0x92: {  	_ =	strace s17  }
0x93: {  	s2 =	sld [smem:$0x3FFC];
	_ =	sdelay $0x3  }
0x94: {  	_ =	strace s2  }
0x95: {  	s2 =	sld [smem:$0x3FFD];
	_ =	sdelay $0x3  }
0x96: {  	_ =	strace s2  }
0x97: {  	_ =	strace $0x8FFFFFFF  }
0x98: {  	s18 =	sld [smem:$0x3FDB];
	_ =	sdelay $0x1  }
0x99: {  	s19 =	simm.s32 $_scs_section_size  }
0x9a: {  	s4 =	simm.s32 $_size__tile_overlayer_lowered;
	s5 =	simm.s32 $_tile_overlayer_lowered  }
0x9b: {  	s22 =	simm.s32 $0x1BFF;
	s21 =	sshll.u32 s5, $0x1;
	s2 =	sadd.s32 s19, s18  }
0x9c: {  	s6 =	simm.s32 $0x0;
	s20 =	sshll.u32 s4, $0x1;
	s4 =	sadd.s32 s21, s2  }
0x9d: {  	[timem:s6], [sflag:s22] =	dma.local [hbm:s4], s20  }
0x9e: {  	_ =	swait.ge [sflag:s22], s20  }
0x9f: {  	s3 =	ssub.s32 $0x0, s20;
	[sflag:s22] =	ssyncset.done $0x0  }
0xa0: {  	[sflag:s22] =	ssyncadd.s32 s3;
	_ =	sdelay $0x1  }
0xa1: {  	s23 =	simm.s32 $0x1B8B  }
0xa2: {  	_ =	swait.ge [sflag:s23], $0x1  }
0xa3: {  	[sflag:s23] =	ssyncset.done $0x0  }
0xa4: {  	s25 =	simm.s32 $0x1B8E;
	s24 =	sld [smem:$0x3FFE];
	[sflag:s23] =	ssyncadd.s32 $0xFFFFFFFF  }
0xa5: {  	s26 =	simm.s32 $execute0_lowered;
	[smem:$0x3FD2] =	sst s25  }
0xa6: {  	s4 =	sshll.u32 s26, $0x1;
	_ =	strace $0x8000004C;
	[dreg:$0x1] =	wrdreg $0xFFFFFFFF  }
0xa7: {  	s28 =	simm.s32 $_size_execute0_lowered;
	s2 =	sadd.s32 s2, s4;
	[dreg:$0x0] =	wrdreg $0x0  }
0xa8: {  	s4 =	sshll.u32 s28, $0x1;
	[dreg:$0x2] =	wrdreg s2  }
0xa9: {  	[dreg:$0x3] =	wrdreg s4  }
0xaa: {  	[dreg:$0x4] =	wrdreg $0xC0  }
0xab: {  	_ =	task [dreg:s6], $0x5FFFF  }
0xac: {  	[dreg:$0x1] =	wrdreg $0xFFFFFFFF  }
0xad: {  	[dreg:$0x0] =	wrdreg $0x60  }
0xae: {  	[dreg:$0x2] =	wrdreg s24  }
0xaf: {  	[dreg:$0x3] =	wrdreg $0x0  }
0xb0: {  	[dreg:$0x4] =	wrdreg $0xA  }
0xb1: {  	_ =	task.clear_ibuf [dreg:s6], $0x5FFFF;
	_ =	strace $0x9000004C  }
0xb2: {  	s29 =	simm.s32 $0xA;
	_ =	strace $0x8000004E  }
0xb3: {  	_ =	swait.ge [sflag:s29], $0x1  }
0xb4: {  	[sflag:s29] =	ssyncadd.s32 $0xFFFFFFFF  }
0xb5: {  	_ =	strace $0x9000004E  }
0xb6: {  	_ =	sfence  }
0xb7: {  	s30 =	sld [smem:$0x0];
	_ =	sdelay $0x2  }
0xb8: {  	s31 =	sshll.u32 s1, $0xD;
	s1 =	sshrl.u32 s1, $0x2  }
0xb9: {  	s3 =	sand.u32 $0x4000, s31;
	s1 =	sadd.s32 s1, s30  }
0xba: {  	s0 =	sor.u32 s3, s0;
	s1 =	sshll.u32 s1, $0x11  }
0xbb: {  	s0 =	sor.u32 s1, s0  }
0xbc: {  	s0 =	sadd.s32 $0x8F2B, s0  }
0xbd: {  	[sflag:s0] =	ssyncadd.remote.s32 $0x1  }
0xbe: {  	_ =	sfence.sel $0xFFFF  }
0xbf: {  	[dreg:$0x0] =	wrdreg $0xFFFFFFFF;
	(pc) =	sbr.abs _section_cstart, $3  }
0xc0: {  	[dreg:$0x1] =	wrdreg $0xFFFFFFFF  }
0xc1: {  	_ =	task.clear_ibuf [dreg:s6], $0x2FFFF;
	_ =	strace $0x9FFFFFFF  }
0xc2: {  	(tm) =	ssettm $0x7FFFFFFF  }
0xc3: {  	_ =	shalt  }
tec
execute0_lowered:
.L_overlay_start_1:
0x0: {  	(tag) =	ssettag $0x1  }
0x1: {  	s0 =	rddreg [dreg:$0x0]  }
0x2: {  	s1 =	rddreg [dreg:$0x1]  }
0x3: {  	s26 =	simm.s32 $0x0;
	s13 =	stileid.u32;
	s3 =	srdreg.scid  }
0x4: {  	s16 =	simm.s32 $0x2;
	s18 =	simm.s32 $0xC350;
	s19 =	simm.s32 $0xC4E0  }
0x5: {  	s20 =	simm.s32 $0xC530;
	s21 =	simm.s32 $0xC580;
	s22 =	simm.s32 $0xC5D0  }
0x6: {  	s31 =	simm.s32 $0x14370;
	s29 =	simm.s32 $0xDF70;
	s14 =	simm.s32 $0xC490  }
0x7: {  	s15 =	simm.s32 $0x15770;
	s17 =	simm.s32 $0x1;
	[smem:$0x7FF] =	sst s26  }
0x8: {  	s4 =	sadd.s32 $0x22600, s0;
	s2 =	smul.u32 $0xC300, s13;
	s5 =	sadd.s32 $0x4C00, s0  }
0x9: {  	s6 =	sadd.s32 $0x18800, s0;
	s3 =	sand.u32 $0x1, s3;
	s8 =	sadd.s32 $0xEA00, s0  }
0xa: {  	s23 =	sshll.u32 s13, $0x6;
	p0 =	sne.s32 s13, $0xF;
	_ =	strace $0x8000004D  }
0xb: {  	s7 =	smul.u32 $0x186A0, s3;
	s9 =	ssub.s32 $0x2, s3;
	s3 =	sshll.u32 s3, $0x4  }
0xc: {  	s28 =	sor.u32 $0x1C02, s23;
	s23 =	simm.s32 $0xC620;
	s10 =	sshrl.u32 s2, $0x3  }
0xd: {  	s11 =	sshrl.u32 s9, $0x1;
	s2 =	sadd.s32 s2, s1;
	[dreg:$0x6] =	wrdreg s28  }
0xe: {  	s3 =	sor.u32 s13, s3;
	s13 =	simm.s32 $0x12A70;
	[dreg:$0x4] =	wrdreg s10  }
0xf: {  	s10 =	sadd.s32 s10, s0;
	s7 =	sadd.s32 s7, s0;
	s9 =	ssub.s32 s9, s11  }
0x10: {  	s0 =	sadd.s32 $0x53400, s0;
	s12 =	smul.u32 $0x2710, s3;
	s30 =	sshrl.u32 s2, $0x3  }
0x11: {  	s2 =	simm.s32 $0x14D70;
	s11 =	simm.s32 $0x15270;
	[dreg:$0x7] =	wrdreg s0  }
0x12: {  	s10 =	sadd.s32 $0x3AE00, s10;
	s24 =	sadd.s32 $0x53600, s7;
	[dreg:$0xa] =	wrdreg s30  }
0x13: {  	s25 =	smax.u32 s9, $0x1;
	s0 =	simm.s32 $0xF870;
	[dreg:$0x5] =	wrdreg s10  }
0x14: {  	s7 =	simm.s32 $0xC440;
	s10 =	sadd.s32 $0xC3000, s1;
	[dreg:$0x8] =	wrdreg s24  }
0x15: {  	s9 =	simm.s32 $0x11170;
	[dreg:$0x9] =	wrdreg s25;
	s10 =	sshrl.u32 @!p0 s10, $0x3  }
0x16: {  	vm0 =	vcmask $0x704;
	s24 =	simm.s32 $0x50;
	s25 =	simm.s32 $0xC670;
	[dreg:$0xb] =	wrdreg s10  }
.LBB2_1:
0x17: {  	[dreg:$0x3] =	wrdreg s26  }
0x18: {  	s3 =	rddreg [dreg:$0x5]  }
0x19: {  	[spmem:s30], [sflag:s28] =	dma.local [hbm:s3], $0x1860  }
0x1a: {  	_ =	swait.ge [sflag:s16], $0x1860  }
0x1b: {  	[sflag:s16] =	ssyncset.done $0x0  }
0x1c: {  	s3 =	rddreg [dreg:$0x7];
	[sflag:s16] =	ssyncadd.s32 $0xFFFFE7A0  }
0x1d: {  	[spmem:s10], [sflag:s28] =	dma.local @!p0 [hbm:s3], $0xA0  }
0x1e: {  	s3 =	simm.s32 @!p0 $0x2  }
0x1f: {  	_ =	swait.ge @!p0 [sflag:s3], $0xA0  }
0x20: {  	[sflag:s3] =	ssyncset.done @!p0 $0x0  }
0x21: {  	[sflag:s3] =	ssyncadd.s32 @!p0 $0xFFFFFF60  }
0x22: {  	s10 =	simm.s32 $0x0;
	[bflag:$0x0] =	sbarrier.arrive $0xFFFF  }
.LBB2_2:
0x23: {  	s3 =	smul.u32 $0x190, s10;
	_ =	sdelay $0x1  }
0x24: {  	s3 =	sadd.s32 s12, s3  }
0x25: {  	s3 =	sshrl.u32 s3, $0x3  }
0x26: {  	s28 =	simm.s32 $0x0;
	s26 =	sadd.s32 s6, s3  }
0x27: {  	[tilespmem:s18], [sflag:$0x2] =	stream.linear.gather [hbm4b:s26+s28], $0x190, $0x38;
	[tilespmem:$0x15C70] =	vst v63  }
0x28: {  	_ =	swait.ge [sflag:s16], $0x190  }
0x29: {  	[sflag:s16] =	ssyncset.done $0x0  }
0x2a: {  	s3 =	sadd.s32 s8, s3;
	[sflag:s16] =	ssyncadd.s32 $0xFFFFFE70  }
0x2b: {  	[tilespmem:s19], [sflag:$0x2] =	stream.linear.gather [hbm4b:s3+s28], $0x50, $0x38;
	[tilespmem:$0x15C70] =	vst v63  }
0x2c: {  	_ =	swait.ge [sflag:s16], $0x50  }
0x2d: {  	[sflag:s16] =	ssyncset.done $0x0  }
0x2e: {  	s30 =	sadd.s32 $0xA, s3;
	[sflag:s16] =	ssyncadd.s32 $0xFFFFFFB0  }
0x2f: {  	[tilespmem:s20], [sflag:$0x2] =	stream.linear.gather [hbm4b:s30+s28], $0x50, $0x38;
	[tilespmem:$0x15C70] =	vst v63  }
0x30: {  	_ =	swait.ge [sflag:s16], $0x50  }
0x31: {  	[sflag:s16] =	ssyncset.done $0x0  }
0x32: {  	s30 =	sadd.s32 $0x14, s3;
	[sflag:s16] =	ssyncadd.s32 $0xFFFFFFB0  }
0x33: {  	[tilespmem:s21], [sflag:$0x2] =	stream.linear.gather [hbm4b:s30+s28], $0x50, $0x38;
	[tilespmem:$0x15C70] =	vst v63  }
0x34: {  	_ =	swait.ge [sflag:s16], $0x50  }
0x35: {  	[sflag:s16] =	ssyncset.done $0x0  }
0x36: {  	s30 =	sadd.s32 $0x1E, s3;
	[sflag:s16] =	ssyncadd.s32 $0xFFFFFFB0  }
0x37: {  	[tilespmem:s22], [sflag:$0x2] =	stream.linear.gather [hbm4b:s30+s28], $0x50, $0x38;
	[tilespmem:$0x15C70] =	vst v63  }
0x38: {  	_ =	swait.ge [sflag:s16], $0x50  }
0x39: {  	[sflag:s16] =	ssyncset.done $0x0  }
0x3a: {  	s3 =	sadd.s32 $0x28, s3;
	[sflag:s16] =	ssyncadd.s32 $0xFFFFFFB0  }
0x3b: {  	[tilespmem:s23], [sflag:$0x2] =	stream.linear.gather [hbm4b:s3+s28], $0x50, $0x38;
	[tilespmem:$0x15C70] =	vst v63  }
0x3c: {  	_ =	swait.ge [sflag:s16], $0x50  }
0x3d: {  	[sflag:s16] =	ssyncset.done $0x0  }
0x3e: {  	[sflag:s16] =	ssyncadd.s32 $0xFFFFFFB0  }
0x3f: {  	[tilespmem:s25], [sflag:$0x1] =	stream.indirect.gather [hbm4b:s4+s24], $0x50, s18, s24, $0xb8;
	[tilespmem:$0x15C70] =	vst v63  }
0x40: {  	_ = 	snop  }
0x41: {  	[tilespmem:s31], [sflag:$0x1] =	stream.indirect.gather [hbm4b:s5+s24], $0x10, s19, s24, $0xb8;
	[tilespmem:$0x15C70] =	vst v63  }
0x42: {  	s26 =	simm.s32 $0xC3A0  }
0x43: {  	[tilespmem:s29], [sflag:$0x1] =	stream.indirect.gather [hbm4b:s4+s24], $0x50, s26, s24, $0xb8;
	[tilespmem:$0x15C70] =	vst v63  }
0x44: {  	s30 =	simm.s32 $0x14870  }
0x45: {  	[tilespmem:s30], [sflag:$0x1] =	stream.indirect.gather [hbm4b:s5+s24], $0x10, s20, s24, $0xb8;
	[tilespmem:$0x15C70] =	vst v63  }
0x46: {  	s26 =	simm.s32 $0xC3F0  }
0x47: {  	[tilespmem:s0], [sflag:$0x1] =	stream.indirect.gather [hbm4b:s4+s24], $0x50, s26, s24, $0xb8;
	[tilespmem:$0x15C70] =	vst v63  }
0x48: {  	_ = 	snop  }
0x49: {  	[tilespmem:s2], [sflag:$0x1] =	stream.indirect.gather [hbm4b:s5+s24], $0x10, s21, s24, $0xb8;
	[tilespmem:$0x15C70] =	vst v63  }
0x4a: {  	_ = 	snop  }
0x4b: {  	[tilespmem:s9], [sflag:$0x1] =	stream.indirect.gather [hbm4b:s4+s24], $0x50, s7, s24, $0xb8;
	[tilespmem:$0x15C70] =	vst v63  }
0x4c: {  	_ = 	snop  }
0x4d: {  	[tilespmem:s11], [sflag:$0x1] =	stream.indirect.gather [hbm4b:s5+s24], $0x10, s22, s24, $0xb8;
	[tilespmem:$0x15C70] =	vst v63  }
0x4e: {  	_ = 	snop  }
0x4f: {  	[tilespmem:s13], [sflag:$0x1] =	stream.indirect.gather [hbm4b:s4+s24], $0x50, s14, s24, $0xb8;
	[tilespmem:$0x15C70] =	vst v63  }
0x50: {  	_ = 	snop  }
0x51: {  	[tilespmem:s15], [sflag:$0x1] =	stream.indirect.gather [hbm4b:s5+s24], $0x10, s23, s24, $0xb8;
	[tilespmem:$0x15C70] =	vst v63  }
0x52: {  	_ =	swait.ge [sflag:s17], $0x1900  }
0x53: {  	[sflag:s17] =	ssyncset.done $0x0  }
0x54: {  	[sflag:s17] =	ssyncadd.s32 $0xFFFFE700  }
0x55: {  	_ =	swait.ge [sflag:s17], $0x500  }
0x56: {  	[sflag:s17] =	ssyncset.done $0x0  }
0x57: {  	[sflag:s17] =	ssyncadd.s32 $0xFFFFFB00  }
0x58: {  	_ =	swait.ge [sflag:s17], $0x1900  }
0x59: {  	[sflag:s17] =	ssyncset.done $0x0  }
0x5a: {  	[sflag:s17] =	ssyncadd.s32 $0xFFFFE700  }
0x5b: {  	_ =	swait.ge [sflag:s17], $0x500  }
0x5c: {  	[sflag:s17] =	ssyncset.done $0x0  }
0x5d: {  	[sflag:s17] =	ssyncadd.s32 $0xFFFFFB00  }
0x5e: {  	_ =	swait.ge [sflag:s17], $0x1900  }
0x5f: {  	[sflag:s17] =	ssyncset.done $0x0  }
0x60: {  	[sflag:s17] =	ssyncadd.s32 $0xFFFFE700  }
0x61: {  	_ =	swait.ge [sflag:s17], $0x500  }
0x62: {  	[sflag:s17] =	ssyncset.done $0x0  }
0x63: {  	[sflag:s17] =	ssyncadd.s32 $0xFFFFFB00  }
0x64: {  	_ =	swait.ge [sflag:s17], $0x1900  }
0x65: {  	[sflag:s17] =	ssyncset.done $0x0  }
0x66: {  	[sflag:s17] =	ssyncadd.s32 $0xFFFFE700  }
0x67: {  	_ =	swait.ge [sflag:s17], $0x500  }
0x68: {  	[sflag:s17] =	ssyncset.done $0x0  }
0x69: {  	[sflag:s17] =	ssyncadd.s32 $0xFFFFFB00  }
0x6a: {  	_ =	swait.ge [sflag:s17], $0x1900  }
0x6b: {  	[sflag:s17] =	ssyncset.done $0x0  }
0x6c: {  	[sflag:s17] =	ssyncadd.s32 $0xFFFFE700  }
0x6d: {  	_ =	swait.ge [sflag:s17], $0x500  }
0x6e: {  	[sflag:s17] =	ssyncset.done $0x0  }
0x6f: {  	s3 =	simm.s32 $0xC690;
	[sflag:s17] =	ssyncadd.s32 $0xFFFFFB00  }
0x70: {  	s30 =	simm.s32 $0x0;
	v1 =	vld [tilespmem:s3+$0x20]  }
0x71: {  	v0 =	vld [tilespmem:s30+$0x14370];
	_ =	sdelay $0x4  }
0x72: {  	v0 =	vadd.f32 v0, v1;
	_ =	sdelay $0x1  }
0x73: {  	v2 =	vmul.f32 $2.000000030e-01, v0  }
0x74: {  	vm1 =	vge.f32 v0, $0.0e+00  }
0x75: {  	v0 =	vsel vm1, v0, v2  }
0x76: {  	v0 =	vmul.f32 $1.442695020e+00, v0;
	_ =	sdelay $0x1  }
0x77: {  	(erf) = vpow2.f32 v0;
	_ =	sdelay $0x5  }
0x78: {  	v4 =	vld [tilespmem:s3+$0x10]  }
0x79: {  	v2 =	vld [tilespmem:s3+$0xFFFFFFE0]  }
0x7a: {  	v0 =	vld [tilespmem:s3+$0xFFFFFFF0]  }
0x7b: {  	v5 =	vld [tilespmem:s3+$0x0];
	v3 =	vpop (erf)  }
0x7c: {  	v6 =	vbroadcast v3, $0x0;
	_ =	sdelay $0x1  }
0x7d: {  	v2 =	vmul.f32 v6, v2  }
0x7e: {  	v3 =	vmul.f32 v6, v0;
	v7 =	vnsel vm0, $0x0, v6;
	v0 =	vmul.f32 v4, v6  }
0x7f: {  	s28 =	simm.s32 $0xC690;
	s26 =	simm.s32 $0x40;
	v1 =	vmul.f32 v7, v1;
	[tilespmem:s3+$0xFFFFFFE0] =	vst v2;
	v2 =	vmul.f32 v6, v5  }
.LBB2_3:
0x80: {  	p1 =	sne.s32 s26, $0x63C0  }
0x81: {  	[tilespmem:s3+$0xFFFFFFF0] =	vst v3;
	s28 =	sadd.s32 $0x50, s28;
	s30 =	smov.u32 s26;
	s26 =	sadd.s32 $0x40, s26  }
0x82: {  	[tilespmem:s3+$0x10] =	vst v0  }
0x83: {  	[tilespmem:s3+$0x20] =	vst v1  }
0x84: {  	s30 =	sshra.s32 s30, $0x2;
	v1 =	vld [tilespmem:s28+$0x20];
	[tilespmem:s3+$0x0] =	vst v2;
	s3 =	smov.u32 s28  }
0x85: {  	v0 =	vld [tilespmem:s30+$0x14370];
	_ =	sdelay $0x4  }
0x86: {  	v0 =	vadd.f32 v0, v1;
	_ =	sdelay $0x1  }
0x87: {  	v2 =	vmul.f32 $2.000000030e-01, v0  }
0x88: {  	vm1 =	vge.f32 v0, $0.0e+00  }
0x89: {  	v0 =	vsel vm1, v0, v2  }
0x8a: {  	v0 =	vmul.f32 $1.442695020e+00, v0;
	_ =	sdelay $0x1  }
0x8b: {  	(erf) = vpow2.f32 v0;
	_ =	sdelay $0x5  }
0x8c: {  	v0 =	vld [tilespmem:s28+$0xFFFFFFF0]  }
0x8d: {  	v2 =	vld [tilespmem:s28+$0xFFFFFFE0]  }
0x8e: {  	v4 =	vld [tilespmem:s28+$0x10]  }
0x8f: {  	v5 =	vld [tilespmem:s28+$0x0];
	v3 =	vpop (erf)  }
.Ltmp0:
0x90: {  	v6 =	vbroadcast v3, $0x0;
	(pc) =	sbr.rel @p1 .LBB2_3-.Ltmp0, $4  }
0x91: {  	_ = 	snop  }
0x92: {  	v2 =	vmul.f32 v6, v2;
	v3 =	vmul.f32 v6, v0;
	v7 =	vnsel vm0, $0x0, v6  }
0x93: {  	v0 =	vmul.f32 v4, v6;
	v1 =	vmul.f32 v7, v1  }
0x94: {  	[tilespmem:s28+$0xFFFFFFE0] =	vst v2;
	v2 =	vmul.f32 v6, v5  }
0x95: {  	[tilespmem:s3+$0xFFFFFFF0] =	vst v3  }
0x96: {  	[tilespmem:s3+$0x10] =	vst v0  }
0x97: {  	[tilespmem:s3+$0x20] =	vst v1  }
0x98: {  	[tilespmem:s3+$0x0] =	vst v2  }
0x99: {  	[spmem:s1] =	stream.indirect.scatter.add.f32 [tilespmem:s25], [sflag:$0x2], $0x50, s19, s24, $0xb8;
	[tilespmem:$0x15C70] =	vst v63  }
0x9a: {  	_ =	swait.ge [sflag:s16], $0x1900  }
0x9b: {  	[sflag:s16] =	ssyncset.done $0x0  }
0x9c: {  	[sflag:s16] =	ssyncadd.s32 $0xFFFFE700  }
0x9d: {  	[spmem:s1] =	stream.indirect.scatter.add.f32 [tilespmem:s29], [sflag:$0x2], $0x50, s20, s24, $0xb8;
	[tilespmem:$0x15C70] =	vst v63  }
0x9e: {  	_ =	swait.ge [sflag:s16], $0x1900  }
0x9f: {  	[sflag:s16] =	ssyncset.done $0x0  }
0xa0: {  	[sflag:s16] =	ssyncadd.s32 $0xFFFFE700  }
0xa1: {  	[spmem:s1] =	stream.indirect.scatter.add.f32 [tilespmem:s0], [sflag:$0x2], $0x50, s21, s24, $0xb8;
	[tilespmem:$0x15C70] =	vst v63  }
0xa2: {  	_ =	swait.ge [sflag:s16], $0x1900  }
0xa3: {  	[sflag:s16] =	ssyncset.done $0x0  }
0xa4: {  	[sflag:s16] =	ssyncadd.s32 $0xFFFFE700  }
0xa5: {  	[spmem:s1] =	stream.indirect.scatter.add.f32 [tilespmem:s9], [sflag:$0x2], $0x50, s22, s24, $0xb8;
	[tilespmem:$0x15C70] =	vst v63  }
0xa6: {  	s10 =	sadd.s32 $0x1, s10;
	_ =	swait.ge [sflag:s16], $0x1900  }
0xa7: {  	p1 =	sne.s32 s10, $0x19;
	[sflag:s16] =	ssyncset.done $0x0  }
.Ltmp1:
0xa8: {  	[sflag:s16] =	ssyncadd.s32 $0xFFFFE700;
	(pc) =	sbr.rel @p1 .LBB2_2-.Ltmp1, $4  }
0xa9: {  	[spmem:s1] =	stream.indirect.scatter.add.f32 [tilespmem:s13], [sflag:$0x2], $0x50, s23, s24, $0xb8;
	[tilespmem:$0x15C70] =	vst v63  }
0xaa: {  	_ =	swait.ge [sflag:s16], $0x1900  }
0xab: {  	[sflag:s16] =	ssyncset.done $0x0  }
0xac: {  	[sflag:s16] =	ssyncadd.s32 $0xFFFFE700  }
0xad: {  	[bflag:$0x0] =	sbarrier.arrive $0xFFFF  }
0xae: {  	s3 =	rddreg [dreg:$0x4]  }
0xaf: {  	s10 =	rddreg [dreg:$0x8]  }
0xb0: {  	s28 =	rddreg [dreg:$0x6]  }
0xb1: {  	s30 =	rddreg [dreg:$0xa];
	s3 =	sadd.s32 s3, s10  }
0xb2: {  	[hbm:s3], [sflag:s28] =	dma.local [spmem:s30], $0x1860  }
0xb3: {  	_ =	swait.ge [sflag:s16], $0x1860  }
0xb4: {  	[sflag:s16] =	ssyncset.done $0x0  }
0xb5: {  	s3 =	sadd.s32 @!p0 $0x18600, s10;
	s31 =	rddreg [dreg:$0xb];
	[sflag:s16] =	ssyncadd.s32 $0xFFFFE7A0  }
0xb6: {  	[hbm:s3], [sflag:s28] =	dma.local @!p0 [spmem:s31], $0xA0  }
0xb7: {  	s3 =	simm.s32 @!p0 $0x2  }
0xb8: {  	_ =	swait.ge @!p0 [sflag:s3], $0xA0  }
0xb9: {  	s26 =	rddreg [dreg:$0x3]  }
0xba: {  	s10 =	rddreg [dreg:$0x9];
	s26 =	sadd.s32 $0x1, s26  }
0xbb: {  	p1 =	sne.s32 s26, s10  }
.Ltmp2:
0xbc: {  	_ = 	snop;
	(pc) =	sbr.rel @p1 .LBB2_1-.Ltmp2, $3  }
0xbd: {  	_ =	sdelay $0x1  }
0xbe: {  	[sflag:s3] =	ssyncset.done @!p0 $0x0  }
0xbf: {  	[sflag:s3] =	ssyncadd.s32 @!p0 $0xFFFFFF60;
	s10 =	smov.u32 s31;
	s31 =	simm.s32 $0x14370  }
0xc0: {  	_ =	sfence.sel $0x180000  }
0xc1: {  	[bflag:$0x0] =	sbarrier.arrive $0xFFFF  }
0xc2: {  	_ =	strace $0x9000004D  }
0xc3: {  	s0 =	stileid.u32;
	[bflag:$0x2] =	sbarrier.arrive $0xFFFF  }
0xc4: {  	p0 =	sne.s32 s0, $0x0;
	s0 =	rddreg [dreg:$0x2]  }
0xc5: {  	s0 =	sadd.s32 @!p0 $0x100000, s0  }
0xc6: {  	[sflag:s0] =	ssyncadd.tile.s32 @!p0 $0x1;
	_ =	shalt  }
.Lfunc_end2:
_tile_overlayer_lowered:
.L_overlay_start_2:
0xc7: {  	(tag) =	ssettag $0x2  }
0xc8: {  	s0 =	rddreg [dreg:$0x0];
	s2 =	stileid.u32  }
0xc9: {  	s1 =	rddreg [dreg:$0x1];
	p0 =	sne.s32 s2, $0x0  }
0xca: {  	s3 =	rddreg [dreg:$0x2];
	[bflag:$0x3] =	sbarrier.arrive $0xFFFF;
	s2 =	simm.s32 @!p0 $0x1C02  }
0xcb: {  	[timem:s3], [sflag:s2] =	dma.local @!p0 [hbm:s0], s1  }
0xcc: {  	s0 =	simm.s32 @!p0 $0x2  }
0xcd: {  	_ =	swait.ge @!p0 [sflag:s0], s1  }
0xce: {  	s1 =	ssub.s32 @!p0 $0x0, s1;
	[sflag:s0] =	ssyncset.done @!p0 $0x0  }
0xcf: {  	[sflag:s0] =	ssyncadd.s32 @!p0 s1  }
0xd0: {  	[bflag:$0x3] =	sbarrier.arrive $0xFFFF  }
0xd1: {  	_ =	shalt  }

// kernel: kernel.9.cloned.1.call-start
scs
__scs_entry_jumppad:
0x0: {  	(pc) =	sbr.rel $0x88, $3  }
0x1: {  	(tag) =	ssettag $0x0;
	lr =	simm.s32 $0x1  }
0x2: {  	[smem:$0x3F85] =	sst lr;
	_ =	strace $0xD0000000  }
0x3: {  	_ = 	snop  }
0x4: {  	_ = 	snop  }
0x5: {  	_ = 	snop  }
0x6: {  	_ = 	snop  }
0x7: {  	_ = 	snop  }
__scs_overlays_trampoline_lowered:
0x8: {  	[smem:$0x3F94] =	sst s0  }
0x9: {  	[smem:$0x3F95] =	sst s1  }
0xa: {  	[smem:$0x3F96] =	sst s2  }
0xb: {  	[smem:$0x3F97] =	sst s3  }
0xc: {  	[smem:$0x3F98] =	sst s4  }
0xd: {  	[smem:$0x3F99] =	sst s5  }
0xe: {  	[smem:$0x3F9A] =	sst s6  }
0xf: {  	[smem:$0x3F9B] =	sst s7  }
0x10: {  	[smem:$0x3F9C] =	sst s8  }
0x11: {  	[smem:$0x3F9D] =	sst s9;
	s0 =	simm.s32 @!p0 $0x0  }
0x12: {  	s1 =	sld [smem:$0x3F83];
	s0 =	simm.s32 @p0 $0x1  }
0x13: {  	[smem:$0x3F9E] =	sst s0;
	s0 =	simm.s32 @!p1 $0x0  }
0x14: {  	s2 =	sld [smem:$0x3F82];
	s0 =	simm.s32 @p1 $0x1  }
0x15: {  	[smem:$0x3F9F] =	sst s0;
	s0 =	simm.s32 @!p2 $0x0  }
0x16: {  	s3 =	sld [smem:$0x3FDB];
	s0 =	simm.s32 @p2 $0x1  }
0x17: {  	s4 =	simm.s32 $0x1BF5;
	[smem:$0x3FA1] =	sst s0  }
0x18: {  	s0 =	sld [smem:$0x3F84];
	_ =	swait.ge [sflag:s4], $0x0  }
0x19: {  	s7 =	sld [smem:$0x3F85]  }
0x1a: {  	s8 =	sadd.s32 $0xFFFFE003, lr  }
0x1b: {  	s9 =	sadd.s32 $0xFFFFFEF7, lr;
	s5 =	simm.s32 $0xFFFFFFFF;
	p2 =	slt.u32 s8, $0xFFFFF086  }
0x1c: {  	p1 =	slt.u32 s9, $0xF7A;
	s5 =	simm.s32 @!p2 $0x0  }
0x1d: {  	s5 =	simm.s32 @p1 $0x1;
	p0 =	seq.s32 s7, s2  }
0x1e: {  	s7 =	smul.u32 @!p0 $0xF7A, s2;
	p2 =	seq.s32 @!p0 s5, $0x0  }
0x1f: {  	s9 =	smul.u32 $0xF7A, s1;
	s8 =	simm.s32 @!p0 $0x1BF5;
	p2 =	por !p2, p0  }
0x20: {  	[sflag:s8] =	ssyncset.s32 @!p0 $0xFFFFF086;
	s6 =	sadd.s32 @!p0 s3, s7;
	s7 =	simm.s32 @!p0 $0x108  }
0x21: {  	s3 =	sadd.s32 s3, s9;
	s6 =	sadd.s32 @!p0 $0x88, s6;
	s7 =	simm.s32 @p2 $0x1082  }
0x22: {  	[simem:s7], [sflag:s8] =	dma.local @!p0 [hbm:s6], $0xF7A  }
0x23: {  	s9 =	sor.u32 $0xD0000000, s2;
	s6 =	simm.s32 $0x108;
	_ =	swait.ge @!p0 [sflag:s8], $0x0  }
0x24: {  	s3 =	sadd.s32 $0x88, s3;
	s6 =	simm.s32 @!p1 $0x1082;
	[sflag:s4] =	ssyncset.s32 $0xFFFFF086  }
0x25: {  	[simem:s6], [sflag:s4] =	dma.local [hbm:s3], $0xF7A  }
0x26: {  	[smem:$0x3F85] =	sst s1;
	(tag) =	ssettag s2;
	_ =	strace s9  }
0x27: {  	s1 =	sld [smem:$0x3F95]  }
0x28: {  	s2 =	sld [smem:$0x3F96]  }
0x29: {  	s4 =	sld [smem:$0x3F98]  }
0x2a: {  	p0 =	seq.s32 s5, $0x0;
	s5 =	sld [smem:$0x3F99]  }
0x2b: {  	s6 =	sld [smem:$0x3F9A]  }
0x2c: {  	s7 =	sld [smem:$0x3F9B]  }
0x2d: {  	s3 =	simm.s32 $0x108;
	s8 =	sld [smem:$0x3F9C]  }
0x2e: {  	s3 =	simm.s32 @!p0 $0x1082;
	s9 =	sld [smem:$0x3F9D]  }
0x2f: {  	lr =	sadd.s32 s0, s3;
	s0 =	sld [smem:$0x3F94]  }
0x30: {  	s3 =	sld [smem:$0x3F97]  }
0x31: {  	[smem:$0x3FA0] =	sst s10  }
0x32: {  	s10 =	sld [smem:$0x3F9E];
	_ =	sdelay $0x3  }
0x33: {  	p0 =	seq.s32 s10, $0x1;
	s10 =	sld [smem:$0x3FA0];
	_ =	sdelay $0x3  }
0x34: {  	[smem:$0x3FA0] =	sst s10  }
0x35: {  	s10 =	sld [smem:$0x3F9F];
	_ =	sdelay $0x3  }
0x36: {  	p1 =	seq.s32 s10, $0x1;
	s10 =	sld [smem:$0x3FA0];
	_ =	sdelay $0x3  }
0x37: {  	[smem:$0x3FA0] =	sst s10  }
0x38: {  	s10 =	sld [smem:$0x3FA1]  }
0x39: {  	_ = 	snop;
	(pc) =	sbr.ind lr, $3  }
0x3a: {  	_ = 	snop  }
0x3b: {  	_ = 	snop  }
0x3c: {  	p2 =	seq.s32 s10, $0x1;
	s10 =	sld [smem:$0x3FA0]  }
0x3d: {  	_ =	shalt  }
0x3e: {  	_ =	shalt  }
0x3f: {  	_ =	shalt  }
0x40: {  	_ =	shalt  }
0x41: {  	_ =	shalt  }
0x42: {  	_ =	shalt  }
0x43: {  	_ =	shalt  }
0x44: {  	_ =	shalt  }
0x45: {  	_ =	shalt  }
0x46: {  	_ =	shalt  }
0x47: {  	_ =	shalt  }
0x48: {  	_ =	shalt  }
0x49: {  	_ =	shalt  }
0x4a: {  	_ =	shalt  }
0x4b: {  	_ =	shalt  }
0x4c: {  	_ =	shalt  }
0x4d: {  	_ =	shalt  }
0x4e: {  	_ =	shalt  }
0x4f: {  	_ =	shalt  }
0x50: {  	_ =	shalt  }
0x51: {  	_ =	shalt  }
0x52: {  	_ =	shalt  }
0x53: {  	_ =	shalt  }
0x54: {  	_ =	shalt  }
0x55: {  	_ =	shalt  }
0x56: {  	_ =	shalt  }
0x57: {  	_ =	shalt  }
0x58: {  	_ =	shalt  }
0x59: {  	_ =	shalt  }
0x5a: {  	_ =	shalt  }
0x5b: {  	_ =	shalt  }
0x5c: {  	_ =	shalt  }
0x5d: {  	_ =	shalt  }
0x5e: {  	_ =	shalt  }
0x5f: {  	_ =	shalt  }
0x60: {  	_ =	shalt  }
0x61: {  	_ =	shalt  }
0x62: {  	_ =	shalt  }
0x63: {  	_ =	shalt  }
0x64: {  	_ =	shalt  }
0x65: {  	_ =	shalt  }
0x66: {  	_ =	shalt  }
0x67: {  	_ =	shalt  }
0x68: {  	_ =	shalt  }
0x69: {  	_ =	shalt  }
0x6a: {  	_ =	shalt  }
0x6b: {  	_ =	shalt  }
0x6c: {  	_ =	shalt  }
0x6d: {  	_ =	shalt  }
0x6e: {  	_ =	shalt  }
0x6f: {  	_ =	shalt  }
0x70: {  	_ =	shalt  }
0x71: {  	_ =	shalt  }
0x72: {  	_ =	shalt  }
0x73: {  	_ =	shalt  }
0x74: {  	_ =	shalt  }
0x75: {  	_ =	shalt  }
0x76: {  	_ =	shalt  }
0x77: {  	_ =	shalt  }
0x78: {  	_ =	shalt  }
0x79: {  	_ =	shalt  }
0x7a: {  	_ =	shalt  }
0x7b: {  	_ =	shalt  }
0x7c: {  	_ =	shalt  }
0x7d: {  	_ =	shalt  }
0x7e: {  	_ =	shalt  }
0x7f: {  	_ =	shalt  }
0x80: {  	_ =	shalt  }
0x81: {  	_ =	shalt  }
0x82: {  	_ =	shalt  }
0x83: {  	_ =	shalt  }
0x84: {  	_ =	shalt  }
0x85: {  	_ =	shalt  }
0x86: {  	_ =	shalt  }
0x87: {  	_ =	shalt  }
.Lfunc_end0:
.L_simem_size_0:
called_computation_lowered:
.L_overlay_start_0:
0x88: {  	s2 =	sld [smem:$0x3FD9]  }
0x89: {  	s3 =	sld [smem:$0x3FFE];
	_ =	sdelay $0x1  }
0x8a: {  	s1 =	srdreg.scid  }
0x8b: {  	s0 =	sand.u32 $0x1, s1  }
0x8c: {  	s17 =	sshll.u32 s0, $0xA;
	s2 =	sadd.s32 s3, s2  }
0x8d: {  	s2 =	sadd.s32 s2, s17  }
0x8e: {  	[smem:$0x3FAC] =	sst s2  }
0x8f: {  	_ = 	snop  }
0x90: {  	(tm) =	ssettm $0x1  }
0x91: {  	s18 =	sld [smem:$0x3FFB];
	_ =	sdelay $0x3  }
0x92: {  	_ =	strace s18  }
0x93: {  	s2 =	sld [smem:$0x3FFC];
	_ =	sdelay $0x3  }
0x94: {  	_ =	strace s2  }
0x95: {  	s2 =	sld [smem:$0x3FFD];
	_ =	sdelay $0x3  }
0x96: {  	_ =	strace s2  }
0x97: {  	_ =	strace $0x8FFFFFFF  }
0x98: {  	s19 =	sld [smem:$0x3FDB];
	_ =	sdelay $0x1  }
0x99: {  	s20 =	simm.s32 $_scs_section_size  }
0x9a: {  	s4 =	simm.s32 $_size__tile_overlayer_lowered;
	s5 =	simm.s32 $_tile_overlayer_lowered  }
0x9b: {  	s6 =	simm.s32 $0x1BFF;
	s21 =	sshll.u32 s5, $0x1;
	s3 =	sadd.s32 s20, s19  }
0x9c: {  	s22 =	simm.s32 $0x0;
	s4 =	sshll.u32 s4, $0x1;
	s5 =	sadd.s32 s21, s3  }
0x9d: {  	[timem:s22], [sflag:s6] =	dma.local [hbm:s5], s4  }
0x9e: {  	_ =	swait.ge [sflag:s6], s4  }
0x9f: {  	s4 =	ssub.s32 $0x0, s4;
	[sflag:s6] =	ssyncset.done $0x0  }
0xa0: {  	[sflag:s6] =	ssyncadd.s32 s4;
	_ =	sdelay $0x1  }
0xa1: {  	s23 =	simm.s32 $0x1B8B  }
0xa2: {  	_ =	swait.ge [sflag:s23], $0x1  }
0xa3: {  	[sflag:s23] =	ssyncset.done $0x0  }
0xa4: {  	[sflag:s23] =	ssyncadd.s32 $0xFFFFFFFF  }
0xa5: {  	s4 =	sld [smem:$0x0]  }
0xa6: {  	s5 =	sand.u32 $0xFFFFFFFE, s1  }
0xa7: {  	p0 =	sne.s32 s1, s5  }
0xa8: {  	s5 =	sshll.u32 @p0 s5, $0xE  }
0xa9: {  	s5 =	sadd.s32 @p0 $0x11B8D, s5;
	s6 =	sshll.u32 @p0 s4, $0x11  }
0xaa: {  	s5 =	sor.u32 @p0 s6, s5  }
0xab: {  	[sflag:s5] =	ssyncadd.remote.s32 @p0 $0x1;
	_ =	sdelay $0x1  }
0xac: {  	s5 =	simm.s32 @p0 $0x1B8D  }
0xad: {  	_ =	swait.eq @p0 [sflag:s5], $0x1  }
0xae: {  	[sflag:s5] =	ssyncadd.s32 @p0 $0xFFFFFFFF  }
0xaf: {  	s6 =	sshll.u32 @!p0 s1, $0xE  }
0xb0: {  	s6 =	sor.u32 @!p0 $0x4000, s6;
	s5 =	simm.s32 @!p0 $0x1B8D  }
0xb1: {  	s4 =	sshll.u32 @!p0 s4, $0x11;
	s6 =	sadd.s32 @!p0 $0x11B8D, s6;
	_ =	swait.eq @!p0 [sflag:s5], $0x1  }
0xb2: {  	s4 =	sor.u32 @!p0 s4, s6;
	[sflag:s5] =	ssyncadd.s32 @!p0 $0xFFFFFFFF  }
0xb3: {  	s25 =	simm.s32 $0x1B8E;
	s24 =	sld [smem:$0x3FFE];
	[sflag:s4] =	ssyncadd.remote.s32 @!p0 $0x1  }
0xb4: {  	s26 =	simm.s32 $execute0_lowered;
	[smem:$0x3FD2] =	sst s25  }
0xb5: {  	s5 =	sshll.u32 s26, $0x1;
	_ =	strace $0x80000049;
	[dreg:$0x1] =	wrdreg $0xFFFFFFFF  }
0xb6: {  	s28 =	simm.s32 $_size_execute0_lowered;
	s3 =	sadd.s32 s3, s5;
	[dreg:$0x0] =	wrdreg $0x0  }
0xb7: {  	s5 =	sshll.u32 s28, $0x1;
	[dreg:$0x2] =	wrdreg s3  }
0xb8: {  	[dreg:$0x3] =	wrdreg s5  }
0xb9: {  	[dreg:$0x4] =	wrdreg $0xC0  }
0xba: {  	_ =	task [dreg:s22], $0x5FFFF  }
0xbb: {  	[dreg:$0x1] =	wrdreg $0xFFFFFFFF  }
0xbc: {  	[dreg:$0x0] =	wrdreg $0x60  }
0xbd: {  	[dreg:$0x2] =	wrdreg s24  }
0xbe: {  	[dreg:$0x3] =	wrdreg $0x0  }
0xbf: {  	[dreg:$0x4] =	wrdreg $0x9  }
0xc0: {  	_ =	task.clear_ibuf [dreg:s22], $0x5FFFF;
	_ =	strace $0x90000049  }
0xc1: {  	s29 =	simm.s32 $0x9;
	_ =	strace $0x8000004B  }
0xc2: {  	_ =	swait.ge [sflag:s29], $0x1  }
0xc3: {  	[sflag:s29] =	ssyncadd.s32 $0xFFFFFFFF  }
0xc4: {  	_ =	strace $0x9000004B  }
0xc5: {  	_ =	sfence  }
0xc6: {  	s30 =	sld [smem:$0x0];
	_ =	sdelay $0x2  }
0xc7: {  	s31 =	sshll.u32 s1, $0xD;
	s1 =	sshrl.u32 s1, $0x2  }
0xc8: {  	s4 =	sand.u32 $0x4000, s31;
	s1 =	sadd.s32 s1, s30  }
0xc9: {  	s0 =	sor.u32 s4, s0;
	s1 =	sshll.u32 s1, $0x11  }
0xca: {  	s0 =	sor.u32 s1, s0  }
0xcb: {  	s0 =	sadd.s32 $0x8F2B, s0  }
0xcc: {  	[sflag:s0] =	ssyncadd.remote.s32 $0x1  }
0xcd: {  	_ =	sfence.sel $0xFFFF  }
0xce: {  	[dreg:$0x0] =	wrdreg $0xFFFFFFFF;
	(pc) =	sbr.abs _section_cstart, $3  }
0xcf: {  	[dreg:$0x1] =	wrdreg $0xFFFFFFFF  }
0xd0: {  	_ =	task.clear_ibuf [dreg:s22], $0x2FFFF;
	_ =	strace $0x9FFFFFFF  }
0xd1: {  	(tm) =	ssettm $0x7FFFFFFF  }
tec
execute0_lowered:
.L_overlay_start_1:
0x0: {  	(tag) =	ssettag $0x1  }
0x1: {  	s0 =	rddreg [dreg:$0x0]  }
0x2: {  	s1 =	rddreg [dreg:$0x1];
	s2 =	srdreg.scid  }
0x3: {  	s3 =	simm.s32 $0x0;
	s30 =	stileid.u32;
	s16 =	simm.s32 $0x2  }
0x4: {  	s18 =	simm.s32 $0x15F90;
	s19 =	simm.s32 $0x16030;
	s20 =	simm.s32 $0x16080  }
0x5: {  	s21 =	simm.s32 $0x50;
	s22 =	simm.s32 $0x160D0;
	s23 =	simm.s32 $0x1BAD0  }
0x6: {  	s24 =	simm.s32 $0x15FE0;
	s25 =	simm.s32 $0x18DD0;
	s26 =	simm.s32 $0x1BFD0  }
0x7: {  	s28 =	simm.s32 $0x1;
	s6 =	sand.u32 $0x1, s2;
	[smem:$0x7FF] =	sst s3  }
0x8: {  	s7 =	smul.u32 $0x15F00, s30;
	s31 =	sshll.u32 s30, $0x6;
	s17 =	sadd.s32 $0x15F000, s1  }
0x9: {  	p0 =	sne.s32 s30, $0xF;
	s4 =	smul.u32 $0x4E20, s6;
	_ =	strace $0x8000004A  }
0xa: {  	s8 =	smul.u32 $0x2BF20, s6;
	s9 =	ssub.s32 $0x2, s6;
	s6 =	sadd.s32 $0x108400, s0  }
0xb: {  	s17 =	sshrl.u32 @!p0 s17, $0x3;
	s5 =	sshrl.u32 s7, $0x3;
	s11 =	sshrl.u32 s9, $0x1  }
0xc: {  	s15 =	sadd.s32 s7, s1;
	s12 =	sadd.s32 s4, s0;
	s4 =	sadd.s32 $0x112200, s0  }
0xd: {  	s10 =	sadd.s32 s5, s0;
	s13 =	sadd.s32 s8, s0;
	s14 =	ssub.s32 s9, s11  }
0xe: {  	s8 =	sor.u32 $0x1C02, s31;
	s9 =	sadd.s32 $0x4E400, s0;
	s15 =	sshrl.u32 s15, $0x3  }
0xf: {  	s7 =	sadd.s32 $0x22600, s10;
	s10 =	smul.u32 $0x4E20, s30;
	s11 =	sadd.s32 $0xA6600, s13  }
0x10: {  	vm0 =	vcmask $0xB08;
	vm1 =	vcmask $0xB10;
	s12 =	sadd.s32 $0xFE600, s12;
	s13 =	sadd.s32 $0x11C000, s13;
	s14 =	smax.u32 s14, $0x1  }
.LBB2_1:
0x11: {  	[spmem:s15], [sflag:s8] =	dma.local [hbm:s7], $0x2BE0  }
0x12: {  	_ =	swait.ge [sflag:s16], $0x2BE0  }
0x13: {  	[sflag:s16] =	ssyncset.done $0x0  }
0x14: {  	s0 =	simm.s32 @!p0 $0x2;
	[sflag:s16] =	ssyncadd.s32 $0xFFFFD420  }
0x15: {  	[spmem:s17], [sflag:s8] =	dma.local @!p0 [hbm:s9], $0x120  }
0x16: {  	_ =	swait.ge @!p0 [sflag:s0], $0x120  }
0x17: {  	[sflag:s0] =	ssyncset.done @!p0 $0x0  }
0x18: {  	[sflag:s0] =	ssyncadd.s32 @!p0 $0xFFFFFEE0  }
0x19: {  	s29 =	simm.s32 $0x0;
	[bflag:$0x0] =	sbarrier.arrive $0xFFFF  }
.LBB2_2:
0x1a: {  	s0 =	smul.u32 $0xA0, s29;
	_ =	sdelay $0x1  }
0x1b: {  	s0 =	sadd.s32 s10, s0  }
0x1c: {  	s0 =	sshrl.u32 s0, $0x3  }
0x1d: {  	s31 =	simm.s32 $0x0;
	s30 =	sadd.s32 s4, s0  }
0x1e: {  	[tilespmem:s18], [sflag:$0x2] =	stream.linear.gather [hbm4b:s30+s31], $0xA0, $0x38;
	[tilespmem:$0x1C4D0] =	vst v63  }
0x1f: {  	_ =	swait.ge [sflag:s16], $0xA0  }
0x20: {  	[sflag:s16] =	ssyncset.done $0x0  }
0x21: {  	s0 =	sadd.s32 s6, s0;
	[sflag:s16] =	ssyncadd.s32 $0xFFFFFF60  }
0x22: {  	[tilespmem:s19], [sflag:$0x2] =	stream.linear.gather [hbm4b:s0+s31], $0x50, $0x38;
	[tilespmem:$0x1C4D0] =	vst v63  }
0x23: {  	_ =	swait.ge [sflag:s16], $0x50  }
0x24: {  	[sflag:s16] =	ssyncset.done $0x0  }
0x25: {  	s0 =	sadd.s32 $0xA, s0;
	[sflag:s16] =	ssyncadd.s32 $0xFFFFFFB0  }
0x26: {  	[tilespmem:s20], [sflag:$0x2] =	stream.linear.gather [hbm4b:s0+s31], $0x50, $0x38;
	[tilespmem:$0x1C4D0] =	vst v63  }
0x27: {  	_ =	swait.ge [sflag:s16], $0x50  }
0x28: {  	[sflag:s16] =	ssyncset.done $0x0  }
0x29: {  	[sflag:s16] =	ssyncadd.s32 $0xFFFFFFB0  }
0x2a: {  	[tilespmem:s22], [sflag:$0x1] =	stream.indirect.gather [hbm4b:s11+s21], $0x90, s18, s21, $0xb8;
	[tilespmem:$0x1C4D0] =	vst v63  }
0x2b: {  	_ = 	snop  }
0x2c: {  	[tilespmem:s23], [sflag:$0x1] =	stream.indirect.gather [hbm4b:s12+s21], $0x10, s19, s21, $0xb8;
	[tilespmem:$0x1C4D0] =	vst v63  }
0x2d: {  	_ = 	snop  }
0x2e: {  	[tilespmem:s25], [sflag:$0x1] =	stream.indirect.gather [hbm4b:s11+s21], $0x90, s24, s21, $0xb8;
	[tilespmem:$0x1C4D0] =	vst v63  }
0x2f: {  	_ = 	snop  }
0x30: {  	[tilespmem:s26], [sflag:$0x1] =	stream.indirect.gather [hbm4b:s12+s21], $0x10, s20, s21, $0xb8;
	[tilespmem:$0x1C4D0] =	vst v63  }
0x31: {  	_ =	swait.ge [sflag:s28], $0x2D00  }
0x32: {  	[sflag:s28] =	ssyncset.done $0x0  }
0x33: {  	[sflag:s28] =	ssyncadd.s32 $0xFFFFD300  }
0x34: {  	_ =	swait.ge [sflag:s28], $0x500  }
0x35: {  	[sflag:s28] =	ssyncset.done $0x0  }
0x36: {  	[sflag:s28] =	ssyncadd.s32 $0xFFFFFB00  }
0x37: {  	_ =	swait.ge [sflag:s28], $0x2D00  }
0x38: {  	[sflag:s28] =	ssyncset.done $0x0  }
0x39: {  	[sflag:s28] =	ssyncadd.s32 $0xFFFFD300  }
0x3a: {  	_ =	swait.ge [sflag:s28], $0x500  }
0x3b: {  	[sflag:s28] =	ssyncset.done $0x0  }
0x3c: {  	s30 =	simm.s32 $0x16110;
	[sflag:s28] =	ssyncadd.s32 $0xFFFFFB00  }
0x3d: {  	s2 =	simm.s32 $0x0;
	v2 =	vld [tilespmem:s30+$0x40]  }
0x3e: {  	v0 =	vld [tilespmem:s2+$0x1BAD0];
	_ =	sdelay $0x4  }
0x3f: {  	v0 =	vadd.f32 v0, v2;
	_ =	sdelay $0x1  }
0x40: {  	v1 =	vmul.f32 $2.000000030e-01, v0  }
0x41: {  	vm2 =	vge.f32 v0, $0.0e+00  }
0x42: {  	v0 =	vsel vm2, v0, v1  }
0x43: {  	v0 =	vmul.f32 $1.442695020e+00, v0;
	_ =	sdelay $0x1  }
0x44: {  	(erf) = vpow2.f32 v0;
	_ =	sdelay $0x3  }
0x45: {  	v3 =	vld [tilespmem:s30+$0xFFFFFFF0]  }
0x46: {  	v4 =	vld [tilespmem:s30+$0xFFFFFFC0]  }
0x47: {  	v5 =	vld [tilespmem:s30+$0x20]  }
0x48: {  	v1 =	vld [tilespmem:s30+$0xFFFFFFD0]  }
0x49: {  	v7 =	vld [tilespmem:s30+$0x0]  }
0x4a: {  	v8 =	vld [tilespmem:s30+$0x30];
	v6 =	vpop (erf)  }
0x4b: {  	v9 =	vld [tilespmem:s30+$0x10];
	v0 =	vbroadcast v6, $0x0  }
0x4c: {  	v10 =	vbroadcast v6, $0x1  }
0x4d: {  	v11 =	vmul.f32 v0, v4;
	v12 =	vmul.f32 v0, v1;
	v1 =	vld [tilespmem:s30+$0xFFFFFFE0]  }
0x4e: {  	v13 =	vnsel vm0, $0x0, v0;
	v6 =	vmul.f32 v3, v0;
	v4 =	vmul.f32 v7, v10  }
0x4f: {  	v5 =	vmul.f32 v5, v10;
	v7 =	vmul.f32 v8, v10;
	v3 =	vsel vm1, v13, v10;
	[tilespmem:s30+$0xFFFFFFC0] =	vst v11  }
0x50: {  	s31 =	simm.s32 $0x40;
	s0 =	simm.s32 $0x16110;
	v2 =	vmul.f32 v3, v2;
	[tilespmem:s30+$0xFFFFFFD0] =	vst v12;
	v3 =	vmul.f32 v9, v10  }
.LBB2_3:
0x51: {  	p1 =	sne.s32 s31, $0x27C0  }
0x52: {  	v0 =	vmul.f32 v0, v1;
	[tilespmem:s30+$0xFFFFFFF0] =	vst v6;
	s0 =	sadd.s32 $0x90, s0;
	s2 =	smov.u32 s31;
	s31 =	sadd.s32 $0x40, s31  }
0x53: {  	[tilespmem:s30+$0x0] =	vst v4  }
0x54: {  	[tilespmem:s30+$0x20] =	vst v5  }
0x55: {  	[tilespmem:s30+$0xFFFFFFE0] =	vst v0  }
0x56: {  	[tilespmem:s30+$0x30] =	vst v7  }
0x57: {  	[tilespmem:s30+$0x40] =	vst v2  }
0x58: {  	s2 =	sshra.s32 s2, $0x2;
	v2 =	vld [tilespmem:s0+$0x40];
	[tilespmem:s30+$0x10] =	vst v3;
	s30 =	smov.u32 s0  }
0x59: {  	v0 =	vld [tilespmem:s2+$0x1BAD0];
	_ =	sdelay $0x4  }
0x5a: {  	v0 =	vadd.f32 v0, v2;
	_ =	sdelay $0x1  }
0x5b: {  	v1 =	vmul.f32 $2.000000030e-01, v0  }
0x5c: {  	vm2 =	vge.f32 v0, $0.0e+00  }
0x5d: {  	v0 =	vsel vm2, v0, v1  }
0x5e: {  	v0 =	vmul.f32 $1.442695020e+00, v0;
	_ =	sdelay $0x1  }
0x5f: {  	(erf) = vpow2.f32 v0;
	_ =	sdelay $0x3  }
0x60: {  	v3 =	vld [tilespmem:s0+$0xFFFFFFF0]  }
0x61: {  	v4 =	vld [tilespmem:s0+$0xFFFFFFD0]  }
0x62: {  	v5 =	vld [tilespmem:s0+$0xFFFFFFC0]  }
0x63: {  	v7 =	vld [tilespmem:s0+$0x20]  }
0x64: {  	v8 =	vld [tilespmem:s0+$0x0]  }
0x65: {  	v9 =	vld [tilespmem:s0+$0x30];
	v6 =	vpop (erf)  }
0x66: {  	v0 =	vbroadcast v6, $0x0;
	v10 =	vld [tilespmem:s0+$0x10]  }
.Ltmp0:
0x67: {  	v11 =	vbroadcast v6, $0x1;
	v1 =	vld [tilespmem:s0+$0xFFFFFFE0];
	(pc) =	sbr.rel @p1 .LBB2_3-.Ltmp0, $4  }
0x68: {  	v5 =	vmul.f32 v0, v5;
	v12 =	vmul.f32 v0, v4;
	v13 =	vnsel vm0, $0x0, v0  }
0x69: {  	v6 =	vmul.f32 v3, v0;
	v4 =	vmul.f32 v8, v11;
	v3 =	vsel vm1, v13, v11  }
0x6a: {  	[tilespmem:s0+$0xFFFFFFC0] =	vst v5;
	v5 =	vmul.f32 v7, v11;
	v2 =	vmul.f32 v3, v2  }
0x6b: {  	v7 =	vmul.f32 v9, v11;
	[tilespmem:s0+$0xFFFFFFD0] =	vst v12;
	v3 =	vmul.f32 v10, v11  }
0x6c: {  	[tilespmem:s30+$0xFFFFFFF0] =	vst v6  }
0x6d: {  	[tilespmem:s30+$0x0] =	vst v4  }
0x6e: {  	[tilespmem:s30+$0x20] =	vst v5  }
0x6f: {  	[tilespmem:s30+$0x40] =	vst v2  }
0x70: {  	v0 =	vmul.f32 v0, v1;
	[tilespmem:s30+$0x30] =	vst v7  }
0x71: {  	[tilespmem:s30+$0x10] =	vst v3  }
0x72: {  	[tilespmem:s30+$0xFFFFFFE0] =	vst v0  }
0x73: {  	[spmem:s1] =	stream.indirect.scatter.add.f32 [tilespmem:s22], [sflag:$0x2], $0x90, s19, s21, $0xb8;
	[tilespmem:$0x1C4D0] =	vst v63  }
0x74: {  	s29 =	sadd.s32 $0x1, s29;
	_ =	swait.ge [sflag:s16], $0x2D00  }
0x75: {  	p1 =	sne.s32 s29, $0x7D;
	[sflag:s16] =	ssyncset.done $0x0  }
.Ltmp1:
0x76: {  	[sflag:s16] =	ssyncadd.s32 $0xFFFFD300;
	(pc) =	sbr.rel @p1 .LBB2_2-.Ltmp1, $4  }
0x77: {  	[spmem:s1] =	stream.indirect.scatter.add.f32 [tilespmem:s25], [sflag:$0x2], $0x90, s20, s21, $0xb8;
	[tilespmem:$0x1C4D0] =	vst v63  }
0x78: {  	_ =	swait.ge [sflag:s16], $0x2D00  }
0x79: {  	[sflag:s16] =	ssyncset.done $0x0  }
0x7a: {  	[sflag:s16] =	ssyncadd.s32 $0xFFFFD300  }
0x7b: {  	[bflag:$0x0] =	sbarrier.arrive $0xFFFF;
	s0 =	sadd.s32 s5, s13  }
0x7c: {  	[hbm:s0], [sflag:s8] =	dma.local [spmem:s15], $0x2BE0  }
0x7d: {  	_ =	swait.ge [sflag:s16], $0x2BE0  }
0x7e: {  	s3 =	sadd.s32 $0x1, s3;
	[sflag:s16] =	ssyncset.done $0x0  }
0x7f: {  	s0 =	sadd.s32 @!p0 $0x2BE00, s13;
	p1 =	sne.s32 s3, s14;
	[sflag:s16] =	ssyncadd.s32 $0xFFFFD420  }
0x80: {  	[hbm:s0], [sflag:s8] =	dma.local @!p0 [spmem:s17], $0x120  }
.Ltmp2:
0x81: {  	_ = 	snop;
	(pc) =	sbr.rel @p1 .LBB2_1-.Ltmp2, $4  }
0x82: {  	s0 =	simm.s32 @!p0 $0x2  }
0x83: {  	_ =	swait.ge @!p0 [sflag:s0], $0x120  }
0x84: {  	[sflag:s0] =	ssyncset.done @!p0 $0x0  }
0x85: {  	[sflag:s0] =	ssyncadd.s32 @!p0 $0xFFFFFEE0  }
0x86: {  	_ =	sfence.sel $0x180000  }
0x87: {  	[bflag:$0x0] =	sbarrier.arrive $0xFFFF  }
0x88: {  	_ =	strace $0x9000004A  }
0x89: {  	s0 =	stileid.u32;
	[bflag:$0x2] =	sbarrier.arrive $0xFFFF  }
0x8a: {  	p0 =	sne.s32 s0, $0x0;
	s0 =	rddreg [dreg:$0x2]  }
0x8b: {  	s0 =	sadd.s32 @!p0 $0x100000, s0  }
0x8c: {  	[sflag:s0] =	ssyncadd.tile.s32 @!p0 $0x1;
	_ =	shalt  }
.Lfunc_end2:
_tile_overlayer_lowered:
.L_overlay_start_2:
0x8d: {  	(tag) =	ssettag $0x2  }
0x8e: {  	s0 =	rddreg [dreg:$0x0];
	s2 =	stileid.u32  }
0x8f: {  	s1 =	rddreg [dreg:$0x1];
	p0 =	sne.s32 s2, $0x0  }
0x90: {  	s3 =	rddreg [dreg:$0x2];
	[bflag:$0x3] =	sbarrier.arrive $0xFFFF;
	s2 =	simm.s32 @!p0 $0x1C02  }
0x91: {  	[timem:s3], [sflag:s2] =	dma.local @!p0 [hbm:s0], s1  }
0x92: {  	s0 =	simm.s32 @!p0 $0x2  }
0x93: {  	_ =	swait.ge @!p0 [sflag:s0], s1  }
0x94: {  	s1 =	ssub.s32 @!p0 $0x0, s1;
	[sflag:s0] =	ssyncset.done @!p0 $0x0  }
0x95: {  	[sflag:s0] =	ssyncadd.s32 @!p0 s1  }
0x96: {  	[bflag:$0x3] =	sbarrier.arrive $0xFFFF  }
0x97: {  	_ =	shalt  }

</sc_bundles>
